<compile_context>
chip_gen: v7x
topology: tpu7x:2x2x1
jax: 0.10.2.dev20260603
libtpu: 0.0.44.dev20260713+nightly
codegen_flags: <defaults>
</compile_context>

<pallas_src>
import functools

import jax
import jax.numpy as jnp
from jax import lax
from jax.experimental import pallas as pl
from jax.experimental.pallas import tpu as pltpu
from jax.experimental.pallas import tpu_sc as plsc

N = 10000
E = 320000
NPAD = 10112
CH = 128
NWORKERS = 32
EPT = 10240
TOT_E = EPT * NWORKERS
NCHUNK = EPT // CH
RPT = NPAD // 16

_mesh = plsc.VectorSubcoreMesh(core_axis_name="c", subcore_axis_name="s")


def _wid():
    return lax.axis_index("c") * 16 + lax.axis_index("s")


@functools.partial(
    pl.kernel,
    mesh=_mesh,
    out_type=jax.ShapeDtypeStruct((2 * NPAD,), jnp.float32),
    compiler_params=pltpu.CompilerParams(use_tc_tiling_on_sc=False),
    scratch_types=[
        pltpu.VMEM((NCHUNK, CH), jnp.int32),
        pltpu.VMEM((CH,), jnp.float32),
        pltpu.VMEM((RPT,), jnp.float32),
        pltpu.VMEM_SHARED((NPAD,), jnp.float32),
    ],
)
def _sc_degree(dst_hbm, out_hbm, didx_v, ones_v, stg_v, acc_sh):
    cid = lax.axis_index("c")
    sid = lax.axis_index("s")
    wid = cid * 16 + sid

    pltpu.sync_copy(dst_hbm.at[wid], didx_v)
    for i in range(CH // 16):
        ones_v[pl.ds(i * 16, 16)] = jnp.ones((16,), jnp.float32)

    def zfill(i, carry):
        stg_v[pl.ds(i * 16, 16)] = jnp.zeros((16,), jnp.float32)
        return carry

    lax.fori_loop(0, RPT // 16, zfill, 0)
    stg_v[pl.ds(RPT - 16, 16)] = jnp.zeros((16,), jnp.float32)
    pltpu.sync_copy(stg_v, acc_sh.at[pl.ds(sid * RPT, RPT)])
    plsc.subcore_barrier()

    def step(c, carry):
        pltpu.sync_copy(ones_v, acc_sh.at[didx_v.at[c]], add=True)
        return carry

    lax.fori_loop(0, NCHUNK, step, 0)
    plsc.subcore_barrier()
    pltpu.sync_copy(acc_sh.at[pl.ds(sid * RPT, RPT)], stg_v)
    pltpu.sync_copy(stg_v, out_hbm.at[pl.ds(cid * NPAD + sid * RPT, RPT)])


NBUF = 4


def _make_sc_agg(F):
    @functools.partial(
        pl.kernel,
        mesh=_mesh,
        out_type=jax.ShapeDtypeStruct((2 * NPAD, F), jnp.float32),
        compiler_params=pltpu.CompilerParams(use_tc_tiling_on_sc=False),
        scratch_types=[
            pltpu.VMEM((NCHUNK, CH), jnp.int32),
            pltpu.VMEM((NCHUNK, CH), jnp.int32),
            [pltpu.VMEM((CH, F), jnp.float32) for _ in range(NBUF)],
            [pltpu.SemaphoreType.DMA for _ in range(NBUF)],
            pltpu.VMEM((RPT, F), jnp.float32),
            pltpu.VMEM_SHARED((NPAD, F), jnp.float32),
            pltpu.VMEM_SHARED((N, F), jnp.float32),
        ],
    )
    def _sc_agg(zs_hbm, src_hbm, dst_hbm, zeros_hbm, out_hbm, sidx_v, didx_v,
                rows, sems, stg_v, acc_sh, zs_sh):
        cid = lax.axis_index("c")
        sid = lax.axis_index("s")
        wid = cid * 16 + sid

        pltpu.sync_copy(src_hbm.at[wid], sidx_v)
        pltpu.sync_copy(dst_hbm.at[wid], didx_v)
        nst = N // 16
        pltpu.sync_copy(zs_hbm.at[pl.ds(sid * nst, nst)],
                        stg_v.at[pl.ds(0, nst)])
        pltpu.sync_copy(stg_v.at[pl.ds(0, nst)],
                        zs_sh.at[pl.ds(sid * nst, nst)])
        pltpu.sync_copy(zeros_hbm.at[pl.ds(sid * RPT, RPT)], stg_v)
        pltpu.sync_copy(stg_v, acc_sh.at[pl.ds(sid * RPT, RPT)])
        plsc.subcore_barrier()

        for b in range(NBUF):
            pltpu.async_copy(zs_sh.at[sidx_v.at[b]], rows[b], sems[b])

        def group(g, carry):
            for b in range(NBUF):
                c = g * NBUF + b
                pltpu.make_async_copy(zs_sh.at[sidx_v.at[c]], rows[b],
                                      sems[b]).wait()
                pltpu.sync_copy(rows[b], acc_sh.at[didx_v.at[c]], add=True)

                @pl.when(c + NBUF < NCHUNK)
                def _():
                    pltpu.async_copy(zs_sh.at[sidx_v.at[c + NBUF]], rows[b],
                                     sems[b])

            return carry

        lax.fori_loop(0, NCHUNK // NBUF, group, 0)
        plsc.subcore_barrier()
        pltpu.sync_copy(acc_sh.at[pl.ds(sid * RPT, RPT)], stg_v)
        pltpu.sync_copy(stg_v, out_hbm.at[pl.ds(cid * NPAD + sid * RPT, RPT)])

    return _sc_agg


_sc_agg_8 = _make_sc_agg(8)
_sc_agg_16 = _make_sc_agg(16)
_sc_agg_40 = _make_sc_agg(40)


def _tc0_body(d0_ref, d1_ref, x_ref, w_ref, dinv_ref, zs_ref):
    deg = d0_ref[...] + d1_ref[...] + 1.0
    dinv = lax.rsqrt(deg)
    dinv_ref[...] = dinv
    z = jnp.dot(x_ref[...], w_ref[...], preferred_element_type=jnp.float32)
    zs_ref[...] = z * dinv


def _tc_mid_body(s0_ref, s1_ref, zs_ref, dinv_ref, b_ref, w_ref, zsn_ref):
    o = dinv_ref[...] * (s0_ref[...] + s1_ref[...] + zs_ref[...]) + b_ref[...]
    h = jnp.maximum(o, 0.0)
    z = jnp.dot(h, w_ref[...], preferred_element_type=jnp.float32)
    zsn_ref[...] = z * dinv_ref[...]


def _tc_final_body(s0_ref, s1_ref, zs_ref, dinv_ref, b_ref, out_ref):
    o = dinv_ref[...] * (s0_ref[...] + s1_ref[...] + zs_ref[...]) + b_ref[...]
    m = jnp.max(o, axis=1, keepdims=True)
    e = jnp.exp(o - m)
    out_ref[...] = (o - m) - jnp.log(jnp.sum(e, axis=1, keepdims=True))


def _tc(body, out_shape, *args):
    return pl.pallas_call(body, out_shape=out_shape)(*args)


def kernel(x, adj, W1, b1, W2, b2, W3, b3, W4, b4):
    src = adj[0].astype(jnp.int32)
    dst = adj[1].astype(jnp.int32)
    pad = TOT_E - E
    srcp = jnp.concatenate([src, jnp.zeros((pad,), jnp.int32)])
    dstp = jnp.concatenate([dst, jnp.full((pad,), N, jnp.int32)])
    srcp = srcp.reshape(NWORKERS, NCHUNK, CH)
    dstp = dstp.reshape(NWORKERS, NCHUNK, CH)

    degp = _sc_degree(dstp)
    d0 = degp[:N]
    d1 = degp[NPAD:NPAD + N]

    f32 = jnp.float32
    dinv, zs = _tc(
        _tc0_body,
        (jax.ShapeDtypeStruct((N, 1), f32), jax.ShapeDtypeStruct((N, 8), f32)),
        d0[:, None], d1[:, None], x, W1,
    )

    zmat = {f: jnp.zeros((NPAD, f), jnp.float32) for f in (8, 16, 40)}
    aggs = (_sc_agg_8, _sc_agg_16, _sc_agg_8)
    fins = (8, 16, 8)
    outs = (16, 8, 40)
    for agg, fi, b, w, fo in zip(aggs, fins, (b1, b2, b3), (W2, W3, W4), outs):
        s = agg(zs, srcp, dstp, zmat[fi])
        zs = _tc(
            _tc_mid_body,
            jax.ShapeDtypeStruct((N, fo), f32),
            s[:N], s[NPAD:NPAD + N], zs, dinv, b[None, :], w,
        )

    s = _sc_agg_40(zs, srcp, dstp, zmat[40])
    return _tc(
        _tc_final_body,
        jax.ShapeDtypeStruct((N, 40), f32),
        s[:N], s[NPAD:NPAD + N], zs, dinv, b4[None, :],
    )

# --- scband reference (transcript-rebuilt; emitter-appended) ---
"""Pipeline reference for scband-gcn-24721831756423 (READ-ONLY COPY).

The authoritative reference and input builder live on the scoring server;
editing this copy changes nothing except your own understanding.
"""

import jax, jax.numpy as jnp
import numpy as np

N_NODES = 10000


def gcn_conv(x, src, dst, W, b):
    n = x.shape[0]
    loop = jnp.arange(n, dtype=src.dtype)
    src2 = jnp.concatenate([src, loop])
    dst2 = jnp.concatenate([dst, loop])
    deg = jax.ops.segment_sum(jnp.ones_like(dst2, dtype=x.dtype), dst2, num_segments=n)
    dinv = jnp.where(deg > 0, 1.0 / jnp.sqrt(deg), 0.0)
    norm = dinv[src2] * dinv[dst2]
    h = x @ W
    msg = h[src2] * norm[:, None]
    out = jax.ops.segment_sum(msg, dst2, num_segments=n) + b
    return out


def setup_inputs(seed: int = 0) -> dict:
    key = jax.random.key(seed)
    ks = jax.random.split(key, 12)
    x = jax.random.normal(ks[0], (N_NODES, 128), dtype=jnp.float32)
    adj = jax.random.randint(ks[1], (2, 320000), 0, N_NODES, dtype=jnp.int64)
    def glorot(k, fi, fo):
        lim = float(np.sqrt(6.0 / (fi + fo)))
        return jax.random.uniform(k, (fi, fo), minval=-lim, maxval=lim, dtype=jnp.float32)
    return {
        "x": x,
        "adj": adj,
        "W1": glorot(ks[2], 128, 8), "b1": jnp.zeros((8,), jnp.float32),
        "W2": glorot(ks[3], 8, 16), "b2": jnp.zeros((16,), jnp.float32),
        "W3": glorot(ks[4], 16, 8), "b3": jnp.zeros((8,), jnp.float32),
        "W4": glorot(ks[5], 8, 40), "b4": jnp.zeros((40,), jnp.float32),
    }


def reference(x, adj, W1, b1, W2, b2, W3, b3, W4, b4):
    src, dst = adj[0], adj[1]
    # dropout is identity in eval mode
    h = jax.nn.relu(gcn_conv(x, src, dst, W1, b1))
    h = jax.nn.relu(gcn_conv(h, src, dst, W2, b2))
    h = jax.nn.relu(gcn_conv(h, src, dst, W3, b3))
    h = gcn_conv(h, src, dst, W4, b4)
    return jax.nn.log_softmax(h, axis=1)

if __name__ == "__main__":
    import jax
    _d = setup_inputs()
    print(jax.jit(kernel)(*tuple(_d.values())))

</pallas_src>

<mosaic_0001>
#map = affine_map<(d0, d1) -> (0, 0)>
#map1 = affine_map<(d0, d1) -> (0, 0, 0)>
module attributes {stable_mosaic.version = 14 : i64} {
  func.func @_sc_agg(%arg0: i32, %arg1: i32, %arg2: memref<10000x16xf32, #tpu.memory_space<hbm>>, %arg3: memref<32x80x128xi32, #tpu.memory_space<hbm>>, %arg4: memref<32x80x128xi32, #tpu.memory_space<hbm>>, %arg5: memref<10112x16xf32, #tpu.memory_space<hbm>>, %arg6: memref<20224x16xf32, #tpu.memory_space<hbm>>, %arg7: memref<80x128xi32, #tpu.memory_space<vmem>>, %arg8: memref<80x128xi32, #tpu.memory_space<vmem>>, %arg9: memref<128x16xf32, #tpu.memory_space<vmem>>, %arg10: memref<128x16xf32, #tpu.memory_space<vmem>>, %arg11: memref<128x16xf32, #tpu.memory_space<vmem>>, %arg12: memref<128x16xf32, #tpu.memory_space<vmem>>, %arg13: memref<!tpu.dma_semaphore, #tpu.memory_space<semaphore_mem>>, %arg14: memref<!tpu.dma_semaphore, #tpu.memory_space<semaphore_mem>>, %arg15: memref<!tpu.dma_semaphore, #tpu.memory_space<semaphore_mem>>, %arg16: memref<!tpu.dma_semaphore, #tpu.memory_space<semaphore_mem>>, %arg17: memref<632x16xf32, #tpu.memory_space<vmem>>, %arg18: memref<10112x16xf32, #tpu.memory_space<vmem_shared>>, %arg19: memref<10000x16xf32, #tpu.memory_space<vmem_shared>>) attributes {dimension_semantics = [#tpu.dimension_semantics<core_parallel>, #tpu.dimension_semantics<subcore_parallel>], iteration_bounds = array<i64: 2, 16>, scalar_prefetch = 0 : i64, scratch_operands = 13 : i64, tpu.core_type = #tpu.core_type<sc_vector_subcore>, window_params = [{transform_indices = #map}, {transform_indices = #map1}, {transform_indices = #map1}, {transform_indices = #map}, {transform_indices = #map}]} {
    %mul3A = arith.constant 16 : i32
    %mul3A_0 = arith.muli %arg0, %mul3A : i32
    %add3A = arith.addi %mul3A_0, %arg1 : i32
    "tpu.region"() ({
      %run_scoped3A = tpu.sem_alloc : memref<!tpu.dma_semaphore, #tpu.memory_space<semaphore_mem>>
      %dma_start3A_49 = arith.constant 0 : i32
      %dma_start3A_50 = arith.constant 0 : i32
      %dma_start3A_51 = tpu.memref_slice %arg3[%add3A, %dma_start3A_49, %dma_start3A_50] : memref<32x80x128xi32, #tpu.memory_space<hbm>> -> memref<1x80x128xi32, #tpu.memory_space<hbm>>
      %dma_start3A_52 = tpu.memref_squeeze %dma_start3A_51 : memref<1x80x128xi32, #tpu.memory_space<hbm>> -> memref<80x128xi32, #tpu.memory_space<hbm>>
      %dma_start3A_53 = arith.constant 0 : i32
      %dma_start3A_54 = arith.constant 0 : i32
      %dma_start3A_55 = tpu.memref_slice %arg3[%add3A, %dma_start3A_53, %dma_start3A_54] : memref<32x80x128xi32, #tpu.memory_space<hbm>> -> memref<1x80x128xi32, #tpu.memory_space<hbm>>
      %dma_start3A_56 = tpu.memref_squeeze %dma_start3A_55 : memref<1x80x128xi32, #tpu.memory_space<hbm>> -> memref<80x128xi32, #tpu.memory_space<hbm>>
      tpu.enqueue_dma source(%dma_start3A_56 : memref<80x128xi32, #tpu.memory_space<hbm>>) target(%arg7 : memref<80x128xi32, #tpu.memory_space<vmem>>) target_semaphore(%run_scoped3A : memref<!tpu.dma_semaphore, #tpu.memory_space<semaphore_mem>>)
      %dma_wait3A = arith.constant 0 : i32
      %dma_wait3A_57 = arith.constant 0 : i32
      %dma_wait3A_58 = tpu.memref_slice %arg3[%add3A, %dma_wait3A, %dma_wait3A_57] : memref<32x80x128xi32, #tpu.memory_space<hbm>> -> memref<1x80x128xi32, #tpu.memory_space<hbm>>
      %dma_wait3A_59 = tpu.memref_squeeze %dma_wait3A_58 : memref<1x80x128xi32, #tpu.memory_space<hbm>> -> memref<80x128xi32, #tpu.memory_space<hbm>>
      %dma_wait3A_60 = arith.constant 0 : i32
      %dma_wait3A_61 = arith.constant 0 : i32
      %dma_wait3A_62 = tpu.memref_slice %arg3[%add3A, %dma_wait3A_60, %dma_wait3A_61] : memref<32x80x128xi32, #tpu.memory_space<hbm>> -> memref<1x80x128xi32, #tpu.memory_space<hbm>>
      %dma_wait3A_63 = tpu.memref_squeeze %dma_wait3A_62 : memref<1x80x128xi32, #tpu.memory_space<hbm>> -> memref<80x128xi32, #tpu.memory_space<hbm>>
      tpu.wait_dma2 semaphore(%run_scoped3A : memref<!tpu.dma_semaphore, #tpu.memory_space<semaphore_mem>>) src(%dma_wait3A_63 : memref<80x128xi32, #tpu.memory_space<hbm>>) dst(%arg7 : memref<80x128xi32, #tpu.memory_space<vmem>>)
      tpu.yield
    }) : () -> ()
    "tpu.region"() ({
      %run_scoped3A = tpu.sem_alloc : memref<!tpu.dma_semaphore, #tpu.memory_space<semaphore_mem>>
      %dma_start3A_49 = arith.constant 0 : i32
      %dma_start3A_50 = arith.constant 0 : i32
      %dma_start3A_51 = tpu.memref_slice %arg4[%add3A, %dma_start3A_49, %dma_start3A_50] : memref<32x80x128xi32, #tpu.memory_space<hbm>> -> memref<1x80x128xi32, #tpu.memory_space<hbm>>
      %dma_start3A_52 = tpu.memref_squeeze %dma_start3A_51 : memref<1x80x128xi32, #tpu.memory_space<hbm>> -> memref<80x128xi32, #tpu.memory_space<hbm>>
      %dma_start3A_53 = arith.constant 0 : i32
      %dma_start3A_54 = arith.constant 0 : i32
      %dma_start3A_55 = tpu.memref_slice %arg4[%add3A, %dma_start3A_53, %dma_start3A_54] : memref<32x80x128xi32, #tpu.memory_space<hbm>> -> memref<1x80x128xi32, #tpu.memory_space<hbm>>
      %dma_start3A_56 = tpu.memref_squeeze %dma_start3A_55 : memref<1x80x128xi32, #tpu.memory_space<hbm>> -> memref<80x128xi32, #tpu.memory_space<hbm>>
      tpu.enqueue_dma source(%dma_start3A_56 : memref<80x128xi32, #tpu.memory_space<hbm>>) target(%arg8 : memref<80x128xi32, #tpu.memory_space<vmem>>) target_semaphore(%run_scoped3A : memref<!tpu.dma_semaphore, #tpu.memory_space<semaphore_mem>>)
      %dma_wait3A = arith.constant 0 : i32
      %dma_wait3A_57 = arith.constant 0 : i32
      %dma_wait3A_58 = tpu.memref_slice %arg4[%add3A, %dma_wait3A, %dma_wait3A_57] : memref<32x80x128xi32, #tpu.memory_space<hbm>> -> memref<1x80x128xi32, #tpu.memory_space<hbm>>
      %dma_wait3A_59 = tpu.memref_squeeze %dma_wait3A_58 : memref<1x80x128xi32, #tpu.memory_space<hbm>> -> memref<80x128xi32, #tpu.memory_space<hbm>>
      %dma_wait3A_60 = arith.constant 0 : i32
      %dma_wait3A_61 = arith.constant 0 : i32
      %dma_wait3A_62 = tpu.memref_slice %arg4[%add3A, %dma_wait3A_60, %dma_wait3A_61] : memref<32x80x128xi32, #tpu.memory_space<hbm>> -> memref<1x80x128xi32, #tpu.memory_space<hbm>>
      %dma_wait3A_63 = tpu.memref_squeeze %dma_wait3A_62 : memref<1x80x128xi32, #tpu.memory_space<hbm>> -> memref<80x128xi32, #tpu.memory_space<hbm>>
      tpu.wait_dma2 semaphore(%run_scoped3A : memref<!tpu.dma_semaphore, #tpu.memory_space<semaphore_mem>>) src(%dma_wait3A_63 : memref<80x128xi32, #tpu.memory_space<hbm>>) dst(%arg8 : memref<80x128xi32, #tpu.memory_space<vmem>>)
      tpu.yield
    }) : () -> ()
    %mul3A_1 = arith.constant 625 : i32
    %mul3A_2 = arith.muli %arg1, %mul3A_1 : i32
    "tpu.region"() ({
      %run_scoped3A = tpu.sem_alloc : memref<!tpu.dma_semaphore, #tpu.memory_space<semaphore_mem>>
      %dma_start3A_49 = arith.constant 0 : i32
      %dma_start3A_50 = arith.constant 0 : i32
      %dma_start3A_51 = tpu.memref_slice %arg17[%dma_start3A_49, %dma_start3A_50] : memref<632x16xf32, #tpu.memory_space<vmem>> -> memref<625x16xf32, #tpu.memory_space<vmem>>
      %dma_start3A_52 = arith.constant 0 : i32
      %dma_start3A_53 = tpu.memref_slice %arg2[%mul3A_2, %dma_start3A_52] : memref<10000x16xf32, #tpu.memory_space<hbm>> -> memref<625x16xf32, #tpu.memory_space<hbm>>
      %dma_start3A_54 = arith.constant 0 : i32
      %dma_start3A_55 = arith.constant 0 : i32
      %dma_start3A_56 = tpu.memref_slice %arg17[%dma_start3A_54, %dma_start3A_55] : memref<632x16xf32, #tpu.memory_space<vmem>> -> memref<625x16xf32, #tpu.memory_space<vmem>>
      %dma_start3A_57 = arith.constant 0 : i32
      %dma_start3A_58 = tpu.memref_slice %arg2[%mul3A_2, %dma_start3A_57] : memref<10000x16xf32, #tpu.memory_space<hbm>> -> memref<625x16xf32, #tpu.memory_space<hbm>>
      tpu.enqueue_dma source(%dma_start3A_58 : memref<625x16xf32, #tpu.memory_space<hbm>>) target(%dma_start3A_56 : memref<625x16xf32, #tpu.memory_space<vmem>>) target_semaphore(%run_scoped3A : memref<!tpu.dma_semaphore, #tpu.memory_space<semaphore_mem>>)
      %dma_wait3A = arith.constant 0 : i32
      %dma_wait3A_59 = arith.constant 0 : i32
      %dma_wait3A_60 = tpu.memref_slice %arg17[%dma_wait3A, %dma_wait3A_59] : memref<632x16xf32, #tpu.memory_space<vmem>> -> memref<625x16xf32, #tpu.memory_space<vmem>>
      %dma_wait3A_61 = arith.constant 0 : i32
      %dma_wait3A_62 = tpu.memref_slice %arg2[%mul3A_2, %dma_wait3A_61] : memref<10000x16xf32, #tpu.memory_space<hbm>> -> memref<625x16xf32, #tpu.memory_space<hbm>>
      %dma_wait3A_63 = arith.constant 0 : i32
      %dma_wait3A_64 = arith.constant 0 : i32
      %dma_wait3A_65 = tpu.memref_slice %arg17[%dma_wait3A_63, %dma_wait3A_64] : memref<632x16xf32, #tpu.memory_space<vmem>> -> memref<625x16xf32, #tpu.memory_space<vmem>>
      %dma_wait3A_66 = arith.constant 0 : i32
      %dma_wait3A_67 = tpu.memref_slice %arg2[%mul3A_2, %dma_wait3A_66] : memref<10000x16xf32, #tpu.memory_space<hbm>> -> memref<625x16xf32, #tpu.memory_space<hbm>>
      tpu.wait_dma2 semaphore(%run_scoped3A : memref<!tpu.dma_semaphore, #tpu.memory_space<semaphore_mem>>) src(%dma_wait3A_67 : memref<625x16xf32, #tpu.memory_space<hbm>>) dst(%dma_wait3A_65 : memref<625x16xf32, #tpu.memory_space<vmem>>)
      tpu.yield
    }) : () -> ()
    %mul3A_3 = arith.constant 625 : i32
    %mul3A_4 = arith.muli %arg1, %mul3A_3 : i32
    "tpu.region"() ({
      %run_scoped3A = tpu.sem_alloc : memref<!tpu.dma_semaphore, #tpu.memory_space<semaphore_mem>>
      %dma_start3A_49 = arith.constant 0 : i32
      %dma_start3A_50 = arith.constant 0 : i32
      %dma_start3A_51 = tpu.memref_slice %arg17[%dma_start3A_49, %dma_start3A_50] : memref<632x16xf32, #tpu.memory_space<vmem>> -> memref<625x16xf32, #tpu.memory_space<vmem>>
      %dma_start3A_52 = arith.constant 0 : i32
      %dma_start3A_53 = tpu.memref_slice %arg19[%mul3A_4, %dma_start3A_52] : memref<10000x16xf32, #tpu.memory_space<vmem_shared>> -> memref<625x16xf32, #tpu.memory_space<vmem_shared>>
      %dma_start3A_54 = arith.constant 0 : i32
      %dma_start3A_55 = tpu.memref_slice %arg19[%mul3A_4, %dma_start3A_54] : memref<10000x16xf32, #tpu.memory_space<vmem_shared>> -> memref<625x16xf32, #tpu.memory_space<vmem_shared>>
      %dma_start3A_56 = arith.constant 0 : i32
      %dma_start3A_57 = arith.constant 0 : i32
      %dma_start3A_58 = tpu.memref_slice %arg17[%dma_start3A_56, %dma_start3A_57] : memref<632x16xf32, #tpu.memory_space<vmem>> -> memref<625x16xf32, #tpu.memory_space<vmem>>
      tpu.enqueue_dma source(%dma_start3A_58 : memref<625x16xf32, #tpu.memory_space<vmem>>) target(%dma_start3A_55 : memref<625x16xf32, #tpu.memory_space<vmem_shared>>) target_semaphore(%run_scoped3A : memref<!tpu.dma_semaphore, #tpu.memory_space<semaphore_mem>>)
      %dma_wait3A = arith.constant 0 : i32
      %dma_wait3A_59 = arith.constant 0 : i32
      %dma_wait3A_60 = tpu.memref_slice %arg17[%dma_wait3A, %dma_wait3A_59] : memref<632x16xf32, #tpu.memory_space<vmem>> -> memref<625x16xf32, #tpu.memory_space<vmem>>
      %dma_wait3A_61 = arith.constant 0 : i32
      %dma_wait3A_62 = tpu.memref_slice %arg19[%mul3A_4, %dma_wait3A_61] : memref<10000x16xf32, #tpu.memory_space<vmem_shared>> -> memref<625x16xf32, #tpu.memory_space<vmem_shared>>
      %dma_wait3A_63 = arith.constant 0 : i32
      %dma_wait3A_64 = tpu.memref_slice %arg19[%mul3A_4, %dma_wait3A_63] : memref<10000x16xf32, #tpu.memory_space<vmem_shared>> -> memref<625x16xf32, #tpu.memory_space<vmem_shared>>
      %dma_wait3A_65 = arith.constant 0 : i32
      %dma_wait3A_66 = arith.constant 0 : i32
      %dma_wait3A_67 = tpu.memref_slice %arg17[%dma_wait3A_65, %dma_wait3A_66] : memref<632x16xf32, #tpu.memory_space<vmem>> -> memref<625x16xf32, #tpu.memory_space<vmem>>
      tpu.wait_dma2 semaphore(%run_scoped3A : memref<!tpu.dma_semaphore, #tpu.memory_space<semaphore_mem>>) src(%dma_wait3A_67 : memref<625x16xf32, #tpu.memory_space<vmem>>) dst(%dma_wait3A_64 : memref<625x16xf32, #tpu.memory_space<vmem_shared>>)
      tpu.yield
    }) : () -> ()
    %mul3A_5 = arith.constant 632 : i32
    %mul3A_6 = arith.muli %arg1, %mul3A_5 : i32
    "tpu.region"() ({
      %run_scoped3A = tpu.sem_alloc : memref<!tpu.dma_semaphore, #tpu.memory_space<semaphore_mem>>
      %dma_start3A_49 = arith.constant 0 : i32
      %dma_start3A_50 = tpu.memref_slice %arg5[%mul3A_6, %dma_start3A_49] : memref<10112x16xf32, #tpu.memory_space<hbm>> -> memref<632x16xf32, #tpu.memory_space<hbm>>
      %dma_start3A_51 = arith.constant 0 : i32
      %dma_start3A_52 = tpu.memref_slice %arg5[%mul3A_6, %dma_start3A_51] : memref<10112x16xf32, #tpu.memory_space<hbm>> -> memref<632x16xf32, #tpu.memory_space<hbm>>
      tpu.enqueue_dma source(%dma_start3A_52 : memref<632x16xf32, #tpu.memory_space<hbm>>) target(%arg17 : memref<632x16xf32, #tpu.memory_space<vmem>>) target_semaphore(%run_scoped3A : memref<!tpu.dma_semaphore, #tpu.memory_space<semaphore_mem>>)
      %dma_wait3A = arith.constant 0 : i32
      %dma_wait3A_53 = tpu.memref_slice %arg5[%mul3A_6, %dma_wait3A] : memref<10112x16xf32, #tpu.memory_space<hbm>> -> memref<632x16xf32, #tpu.memory_space<hbm>>
      %dma_wait3A_54 = arith.constant 0 : i32
      %dma_wait3A_55 = tpu.memref_slice %arg5[%mul3A_6, %dma_wait3A_54] : memref<10112x16xf32, #tpu.memory_space<hbm>> -> memref<632x16xf32, #tpu.memory_space<hbm>>
      tpu.wait_dma2 semaphore(%run_scoped3A : memref<!tpu.dma_semaphore, #tpu.memory_space<semaphore_mem>>) src(%dma_wait3A_55 : memref<632x16xf32, #tpu.memory_space<hbm>>) dst(%arg17 : memref<632x16xf32, #tpu.memory_space<vmem>>)
      tpu.yield
    }) : () -> ()
    %mul3A_7 = arith.constant 632 : i32
    %mul3A_8 = arith.muli %arg1, %mul3A_7 : i32
    "tpu.region"() ({
      %run_scoped3A = tpu.sem_alloc : memref<!tpu.dma_semaphore, #tpu.memory_space<semaphore_mem>>
      %dma_start3A_49 = arith.constant 0 : i32
      %dma_start3A_50 = tpu.memref_slice %arg18[%mul3A_8, %dma_start3A_49] : memref<10112x16xf32, #tpu.memory_space<vmem_shared>> -> memref<632x16xf32, #tpu.memory_space<vmem_shared>>
      %dma_start3A_51 = arith.constant 0 : i32
      %dma_start3A_52 = tpu.memref_slice %arg18[%mul3A_8, %dma_start3A_51] : memref<10112x16xf32, #tpu.memory_space<vmem_shared>> -> memref<632x16xf32, #tpu.memory_space<vmem_shared>>
      tpu.enqueue_dma source(%arg17 : memref<632x16xf32, #tpu.memory_space<vmem>>) target(%dma_start3A_52 : memref<632x16xf32, #tpu.memory_space<vmem_shared>>) target_semaphore(%run_scoped3A : memref<!tpu.dma_semaphore, #tpu.memory_space<semaphore_mem>>)
      %dma_wait3A = arith.constant 0 : i32
      %dma_wait3A_53 = tpu.memref_slice %arg18[%mul3A_8, %dma_wait3A] : memref<10112x16xf32, #tpu.memory_space<vmem_shared>> -> memref<632x16xf32, #tpu.memory_space<vmem_shared>>
      %dma_wait3A_54 = arith.constant 0 : i32
      %dma_wait3A_55 = tpu.memref_slice %arg18[%mul3A_8, %dma_wait3A_54] : memref<10112x16xf32, #tpu.memory_space<vmem_shared>> -> memref<632x16xf32, #tpu.memory_space<vmem_shared>>
      tpu.wait_dma2 semaphore(%run_scoped3A : memref<!tpu.dma_semaphore, #tpu.memory_space<semaphore_mem>>) src(%arg17 : memref<632x16xf32, #tpu.memory_space<vmem>>) dst(%dma_wait3A_55 : memref<632x16xf32, #tpu.memory_space<vmem_shared>>)
      tpu.yield
    }) : () -> ()
    %barrier3A = arith.constant 0 : index
    tpu.barrier barrier_id(%barrier3A)
    %dma_start3A = arith.constant 0 : i32
    %dma_start3A_9 = arith.constant 0 : i32
    %dma_start3A_10 = tpu.memref_slice %arg7[%dma_start3A, %dma_start3A_9] : memref<80x128xi32, #tpu.memory_space<vmem>> -> memref<1x128xi32, #tpu.memory_space<vmem>>
    %dma_start3A_11 = tpu.memref_squeeze %dma_start3A_10 : memref<1x128xi32, #tpu.memory_space<vmem>> -> memref<128xi32, #tpu.memory_space<vmem>>
    %dma_start3A_12 = arith.constant 0 : i32
    %dma_start3A_13 = arith.constant 0 : i32
    %dma_start3A_14 = tpu.memref_slice %arg19[%dma_start3A_12, %dma_start3A_13] : memref<10000x16xf32, #tpu.memory_space<vmem_shared>> -> memref<10000x16xf32, #tpu.memory_space<vmem_shared>>
    tpu.enqueue_indirect_dma source(%dma_start3A_14 : memref<10000x16xf32, #tpu.memory_space<vmem_shared>>) target(%arg9 : memref<128x16xf32, #tpu.memory_space<vmem>>) offsets(%dma_start3A_11 : memref<128xi32, #tpu.memory_space<vmem>>) semaphore(%arg13 : memref<!tpu.dma_semaphore, #tpu.memory_space<semaphore_mem>>)
    %dma_start3A_15 = arith.constant 1 : i32
    %dma_start3A_16 = arith.constant 0 : i32
    %dma_start3A_17 = tpu.memref_slice %arg7[%dma_start3A_15, %dma_start3A_16] : memref<80x128xi32, #tpu.memory_space<vmem>> -> memref<1x128xi32, #tpu.memory_space<vmem>>
    %dma_start3A_18 = tpu.memref_squeeze %dma_start3A_17 : memref<1x128xi32, #tpu.memory_space<vmem>> -> memref<128xi32, #tpu.memory_space<vmem>>
    %dma_start3A_19 = arith.constant 0 : i32
    %dma_start3A_20 = arith.constant 0 : i32
    %dma_start3A_21 = tpu.memref_slice %arg19[%dma_start3A_19, %dma_start3A_20] : memref<10000x16xf32, #tpu.memory_space<vmem_shared>> -> memref<10000x16xf32, #tpu.memory_space<vmem_shared>>
    tpu.enqueue_indirect_dma source(%dma_start3A_21 : memref<10000x16xf32, #tpu.memory_space<vmem_shared>>) target(%arg10 : memref<128x16xf32, #tpu.memory_space<vmem>>) offsets(%dma_start3A_18 : memref<128xi32, #tpu.memory_space<vmem>>) semaphore(%arg14 : memref<!tpu.dma_semaphore, #tpu.memory_space<semaphore_mem>>)
    %dma_start3A_22 = arith.constant 2 : i32
    %dma_start3A_23 = arith.constant 0 : i32
    %dma_start3A_24 = tpu.memref_slice %arg7[%dma_start3A_22, %dma_start3A_23] : memref<80x128xi32, #tpu.memory_space<vmem>> -> memref<1x128xi32, #tpu.memory_space<vmem>>
    %dma_start3A_25 = tpu.memref_squeeze %dma_start3A_24 : memref<1x128xi32, #tpu.memory_space<vmem>> -> memref<128xi32, #tpu.memory_space<vmem>>
    %dma_start3A_26 = arith.constant 0 : i32
    %dma_start3A_27 = arith.constant 0 : i32
    %dma_start3A_28 = tpu.memref_slice %arg19[%dma_start3A_26, %dma_start3A_27] : memref<10000x16xf32, #tpu.memory_space<vmem_shared>> -> memref<10000x16xf32, #tpu.memory_space<vmem_shared>>
    tpu.enqueue_indirect_dma source(%dma_start3A_28 : memref<10000x16xf32, #tpu.memory_space<vmem_shared>>) target(%arg11 : memref<128x16xf32, #tpu.memory_space<vmem>>) offsets(%dma_start3A_25 : memref<128xi32, #tpu.memory_space<vmem>>) semaphore(%arg15 : memref<!tpu.dma_semaphore, #tpu.memory_space<semaphore_mem>>)
    %dma_start3A_29 = arith.constant 3 : i32
    %dma_start3A_30 = arith.constant 0 : i32
    %dma_start3A_31 = tpu.memref_slice %arg7[%dma_start3A_29, %dma_start3A_30] : memref<80x128xi32, #tpu.memory_space<vmem>> -> memref<1x128xi32, #tpu.memory_space<vmem>>
    %dma_start3A_32 = tpu.memref_squeeze %dma_start3A_31 : memref<1x128xi32, #tpu.memory_space<vmem>> -> memref<128xi32, #tpu.memory_space<vmem>>
    %dma_start3A_33 = arith.constant 0 : i32
    %dma_start3A_34 = arith.constant 0 : i32
    %dma_start3A_35 = tpu.memref_slice %arg19[%dma_start3A_33, %dma_start3A_34] : memref<10000x16xf32, #tpu.memory_space<vmem_shared>> -> memref<10000x16xf32, #tpu.memory_space<vmem_shared>>
    tpu.enqueue_indirect_dma source(%dma_start3A_35 : memref<10000x16xf32, #tpu.memory_space<vmem_shared>>) target(%arg12 : memref<128x16xf32, #tpu.memory_space<vmem>>) offsets(%dma_start3A_32 : memref<128xi32, #tpu.memory_space<vmem>>) semaphore(%arg16 : memref<!tpu.dma_semaphore, #tpu.memory_space<semaphore_mem>>)
    %scan3A = arith.constant 0 : i32
    %scan3A_36 = arith.constant 0 : i32
    %scan3A_37 = arith.constant 20 : i32
    %scan3A_38 = arith.addi %scan3A_36, %scan3A_37 : i32
    %scan3A_39 = arith.constant 1 : i32
    scf.for %scan3A_49 = %scan3A_36 to %scan3A_38 step %scan3A_39  : i32 {
      %mul3A_50 = arith.constant 4 : i32
      %mul3A_51 = arith.muli %scan3A_49, %mul3A_50 : i32
      %add3A_52 = arith.constant 0 : i32
      %add3A_53 = arith.addi %mul3A_51, %add3A_52 : i32
      %dma_wait3A = arith.constant 0 : i32
      %dma_wait3A_54 = tpu.memref_slice %arg7[%add3A_53, %dma_wait3A] : memref<80x128xi32, #tpu.memory_space<vmem>> -> memref<1x128xi32, #tpu.memory_space<vmem>>
      %dma_wait3A_55 = tpu.memref_squeeze %dma_wait3A_54 : memref<1x128xi32, #tpu.memory_space<vmem>> -> memref<128xi32, #tpu.memory_space<vmem>>
      %dma_wait3A_56 = arith.constant 0 : i32
      %dma_wait3A_57 = arith.constant 0 : i32
      %dma_wait3A_58 = tpu.memref_slice %arg19[%dma_wait3A_56, %dma_wait3A_57] : memref<10000x16xf32, #tpu.memory_space<vmem_shared>> -> memref<10000x16xf32, #tpu.memory_space<vmem_shared>>
      tpu.wait_indirect_dma semaphore(%arg13 : memref<!tpu.dma_semaphore, #tpu.memory_space<semaphore_mem>>) src(%dma_wait3A_58 : memref<10000x16xf32, #tpu.memory_space<vmem_shared>>) dst(%arg9 : memref<128x16xf32, #tpu.memory_space<vmem>>)
      "tpu.region"() ({
        %run_scoped3A = tpu.sem_alloc : memref<!tpu.dma_semaphore, #tpu.memory_space<semaphore_mem>>
        %dma_start3A_114 = arith.constant 0 : i32
        %dma_start3A_115 = tpu.memref_slice %arg8[%add3A_53, %dma_start3A_114] : memref<80x128xi32, #tpu.memory_space<vmem>> -> memref<1x128xi32, #tpu.memory_space<vmem>>
        %dma_start3A_116 = tpu.memref_squeeze %dma_start3A_115 : memref<1x128xi32, #tpu.memory_space<vmem>> -> memref<128xi32, #tpu.memory_space<vmem>>
        %dma_start3A_117 = arith.constant 0 : i32
        %dma_start3A_118 = arith.constant 0 : i32
        %dma_start3A_119 = tpu.memref_slice %arg18[%dma_start3A_117, %dma_start3A_118] : memref<10112x16xf32, #tpu.memory_space<vmem_shared>> -> memref<10112x16xf32, #tpu.memory_space<vmem_shared>>
        tpu.enqueue_indirect_dma source(%arg9 : memref<128x16xf32, #tpu.memory_space<vmem>>) target(%dma_start3A_119 : memref<10112x16xf32, #tpu.memory_space<vmem_shared>>) offsets(%dma_start3A_116 : memref<128xi32, #tpu.memory_space<vmem>>) semaphore(%run_scoped3A : memref<!tpu.dma_semaphore, #tpu.memory_space<semaphore_mem>>) {add = true}
        %dma_wait3A_120 = arith.constant 0 : i32
        %dma_wait3A_121 = tpu.memref_slice %arg8[%add3A_53, %dma_wait3A_120] : memref<80x128xi32, #tpu.memory_space<vmem>> -> memref<1x128xi32, #tpu.memory_space<vmem>>
        %dma_wait3A_122 = tpu.memref_squeeze %dma_wait3A_121 : memref<1x128xi32, #tpu.memory_space<vmem>> -> memref<128xi32, #tpu.memory_space<vmem>>
        %dma_wait3A_123 = arith.constant 0 : i32
        %dma_wait3A_124 = arith.constant 0 : i32
        %dma_wait3A_125 = tpu.memref_slice %arg18[%dma_wait3A_123, %dma_wait3A_124] : memref<10112x16xf32, #tpu.memory_space<vmem_shared>> -> memref<10112x16xf32, #tpu.memory_space<vmem_shared>>
        tpu.wait_indirect_dma semaphore(%run_scoped3A : memref<!tpu.dma_semaphore, #tpu.memory_space<semaphore_mem>>) src(%arg9 : memref<128x16xf32, #tpu.memory_space<vmem>>) dst(%dma_wait3A_125 : memref<10112x16xf32, #tpu.memory_space<vmem_shared>>)
        tpu.yield
      }) : () -> ()
      %add3A_59 = arith.constant 4 : i32
      %add3A_60 = arith.addi %add3A_53, %add3A_59 : i32
      %lt3A = arith.constant 80 : i32
      %lt3A_61 = arith.cmpi slt, %add3A_60, %lt3A : i32
      %convert_element_type3A = arith.extui %lt3A_61 : i1 to i32
      %cond3A = arith.constant 0 : i32
      %cond3A_62 = arith.cmpi ne, %convert_element_type3A, %cond3A : i32
      scf.if %cond3A_62 {
        %add3A_114 = arith.constant 4 : i32
        %add3A_115 = arith.addi %add3A_53, %add3A_114 : i32
        %dma_start3A_116 = arith.constant 0 : i32
        %dma_start3A_117 = tpu.memref_slice %arg7[%add3A_115, %dma_start3A_116] : memref<80x128xi32, #tpu.memory_space<vmem>> -> memref<1x128xi32, #tpu.memory_space<vmem>>
        %dma_start3A_118 = tpu.memref_squeeze %dma_start3A_117 : memref<1x128xi32, #tpu.memory_space<vmem>> -> memref<128xi32, #tpu.memory_space<vmem>>
        %dma_start3A_119 = arith.constant 0 : i32
        %dma_start3A_120 = arith.constant 0 : i32
        %dma_start3A_121 = tpu.memref_slice %arg19[%dma_start3A_119, %dma_start3A_120] : memref<10000x16xf32, #tpu.memory_space<vmem_shared>> -> memref<10000x16xf32, #tpu.memory_space<vmem_shared>>
        tpu.enqueue_indirect_dma source(%dma_start3A_121 : memref<10000x16xf32, #tpu.memory_space<vmem_shared>>) target(%arg9 : memref<128x16xf32, #tpu.memory_space<vmem>>) offsets(%dma_start3A_118 : memref<128xi32, #tpu.memory_space<vmem>>) semaphore(%arg13 : memref<!tpu.dma_semaphore, #tpu.memory_space<semaphore_mem>>)
      } else {
      }
      %mul3A_63 = arith.constant 4 : i32
      %mul3A_64 = arith.muli %scan3A_49, %mul3A_63 : i32
      %add3A_65 = arith.constant 1 : i32
      %add3A_66 = arith.addi %mul3A_64, %add3A_65 : i32
      %dma_wait3A_67 = arith.constant 0 : i32
      %dma_wait3A_68 = tpu.memref_slice %arg7[%add3A_66, %dma_wait3A_67] : memref<80x128xi32, #tpu.memory_space<vmem>> -> memref<1x128xi32, #tpu.memory_space<vmem>>
      %dma_wait3A_69 = tpu.memref_squeeze %dma_wait3A_68 : memref<1x128xi32, #tpu.memory_space<vmem>> -> memref<128xi32, #tpu.memory_space<vmem>>
      %dma_wait3A_70 = arith.constant 0 : i32
      %dma_wait3A_71 = arith.constant 0 : i32
      %dma_wait3A_72 = tpu.memref_slice %arg19[%dma_wait3A_70, %dma_wait3A_71] : memref<10000x16xf32, #tpu.memory_space<vmem_shared>> -> memref<10000x16xf32, #tpu.memory_space<vmem_shared>>
      tpu.wait_indirect_dma semaphore(%arg14 : memref<!tpu.dma_semaphore, #tpu.memory_space<semaphore_mem>>) src(%dma_wait3A_72 : memref<10000x16xf32, #tpu.memory_space<vmem_shared>>) dst(%arg10 : memref<128x16xf32, #tpu.memory_space<vmem>>)
      "tpu.region"() ({
        %run_scoped3A = tpu.sem_alloc : memref<!tpu.dma_semaphore, #tpu.memory_space<semaphore_mem>>
        %dma_start3A_114 = arith.constant 0 : i32
        %dma_start3A_115 = tpu.memref_slice %arg8[%add3A_66, %dma_start3A_114] : memref<80x128xi32, #tpu.memory_space<vmem>> -> memref<1x128xi32, #tpu.memory_space<vmem>>
        %dma_start3A_116 = tpu.memref_squeeze %dma_start3A_115 : memref<1x128xi32, #tpu.memory_space<vmem>> -> memref<128xi32, #tpu.memory_space<vmem>>
        %dma_start3A_117 = arith.constant 0 : i32
        %dma_start3A_118 = arith.constant 0 : i32
        %dma_start3A_119 = tpu.memref_slice %arg18[%dma_start3A_117, %dma_start3A_118] : memref<10112x16xf32, #tpu.memory_space<vmem_shared>> -> memref<10112x16xf32, #tpu.memory_space<vmem_shared>>
        tpu.enqueue_indirect_dma source(%arg10 : memref<128x16xf32, #tpu.memory_space<vmem>>) target(%dma_start3A_119 : memref<10112x16xf32, #tpu.memory_space<vmem_shared>>) offsets(%dma_start3A_116 : memref<128xi32, #tpu.memory_space<vmem>>) semaphore(%run_scoped3A : memref<!tpu.dma_semaphore, #tpu.memory_space<semaphore_mem>>) {add = true}
        %dma_wait3A_120 = arith.constant 0 : i32
        %dma_wait3A_121 = tpu.memref_slice %arg8[%add3A_66, %dma_wait3A_120] : memref<80x128xi32, #tpu.memory_space<vmem>> -> memref<1x128xi32, #tpu.memory_space<vmem>>
        %dma_wait3A_122 = tpu.memref_squeeze %dma_wait3A_121 : memref<1x128xi32, #tpu.memory_space<vmem>> -> memref<128xi32, #tpu.memory_space<vmem>>
        %dma_wait3A_123 = arith.constant 0 : i32
        %dma_wait3A_124 = arith.constant 0 : i32
        %dma_wait3A_125 = tpu.memref_slice %arg18[%dma_wait3A_123, %dma_wait3A_124] : memref<10112x16xf32, #tpu.memory_space<vmem_shared>> -> memref<10112x16xf32, #tpu.memory_space<vmem_shared>>
        tpu.wait_indirect_dma semaphore(%run_scoped3A : memref<!tpu.dma_semaphore, #tpu.memory_space<semaphore_mem>>) src(%arg10 : memref<128x16xf32, #tpu.memory_space<vmem>>) dst(%dma_wait3A_125 : memref<10112x16xf32, #tpu.memory_space<vmem_shared>>)
        tpu.yield
      }) : () -> ()
      %add3A_73 = arith.constant 4 : i32
      %add3A_74 = arith.addi %add3A_66, %add3A_73 : i32
      %lt3A_75 = arith.constant 80 : i32
      %lt3A_76 = arith.cmpi slt, %add3A_74, %lt3A_75 : i32
      %convert_element_type3A_77 = arith.extui %lt3A_76 : i1 to i32
      %cond3A_78 = arith.constant 0 : i32
      %cond3A_79 = arith.cmpi ne, %convert_element_type3A_77, %cond3A_78 : i32
      scf.if %cond3A_79 {
        %add3A_114 = arith.constant 4 : i32
        %add3A_115 = arith.addi %add3A_66, %add3A_114 : i32
        %dma_start3A_116 = arith.constant 0 : i32
        %dma_start3A_117 = tpu.memref_slice %arg7[%add3A_115, %dma_start3A_116] : memref<80x128xi32, #tpu.memory_space<vmem>> -> memref<1x128xi32, #tpu.memory_space<vmem>>
        %dma_start3A_118 = tpu.memref_squeeze %dma_start3A_117 : memref<1x128xi32, #tpu.memory_space<vmem>> -> memref<128xi32, #tpu.memory_space<vmem>>
        %dma_start3A_119 = arith.constant 0 : i32
        %dma_start3A_120 = arith.constant 0 : i32
        %dma_start3A_121 = tpu.memref_slice %arg19[%dma_start3A_119, %dma_start3A_120] : memref<10000x16xf32, #tpu.memory_space<vmem_shared>> -> memref<10000x16xf32, #tpu.memory_space<vmem_shared>>
        tpu.enqueue_indirect_dma source(%dma_start3A_121 : memref<10000x16xf32, #tpu.memory_space<vmem_shared>>) target(%arg10 : memref<128x16xf32, #tpu.memory_space<vmem>>) offsets(%dma_start3A_118 : memref<128xi32, #tpu.memory_space<vmem>>) semaphore(%arg14 : memref<!tpu.dma_semaphore, #tpu.memory_space<semaphore_mem>>)
      } else {
      }
      %mul3A_80 = arith.constant 4 : i32
      %mul3A_81 = arith.muli %scan3A_49, %mul3A_80 : i32
      %add3A_82 = arith.constant 2 : i32
      %add3A_83 = arith.addi %mul3A_81, %add3A_82 : i32
      %dma_wait3A_84 = arith.constant 0 : i32
      %dma_wait3A_85 = tpu.memref_slice %arg7[%add3A_83, %dma_wait3A_84] : memref<80x128xi32, #tpu.memory_space<vmem>> -> memref<1x128xi32, #tpu.memory_space<vmem>>
      %dma_wait3A_86 = tpu.memref_squeeze %dma_wait3A_85 : memref<1x128xi32, #tpu.memory_space<vmem>> -> memref<128xi32, #tpu.memory_space<vmem>>
      %dma_wait3A_87 = arith.constant 0 : i32
      %dma_wait3A_88 = arith.constant 0 : i32
      %dma_wait3A_89 = tpu.memref_slice %arg19[%dma_wait3A_87, %dma_wait3A_88] : memref<10000x16xf32, #tpu.memory_space<vmem_shared>> -> memref<10000x16xf32, #tpu.memory_space<vmem_shared>>
      tpu.wait_indirect_dma semaphore(%arg15 : memref<!tpu.dma_semaphore, #tpu.memory_space<semaphore_mem>>) src(%dma_wait3A_89 : memref<10000x16xf32, #tpu.memory_space<vmem_shared>>) dst(%arg11 : memref<128x16xf32, #tpu.memory_space<vmem>>)
      "tpu.region"() ({
        %run_scoped3A = tpu.sem_alloc : memref<!tpu.dma_semaphore, #tpu.memory_space<semaphore_mem>>
        %dma_start3A_114 = arith.constant 0 : i32
        %dma_start3A_115 = tpu.memref_slice %arg8[%add3A_83, %dma_start3A_114] : memref<80x128xi32, #tpu.memory_space<vmem>> -> memref<1x128xi32, #tpu.memory_space<vmem>>
        %dma_start3A_116 = tpu.memref_squeeze %dma_start3A_115 : memref<1x128xi32, #tpu.memory_space<vmem>> -> memref<128xi32, #tpu.memory_space<vmem>>
        %dma_start3A_117 = arith.constant 0 : i32
        %dma_start3A_118 = arith.constant 0 : i32
        %dma_start3A_119 = tpu.memref_slice %arg18[%dma_start3A_117, %dma_start3A_118] : memref<10112x16xf32, #tpu.memory_space<vmem_shared>> -> memref<10112x16xf32, #tpu.memory_space<vmem_shared>>
        tpu.enqueue_indirect_dma source(%arg11 : memref<128x16xf32, #tpu.memory_space<vmem>>) target(%dma_start3A_119 : memref<10112x16xf32, #tpu.memory_space<vmem_shared>>) offsets(%dma_start3A_116 : memref<128xi32, #tpu.memory_space<vmem>>) semaphore(%run_scoped3A : memref<!tpu.dma_semaphore, #tpu.memory_space<semaphore_mem>>) {add = true}
        %dma_wait3A_120 = arith.constant 0 : i32
        %dma_wait3A_121 = tpu.memref_slice %arg8[%add3A_83, %dma_wait3A_120] : memref<80x128xi32, #tpu.memory_space<vmem>> -> memref<1x128xi32, #tpu.memory_space<vmem>>
        %dma_wait3A_122 = tpu.memref_squeeze %dma_wait3A_121 : memref<1x128xi32, #tpu.memory_space<vmem>> -> memref<128xi32, #tpu.memory_space<vmem>>
        %dma_wait3A_123 = arith.constant 0 : i32
        %dma_wait3A_124 = arith.constant 0 : i32
        %dma_wait3A_125 = tpu.memref_slice %arg18[%dma_wait3A_123, %dma_wait3A_124] : memref<10112x16xf32, #tpu.memory_space<vmem_shared>> -> memref<10112x16xf32, #tpu.memory_space<vmem_shared>>
        tpu.wait_indirect_dma semaphore(%run_scoped3A : memref<!tpu.dma_semaphore, #tpu.memory_space<semaphore_mem>>) src(%arg11 : memref<128x16xf32, #tpu.memory_space<vmem>>) dst(%dma_wait3A_125 : memref<10112x16xf32, #tpu.memory_space<vmem_shared>>)
        tpu.yield
      }) : () -> ()
      %add3A_90 = arith.constant 4 : i32
      %add3A_91 = arith.addi %add3A_83, %add3A_90 : i32
      %lt3A_92 = arith.constant 80 : i32
      %lt3A_93 = arith.cmpi slt, %add3A_91, %lt3A_92 : i32
      %convert_element_type3A_94 = arith.extui %lt3A_93 : i1 to i32
      %cond3A_95 = arith.constant 0 : i32
      %cond3A_96 = arith.cmpi ne, %convert_element_type3A_94, %cond3A_95 : i32
      scf.if %cond3A_96 {
        %add3A_114 = arith.constant 4 : i32
        %add3A_115 = arith.addi %add3A_83, %add3A_114 : i32
        %dma_start3A_116 = arith.constant 0 : i32
        %dma_start3A_117 = tpu.memref_slice %arg7[%add3A_115, %dma_start3A_116] : memref<80x128xi32, #tpu.memory_space<vmem>> -> memref<1x128xi32, #tpu.memory_space<vmem>>
        %dma_start3A_118 = tpu.memref_squeeze %dma_start3A_117 : memref<1x128xi32, #tpu.memory_space<vmem>> -> memref<128xi32, #tpu.memory_space<vmem>>
        %dma_start3A_119 = arith.constant 0 : i32
        %dma_start3A_120 = arith.constant 0 : i32
        %dma_start3A_121 = tpu.memref_slice %arg19[%dma_start3A_119, %dma_start3A_120] : memref<10000x16xf32, #tpu.memory_space<vmem_shared>> -> memref<10000x16xf32, #tpu.memory_space<vmem_shared>>
        tpu.enqueue_indirect_dma source(%dma_start3A_121 : memref<10000x16xf32, #tpu.memory_space<vmem_shared>>) target(%arg11 : memref<128x16xf32, #tpu.memory_space<vmem>>) offsets(%dma_start3A_118 : memref<128xi32, #tpu.memory_space<vmem>>) semaphore(%arg15 : memref<!tpu.dma_semaphore, #tpu.memory_space<semaphore_mem>>)
      } else {
      }
      %mul3A_97 = arith.constant 4 : i32
      %mul3A_98 = arith.muli %scan3A_49, %mul3A_97 : i32
      %add3A_99 = arith.constant 3 : i32
      %add3A_100 = arith.addi %mul3A_98, %add3A_99 : i32
      %dma_wait3A_101 = arith.constant 0 : i32
      %dma_wait3A_102 = tpu.memref_slice %arg7[%add3A_100, %dma_wait3A_101] : memref<80x128xi32, #tpu.memory_space<vmem>> -> memref<1x128xi32, #tpu.memory_space<vmem>>
      %dma_wait3A_103 = tpu.memref_squeeze %dma_wait3A_102 : memref<1x128xi32, #tpu.memory_space<vmem>> -> memref<128xi32, #tpu.memory_space<vmem>>
      %dma_wait3A_104 = arith.constant 0 : i32
      %dma_wait3A_105 = arith.constant 0 : i32
      %dma_wait3A_106 = tpu.memref_slice %arg19[%dma_wait3A_104, %dma_wait3A_105] : memref<10000x16xf32, #tpu.memory_space<vmem_shared>> -> memref<10000x16xf32, #tpu.memory_space<vmem_shared>>
      tpu.wait_indirect_dma semaphore(%arg16 : memref<!tpu.dma_semaphore, #tpu.memory_space<semaphore_mem>>) src(%dma_wait3A_106 : memref<10000x16xf32, #tpu.memory_space<vmem_shared>>) dst(%arg12 : memref<128x16xf32, #tpu.memory_space<vmem>>)
      "tpu.region"() ({
        %run_scoped3A = tpu.sem_alloc : memref<!tpu.dma_semaphore, #tpu.memory_space<semaphore_mem>>
        %dma_start3A_114 = arith.constant 0 : i32
        %dma_start3A_115 = tpu.memref_slice %arg8[%add3A_100, %dma_start3A_114] : memref<80x128xi32, #tpu.memory_space<vmem>> -> memref<1x128xi32, #tpu.memory_space<vmem>>
        %dma_start3A_116 = tpu.memref_squeeze %dma_start3A_115 : memref<1x128xi32, #tpu.memory_space<vmem>> -> memref<128xi32, #tpu.memory_space<vmem>>
        %dma_start3A_117 = arith.constant 0 : i32
        %dma_start3A_118 = arith.constant 0 : i32
        %dma_start3A_119 = tpu.memref_slice %arg18[%dma_start3A_117, %dma_start3A_118] : memref<10112x16xf32, #tpu.memory_space<vmem_shared>> -> memref<10112x16xf32, #tpu.memory_space<vmem_shared>>
        tpu.enqueue_indirect_dma source(%arg12 : memref<128x16xf32, #tpu.memory_space<vmem>>) target(%dma_start3A_119 : memref<10112x16xf32, #tpu.memory_space<vmem_shared>>) offsets(%dma_start3A_116 : memref<128xi32, #tpu.memory_space<vmem>>) semaphore(%run_scoped3A : memref<!tpu.dma_semaphore, #tpu.memory_space<semaphore_mem>>) {add = true}
        %dma_wait3A_120 = arith.constant 0 : i32
        %dma_wait3A_121 = tpu.memref_slice %arg8[%add3A_100, %dma_wait3A_120] : memref<80x128xi32, #tpu.memory_space<vmem>> -> memref<1x128xi32, #tpu.memory_space<vmem>>
        %dma_wait3A_122 = tpu.memref_squeeze %dma_wait3A_121 : memref<1x128xi32, #tpu.memory_space<vmem>> -> memref<128xi32, #tpu.memory_space<vmem>>
        %dma_wait3A_123 = arith.constant 0 : i32
        %dma_wait3A_124 = arith.constant 0 : i32
        %dma_wait3A_125 = tpu.memref_slice %arg18[%dma_wait3A_123, %dma_wait3A_124] : memref<10112x16xf32, #tpu.memory_space<vmem_shared>> -> memref<10112x16xf32, #tpu.memory_space<vmem_shared>>
        tpu.wait_indirect_dma semaphore(%run_scoped3A : memref<!tpu.dma_semaphore, #tpu.memory_space<semaphore_mem>>) src(%arg12 : memref<128x16xf32, #tpu.memory_space<vmem>>) dst(%dma_wait3A_125 : memref<10112x16xf32, #tpu.memory_space<vmem_shared>>)
        tpu.yield
      }) : () -> ()
      %add3A_107 = arith.constant 4 : i32
      %add3A_108 = arith.addi %add3A_100, %add3A_107 : i32
      %lt3A_109 = arith.constant 80 : i32
      %lt3A_110 = arith.cmpi slt, %add3A_108, %lt3A_109 : i32
      %convert_element_type3A_111 = arith.extui %lt3A_110 : i1 to i32
      %cond3A_112 = arith.constant 0 : i32
      %cond3A_113 = arith.cmpi ne, %convert_element_type3A_111, %cond3A_112 : i32
      scf.if %cond3A_113 {
        %add3A_114 = arith.constant 4 : i32
        %add3A_115 = arith.addi %add3A_100, %add3A_114 : i32
        %dma_start3A_116 = arith.constant 0 : i32
        %dma_start3A_117 = tpu.memref_slice %arg7[%add3A_115, %dma_start3A_116] : memref<80x128xi32, #tpu.memory_space<vmem>> -> memref<1x128xi32, #tpu.memory_space<vmem>>
        %dma_start3A_118 = tpu.memref_squeeze %dma_start3A_117 : memref<1x128xi32, #tpu.memory_space<vmem>> -> memref<128xi32, #tpu.memory_space<vmem>>
        %dma_start3A_119 = arith.constant 0 : i32
        %dma_start3A_120 = arith.constant 0 : i32
        %dma_start3A_121 = tpu.memref_slice %arg19[%dma_start3A_119, %dma_start3A_120] : memref<10000x16xf32, #tpu.memory_space<vmem_shared>> -> memref<10000x16xf32, #tpu.memory_space<vmem_shared>>
        tpu.enqueue_indirect_dma source(%dma_start3A_121 : memref<10000x16xf32, #tpu.memory_space<vmem_shared>>) target(%arg12 : memref<128x16xf32, #tpu.memory_space<vmem>>) offsets(%dma_start3A_118 : memref<128xi32, #tpu.memory_space<vmem>>) semaphore(%arg16 : memref<!tpu.dma_semaphore, #tpu.memory_space<semaphore_mem>>)
      } else {
      }
    }
    %scan3A_40 = arith.constant 20 : i32
    %barrier3A_41 = arith.constant 0 : index
    tpu.barrier barrier_id(%barrier3A_41)
    %mul3A_42 = arith.constant 632 : i32
    %mul3A_43 = arith.muli %arg1, %mul3A_42 : i32
    "tpu.region"() ({
      %run_scoped3A = tpu.sem_alloc : memref<!tpu.dma_semaphore, #tpu.memory_space<semaphore_mem>>
      %dma_start3A_49 = arith.constant 0 : i32
      %dma_start3A_50 = tpu.memref_slice %arg18[%mul3A_43, %dma_start3A_49] : memref<10112x16xf32, #tpu.memory_space<vmem_shared>> -> memref<632x16xf32, #tpu.memory_space<vmem_shared>>
      %dma_start3A_51 = arith.constant 0 : i32
      %dma_start3A_52 = tpu.memref_slice %arg18[%mul3A_43, %dma_start3A_51] : memref<10112x16xf32, #tpu.memory_space<vmem_shared>> -> memref<632x16xf32, #tpu.memory_space<vmem_shared>>
      tpu.enqueue_dma source(%dma_start3A_52 : memref<632x16xf32, #tpu.memory_space<vmem_shared>>) target(%arg17 : memref<632x16xf32, #tpu.memory_space<vmem>>) target_semaphore(%run_scoped3A : memref<!tpu.dma_semaphore, #tpu.memory_space<semaphore_mem>>)
      %dma_wait3A = arith.constant 0 : i32
      %dma_wait3A_53 = tpu.memref_slice %arg18[%mul3A_43, %dma_wait3A] : memref<10112x16xf32, #tpu.memory_space<vmem_shared>> -> memref<632x16xf32, #tpu.memory_space<vmem_shared>>
      %dma_wait3A_54 = arith.constant 0 : i32
      %dma_wait3A_55 = tpu.memref_slice %arg18[%mul3A_43, %dma_wait3A_54] : memref<10112x16xf32, #tpu.memory_space<vmem_shared>> -> memref<632x16xf32, #tpu.memory_space<vmem_shared>>
      tpu.wait_dma2 semaphore(%run_scoped3A : memref<!tpu.dma_semaphore, #tpu.memory_space<semaphore_mem>>) src(%dma_wait3A_55 : memref<632x16xf32, #tpu.memory_space<vmem_shared>>) dst(%arg17 : memref<632x16xf32, #tpu.memory_space<vmem>>)
      tpu.yield
    }) : () -> ()
    %mul3A_44 = arith.constant 10112 : i32
    %mul3A_45 = arith.muli %arg0, %mul3A_44 : i32
    %mul3A_46 = arith.constant 632 : i32
    %mul3A_47 = arith.muli %arg1, %mul3A_46 : i32
    %add3A_48 = arith.addi %mul3A_45, %mul3A_47 : i32
    "tpu.region"() ({
      %run_scoped3A = tpu.sem_alloc : memref<!tpu.dma_semaphore, #tpu.memory_space<semaphore_mem>>
      %dma_start3A_49 = arith.constant 0 : i32
      %dma_start3A_50 = tpu.memref_slice %arg6[%add3A_48, %dma_start3A_49] : memref<20224x16xf32, #tpu.memory_space<hbm>> -> memref<632x16xf32, #tpu.memory_space<hbm>>
      %dma_start3A_51 = arith.constant 0 : i32
      %dma_start3A_52 = tpu.memref_slice %arg6[%add3A_48, %dma_start3A_51] : memref<20224x16xf32, #tpu.memory_space<hbm>> -> memref<632x16xf32, #tpu.memory_space<hbm>>
      tpu.enqueue_dma source(%arg17 : memref<632x16xf32, #tpu.memory_space<vmem>>) target(%dma_start3A_52 : memref<632x16xf32, #tpu.memory_space<hbm>>) target_semaphore(%run_scoped3A : memref<!tpu.dma_semaphore, #tpu.memory_space<semaphore_mem>>)
      %dma_wait3A = arith.constant 0 : i32
      %dma_wait3A_53 = tpu.memref_slice %arg6[%add3A_48, %dma_wait3A] : memref<20224x16xf32, #tpu.memory_space<hbm>> -> memref<632x16xf32, #tpu.memory_space<hbm>>
      %dma_wait3A_54 = arith.constant 0 : i32
      %dma_wait3A_55 = tpu.memref_slice %arg6[%add3A_48, %dma_wait3A_54] : memref<20224x16xf32, #tpu.memory_space<hbm>> -> memref<632x16xf32, #tpu.memory_space<hbm>>
      tpu.wait_dma2 semaphore(%run_scoped3A : memref<!tpu.dma_semaphore, #tpu.memory_space<semaphore_mem>>) src(%arg17 : memref<632x16xf32, #tpu.memory_space<vmem>>) dst(%dma_wait3A_55 : memref<632x16xf32, #tpu.memory_space<hbm>>)
      tpu.yield
    }) : () -> ()
    return
  }
}

#map = affine_map<(d0, d1) -> (0, 0)>
#map1 = affine_map<(d0, d1) -> (0, 0, 0)>
module attributes {stable_mosaic.version = 14 : i64} {
  func.func @_sc_agg(%arg0: i32, %arg1: i32, %arg2: memref<10000x8xf32, #tpu.memory_space<hbm>>, %arg3: memref<32x80x128xi32, #tpu.memory_space<hbm>>, %arg4: memref<32x80x128xi32, #tpu.memory_space<hbm>>, %arg5: memref<10112x8xf32, #tpu.memory_space<hbm>>, %arg6: memref<20224x8xf32, #tpu.memory_space<hbm>>, %arg7: memref<80x128xi32, #tpu.memory_space<vmem>>, %arg8: memref<80x128xi32, #tpu.memory_space<vmem>>, %arg9: memref<128x8xf32, #tpu.memory_space<vmem>>, %arg10: memref<128x8xf32, #tpu.memory_space<vmem>>, %arg11: memref<128x8xf32, #tpu.memory_space<vmem>>, %arg12: memref<128x8xf32, #tpu.memory_space<vmem>>, %arg13: memref<!tpu.dma_semaphore, #tpu.memory_space<semaphore_mem>>, %arg14: memref<!tpu.dma_semaphore, #tpu.memory_space<semaphore_mem>>, %arg15: memref<!tpu.dma_semaphore, #tpu.memory_space<semaphore_mem>>, %arg16: memref<!tpu.dma_semaphore, #tpu.memory_space<semaphore_mem>>, %arg17: memref<632x8xf32, #tpu.memory_space<vmem>>, %arg18: memref<10112x8xf32, #tpu.memory_space<vmem_shared>>, %arg19: memref<10000x8xf32, #tpu.memory_space<vmem_shared>>) attributes {dimension_semantics = [#tpu.dimension_semantics<core_parallel>, #tpu.dimension_semantics<subcore_parallel>], iteration_bounds = array<i64: 2, 16>, scalar_prefetch = 0 : i64, scratch_operands = 13 : i64, tpu.core_type = #tpu.core_type<sc_vector_subcore>, window_params = [{transform_indices = #map}, {transform_indices = #map1}, {transform_indices = #map1}, {transform_indices = #map}, {transform_indices = #map}]} {
    %mul3A = arith.constant 16 : i32
    %mul3A_0 = arith.muli %arg0, %mul3A : i32
    %add3A = arith.addi %mul3A_0, %arg1 : i32
    "tpu.region"() ({
      %run_scoped3A = tpu.sem_alloc : memref<!tpu.dma_semaphore, #tpu.memory_space<semaphore_mem>>
      %dma_start3A_49 = arith.constant 0 : i32
      %dma_start3A_50 = arith.constant 0 : i32
      %dma_start3A_51 = tpu.memref_slice %arg3[%add3A, %dma_start3A_49, %dma_start3A_50] : memref<32x80x128xi32, #tpu.memory_space<hbm>> -> memref<1x80x128xi32, #tpu.memory_space<hbm>>
      %dma_start3A_52 = tpu.memref_squeeze %dma_start3A_51 : memref<1x80x128xi32, #tpu.memory_space<hbm>> -> memref<80x128xi32, #tpu.memory_space<hbm>>
      %dma_start3A_53 = arith.constant 0 : i32
      %dma_start3A_54 = arith.constant 0 : i32
      %dma_start3A_55 = tpu.memref_slice %arg3[%add3A, %dma_start3A_53, %dma_start3A_54] : memref<32x80x128xi32, #tpu.memory_space<hbm>> -> memref<1x80x128xi32, #tpu.memory_space<hbm>>
      %dma_start3A_56 = tpu.memref_squeeze %dma_start3A_55 : memref<1x80x128xi32, #tpu.memory_space<hbm>> -> memref<80x128xi32, #tpu.memory_space<hbm>>
      tpu.enqueue_dma source(%dma_start3A_56 : memref<80x128xi32, #tpu.memory_space<hbm>>) target(%arg7 : memref<80x128xi32, #tpu.memory_space<vmem>>) target_semaphore(%run_scoped3A : memref<!tpu.dma_semaphore, #tpu.memory_space<semaphore_mem>>)
      %dma_wait3A = arith.constant 0 : i32
      %dma_wait3A_57 = arith.constant 0 : i32
      %dma_wait3A_58 = tpu.memref_slice %arg3[%add3A, %dma_wait3A, %dma_wait3A_57] : memref<32x80x128xi32, #tpu.memory_space<hbm>> -> memref<1x80x128xi32, #tpu.memory_space<hbm>>
      %dma_wait3A_59 = tpu.memref_squeeze %dma_wait3A_58 : memref<1x80x128xi32, #tpu.memory_space<hbm>> -> memref<80x128xi32, #tpu.memory_space<hbm>>
      %dma_wait3A_60 = arith.constant 0 : i32
      %dma_wait3A_61 = arith.constant 0 : i32
      %dma_wait3A_62 = tpu.memref_slice %arg3[%add3A, %dma_wait3A_60, %dma_wait3A_61] : memref<32x80x128xi32, #tpu.memory_space<hbm>> -> memref<1x80x128xi32, #tpu.memory_space<hbm>>
      %dma_wait3A_63 = tpu.memref_squeeze %dma_wait3A_62 : memref<1x80x128xi32, #tpu.memory_space<hbm>> -> memref<80x128xi32, #tpu.memory_space<hbm>>
      tpu.wait_dma2 semaphore(%run_scoped3A : memref<!tpu.dma_semaphore, #tpu.memory_space<semaphore_mem>>) src(%dma_wait3A_63 : memref<80x128xi32, #tpu.memory_space<hbm>>) dst(%arg7 : memref<80x128xi32, #tpu.memory_space<vmem>>)
      tpu.yield
    }) : () -> ()
    "tpu.region"() ({
      %run_scoped3A = tpu.sem_alloc : memref<!tpu.dma_semaphore, #tpu.memory_space<semaphore_mem>>
      %dma_start3A_49 = arith.constant 0 : i32
      %dma_start3A_50 = arith.constant 0 : i32
      %dma_start3A_51 = tpu.memref_slice %arg4[%add3A, %dma_start3A_49, %dma_start3A_50] : memref<32x80x128xi32, #tpu.memory_space<hbm>> -> memref<1x80x128xi32, #tpu.memory_space<hbm>>
      %dma_start3A_52 = tpu.memref_squeeze %dma_start3A_51 : memref<1x80x128xi32, #tpu.memory_space<hbm>> -> memref<80x128xi32, #tpu.memory_space<hbm>>
      %dma_start3A_53 = arith.constant 0 : i32
      %dma_start3A_54 = arith.constant 0 : i32
      %dma_start3A_55 = tpu.memref_slice %arg4[%add3A, %dma_start3A_53, %dma_start3A_54] : memref<32x80x128xi32, #tpu.memory_space<hbm>> -> memref<1x80x128xi32, #tpu.memory_space<hbm>>
      %dma_start3A_56 = tpu.memref_squeeze %dma_start3A_55 : memref<1x80x128xi32, #tpu.memory_space<hbm>> -> memref<80x128xi32, #tpu.memory_space<hbm>>
      tpu.enqueue_dma source(%dma_start3A_56 : memref<80x128xi32, #tpu.memory_space<hbm>>) target(%arg8 : memref<80x128xi32, #tpu.memory_space<vmem>>) target_semaphore(%run_scoped3A : memref<!tpu.dma_semaphore, #tpu.memory_space<semaphore_mem>>)
      %dma_wait3A = arith.constant 0 : i32
      %dma_wait3A_57 = arith.constant 0 : i32
      %dma_wait3A_58 = tpu.memref_slice %arg4[%add3A, %dma_wait3A, %dma_wait3A_57] : memref<32x80x128xi32, #tpu.memory_space<hbm>> -> memref<1x80x128xi32, #tpu.memory_space<hbm>>
      %dma_wait3A_59 = tpu.memref_squeeze %dma_wait3A_58 : memref<1x80x128xi32, #tpu.memory_space<hbm>> -> memref<80x128xi32, #tpu.memory_space<hbm>>
      %dma_wait3A_60 = arith.constant 0 : i32
      %dma_wait3A_61 = arith.constant 0 : i32
      %dma_wait3A_62 = tpu.memref_slice %arg4[%add3A, %dma_wait3A_60, %dma_wait3A_61] : memref<32x80x128xi32, #tpu.memory_space<hbm>> -> memref<1x80x128xi32, #tpu.memory_space<hbm>>
      %dma_wait3A_63 = tpu.memref_squeeze %dma_wait3A_62 : memref<1x80x128xi32, #tpu.memory_space<hbm>> -> memref<80x128xi32, #tpu.memory_space<hbm>>
      tpu.wait_dma2 semaphore(%run_scoped3A : memref<!tpu.dma_semaphore, #tpu.memory_space<semaphore_mem>>) src(%dma_wait3A_63 : memref<80x128xi32, #tpu.memory_space<hbm>>) dst(%arg8 : memref<80x128xi32, #tpu.memory_space<vmem>>)
      tpu.yield
    }) : () -> ()
    %mul3A_1 = arith.constant 625 : i32
    %mul3A_2 = arith.muli %arg1, %mul3A_1 : i32
    "tpu.region"() ({
      %run_scoped3A = tpu.sem_alloc : memref<!tpu.dma_semaphore, #tpu.memory_space<semaphore_mem>>
      %dma_start3A_49 = arith.constant 0 : i32
      %dma_start3A_50 = arith.constant 0 : i32
      %dma_start3A_51 = tpu.memref_slice %arg17[%dma_start3A_49, %dma_start3A_50] : memref<632x8xf32, #tpu.memory_space<vmem>> -> memref<625x8xf32, #tpu.memory_space<vmem>>
      %dma_start3A_52 = arith.constant 0 : i32
      %dma_start3A_53 = tpu.memref_slice %arg2[%mul3A_2, %dma_start3A_52] : memref<10000x8xf32, #tpu.memory_space<hbm>> -> memref<625x8xf32, #tpu.memory_space<hbm>>
      %dma_start3A_54 = arith.constant 0 : i32
      %dma_start3A_55 = arith.constant 0 : i32
      %dma_start3A_56 = tpu.memref_slice %arg17[%dma_start3A_54, %dma_start3A_55] : memref<632x8xf32, #tpu.memory_space<vmem>> -> memref<625x8xf32, #tpu.memory_space<vmem>>
      %dma_start3A_57 = arith.constant 0 : i32
      %dma_start3A_58 = tpu.memref_slice %arg2[%mul3A_2, %dma_start3A_57] : memref<10000x8xf32, #tpu.memory_space<hbm>> -> memref<625x8xf32, #tpu.memory_space<hbm>>
      tpu.enqueue_dma source(%dma_start3A_58 : memref<625x8xf32, #tpu.memory_space<hbm>>) target(%dma_start3A_56 : memref<625x8xf32, #tpu.memory_space<vmem>>) target_semaphore(%run_scoped3A : memref<!tpu.dma_semaphore, #tpu.memory_space<semaphore_mem>>)
      %dma_wait3A = arith.constant 0 : i32
      %dma_wait3A_59 = arith.constant 0 : i32
      %dma_wait3A_60 = tpu.memref_slice %arg17[%dma_wait3A, %dma_wait3A_59] : memref<632x8xf32, #tpu.memory_space<vmem>> -> memref<625x8xf32, #tpu.memory_space<vmem>>
      %dma_wait3A_61 = arith.constant 0 : i32
      %dma_wait3A_62 = tpu.memref_slice %arg2[%mul3A_2, %dma_wait3A_61] : memref<10000x8xf32, #tpu.memory_space<hbm>> -> memref<625x8xf32, #tpu.memory_space<hbm>>
      %dma_wait3A_63 = arith.constant 0 : i32
      %dma_wait3A_64 = arith.constant 0 : i32
      %dma_wait3A_65 = tpu.memref_slice %arg17[%dma_wait3A_63, %dma_wait3A_64] : memref<632x8xf32, #tpu.memory_space<vmem>> -> memref<625x8xf32, #tpu.memory_space<vmem>>
      %dma_wait3A_66 = arith.constant 0 : i32
      %dma_wait3A_67 = tpu.memref_slice %arg2[%mul3A_2, %dma_wait3A_66] : memref<10000x8xf32, #tpu.memory_space<hbm>> -> memref<625x8xf32, #tpu.memory_space<hbm>>
      tpu.wait_dma2 semaphore(%run_scoped3A : memref<!tpu.dma_semaphore, #tpu.memory_space<semaphore_mem>>) src(%dma_wait3A_67 : memref<625x8xf32, #tpu.memory_space<hbm>>) dst(%dma_wait3A_65 : memref<625x8xf32, #tpu.memory_space<vmem>>)
      tpu.yield
    }) : () -> ()
    %mul3A_3 = arith.constant 625 : i32
    %mul3A_4 = arith.muli %arg1, %mul3A_3 : i32
    "tpu.region"() ({
      %run_scoped3A = tpu.sem_alloc : memref<!tpu.dma_semaphore, #tpu.memory_space<semaphore_mem>>
      %dma_start3A_49 = arith.constant 0 : i32
      %dma_start3A_50 = arith.constant 0 : i32
      %dma_start3A_51 = tpu.memref_slice %arg17[%dma_start3A_49, %dma_start3A_50] : memref<632x8xf32, #tpu.memory_space<vmem>> -> memref<625x8xf32, #tpu.memory_space<vmem>>
      %dma_start3A_52 = arith.constant 0 : i32
      %dma_start3A_53 = tpu.memref_slice %arg19[%mul3A_4, %dma_start3A_52] : memref<10000x8xf32, #tpu.memory_space<vmem_shared>> -> memref<625x8xf32, #tpu.memory_space<vmem_shared>>
      %dma_start3A_54 = arith.constant 0 : i32
      %dma_start3A_55 = tpu.memref_slice %arg19[%mul3A_4, %dma_start3A_54] : memref<10000x8xf32, #tpu.memory_space<vmem_shared>> -> memref<625x8xf32, #tpu.memory_space<vmem_shared>>
      %dma_start3A_56 = arith.constant 0 : i32
      %dma_start3A_57 = arith.constant 0 : i32
      %dma_start3A_58 = tpu.memref_slice %arg17[%dma_start3A_56, %dma_start3A_57] : memref<632x8xf32, #tpu.memory_space<vmem>> -> memref<625x8xf32, #tpu.memory_space<vmem>>
      tpu.enqueue_dma source(%dma_start3A_58 : memref<625x8xf32, #tpu.memory_space<vmem>>) target(%dma_start3A_55 : memref<625x8xf32, #tpu.memory_space<vmem_shared>>) target_semaphore(%run_scoped3A : memref<!tpu.dma_semaphore, #tpu.memory_space<semaphore_mem>>)
      %dma_wait3A = arith.constant 0 : i32
      %dma_wait3A_59 = arith.constant 0 : i32
      %dma_wait3A_60 = tpu.memref_slice %arg17[%dma_wait3A, %dma_wait3A_59] : memref<632x8xf32, #tpu.memory_space<vmem>> -> memref<625x8xf32, #tpu.memory_space<vmem>>
      %dma_wait3A_61 = arith.constant 0 : i32
      %dma_wait3A_62 = tpu.memref_slice %arg19[%mul3A_4, %dma_wait3A_61] : memref<10000x8xf32, #tpu.memory_space<vmem_shared>> -> memref<625x8xf32, #tpu.memory_space<vmem_shared>>
      %dma_wait3A_63 = arith.constant 0 : i32
      %dma_wait3A_64 = tpu.memref_slice %arg19[%mul3A_4, %dma_wait3A_63] : memref<10000x8xf32, #tpu.memory_space<vmem_shared>> -> memref<625x8xf32, #tpu.memory_space<vmem_shared>>
      %dma_wait3A_65 = arith.constant 0 : i32
      %dma_wait3A_66 = arith.constant 0 : i32
      %dma_wait3A_67 = tpu.memref_slice %arg17[%dma_wait3A_65, %dma_wait3A_66] : memref<632x8xf32, #tpu.memory_space<vmem>> -> memref<625x8xf32, #tpu.memory_space<vmem>>
      tpu.wait_dma2 semaphore(%run_scoped3A : memref<!tpu.dma_semaphore, #tpu.memory_space<semaphore_mem>>) src(%dma_wait3A_67 : memref<625x8xf32, #tpu.memory_space<vmem>>) dst(%dma_wait3A_64 : memref<625x8xf32, #tpu.memory_space<vmem_shared>>)
      tpu.yield
    }) : () -> ()
    %mul3A_5 = arith.constant 632 : i32
    %mul3A_6 = arith.muli %arg1, %mul3A_5 : i32
    "tpu.region"() ({
      %run_scoped3A = tpu.sem_alloc : memref<!tpu.dma_semaphore, #tpu.memory_space<semaphore_mem>>
      %dma_start3A_49 = arith.constant 0 : i32
      %dma_start3A_50 = tpu.memref_slice %arg5[%mul3A_6, %dma_start3A_49] : memref<10112x8xf32, #tpu.memory_space<hbm>> -> memref<632x8xf32, #tpu.memory_space<hbm>>
      %dma_start3A_51 = arith.constant 0 : i32
      %dma_start3A_52 = tpu.memref_slice %arg5[%mul3A_6, %dma_start3A_51] : memref<10112x8xf32, #tpu.memory_space<hbm>> -> memref<632x8xf32, #tpu.memory_space<hbm>>
      tpu.enqueue_dma source(%dma_start3A_52 : memref<632x8xf32, #tpu.memory_space<hbm>>) target(%arg17 : memref<632x8xf32, #tpu.memory_space<vmem>>) target_semaphore(%run_scoped3A : memref<!tpu.dma_semaphore, #tpu.memory_space<semaphore_mem>>)
      %dma_wait3A = arith.constant 0 : i32
      %dma_wait3A_53 = tpu.memref_slice %arg5[%mul3A_6, %dma_wait3A] : memref<10112x8xf32, #tpu.memory_space<hbm>> -> memref<632x8xf32, #tpu.memory_space<hbm>>
      %dma_wait3A_54 = arith.constant 0 : i32
      %dma_wait3A_55 = tpu.memref_slice %arg5[%mul3A_6, %dma_wait3A_54] : memref<10112x8xf32, #tpu.memory_space<hbm>> -> memref<632x8xf32, #tpu.memory_space<hbm>>
      tpu.wait_dma2 semaphore(%run_scoped3A : memref<!tpu.dma_semaphore, #tpu.memory_space<semaphore_mem>>) src(%dma_wait3A_55 : memref<632x8xf32, #tpu.memory_space<hbm>>) dst(%arg17 : memref<632x8xf32, #tpu.memory_space<vmem>>)
      tpu.yield
    }) : () -> ()
    %mul3A_7 = arith.constant 632 : i32
    %mul3A_8 = arith.muli %arg1, %mul3A_7 : i32
    "tpu.region"() ({
      %run_scoped3A = tpu.sem_alloc : memref<!tpu.dma_semaphore, #tpu.memory_space<semaphore_mem>>
      %dma_start3A_49 = arith.constant 0 : i32
      %dma_start3A_50 = tpu.memref_slice %arg18[%mul3A_8, %dma_start3A_49] : memref<10112x8xf32, #tpu.memory_space<vmem_shared>> -> memref<632x8xf32, #tpu.memory_space<vmem_shared>>
      %dma_start3A_51 = arith.constant 0 : i32
      %dma_start3A_52 = tpu.memref_slice %arg18[%mul3A_8, %dma_start3A_51] : memref<10112x8xf32, #tpu.memory_space<vmem_shared>> -> memref<632x8xf32, #tpu.memory_space<vmem_shared>>
      tpu.enqueue_dma source(%arg17 : memref<632x8xf32, #tpu.memory_space<vmem>>) target(%dma_start3A_52 : memref<632x8xf32, #tpu.memory_space<vmem_shared>>) target_semaphore(%run_scoped3A : memref<!tpu.dma_semaphore, #tpu.memory_space<semaphore_mem>>)
      %dma_wait3A = arith.constant 0 : i32
      %dma_wait3A_53 = tpu.memref_slice %arg18[%mul3A_8, %dma_wait3A] : memref<10112x8xf32, #tpu.memory_space<vmem_shared>> -> memref<632x8xf32, #tpu.memory_space<vmem_shared>>
      %dma_wait3A_54 = arith.constant 0 : i32
      %dma_wait3A_55 = tpu.memref_slice %arg18[%mul3A_8, %dma_wait3A_54] : memref<10112x8xf32, #tpu.memory_space<vmem_shared>> -> memref<632x8xf32, #tpu.memory_space<vmem_shared>>
      tpu.wait_dma2 semaphore(%run_scoped3A : memref<!tpu.dma_semaphore, #tpu.memory_space<semaphore_mem>>) src(%arg17 : memref<632x8xf32, #tpu.memory_space<vmem>>) dst(%dma_wait3A_55 : memref<632x8xf32, #tpu.memory_space<vmem_shared>>)
      tpu.yield
    }) : () -> ()
    %barrier3A = arith.constant 0 : index
    tpu.barrier barrier_id(%barrier3A)
    %dma_start3A = arith.constant 0 : i32
    %dma_start3A_9 = arith.constant 0 : i32
    %dma_start3A_10 = tpu.memref_slice %arg7[%dma_start3A, %dma_start3A_9] : memref<80x128xi32, #tpu.memory_space<vmem>> -> memref<1x128xi32, #tpu.memory_space<vmem>>
    %dma_start3A_11 = tpu.memref_squeeze %dma_start3A_10 : memref<1x128xi32, #tpu.memory_space<vmem>> -> memref<128xi32, #tpu.memory_space<vmem>>
    %dma_start3A_12 = arith.constant 0 : i32
    %dma_start3A_13 = arith.constant 0 : i32
    %dma_start3A_14 = tpu.memref_slice %arg19[%dma_start3A_12, %dma_start3A_13] : memref<10000x8xf32, #tpu.memory_space<vmem_shared>> -> memref<10000x8xf32, #tpu.memory_space<vmem_shared>>
    tpu.enqueue_indirect_dma source(%dma_start3A_14 : memref<10000x8xf32, #tpu.memory_space<vmem_shared>>) target(%arg9 : memref<128x8xf32, #tpu.memory_space<vmem>>) offsets(%dma_start3A_11 : memref<128xi32, #tpu.memory_space<vmem>>) semaphore(%arg13 : memref<!tpu.dma_semaphore, #tpu.memory_space<semaphore_mem>>)
    %dma_start3A_15 = arith.constant 1 : i32
    %dma_start3A_16 = arith.constant 0 : i32
    %dma_start3A_17 = tpu.memref_slice %arg7[%dma_start3A_15, %dma_start3A_16] : memref<80x128xi32, #tpu.memory_space<vmem>> -> memref<1x128xi32, #tpu.memory_space<vmem>>
    %dma_start3A_18 = tpu.memref_squeeze %dma_start3A_17 : memref<1x128xi32, #tpu.memory_space<vmem>> -> memref<128xi32, #tpu.memory_space<vmem>>
    %dma_start3A_19 = arith.constant 0 : i32
    %dma_start3A_20 = arith.constant 0 : i32
    %dma_start3A_21 = tpu.memref_slice %arg19[%dma_start3A_19, %dma_start3A_20] : memref<10000x8xf32, #tpu.memory_space<vmem_shared>> -> memref<10000x8xf32, #tpu.memory_space<vmem_shared>>
    tpu.enqueue_indirect_dma source(%dma_start3A_21 : memref<10000x8xf32, #tpu.memory_space<vmem_shared>>) target(%arg10 : memref<128x8xf32, #tpu.memory_space<vmem>>) offsets(%dma_start3A_18 : memref<128xi32, #tpu.memory_space<vmem>>) semaphore(%arg14 : memref<!tpu.dma_semaphore, #tpu.memory_space<semaphore_mem>>)
    %dma_start3A_22 = arith.constant 2 : i32
    %dma_start3A_23 = arith.constant 0 : i32
    %dma_start3A_24 = tpu.memref_slice %arg7[%dma_start3A_22, %dma_start3A_23] : memref<80x128xi32, #tpu.memory_space<vmem>> -> memref<1x128xi32, #tpu.memory_space<vmem>>
    %dma_start3A_25 = tpu.memref_squeeze %dma_start3A_24 : memref<1x128xi32, #tpu.memory_space<vmem>> -> memref<128xi32, #tpu.memory_space<vmem>>
    %dma_start3A_26 = arith.constant 0 : i32
    %dma_start3A_27 = arith.constant 0 : i32
    %dma_start3A_28 = tpu.memref_slice %arg19[%dma_start3A_26, %dma_start3A_27] : memref<10000x8xf32, #tpu.memory_space<vmem_shared>> -> memref<10000x8xf32, #tpu.memory_space<vmem_shared>>
    tpu.enqueue_indirect_dma source(%dma_start3A_28 : memref<10000x8xf32, #tpu.memory_space<vmem_shared>>) target(%arg11 : memref<128x8xf32, #tpu.memory_space<vmem>>) offsets(%dma_start3A_25 : memref<128xi32, #tpu.memory_space<vmem>>) semaphore(%arg15 : memref<!tpu.dma_semaphore, #tpu.memory_space<semaphore_mem>>)
    %dma_start3A_29 = arith.constant 3 : i32
    %dma_start3A_30 = arith.constant 0 : i32
    %dma_start3A_31 = tpu.memref_slice %arg7[%dma_start3A_29, %dma_start3A_30] : memref<80x128xi32, #tpu.memory_space<vmem>> -> memref<1x128xi32, #tpu.memory_space<vmem>>
    %dma_start3A_32 = tpu.memref_squeeze %dma_start3A_31 : memref<1x128xi32, #tpu.memory_space<vmem>> -> memref<128xi32, #tpu.memory_space<vmem>>
    %dma_start3A_33 = arith.constant 0 : i32
    %dma_start3A_34 = arith.constant 0 : i32
    %dma_start3A_35 = tpu.memref_slice %arg19[%dma_start3A_33, %dma_start3A_34] : memref<10000x8xf32, #tpu.memory_space<vmem_shared>> -> memref<10000x8xf32, #tpu.memory_space<vmem_shared>>
    tpu.enqueue_indirect_dma source(%dma_start3A_35 : memref<10000x8xf32, #tpu.memory_space<vmem_shared>>) target(%arg12 : memref<128x8xf32, #tpu.memory_space<vmem>>) offsets(%dma_start3A_32 : memref<128xi32, #tpu.memory_space<vmem>>) semaphore(%arg16 : memref<!tpu.dma_semaphore, #tpu.memory_space<semaphore_mem>>)
    %scan3A = arith.constant 0 : i32
    %scan3A_36 = arith.constant 0 : i32
    %scan3A_37 = arith.constant 20 : i32
    %scan3A_38 = arith.addi %scan3A_36, %scan3A_37 : i32
    %scan3A_39 = arith.constant 1 : i32
    scf.for %scan3A_49 = %scan3A_36 to %scan3A_38 step %scan3A_39  : i32 {
      %mul3A_50 = arith.constant 4 : i32
      %mul3A_51 = arith.muli %scan3A_49, %mul3A_50 : i32
      %add3A_52 = arith.constant 0 : i32
      %add3A_53 = arith.addi %mul3A_51, %add3A_52 : i32
      %dma_wait3A = arith.constant 0 : i32
      %dma_wait3A_54 = tpu.memref_slice %arg7[%add3A_53, %dma_wait3A] : memref<80x128xi32, #tpu.memory_space<vmem>> -> memref<1x128xi32, #tpu.memory_space<vmem>>
      %dma_wait3A_55 = tpu.memref_squeeze %dma_wait3A_54 : memref<1x128xi32, #tpu.memory_space<vmem>> -> memref<128xi32, #tpu.memory_space<vmem>>
      %dma_wait3A_56 = arith.constant 0 : i32
      %dma_wait3A_57 = arith.constant 0 : i32
      %dma_wait3A_58 = tpu.memref_slice %arg19[%dma_wait3A_56, %dma_wait3A_57] : memref<10000x8xf32, #tpu.memory_space<vmem_shared>> -> memref<10000x8xf32, #tpu.memory_space<vmem_shared>>
      tpu.wait_indirect_dma semaphore(%arg13 : memref<!tpu.dma_semaphore, #tpu.memory_space<semaphore_mem>>) src(%dma_wait3A_58 : memref<10000x8xf32, #tpu.memory_space<vmem_shared>>) dst(%arg9 : memref<128x8xf32, #tpu.memory_space<vmem>>)
      "tpu.region"() ({
        %run_scoped3A = tpu.sem_alloc : memref<!tpu.dma_semaphore, #tpu.memory_space<semaphore_mem>>
        %dma_start3A_114 = arith.constant 0 : i32
        %dma_start3A_115 = tpu.memref_slice %arg8[%add3A_53, %dma_start3A_114] : memref<80x128xi32, #tpu.memory_space<vmem>> -> memref<1x128xi32, #tpu.memory_space<vmem>>
        %dma_start3A_116 = tpu.memref_squeeze %dma_start3A_115 : memref<1x128xi32, #tpu.memory_space<vmem>> -> memref<128xi32, #tpu.memory_space<vmem>>
        %dma_start3A_117 = arith.constant 0 : i32
        %dma_start3A_118 = arith.constant 0 : i32
        %dma_start3A_119 = tpu.memref_slice %arg18[%dma_start3A_117, %dma_start3A_118] : memref<10112x8xf32, #tpu.memory_space<vmem_shared>> -> memref<10112x8xf32, #tpu.memory_space<vmem_shared>>
        tpu.enqueue_indirect_dma source(%arg9 : memref<128x8xf32, #tpu.memory_space<vmem>>) target(%dma_start3A_119 : memref<10112x8xf32, #tpu.memory_space<vmem_shared>>) offsets(%dma_start3A_116 : memref<128xi32, #tpu.memory_space<vmem>>) semaphore(%run_scoped3A : memref<!tpu.dma_semaphore, #tpu.memory_space<semaphore_mem>>) {add = true}
        %dma_wait3A_120 = arith.constant 0 : i32
        %dma_wait3A_121 = tpu.memref_slice %arg8[%add3A_53, %dma_wait3A_120] : memref<80x128xi32, #tpu.memory_space<vmem>> -> memref<1x128xi32, #tpu.memory_space<vmem>>
        %dma_wait3A_122 = tpu.memref_squeeze %dma_wait3A_121 : memref<1x128xi32, #tpu.memory_space<vmem>> -> memref<128xi32, #tpu.memory_space<vmem>>
        %dma_wait3A_123 = arith.constant 0 : i32
        %dma_wait3A_124 = arith.constant 0 : i32
        %dma_wait3A_125 = tpu.memref_slice %arg18[%dma_wait3A_123, %dma_wait3A_124] : memref<10112x8xf32, #tpu.memory_space<vmem_shared>> -> memref<10112x8xf32, #tpu.memory_space<vmem_shared>>
        tpu.wait_indirect_dma semaphore(%run_scoped3A : memref<!tpu.dma_semaphore, #tpu.memory_space<semaphore_mem>>) src(%arg9 : memref<128x8xf32, #tpu.memory_space<vmem>>) dst(%dma_wait3A_125 : memref<10112x8xf32, #tpu.memory_space<vmem_shared>>)
        tpu.yield
      }) : () -> ()
      %add3A_59 = arith.constant 4 : i32
      %add3A_60 = arith.addi %add3A_53, %add3A_59 : i32
      %lt3A = arith.constant 80 : i32
      %lt3A_61 = arith.cmpi slt, %add3A_60, %lt3A : i32
      %convert_element_type3A = arith.extui %lt3A_61 : i1 to i32
      %cond3A = arith.constant 0 : i32
      %cond3A_62 = arith.cmpi ne, %convert_element_type3A, %cond3A : i32
      scf.if %cond3A_62 {
        %add3A_114 = arith.constant 4 : i32
        %add3A_115 = arith.addi %add3A_53, %add3A_114 : i32
        %dma_start3A_116 = arith.constant 0 : i32
        %dma_start3A_117 = tpu.memref_slice %arg7[%add3A_115, %dma_start3A_116] : memref<80x128xi32, #tpu.memory_space<vmem>> -> memref<1x128xi32, #tpu.memory_space<vmem>>
        %dma_start3A_118 = tpu.memref_squeeze %dma_start3A_117 : memref<1x128xi32, #tpu.memory_space<vmem>> -> memref<128xi32, #tpu.memory_space<vmem>>
        %dma_start3A_119 = arith.constant 0 : i32
        %dma_start3A_120 = arith.constant 0 : i32
        %dma_start3A_121 = tpu.memref_slice %arg19[%dma_start3A_119, %dma_start3A_120] : memref<10000x8xf32, #tpu.memory_space<vmem_shared>> -> memref<10000x8xf32, #tpu.memory_space<vmem_shared>>
        tpu.enqueue_indirect_dma source(%dma_start3A_121 : memref<10000x8xf32, #tpu.memory_space<vmem_shared>>) target(%arg9 : memref<128x8xf32, #tpu.memory_space<vmem>>) offsets(%dma_start3A_118 : memref<128xi32, #tpu.memory_space<vmem>>) semaphore(%arg13 : memref<!tpu.dma_semaphore, #tpu.memory_space<semaphore_mem>>)
      } else {
      }
      %mul3A_63 = arith.constant 4 : i32
      %mul3A_64 = arith.muli %scan3A_49, %mul3A_63 : i32
      %add3A_65 = arith.constant 1 : i32
      %add3A_66 = arith.addi %mul3A_64, %add3A_65 : i32
      %dma_wait3A_67 = arith.constant 0 : i32
      %dma_wait3A_68 = tpu.memref_slice %arg7[%add3A_66, %dma_wait3A_67] : memref<80x128xi32, #tpu.memory_space<vmem>> -> memref<1x128xi32, #tpu.memory_space<vmem>>
      %dma_wait3A_69 = tpu.memref_squeeze %dma_wait3A_68 : memref<1x128xi32, #tpu.memory_space<vmem>> -> memref<128xi32, #tpu.memory_space<vmem>>
      %dma_wait3A_70 = arith.constant 0 : i32
      %dma_wait3A_71 = arith.constant 0 : i32
      %dma_wait3A_72 = tpu.memref_slice %arg19[%dma_wait3A_70, %dma_wait3A_71] : memref<10000x8xf32, #tpu.memory_space<vmem_shared>> -> memref<10000x8xf32, #tpu.memory_space<vmem_shared>>
      tpu.wait_indirect_dma semaphore(%arg14 : memref<!tpu.dma_semaphore, #tpu.memory_space<semaphore_mem>>) src(%dma_wait3A_72 : memref<10000x8xf32, #tpu.memory_space<vmem_shared>>) dst(%arg10 : memref<128x8xf32, #tpu.memory_space<vmem>>)
      "tpu.region"() ({
        %run_scoped3A = tpu.sem_alloc : memref<!tpu.dma_semaphore, #tpu.memory_space<semaphore_mem>>
        %dma_start3A_114 = arith.constant 0 : i32
        %dma_start3A_115 = tpu.memref_slice %arg8[%add3A_66, %dma_start3A_114] : memref<80x128xi32, #tpu.memory_space<vmem>> -> memref<1x128xi32, #tpu.memory_space<vmem>>
        %dma_start3A_116 = tpu.memref_squeeze %dma_start3A_115 : memref<1x128xi32, #tpu.memory_space<vmem>> -> memref<128xi32, #tpu.memory_space<vmem>>
        %dma_start3A_117 = arith.constant 0 : i32
        %dma_start3A_118 = arith.constant 0 : i32
        %dma_start3A_119 = tpu.memref_slice %arg18[%dma_start3A_117, %dma_start3A_118] : memref<10112x8xf32, #tpu.memory_space<vmem_shared>> -> memref<10112x8xf32, #tpu.memory_space<vmem_shared>>
        tpu.enqueue_indirect_dma source(%arg10 : memref<128x8xf32, #tpu.memory_space<vmem>>) target(%dma_start3A_119 : memref<10112x8xf32, #tpu.memory_space<vmem_shared>>) offsets(%dma_start3A_116 : memref<128xi32, #tpu.memory_space<vmem>>) semaphore(%run_scoped3A : memref<!tpu.dma_semaphore, #tpu.memory_space<semaphore_mem>>) {add = true}
        %dma_wait3A_120 = arith.constant 0 : i32
        %dma_wait3A_121 = tpu.memref_slice %arg8[%add3A_66, %dma_wait3A_120] : memref<80x128xi32, #tpu.memory_space<vmem>> -> memref<1x128xi32, #tpu.memory_space<vmem>>
        %dma_wait3A_122 = tpu.memref_squeeze %dma_wait3A_121 : memref<1x128xi32, #tpu.memory_space<vmem>> -> memref<128xi32, #tpu.memory_space<vmem>>
        %dma_wait3A_123 = arith.constant 0 : i32
        %dma_wait3A_124 = arith.constant 0 : i32
        %dma_wait3A_125 = tpu.memref_slice %arg18[%dma_wait3A_123, %dma_wait3A_124] : memref<10112x8xf32, #tpu.memory_space<vmem_shared>> -> memref<10112x8xf32, #tpu.memory_space<vmem_shared>>
        tpu.wait_indirect_dma semaphore(%run_scoped3A : memref<!tpu.dma_semaphore, #tpu.memory_space<semaphore_mem>>) src(%arg10 : memref<128x8xf32, #tpu.memory_space<vmem>>) dst(%dma_wait3A_125 : memref<10112x8xf32, #tpu.memory_space<vmem_shared>>)
        tpu.yield
      }) : () -> ()
      %add3A_73 = arith.constant 4 : i32
      %add3A_74 = arith.addi %add3A_66, %add3A_73 : i32
      %lt3A_75 = arith.constant 80 : i32
      %lt3A_76 = arith.cmpi slt, %add3A_74, %lt3A_75 : i32
      %convert_element_type3A_77 = arith.extui %lt3A_76 : i1 to i32
      %cond3A_78 = arith.constant 0 : i32
      %cond3A_79 = arith.cmpi ne, %convert_element_type3A_77, %cond3A_78 : i32
      scf.if %cond3A_79 {
        %add3A_114 = arith.constant 4 : i32
        %add3A_115 = arith.addi %add3A_66, %add3A_114 : i32
        %dma_start3A_116 = arith.constant 0 : i32
        %dma_start3A_117 = tpu.memref_slice %arg7[%add3A_115, %dma_start3A_116] : memref<80x128xi32, #tpu.memory_space<vmem>> -> memref<1x128xi32, #tpu.memory_space<vmem>>
        %dma_start3A_118 = tpu.memref_squeeze %dma_start3A_117 : memref<1x128xi32, #tpu.memory_space<vmem>> -> memref<128xi32, #tpu.memory_space<vmem>>
        %dma_start3A_119 = arith.constant 0 : i32
        %dma_start3A_120 = arith.constant 0 : i32
        %dma_start3A_121 = tpu.memref_slice %arg19[%dma_start3A_119, %dma_start3A_120] : memref<10000x8xf32, #tpu.memory_space<vmem_shared>> -> memref<10000x8xf32, #tpu.memory_space<vmem_shared>>
        tpu.enqueue_indirect_dma source(%dma_start3A_121 : memref<10000x8xf32, #tpu.memory_space<vmem_shared>>) target(%arg10 : memref<128x8xf32, #tpu.memory_space<vmem>>) offsets(%dma_start3A_118 : memref<128xi32, #tpu.memory_space<vmem>>) semaphore(%arg14 : memref<!tpu.dma_semaphore, #tpu.memory_space<semaphore_mem>>)
      } else {
      }
      %mul3A_80 = arith.constant 4 : i32
      %mul3A_81 = arith.muli %scan3A_49, %mul3A_80 : i32
      %add3A_82 = arith.constant 2 : i32
      %add3A_83 = arith.addi %mul3A_81, %add3A_82 : i32
      %dma_wait3A_84 = arith.constant 0 : i32
      %dma_wait3A_85 = tpu.memref_slice %arg7[%add3A_83, %dma_wait3A_84] : memref<80x128xi32, #tpu.memory_space<vmem>> -> memref<1x128xi32, #tpu.memory_space<vmem>>
      %dma_wait3A_86 = tpu.memref_squeeze %dma_wait3A_85 : memref<1x128xi32, #tpu.memory_space<vmem>> -> memref<128xi32, #tpu.memory_space<vmem>>
      %dma_wait3A_87 = arith.constant 0 : i32
      %dma_wait3A_88 = arith.constant 0 : i32
      %dma_wait3A_89 = tpu.memref_slice %arg19[%dma_wait3A_87, %dma_wait3A_88] : memref<10000x8xf32, #tpu.memory_space<vmem_shared>> -> memref<10000x8xf32, #tpu.memory_space<vmem_shared>>
      tpu.wait_indirect_dma semaphore(%arg15 : memref<!tpu.dma_semaphore, #tpu.memory_space<semaphore_mem>>) src(%dma_wait3A_89 : memref<10000x8xf32, #tpu.memory_space<vmem_shared>>) dst(%arg11 : memref<128x8xf32, #tpu.memory_space<vmem>>)
      "tpu.region"() ({
        %run_scoped3A = tpu.sem_alloc : memref<!tpu.dma_semaphore, #tpu.memory_space<semaphore_mem>>
        %dma_start3A_114 = arith.constant 0 : i32
        %dma_start3A_115 = tpu.memref_slice %arg8[%add3A_83, %dma_start3A_114] : memref<80x128xi32, #tpu.memory_space<vmem>> -> memref<1x128xi32, #tpu.memory_space<vmem>>
        %dma_start3A_116 = tpu.memref_squeeze %dma_start3A_115 : memref<1x128xi32, #tpu.memory_space<vmem>> -> memref<128xi32, #tpu.memory_space<vmem>>
        %dma_start3A_117 = arith.constant 0 : i32
        %dma_start3A_118 = arith.constant 0 : i32
        %dma_start3A_119 = tpu.memref_slice %arg18[%dma_start3A_117, %dma_start3A_118] : memref<10112x8xf32, #tpu.memory_space<vmem_shared>> -> memref<10112x8xf32, #tpu.memory_space<vmem_shared>>
        tpu.enqueue_indirect_dma source(%arg11 : memref<128x8xf32, #tpu.memory_space<vmem>>) target(%dma_start3A_119 : memref<10112x8xf32, #tpu.memory_space<vmem_shared>>) offsets(%dma_start3A_116 : memref<128xi32, #tpu.memory_space<vmem>>) semaphore(%run_scoped3A : memref<!tpu.dma_semaphore, #tpu.memory_space<semaphore_mem>>) {add = true}
        %dma_wait3A_120 = arith.constant 0 : i32
        %dma_wait3A_121 = tpu.memref_slice %arg8[%add3A_83, %dma_wait3A_120] : memref<80x128xi32, #tpu.memory_space<vmem>> -> memref<1x128xi32, #tpu.memory_space<vmem>>
        %dma_wait3A_122 = tpu.memref_squeeze %dma_wait3A_121 : memref<1x128xi32, #tpu.memory_space<vmem>> -> memref<128xi32, #tpu.memory_space<vmem>>
        %dma_wait3A_123 = arith.constant 0 : i32
        %dma_wait3A_124 = arith.constant 0 : i32
        %dma_wait3A_125 = tpu.memref_slice %arg18[%dma_wait3A_123, %dma_wait3A_124] : memref<10112x8xf32, #tpu.memory_space<vmem_shared>> -> memref<10112x8xf32, #tpu.memory_space<vmem_shared>>
        tpu.wait_indirect_dma semaphore(%run_scoped3A : memref<!tpu.dma_semaphore, #tpu.memory_space<semaphore_mem>>) src(%arg11 : memref<128x8xf32, #tpu.memory_space<vmem>>) dst(%dma_wait3A_125 : memref<10112x8xf32, #tpu.memory_space<vmem_shared>>)
        tpu.yield
      }) : () -> ()
      %add3A_90 = arith.constant 4 : i32
      %add3A_91 = arith.addi %add3A_83, %add3A_90 : i32
      %lt3A_92 = arith.constant 80 : i32
      %lt3A_93 = arith.cmpi slt, %add3A_91, %lt3A_92 : i32
      %convert_element_type3A_94 = arith.extui %lt3A_93 : i1 to i32
      %cond3A_95 = arith.constant 0 : i32
      %cond3A_96 = arith.cmpi ne, %convert_element_type3A_94, %cond3A_95 : i32
      scf.if %cond3A_96 {
        %add3A_114 = arith.constant 4 : i32
        %add3A_115 = arith.addi %add3A_83, %add3A_114 : i32
        %dma_start3A_116 = arith.constant 0 : i32
        %dma_start3A_117 = tpu.memref_slice %arg7[%add3A_115, %dma_start3A_116] : memref<80x128xi32, #tpu.memory_space<vmem>> -> memref<1x128xi32, #tpu.memory_space<vmem>>
        %dma_start3A_118 = tpu.memref_squeeze %dma_start3A_117 : memref<1x128xi32, #tpu.memory_space<vmem>> -> memref<128xi32, #tpu.memory_space<vmem>>
        %dma_start3A_119 = arith.constant 0 : i32
        %dma_start3A_120 = arith.constant 0 : i32
        %dma_start3A_121 = tpu.memref_slice %arg19[%dma_start3A_119, %dma_start3A_120] : memref<10000x8xf32, #tpu.memory_space<vmem_shared>> -> memref<10000x8xf32, #tpu.memory_space<vmem_shared>>
        tpu.enqueue_indirect_dma source(%dma_start3A_121 : memref<10000x8xf32, #tpu.memory_space<vmem_shared>>) target(%arg11 : memref<128x8xf32, #tpu.memory_space<vmem>>) offsets(%dma_start3A_118 : memref<128xi32, #tpu.memory_space<vmem>>) semaphore(%arg15 : memref<!tpu.dma_semaphore, #tpu.memory_space<semaphore_mem>>)
      } else {
      }
      %mul3A_97 = arith.constant 4 : i32
      %mul3A_98 = arith.muli %scan3A_49, %mul3A_97 : i32
      %add3A_99 = arith.constant 3 : i32
      %add3A_100 = arith.addi %mul3A_98, %add3A_99 : i32
      %dma_wait3A_101 = arith.constant 0 : i32
      %dma_wait3A_102 = tpu.memref_slice %arg7[%add3A_100, %dma_wait3A_101] : memref<80x128xi32, #tpu.memory_space<vmem>> -> memref<1x128xi32, #tpu.memory_space<vmem>>
      %dma_wait3A_103 = tpu.memref_squeeze %dma_wait3A_102 : memref<1x128xi32, #tpu.memory_space<vmem>> -> memref<128xi32, #tpu.memory_space<vmem>>
      %dma_wait3A_104 = arith.constant 0 : i32
      %dma_wait3A_105 = arith.constant 0 : i32
      %dma_wait3A_106 = tpu.memref_slice %arg19[%dma_wait3A_104, %dma_wait3A_105] : memref<10000x8xf32, #tpu.memory_space<vmem_shared>> -> memref<10000x8xf32, #tpu.memory_space<vmem_shared>>
      tpu.wait_indirect_dma semaphore(%arg16 : memref<!tpu.dma_semaphore, #tpu.memory_space<semaphore_mem>>) src(%dma_wait3A_106 : memref<10000x8xf32, #tpu.memory_space<vmem_shared>>) dst(%arg12 : memref<128x8xf32, #tpu.memory_space<vmem>>)
      "tpu.region"() ({
        %run_scoped3A = tpu.sem_alloc : memref<!tpu.dma_semaphore, #tpu.memory_space<semaphore_mem>>
        %dma_start3A_114 = arith.constant 0 : i32
        %dma_start3A_115 = tpu.memref_slice %arg8[%add3A_100, %dma_start3A_114] : memref<80x128xi32, #tpu.memory_space<vmem>> -> memref<1x128xi32, #tpu.memory_space<vmem>>
        %dma_start3A_116 = tpu.memref_squeeze %dma_start3A_115 : memref<1x128xi32, #tpu.memory_space<vmem>> -> memref<128xi32, #tpu.memory_space<vmem>>
        %dma_start3A_117 = arith.constant 0 : i32
        %dma_start3A_118 = arith.constant 0 : i32
        %dma_start3A_119 = tpu.memref_slice %arg18[%dma_start3A_117, %dma_start3A_118] : memref<10112x8xf32, #tpu.memory_space<vmem_shared>> -> memref<10112x8xf32, #tpu.memory_space<vmem_shared>>
        tpu.enqueue_indirect_dma source(%arg12 : memref<128x8xf32, #tpu.memory_space<vmem>>) target(%dma_start3A_119 : memref<10112x8xf32, #tpu.memory_space<vmem_shared>>) offsets(%dma_start3A_116 : memref<128xi32, #tpu.memory_space<vmem>>) semaphore(%run_scoped3A : memref<!tpu.dma_semaphore, #tpu.memory_space<semaphore_mem>>) {add = true}
        %dma_wait3A_120 = arith.constant 0 : i32
        %dma_wait3A_121 = tpu.memref_slice %arg8[%add3A_100, %dma_wait3A_120] : memref<80x128xi32, #tpu.memory_space<vmem>> -> memref<1x128xi32, #tpu.memory_space<vmem>>
        %dma_wait3A_122 = tpu.memref_squeeze %dma_wait3A_121 : memref<1x128xi32, #tpu.memory_space<vmem>> -> memref<128xi32, #tpu.memory_space<vmem>>
        %dma_wait3A_123 = arith.constant 0 : i32
        %dma_wait3A_124 = arith.constant 0 : i32
        %dma_wait3A_125 = tpu.memref_slice %arg18[%dma_wait3A_123, %dma_wait3A_124] : memref<10112x8xf32, #tpu.memory_space<vmem_shared>> -> memref<10112x8xf32, #tpu.memory_space<vmem_shared>>
        tpu.wait_indirect_dma semaphore(%run_scoped3A : memref<!tpu.dma_semaphore, #tpu.memory_space<semaphore_mem>>) src(%arg12 : memref<128x8xf32, #tpu.memory_space<vmem>>) dst(%dma_wait3A_125 : memref<10112x8xf32, #tpu.memory_space<vmem_shared>>)
        tpu.yield
      }) : () -> ()
      %add3A_107 = arith.constant 4 : i32
      %add3A_108 = arith.addi %add3A_100, %add3A_107 : i32
      %lt3A_109 = arith.constant 80 : i32
      %lt3A_110 = arith.cmpi slt, %add3A_108, %lt3A_109 : i32
      %convert_element_type3A_111 = arith.extui %lt3A_110 : i1 to i32
      %cond3A_112 = arith.constant 0 : i32
      %cond3A_113 = arith.cmpi ne, %convert_element_type3A_111, %cond3A_112 : i32
      scf.if %cond3A_113 {
        %add3A_114 = arith.constant 4 : i32
        %add3A_115 = arith.addi %add3A_100, %add3A_114 : i32
        %dma_start3A_116 = arith.constant 0 : i32
        %dma_start3A_117 = tpu.memref_slice %arg7[%add3A_115, %dma_start3A_116] : memref<80x128xi32, #tpu.memory_space<vmem>> -> memref<1x128xi32, #tpu.memory_space<vmem>>
        %dma_start3A_118 = tpu.memref_squeeze %dma_start3A_117 : memref<1x128xi32, #tpu.memory_space<vmem>> -> memref<128xi32, #tpu.memory_space<vmem>>
        %dma_start3A_119 = arith.constant 0 : i32
        %dma_start3A_120 = arith.constant 0 : i32
        %dma_start3A_121 = tpu.memref_slice %arg19[%dma_start3A_119, %dma_start3A_120] : memref<10000x8xf32, #tpu.memory_space<vmem_shared>> -> memref<10000x8xf32, #tpu.memory_space<vmem_shared>>
        tpu.enqueue_indirect_dma source(%dma_start3A_121 : memref<10000x8xf32, #tpu.memory_space<vmem_shared>>) target(%arg12 : memref<128x8xf32, #tpu.memory_space<vmem>>) offsets(%dma_start3A_118 : memref<128xi32, #tpu.memory_space<vmem>>) semaphore(%arg16 : memref<!tpu.dma_semaphore, #tpu.memory_space<semaphore_mem>>)
      } else {
      }
    }
    %scan3A_40 = arith.constant 20 : i32
    %barrier3A_41 = arith.constant 0 : index
    tpu.barrier barrier_id(%barrier3A_41)
    %mul3A_42 = arith.constant 632 : i32
    %mul3A_43 = arith.muli %arg1, %mul3A_42 : i32
    "tpu.region"() ({
      %run_scoped3A = tpu.sem_alloc : memref<!tpu.dma_semaphore, #tpu.memory_space<semaphore_mem>>
      %dma_start3A_49 = arith.constant 0 : i32
      %dma_start3A_50 = tpu.memref_slice %arg18[%mul3A_43, %dma_start3A_49] : memref<10112x8xf32, #tpu.memory_space<vmem_shared>> -> memref<632x8xf32, #tpu.memory_space<vmem_shared>>
      %dma_start3A_51 = arith.constant 0 : i32
      %dma_start3A_52 = tpu.memref_slice %arg18[%mul3A_43, %dma_start3A_51] : memref<10112x8xf32, #tpu.memory_space<vmem_shared>> -> memref<632x8xf32, #tpu.memory_space<vmem_shared>>
      tpu.enqueue_dma source(%dma_start3A_52 : memref<632x8xf32, #tpu.memory_space<vmem_shared>>) target(%arg17 : memref<632x8xf32, #tpu.memory_space<vmem>>) target_semaphore(%run_scoped3A : memref<!tpu.dma_semaphore, #tpu.memory_space<semaphore_mem>>)
      %dma_wait3A = arith.constant 0 : i32
      %dma_wait3A_53 = tpu.memref_slice %arg18[%mul3A_43, %dma_wait3A] : memref<10112x8xf32, #tpu.memory_space<vmem_shared>> -> memref<632x8xf32, #tpu.memory_space<vmem_shared>>
      %dma_wait3A_54 = arith.constant 0 : i32
      %dma_wait3A_55 = tpu.memref_slice %arg18[%mul3A_43, %dma_wait3A_54] : memref<10112x8xf32, #tpu.memory_space<vmem_shared>> -> memref<632x8xf32, #tpu.memory_space<vmem_shared>>
      tpu.wait_dma2 semaphore(%run_scoped3A : memref<!tpu.dma_semaphore, #tpu.memory_space<semaphore_mem>>) src(%dma_wait3A_55 : memref<632x8xf32, #tpu.memory_space<vmem_shared>>) dst(%arg17 : memref<632x8xf32, #tpu.memory_space<vmem>>)
      tpu.yield
    }) : () -> ()
    %mul3A_44 = arith.constant 10112 : i32
    %mul3A_45 = arith.muli %arg0, %mul3A_44 : i32
    %mul3A_46 = arith.constant 632 : i32
    %mul3A_47 = arith.muli %arg1, %mul3A_46 : i32
    %add3A_48 = arith.addi %mul3A_45, %mul3A_47 : i32
    "tpu.region"() ({
      %run_scoped3A = tpu.sem_alloc : memref<!tpu.dma_semaphore, #tpu.memory_space<semaphore_mem>>
      %dma_start3A_49 = arith.constant 0 : i32
      %dma_start3A_50 = tpu.memref_slice %arg6[%add3A_48, %dma_start3A_49] : memref<20224x8xf32, #tpu.memory_space<hbm>> -> memref<632x8xf32, #tpu.memory_space<hbm>>
      %dma_start3A_51 = arith.constant 0 : i32
      %dma_start3A_52 = tpu.memref_slice %arg6[%add3A_48, %dma_start3A_51] : memref<20224x8xf32, #tpu.memory_space<hbm>> -> memref<632x8xf32, #tpu.memory_space<hbm>>
      tpu.enqueue_dma source(%arg17 : memref<632x8xf32, #tpu.memory_space<vmem>>) target(%dma_start3A_52 : memref<632x8xf32, #tpu.memory_space<hbm>>) target_semaphore(%run_scoped3A : memref<!tpu.dma_semaphore, #tpu.memory_space<semaphore_mem>>)
      %dma_wait3A = arith.constant 0 : i32
      %dma_wait3A_53 = tpu.memref_slice %arg6[%add3A_48, %dma_wait3A] : memref<20224x8xf32, #tpu.memory_space<hbm>> -> memref<632x8xf32, #tpu.memory_space<hbm>>
      %dma_wait3A_54 = arith.constant 0 : i32
      %dma_wait3A_55 = tpu.memref_slice %arg6[%add3A_48, %dma_wait3A_54] : memref<20224x8xf32, #tpu.memory_space<hbm>> -> memref<632x8xf32, #tpu.memory_space<hbm>>
      tpu.wait_dma2 semaphore(%run_scoped3A : memref<!tpu.dma_semaphore, #tpu.memory_space<semaphore_mem>>) src(%arg17 : memref<632x8xf32, #tpu.memory_space<vmem>>) dst(%dma_wait3A_55 : memref<632x8xf32, #tpu.memory_space<hbm>>)
      tpu.yield
    }) : () -> ()
    return
  }
}

#map = affine_map<(d0, d1) -> (0, 0)>
#map1 = affine_map<(d0, d1) -> (0, 0, 0)>
module attributes {stable_mosaic.version = 14 : i64} {
  func.func @_sc_agg(%arg0: i32, %arg1: i32, %arg2: memref<10000x8xf32, #tpu.memory_space<hbm>>, %arg3: memref<32x80x128xi32, #tpu.memory_space<hbm>>, %arg4: memref<32x80x128xi32, #tpu.memory_space<hbm>>, %arg5: memref<10112x8xf32, #tpu.memory_space<hbm>>, %arg6: memref<20224x8xf32, #tpu.memory_space<hbm>>, %arg7: memref<80x128xi32, #tpu.memory_space<vmem>>, %arg8: memref<80x128xi32, #tpu.memory_space<vmem>>, %arg9: memref<128x8xf32, #tpu.memory_space<vmem>>, %arg10: memref<128x8xf32, #tpu.memory_space<vmem>>, %arg11: memref<128x8xf32, #tpu.memory_space<vmem>>, %arg12: memref<128x8xf32, #tpu.memory_space<vmem>>, %arg13: memref<!tpu.dma_semaphore, #tpu.memory_space<semaphore_mem>>, %arg14: memref<!tpu.dma_semaphore, #tpu.memory_space<semaphore_mem>>, %arg15: memref<!tpu.dma_semaphore, #tpu.memory_space<semaphore_mem>>, %arg16: memref<!tpu.dma_semaphore, #tpu.memory_space<semaphore_mem>>, %arg17: memref<632x8xf32, #tpu.memory_space<vmem>>, %arg18: memref<10112x8xf32, #tpu.memory_space<vmem_shared>>, %arg19: memref<10000x8xf32, #tpu.memory_space<vmem_shared>>) attributes {dimension_semantics = [#tpu.dimension_semantics<core_parallel>, #tpu.dimension_semantics<subcore_parallel>], iteration_bounds = array<i64: 2, 16>, scalar_prefetch = 0 : i64, scratch_operands = 13 : i64, tpu.core_type = #tpu.core_type<sc_vector_subcore>, window_params = [{transform_indices = #map}, {transform_indices = #map1}, {transform_indices = #map1}, {transform_indices = #map}, {transform_indices = #map}]} {
    %mul3A = arith.constant 16 : i32
    %mul3A_0 = arith.muli %arg0, %mul3A : i32
    %add3A = arith.addi %mul3A_0, %arg1 : i32
    "tpu.region"() ({
      %run_scoped3A = tpu.sem_alloc : memref<!tpu.dma_semaphore, #tpu.memory_space<semaphore_mem>>
      %dma_start3A_49 = arith.constant 0 : i32
      %dma_start3A_50 = arith.constant 0 : i32
      %dma_start3A_51 = tpu.memref_slice %arg3[%add3A, %dma_start3A_49, %dma_start3A_50] : memref<32x80x128xi32, #tpu.memory_space<hbm>> -> memref<1x80x128xi32, #tpu.memory_space<hbm>>
      %dma_start3A_52 = tpu.memref_squeeze %dma_start3A_51 : memref<1x80x128xi32, #tpu.memory_space<hbm>> -> memref<80x128xi32, #tpu.memory_space<hbm>>
      %dma_start3A_53 = arith.constant 0 : i32
      %dma_start3A_54 = arith.constant 0 : i32
      %dma_start3A_55 = tpu.memref_slice %arg3[%add3A, %dma_start3A_53, %dma_start3A_54] : memref<32x80x128xi32, #tpu.memory_space<hbm>> -> memref<1x80x128xi32, #tpu.memory_space<hbm>>
      %dma_start3A_56 = tpu.memref_squeeze %dma_start3A_55 : memref<1x80x128xi32, #tpu.memory_space<hbm>> -> memref<80x128xi32, #tpu.memory_space<hbm>>
      tpu.enqueue_dma source(%dma_start3A_56 : memref<80x128xi32, #tpu.memory_space<hbm>>) target(%arg7 : memref<80x128xi32, #tpu.memory_space<vmem>>) target_semaphore(%run_scoped3A : memref<!tpu.dma_semaphore, #tpu.memory_space<semaphore_mem>>)
      %dma_wait3A = arith.constant 0 : i32
      %dma_wait3A_57 = arith.constant 0 : i32
      %dma_wait3A_58 = tpu.memref_slice %arg3[%add3A, %dma_wait3A, %dma_wait3A_57] : memref<32x80x128xi32, #tpu.memory_space<hbm>> -> memref<1x80x128xi32, #tpu.memory_space<hbm>>
      %dma_wait3A_59 = tpu.memref_squeeze %dma_wait3A_58 : memref<1x80x128xi32, #tpu.memory_space<hbm>> -> memref<80x128xi32, #tpu.memory_space<hbm>>
      %dma_wait3A_60 = arith.constant 0 : i32
      %dma_wait3A_61 = arith.constant 0 : i32
      %dma_wait3A_62 = tpu.memref_slice %arg3[%add3A, %dma_wait3A_60, %dma_wait3A_61] : memref<32x80x128xi32, #tpu.memory_space<hbm>> -> memref<1x80x128xi32, #tpu.memory_space<hbm>>
      %dma_wait3A_63 = tpu.memref_squeeze %dma_wait3A_62 : memref<1x80x128xi32, #tpu.memory_space<hbm>> -> memref<80x128xi32, #tpu.memory_space<hbm>>
      tpu.wait_dma2 semaphore(%run_scoped3A : memref<!tpu.dma_semaphore, #tpu.memory_space<semaphore_mem>>) src(%dma_wait3A_63 : memref<80x128xi32, #tpu.memory_space<hbm>>) dst(%arg7 : memref<80x128xi32, #tpu.memory_space<vmem>>)
      tpu.yield
    }) : () -> ()
    "tpu.region"() ({
      %run_scoped3A = tpu.sem_alloc : memref<!tpu.dma_semaphore, #tpu.memory_space<semaphore_mem>>
      %dma_start3A_49 = arith.constant 0 : i32
      %dma_start3A_50 = arith.constant 0 : i32
      %dma_start3A_51 = tpu.memref_slice %arg4[%add3A, %dma_start3A_49, %dma_start3A_50] : memref<32x80x128xi32, #tpu.memory_space<hbm>> -> memref<1x80x128xi32, #tpu.memory_space<hbm>>
      %dma_start3A_52 = tpu.memref_squeeze %dma_start3A_51 : memref<1x80x128xi32, #tpu.memory_space<hbm>> -> memref<80x128xi32, #tpu.memory_space<hbm>>
      %dma_start3A_53 = arith.constant 0 : i32
      %dma_start3A_54 = arith.constant 0 : i32
      %dma_start3A_55 = tpu.memref_slice %arg4[%add3A, %dma_start3A_53, %dma_start3A_54] : memref<32x80x128xi32, #tpu.memory_space<hbm>> -> memref<1x80x128xi32, #tpu.memory_space<hbm>>
      %dma_start3A_56 = tpu.memref_squeeze %dma_start3A_55 : memref<1x80x128xi32, #tpu.memory_space<hbm>> -> memref<80x128xi32, #tpu.memory_space<hbm>>
      tpu.enqueue_dma source(%dma_start3A_56 : memref<80x128xi32, #tpu.memory_space<hbm>>) target(%arg8 : memref<80x128xi32, #tpu.memory_space<vmem>>) target_semaphore(%run_scoped3A : memref<!tpu.dma_semaphore, #tpu.memory_space<semaphore_mem>>)
      %dma_wait3A = arith.constant 0 : i32
      %dma_wait3A_57 = arith.constant 0 : i32
      %dma_wait3A_58 = tpu.memref_slice %arg4[%add3A, %dma_wait3A, %dma_wait3A_57] : memref<32x80x128xi32, #tpu.memory_space<hbm>> -> memref<1x80x128xi32, #tpu.memory_space<hbm>>
      %dma_wait3A_59 = tpu.memref_squeeze %dma_wait3A_58 : memref<1x80x128xi32, #tpu.memory_space<hbm>> -> memref<80x128xi32, #tpu.memory_space<hbm>>
      %dma_wait3A_60 = arith.constant 0 : i32
      %dma_wait3A_61 = arith.constant 0 : i32
      %dma_wait3A_62 = tpu.memref_slice %arg4[%add3A, %dma_wait3A_60, %dma_wait3A_61] : memref<32x80x128xi32, #tpu.memory_space<hbm>> -> memref<1x80x128xi32, #tpu.memory_space<hbm>>
      %dma_wait3A_63 = tpu.memref_squeeze %dma_wait3A_62 : memref<1x80x128xi32, #tpu.memory_space<hbm>> -> memref<80x128xi32, #tpu.memory_space<hbm>>
      tpu.wait_dma2 semaphore(%run_scoped3A : memref<!tpu.dma_semaphore, #tpu.memory_space<semaphore_mem>>) src(%dma_wait3A_63 : memref<80x128xi32, #tpu.memory_space<hbm>>) dst(%arg8 : memref<80x128xi32, #tpu.memory_space<vmem>>)
      tpu.yield
    }) : () -> ()
    %mul3A_1 = arith.constant 625 : i32
    %mul3A_2 = arith.muli %arg1, %mul3A_1 : i32
    "tpu.region"() ({
      %run_scoped3A = tpu.sem_alloc : memref<!tpu.dma_semaphore, #tpu.memory_space<semaphore_mem>>
      %dma_start3A_49 = arith.constant 0 : i32
      %dma_start3A_50 = arith.constant 0 : i32
      %dma_start3A_51 = tpu.memref_slice %arg17[%dma_start3A_49, %dma_start3A_50] : memref<632x8xf32, #tpu.memory_space<vmem>> -> memref<625x8xf32, #tpu.memory_space<vmem>>
      %dma_start3A_52 = arith.constant 0 : i32
      %dma_start3A_53 = tpu.memref_slice %arg2[%mul3A_2, %dma_start3A_52] : memref<10000x8xf32, #tpu.memory_space<hbm>> -> memref<625x8xf32, #tpu.memory_space<hbm>>
      %dma_start3A_54 = arith.constant 0 : i32
      %dma_start3A_55 = arith.constant 0 : i32
      %dma_start3A_56 = tpu.memref_slice %arg17[%dma_start3A_54, %dma_start3A_55] : memref<632x8xf32, #tpu.memory_space<vmem>> -> memref<625x8xf32, #tpu.memory_space<vmem>>
      %dma_start3A_57 = arith.constant 0 : i32
      %dma_start3A_58 = tpu.memref_slice %arg2[%mul3A_2, %dma_start3A_57] : memref<10000x8xf32, #tpu.memory_space<hbm>> -> memref<625x8xf32, #tpu.memory_space<hbm>>
      tpu.enqueue_dma source(%dma_start3A_58 : memref<625x8xf32, #tpu.memory_space<hbm>>) target(%dma_start3A_56 : memref<625x8xf32, #tpu.memory_space<vmem>>) target_semaphore(%run_scoped3A : memref<!tpu.dma_semaphore, #tpu.memory_space<semaphore_mem>>)
      %dma_wait3A = arith.constant 0 : i32
      %dma_wait3A_59 = arith.constant 0 : i32
      %dma_wait3A_60 = tpu.memref_slice %arg17[%dma_wait3A, %dma_wait3A_59] : memref<632x8xf32, #tpu.memory_space<vmem>> -> memref<625x8xf32, #tpu.memory_space<vmem>>
      %dma_wait3A_61 = arith.constant 0 : i32
      %dma_wait3A_62 = tpu.memref_slice %arg2[%mul3A_2, %dma_wait3A_61] : memref<10000x8xf32, #tpu.memory_space<hbm>> -> memref<625x8xf32, #tpu.memory_space<hbm>>
      %dma_wait3A_63 = arith.constant 0 : i32
      %dma_wait3A_64 = arith.constant 0 : i32
      %dma_wait3A_65 = tpu.memref_slice %arg17[%dma_wait3A_63, %dma_wait3A_64] : memref<632x8xf32, #tpu.memory_space<vmem>> -> memref<625x8xf32, #tpu.memory_space<vmem>>
      %dma_wait3A_66 = arith.constant 0 : i32
      %dma_wait3A_67 = tpu.memref_slice %arg2[%mul3A_2, %dma_wait3A_66] : memref<10000x8xf32, #tpu.memory_space<hbm>> -> memref<625x8xf32, #tpu.memory_space<hbm>>
      tpu.wait_dma2 semaphore(%run_scoped3A : memref<!tpu.dma_semaphore, #tpu.memory_space<semaphore_mem>>) src(%dma_wait3A_67 : memref<625x8xf32, #tpu.memory_space<hbm>>) dst(%dma_wait3A_65 : memref<625x8xf32, #tpu.memory_space<vmem>>)
      tpu.yield
    }) : () -> ()
    %mul3A_3 = arith.constant 625 : i32
    %mul3A_4 = arith.muli %arg1, %mul3A_3 : i32
    "tpu.region"() ({
      %run_scoped3A = tpu.sem_alloc : memref<!tpu.dma_semaphore, #tpu.memory_space<semaphore_mem>>
      %dma_start3A_49 = arith.constant 0 : i32
      %dma_start3A_50 = arith.constant 0 : i32
      %dma_start3A_51 = tpu.memref_slice %arg17[%dma_start3A_49, %dma_start3A_50] : memref<632x8xf32, #tpu.memory_space<vmem>> -> memref<625x8xf32, #tpu.memory_space<vmem>>
      %dma_start3A_52 = arith.constant 0 : i32
      %dma_start3A_53 = tpu.memref_slice %arg19[%mul3A_4, %dma_start3A_52] : memref<10000x8xf32, #tpu.memory_space<vmem_shared>> -> memref<625x8xf32, #tpu.memory_space<vmem_shared>>
      %dma_start3A_54 = arith.constant 0 : i32
      %dma_start3A_55 = tpu.memref_slice %arg19[%mul3A_4, %dma_start3A_54] : memref<10000x8xf32, #tpu.memory_space<vmem_shared>> -> memref<625x8xf32, #tpu.memory_space<vmem_shared>>
      %dma_start3A_56 = arith.constant 0 : i32
      %dma_start3A_57 = arith.constant 0 : i32
      %dma_start3A_58 = tpu.memref_slice %arg17[%dma_start3A_56, %dma_start3A_57] : memref<632x8xf32, #tpu.memory_space<vmem>> -> memref<625x8xf32, #tpu.memory_space<vmem>>
      tpu.enqueue_dma source(%dma_start3A_58 : memref<625x8xf32, #tpu.memory_space<vmem>>) target(%dma_start3A_55 : memref<625x8xf32, #tpu.memory_space<vmem_shared>>) target_semaphore(%run_scoped3A : memref<!tpu.dma_semaphore, #tpu.memory_space<semaphore_mem>>)
      %dma_wait3A = arith.constant 0 : i32
      %dma_wait3A_59 = arith.constant 0 : i32
      %dma_wait3A_60 = tpu.memref_slice %arg17[%dma_wait3A, %dma_wait3A_59] : memref<632x8xf32, #tpu.memory_space<vmem>> -> memref<625x8xf32, #tpu.memory_space<vmem>>
      %dma_wait3A_61 = arith.constant 0 : i32
      %dma_wait3A_62 = tpu.memref_slice %arg19[%mul3A_4, %dma_wait3A_61] : memref<10000x8xf32, #tpu.memory_space<vmem_shared>> -> memref<625x8xf32, #tpu.memory_space<vmem_shared>>
      %dma_wait3A_63 = arith.constant 0 : i32
      %dma_wait3A_64 = tpu.memref_slice %arg19[%mul3A_4, %dma_wait3A_63] : memref<10000x8xf32, #tpu.memory_space<vmem_shared>> -> memref<625x8xf32, #tpu.memory_space<vmem_shared>>
      %dma_wait3A_65 = arith.constant 0 : i32
      %dma_wait3A_66 = arith.constant 0 : i32
      %dma_wait3A_67 = tpu.memref_slice %arg17[%dma_wait3A_65, %dma_wait3A_66] : memref<632x8xf32, #tpu.memory_space<vmem>> -> memref<625x8xf32, #tpu.memory_space<vmem>>
      tpu.wait_dma2 semaphore(%run_scoped3A : memref<!tpu.dma_semaphore, #tpu.memory_space<semaphore_mem>>) src(%dma_wait3A_67 : memref<625x8xf32, #tpu.memory_space<vmem>>) dst(%dma_wait3A_64 : memref<625x8xf32, #tpu.memory_space<vmem_shared>>)
      tpu.yield
    }) : () -> ()
    %mul3A_5 = arith.constant 632 : i32
    %mul3A_6 = arith.muli %arg1, %mul3A_5 : i32
    "tpu.region"() ({
      %run_scoped3A = tpu.sem_alloc : memref<!tpu.dma_semaphore, #tpu.memory_space<semaphore_mem>>
      %dma_start3A_49 = arith.constant 0 : i32
      %dma_start3A_50 = tpu.memref_slice %arg5[%mul3A_6, %dma_start3A_49] : memref<10112x8xf32, #tpu.memory_space<hbm>> -> memref<632x8xf32, #tpu.memory_space<hbm>>
      %dma_start3A_51 = arith.constant 0 : i32
      %dma_start3A_52 = tpu.memref_slice %arg5[%mul3A_6, %dma_start3A_51] : memref<10112x8xf32, #tpu.memory_space<hbm>> -> memref<632x8xf32, #tpu.memory_space<hbm>>
      tpu.enqueue_dma source(%dma_start3A_52 : memref<632x8xf32, #tpu.memory_space<hbm>>) target(%arg17 : memref<632x8xf32, #tpu.memory_space<vmem>>) target_semaphore(%run_scoped3A : memref<!tpu.dma_semaphore, #tpu.memory_space<semaphore_mem>>)
      %dma_wait3A = arith.constant 0 : i32
      %dma_wait3A_53 = tpu.memref_slice %arg5[%mul3A_6, %dma_wait3A] : memref<10112x8xf32, #tpu.memory_space<hbm>> -> memref<632x8xf32, #tpu.memory_space<hbm>>
      %dma_wait3A_54 = arith.constant 0 : i32
      %dma_wait3A_55 = tpu.memref_slice %arg5[%mul3A_6, %dma_wait3A_54] : memref<10112x8xf32, #tpu.memory_space<hbm>> -> memref<632x8xf32, #tpu.memory_space<hbm>>
      tpu.wait_dma2 semaphore(%run_scoped3A : memref<!tpu.dma_semaphore, #tpu.memory_space<semaphore_mem>>) src(%dma_wait3A_55 : memref<632x8xf32, #tpu.memory_space<hbm>>) dst(%arg17 : memref<632x8xf32, #tpu.memory_space<vmem>>)
      tpu.yield
    }) : () -> ()
    %mul3A_7 = arith.constant 632 : i32
    %mul3A_8 = arith.muli %arg1, %mul3A_7 : i32
    "tpu.region"() ({
      %run_scoped3A = tpu.sem_alloc : memref<!tpu.dma_semaphore, #tpu.memory_space<semaphore_mem>>
      %dma_start3A_49 = arith.constant 0 : i32
      %dma_start3A_50 = tpu.memref_slice %arg18[%mul3A_8, %dma_start3A_49] : memref<10112x8xf32, #tpu.memory_space<vmem_shared>> -> memref<632x8xf32, #tpu.memory_space<vmem_shared>>
      %dma_start3A_51 = arith.constant 0 : i32
      %dma_start3A_52 = tpu.memref_slice %arg18[%mul3A_8, %dma_start3A_51] : memref<10112x8xf32, #tpu.memory_space<vmem_shared>> -> memref<632x8xf32, #tpu.memory_space<vmem_shared>>
      tpu.enqueue_dma source(%arg17 : memref<632x8xf32, #tpu.memory_space<vmem>>) target(%dma_start3A_52 : memref<632x8xf32, #tpu.memory_space<vmem_shared>>) target_semaphore(%run_scoped3A : memref<!tpu.dma_semaphore, #tpu.memory_space<semaphore_mem>>)
      %dma_wait3A = arith.constant 0 : i32
      %dma_wait3A_53 = tpu.memref_slice %arg18[%mul3A_8, %dma_wait3A] : memref<10112x8xf32, #tpu.memory_space<vmem_shared>> -> memref<632x8xf32, #tpu.memory_space<vmem_shared>>
      %dma_wait3A_54 = arith.constant 0 : i32
      %dma_wait3A_55 = tpu.memref_slice %arg18[%mul3A_8, %dma_wait3A_54] : memref<10112x8xf32, #tpu.memory_space<vmem_shared>> -> memref<632x8xf32, #tpu.memory_space<vmem_shared>>
      tpu.wait_dma2 semaphore(%run_scoped3A : memref<!tpu.dma_semaphore, #tpu.memory_space<semaphore_mem>>) src(%arg17 : memref<632x8xf32, #tpu.memory_space<vmem>>) dst(%dma_wait3A_55 : memref<632x8xf32, #tpu.memory_space<vmem_shared>>)
      tpu.yield
    }) : () -> ()
    %barrier3A = arith.constant 0 : index
    tpu.barrier barrier_id(%barrier3A)
    %dma_start3A = arith.constant 0 : i32
    %dma_start3A_9 = arith.constant 0 : i32
    %dma_start3A_10 = tpu.memref_slice %arg7[%dma_start3A, %dma_start3A_9] : memref<80x128xi32, #tpu.memory_space<vmem>> -> memref<1x128xi32, #tpu.memory_space<vmem>>
    %dma_start3A_11 = tpu.memref_squeeze %dma_start3A_10 : memref<1x128xi32, #tpu.memory_space<vmem>> -> memref<128xi32, #tpu.memory_space<vmem>>
    %dma_start3A_12 = arith.constant 0 : i32
    %dma_start3A_13 = arith.constant 0 : i32
    %dma_start3A_14 = tpu.memref_slice %arg19[%dma_start3A_12, %dma_start3A_13] : memref<10000x8xf32, #tpu.memory_space<vmem_shared>> -> memref<10000x8xf32, #tpu.memory_space<vmem_shared>>
    tpu.enqueue_indirect_dma source(%dma_start3A_14 : memref<10000x8xf32, #tpu.memory_space<vmem_shared>>) target(%arg9 : memref<128x8xf32, #tpu.memory_space<vmem>>) offsets(%dma_start3A_11 : memref<128xi32, #tpu.memory_space<vmem>>) semaphore(%arg13 : memref<!tpu.dma_semaphore, #tpu.memory_space<semaphore_mem>>)
    %dma_start3A_15 = arith.constant 1 : i32
    %dma_start3A_16 = arith.constant 0 : i32
    %dma_start3A_17 = tpu.memref_slice %arg7[%dma_start3A_15, %dma_start3A_16] : memref<80x128xi32, #tpu.memory_space<vmem>> -> memref<1x128xi32, #tpu.memory_space<vmem>>
    %dma_start3A_18 = tpu.memref_squeeze %dma_start3A_17 : memref<1x128xi32, #tpu.memory_space<vmem>> -> memref<128xi32, #tpu.memory_space<vmem>>
    %dma_start3A_19 = arith.constant 0 : i32
    %dma_start3A_20 = arith.constant 0 : i32
    %dma_start3A_21 = tpu.memref_slice %arg19[%dma_start3A_19, %dma_start3A_20] : memref<10000x8xf32, #tpu.memory_space<vmem_shared>> -> memref<10000x8xf32, #tpu.memory_space<vmem_shared>>
    tpu.enqueue_indirect_dma source(%dma_start3A_21 : memref<10000x8xf32, #tpu.memory_space<vmem_shared>>) target(%arg10 : memref<128x8xf32, #tpu.memory_space<vmem>>) offsets(%dma_start3A_18 : memref<128xi32, #tpu.memory_space<vmem>>) semaphore(%arg14 : memref<!tpu.dma_semaphore, #tpu.memory_space<semaphore_mem>>)
    %dma_start3A_22 = arith.constant 2 : i32
    %dma_start3A_23 = arith.constant 0 : i32
    %dma_start3A_24 = tpu.memref_slice %arg7[%dma_start3A_22, %dma_start3A_23] : memref<80x128xi32, #tpu.memory_space<vmem>> -> memref<1x128xi32, #tpu.memory_space<vmem>>
    %dma_start3A_25 = tpu.memref_squeeze %dma_start3A_24 : memref<1x128xi32, #tpu.memory_space<vmem>> -> memref<128xi32, #tpu.memory_space<vmem>>
    %dma_start3A_26 = arith.constant 0 : i32
    %dma_start3A_27 = arith.constant 0 : i32
    %dma_start3A_28 = tpu.memref_slice %arg19[%dma_start3A_26, %dma_start3A_27] : memref<10000x8xf32, #tpu.memory_space<vmem_shared>> -> memref<10000x8xf32, #tpu.memory_space<vmem_shared>>
    tpu.enqueue_indirect_dma source(%dma_start3A_28 : memref<10000x8xf32, #tpu.memory_space<vmem_shared>>) target(%arg11 : memref<128x8xf32, #tpu.memory_space<vmem>>) offsets(%dma_start3A_25 : memref<128xi32, #tpu.memory_space<vmem>>) semaphore(%arg15 : memref<!tpu.dma_semaphore, #tpu.memory_space<semaphore_mem>>)
    %dma_start3A_29 = arith.constant 3 : i32
    %dma_start3A_30 = arith.constant 0 : i32
    %dma_start3A_31 = tpu.memref_slice %arg7[%dma_start3A_29, %dma_start3A_30] : memref<80x128xi32, #tpu.memory_space<vmem>> -> memref<1x128xi32, #tpu.memory_space<vmem>>
    %dma_start3A_32 = tpu.memref_squeeze %dma_start3A_31 : memref<1x128xi32, #tpu.memory_space<vmem>> -> memref<128xi32, #tpu.memory_space<vmem>>
    %dma_start3A_33 = arith.constant 0 : i32
    %dma_start3A_34 = arith.constant 0 : i32
    %dma_start3A_35 = tpu.memref_slice %arg19[%dma_start3A_33, %dma_start3A_34] : memref<10000x8xf32, #tpu.memory_space<vmem_shared>> -> memref<10000x8xf32, #tpu.memory_space<vmem_shared>>
    tpu.enqueue_indirect_dma source(%dma_start3A_35 : memref<10000x8xf32, #tpu.memory_space<vmem_shared>>) target(%arg12 : memref<128x8xf32, #tpu.memory_space<vmem>>) offsets(%dma_start3A_32 : memref<128xi32, #tpu.memory_space<vmem>>) semaphore(%arg16 : memref<!tpu.dma_semaphore, #tpu.memory_space<semaphore_mem>>)
    %scan3A = arith.constant 0 : i32
    %scan3A_36 = arith.constant 0 : i32
    %scan3A_37 = arith.constant 20 : i32
    %scan3A_38 = arith.addi %scan3A_36, %scan3A_37 : i32
    %scan3A_39 = arith.constant 1 : i32
    scf.for %scan3A_49 = %scan3A_36 to %scan3A_38 step %scan3A_39  : i32 {
      %mul3A_50 = arith.constant 4 : i32
      %mul3A_51 = arith.muli %scan3A_49, %mul3A_50 : i32
      %add3A_52 = arith.constant 0 : i32
      %add3A_53 = arith.addi %mul3A_51, %add3A_52 : i32
      %dma_wait3A = arith.constant 0 : i32
      %dma_wait3A_54 = tpu.memref_slice %arg7[%add3A_53, %dma_wait3A] : memref<80x128xi32, #tpu.memory_space<vmem>> -> memref<1x128xi32, #tpu.memory_space<vmem>>
      %dma_wait3A_55 = tpu.memref_squeeze %dma_wait3A_54 : memref<1x128xi32, #tpu.memory_space<vmem>> -> memref<128xi32, #tpu.memory_space<vmem>>
      %dma_wait3A_56 = arith.constant 0 : i32
      %dma_wait3A_57 = arith.constant 0 : i32
      %dma_wait3A_58 = tpu.memref_slice %arg19[%dma_wait3A_56, %dma_wait3A_57] : memref<10000x8xf32, #tpu.memory_space<vmem_shared>> -> memref<10000x8xf32, #tpu.memory_space<vmem_shared>>
      tpu.wait_indirect_dma semaphore(%arg13 : memref<!tpu.dma_semaphore, #tpu.memory_space<semaphore_mem>>) src(%dma_wait3A_58 : memref<10000x8xf32, #tpu.memory_space<vmem_shared>>) dst(%arg9 : memref<128x8xf32, #tpu.memory_space<vmem>>)
      "tpu.region"() ({
        %run_scoped3A = tpu.sem_alloc : memref<!tpu.dma_semaphore, #tpu.memory_space<semaphore_mem>>
        %dma_start3A_114 = arith.constant 0 : i32
        %dma_start3A_115 = tpu.memref_slice %arg8[%add3A_53, %dma_start3A_114] : memref<80x128xi32, #tpu.memory_space<vmem>> -> memref<1x128xi32, #tpu.memory_space<vmem>>
        %dma_start3A_116 = tpu.memref_squeeze %dma_start3A_115 : memref<1x128xi32, #tpu.memory_space<vmem>> -> memref<128xi32, #tpu.memory_space<vmem>>
        %dma_start3A_117 = arith.constant 0 : i32
        %dma_start3A_118 = arith.constant 0 : i32
        %dma_start3A_119 = tpu.memref_slice %arg18[%dma_start3A_117, %dma_start3A_118] : memref<10112x8xf32, #tpu.memory_space<vmem_shared>> -> memref<10112x8xf32, #tpu.memory_space<vmem_shared>>
        tpu.enqueue_indirect_dma source(%arg9 : memref<128x8xf32, #tpu.memory_space<vmem>>) target(%dma_start3A_119 : memref<10112x8xf32, #tpu.memory_space<vmem_shared>>) offsets(%dma_start3A_116 : memref<128xi32, #tpu.memory_space<vmem>>) semaphore(%run_scoped3A : memref<!tpu.dma_semaphore, #tpu.memory_space<semaphore_mem>>) {add = true}
        %dma_wait3A_120 = arith.constant 0 : i32
        %dma_wait3A_121 = tpu.memref_slice %arg8[%add3A_53, %dma_wait3A_120] : memref<80x128xi32, #tpu.memory_space<vmem>> -> memref<1x128xi32, #tpu.memory_space<vmem>>
        %dma_wait3A_122 = tpu.memref_squeeze %dma_wait3A_121 : memref<1x128xi32, #tpu.memory_space<vmem>> -> memref<128xi32, #tpu.memory_space<vmem>>
        %dma_wait3A_123 = arith.constant 0 : i32
        %dma_wait3A_124 = arith.constant 0 : i32
        %dma_wait3A_125 = tpu.memref_slice %arg18[%dma_wait3A_123, %dma_wait3A_124] : memref<10112x8xf32, #tpu.memory_space<vmem_shared>> -> memref<10112x8xf32, #tpu.memory_space<vmem_shared>>
        tpu.wait_indirect_dma semaphore(%run_scoped3A : memref<!tpu.dma_semaphore, #tpu.memory_space<semaphore_mem>>) src(%arg9 : memref<128x8xf32, #tpu.memory_space<vmem>>) dst(%dma_wait3A_125 : memref<10112x8xf32, #tpu.memory_space<vmem_shared>>)
        tpu.yield
      }) : () -> ()
      %add3A_59 = arith.constant 4 : i32
      %add3A_60 = arith.addi %add3A_53, %add3A_59 : i32
      %lt3A = arith.constant 80 : i32
      %lt3A_61 = arith.cmpi slt, %add3A_60, %lt3A : i32
      %convert_element_type3A = arith.extui %lt3A_61 : i1 to i32
      %cond3A = arith.constant 0 : i32
      %cond3A_62 = arith.cmpi ne, %convert_element_type3A, %cond3A : i32
      scf.if %cond3A_62 {
        %add3A_114 = arith.constant 4 : i32
        %add3A_115 = arith.addi %add3A_53, %add3A_114 : i32
        %dma_start3A_116 = arith.constant 0 : i32
        %dma_start3A_117 = tpu.memref_slice %arg7[%add3A_115, %dma_start3A_116] : memref<80x128xi32, #tpu.memory_space<vmem>> -> memref<1x128xi32, #tpu.memory_space<vmem>>
        %dma_start3A_118 = tpu.memref_squeeze %dma_start3A_117 : memref<1x128xi32, #tpu.memory_space<vmem>> -> memref<128xi32, #tpu.memory_space<vmem>>
        %dma_start3A_119 = arith.constant 0 : i32
        %dma_start3A_120 = arith.constant 0 : i32
        %dma_start3A_121 = tpu.memref_slice %arg19[%dma_start3A_119, %dma_start3A_120] : memref<10000x8xf32, #tpu.memory_space<vmem_shared>> -> memref<10000x8xf32, #tpu.memory_space<vmem_shared>>
        tpu.enqueue_indirect_dma source(%dma_start3A_121 : memref<10000x8xf32, #tpu.memory_space<vmem_shared>>) target(%arg9 : memref<128x8xf32, #tpu.memory_space<vmem>>) offsets(%dma_start3A_118 : memref<128xi32, #tpu.memory_space<vmem>>) semaphore(%arg13 : memref<!tpu.dma_semaphore, #tpu.memory_space<semaphore_mem>>)
      } else {
      }
      %mul3A_63 = arith.constant 4 : i32
      %mul3A_64 = arith.muli %scan3A_49, %mul3A_63 : i32
      %add3A_65 = arith.constant 1 : i32
      %add3A_66 = arith.addi %mul3A_64, %add3A_65 : i32
      %dma_wait3A_67 = arith.constant 0 : i32
      %dma_wait3A_68 = tpu.memref_slice %arg7[%add3A_66, %dma_wait3A_67] : memref<80x128xi32, #tpu.memory_space<vmem>> -> memref<1x128xi32, #tpu.memory_space<vmem>>
      %dma_wait3A_69 = tpu.memref_squeeze %dma_wait3A_68 : memref<1x128xi32, #tpu.memory_space<vmem>> -> memref<128xi32, #tpu.memory_space<vmem>>
      %dma_wait3A_70 = arith.constant 0 : i32
      %dma_wait3A_71 = arith.constant 0 : i32
      %dma_wait3A_72 = tpu.memref_slice %arg19[%dma_wait3A_70, %dma_wait3A_71] : memref<10000x8xf32, #tpu.memory_space<vmem_shared>> -> memref<10000x8xf32, #tpu.memory_space<vmem_shared>>
      tpu.wait_indirect_dma semaphore(%arg14 : memref<!tpu.dma_semaphore, #tpu.memory_space<semaphore_mem>>) src(%dma_wait3A_72 : memref<10000x8xf32, #tpu.memory_space<vmem_shared>>) dst(%arg10 : memref<128x8xf32, #tpu.memory_space<vmem>>)
      "tpu.region"() ({
        %run_scoped3A = tpu.sem_alloc : memref<!tpu.dma_semaphore, #tpu.memory_space<semaphore_mem>>
        %dma_start3A_114 = arith.constant 0 : i32
        %dma_start3A_115 = tpu.memref_slice %arg8[%add3A_66, %dma_start3A_114] : memref<80x128xi32, #tpu.memory_space<vmem>> -> memref<1x128xi32, #tpu.memory_space<vmem>>
        %dma_start3A_116 = tpu.memref_squeeze %dma_start3A_115 : memref<1x128xi32, #tpu.memory_space<vmem>> -> memref<128xi32, #tpu.memory_space<vmem>>
        %dma_start3A_117 = arith.constant 0 : i32
        %dma_start3A_118 = arith.constant 0 : i32
        %dma_start3A_119 = tpu.memref_slice %arg18[%dma_start3A_117, %dma_start3A_118] : memref<10112x8xf32, #tpu.memory_space<vmem_shared>> -> memref<10112x8xf32, #tpu.memory_space<vmem_shared>>
        tpu.enqueue_indirect_dma source(%arg10 : memref<128x8xf32, #tpu.memory_space<vmem>>) target(%dma_start3A_119 : memref<10112x8xf32, #tpu.memory_space<vmem_shared>>) offsets(%dma_start3A_116 : memref<128xi32, #tpu.memory_space<vmem>>) semaphore(%run_scoped3A : memref<!tpu.dma_semaphore, #tpu.memory_space<semaphore_mem>>) {add = true}
        %dma_wait3A_120 = arith.constant 0 : i32
        %dma_wait3A_121 = tpu.memref_slice %arg8[%add3A_66, %dma_wait3A_120] : memref<80x128xi32, #tpu.memory_space<vmem>> -> memref<1x128xi32, #tpu.memory_space<vmem>>
        %dma_wait3A_122 = tpu.memref_squeeze %dma_wait3A_121 : memref<1x128xi32, #tpu.memory_space<vmem>> -> memref<128xi32, #tpu.memory_space<vmem>>
        %dma_wait3A_123 = arith.constant 0 : i32
        %dma_wait3A_124 = arith.constant 0 : i32
        %dma_wait3A_125 = tpu.memref_slice %arg18[%dma_wait3A_123, %dma_wait3A_124] : memref<10112x8xf32, #tpu.memory_space<vmem_shared>> -> memref<10112x8xf32, #tpu.memory_space<vmem_shared>>
        tpu.wait_indirect_dma semaphore(%run_scoped3A : memref<!tpu.dma_semaphore, #tpu.memory_space<semaphore_mem>>) src(%arg10 : memref<128x8xf32, #tpu.memory_space<vmem>>) dst(%dma_wait3A_125 : memref<10112x8xf32, #tpu.memory_space<vmem_shared>>)
        tpu.yield
      }) : () -> ()
      %add3A_73 = arith.constant 4 : i32
      %add3A_74 = arith.addi %add3A_66, %add3A_73 : i32
      %lt3A_75 = arith.constant 80 : i32
      %lt3A_76 = arith.cmpi slt, %add3A_74, %lt3A_75 : i32
      %convert_element_type3A_77 = arith.extui %lt3A_76 : i1 to i32
      %cond3A_78 = arith.constant 0 : i32
      %cond3A_79 = arith.cmpi ne, %convert_element_type3A_77, %cond3A_78 : i32
      scf.if %cond3A_79 {
        %add3A_114 = arith.constant 4 : i32
        %add3A_115 = arith.addi %add3A_66, %add3A_114 : i32
        %dma_start3A_116 = arith.constant 0 : i32
        %dma_start3A_117 = tpu.memref_slice %arg7[%add3A_115, %dma_start3A_116] : memref<80x128xi32, #tpu.memory_space<vmem>> -> memref<1x128xi32, #tpu.memory_space<vmem>>
        %dma_start3A_118 = tpu.memref_squeeze %dma_start3A_117 : memref<1x128xi32, #tpu.memory_space<vmem>> -> memref<128xi32, #tpu.memory_space<vmem>>
        %dma_start3A_119 = arith.constant 0 : i32
        %dma_start3A_120 = arith.constant 0 : i32
        %dma_start3A_121 = tpu.memref_slice %arg19[%dma_start3A_119, %dma_start3A_120] : memref<10000x8xf32, #tpu.memory_space<vmem_shared>> -> memref<10000x8xf32, #tpu.memory_space<vmem_shared>>
        tpu.enqueue_indirect_dma source(%dma_start3A_121 : memref<10000x8xf32, #tpu.memory_space<vmem_shared>>) target(%arg10 : memref<128x8xf32, #tpu.memory_space<vmem>>) offsets(%dma_start3A_118 : memref<128xi32, #tpu.memory_space<vmem>>) semaphore(%arg14 : memref<!tpu.dma_semaphore, #tpu.memory_space<semaphore_mem>>)
      } else {
      }
      %mul3A_80 = arith.constant 4 : i32
      %mul3A_81 = arith.muli %scan3A_49, %mul3A_80 : i32
      %add3A_82 = arith.constant 2 : i32
      %add3A_83 = arith.addi %mul3A_81, %add3A_82 : i32
      %dma_wait3A_84 = arith.constant 0 : i32
      %dma_wait3A_85 = tpu.memref_slice %arg7[%add3A_83, %dma_wait3A_84] : memref<80x128xi32, #tpu.memory_space<vmem>> -> memref<1x128xi32, #tpu.memory_space<vmem>>
      %dma_wait3A_86 = tpu.memref_squeeze %dma_wait3A_85 : memref<1x128xi32, #tpu.memory_space<vmem>> -> memref<128xi32, #tpu.memory_space<vmem>>
      %dma_wait3A_87 = arith.constant 0 : i32
      %dma_wait3A_88 = arith.constant 0 : i32
      %dma_wait3A_89 = tpu.memref_slice %arg19[%dma_wait3A_87, %dma_wait3A_88] : memref<10000x8xf32, #tpu.memory_space<vmem_shared>> -> memref<10000x8xf32, #tpu.memory_space<vmem_shared>>
      tpu.wait_indirect_dma semaphore(%arg15 : memref<!tpu.dma_semaphore, #tpu.memory_space<semaphore_mem>>) src(%dma_wait3A_89 : memref<10000x8xf32, #tpu.memory_space<vmem_shared>>) dst(%arg11 : memref<128x8xf32, #tpu.memory_space<vmem>>)
      "tpu.region"() ({
        %run_scoped3A = tpu.sem_alloc : memref<!tpu.dma_semaphore, #tpu.memory_space<semaphore_mem>>
        %dma_start3A_114 = arith.constant 0 : i32
        %dma_start3A_115 = tpu.memref_slice %arg8[%add3A_83, %dma_start3A_114] : memref<80x128xi32, #tpu.memory_space<vmem>> -> memref<1x128xi32, #tpu.memory_space<vmem>>
        %dma_start3A_116 = tpu.memref_squeeze %dma_start3A_115 : memref<1x128xi32, #tpu.memory_space<vmem>> -> memref<128xi32, #tpu.memory_space<vmem>>
        %dma_start3A_117 = arith.constant 0 : i32
        %dma_start3A_118 = arith.constant 0 : i32
        %dma_start3A_119 = tpu.memref_slice %arg18[%dma_start3A_117, %dma_start3A_118] : memref<10112x8xf32, #tpu.memory_space<vmem_shared>> -> memref<10112x8xf32, #tpu.memory_space<vmem_shared>>
        tpu.enqueue_indirect_dma source(%arg11 : memref<128x8xf32, #tpu.memory_space<vmem>>) target(%dma_start3A_119 : memref<10112x8xf32, #tpu.memory_space<vmem_shared>>) offsets(%dma_start3A_116 : memref<128xi32, #tpu.memory_space<vmem>>) semaphore(%run_scoped3A : memref<!tpu.dma_semaphore, #tpu.memory_space<semaphore_mem>>) {add = true}
        %dma_wait3A_120 = arith.constant 0 : i32
        %dma_wait3A_121 = tpu.memref_slice %arg8[%add3A_83, %dma_wait3A_120] : memref<80x128xi32, #tpu.memory_space<vmem>> -> memref<1x128xi32, #tpu.memory_space<vmem>>
        %dma_wait3A_122 = tpu.memref_squeeze %dma_wait3A_121 : memref<1x128xi32, #tpu.memory_space<vmem>> -> memref<128xi32, #tpu.memory_space<vmem>>
        %dma_wait3A_123 = arith.constant 0 : i32
        %dma_wait3A_124 = arith.constant 0 : i32
        %dma_wait3A_125 = tpu.memref_slice %arg18[%dma_wait3A_123, %dma_wait3A_124] : memref<10112x8xf32, #tpu.memory_space<vmem_shared>> -> memref<10112x8xf32, #tpu.memory_space<vmem_shared>>
        tpu.wait_indirect_dma semaphore(%run_scoped3A : memref<!tpu.dma_semaphore, #tpu.memory_space<semaphore_mem>>) src(%arg11 : memref<128x8xf32, #tpu.memory_space<vmem>>) dst(%dma_wait3A_125 : memref<10112x8xf32, #tpu.memory_space<vmem_shared>>)
        tpu.yield
      }) : () -> ()
      %add3A_90 = arith.constant 4 : i32
      %add3A_91 = arith.addi %add3A_83, %add3A_90 : i32
      %lt3A_92 = arith.constant 80 : i32
      %lt3A_93 = arith.cmpi slt, %add3A_91, %lt3A_92 : i32
      %convert_element_type3A_94 = arith.extui %lt3A_93 : i1 to i32
      %cond3A_95 = arith.constant 0 : i32
      %cond3A_96 = arith.cmpi ne, %convert_element_type3A_94, %cond3A_95 : i32
      scf.if %cond3A_96 {
        %add3A_114 = arith.constant 4 : i32
        %add3A_115 = arith.addi %add3A_83, %add3A_114 : i32
        %dma_start3A_116 = arith.constant 0 : i32
        %dma_start3A_117 = tpu.memref_slice %arg7[%add3A_115, %dma_start3A_116] : memref<80x128xi32, #tpu.memory_space<vmem>> -> memref<1x128xi32, #tpu.memory_space<vmem>>
        %dma_start3A_118 = tpu.memref_squeeze %dma_start3A_117 : memref<1x128xi32, #tpu.memory_space<vmem>> -> memref<128xi32, #tpu.memory_space<vmem>>
        %dma_start3A_119 = arith.constant 0 : i32
        %dma_start3A_120 = arith.constant 0 : i32
        %dma_start3A_121 = tpu.memref_slice %arg19[%dma_start3A_119, %dma_start3A_120] : memref<10000x8xf32, #tpu.memory_space<vmem_shared>> -> memref<10000x8xf32, #tpu.memory_space<vmem_shared>>
        tpu.enqueue_indirect_dma source(%dma_start3A_121 : memref<10000x8xf32, #tpu.memory_space<vmem_shared>>) target(%arg11 : memref<128x8xf32, #tpu.memory_space<vmem>>) offsets(%dma_start3A_118 : memref<128xi32, #tpu.memory_space<vmem>>) semaphore(%arg15 : memref<!tpu.dma_semaphore, #tpu.memory_space<semaphore_mem>>)
      } else {
      }
      %mul3A_97 = arith.constant 4 : i32
      %mul3A_98 = arith.muli %scan3A_49, %mul3A_97 : i32
      %add3A_99 = arith.constant 3 : i32
      %add3A_100 = arith.addi %mul3A_98, %add3A_99 : i32
      %dma_wait3A_101 = arith.constant 0 : i32
      %dma_wait3A_102 = tpu.memref_slice %arg7[%add3A_100, %dma_wait3A_101] : memref<80x128xi32, #tpu.memory_space<vmem>> -> memref<1x128xi32, #tpu.memory_space<vmem>>
      %dma_wait3A_103 = tpu.memref_squeeze %dma_wait3A_102 : memref<1x128xi32, #tpu.memory_space<vmem>> -> memref<128xi32, #tpu.memory_space<vmem>>
      %dma_wait3A_104 = arith.constant 0 : i32
      %dma_wait3A_105 = arith.constant 0 : i32
      %dma_wait3A_106 = tpu.memref_slice %arg19[%dma_wait3A_104, %dma_wait3A_105] : memref<10000x8xf32, #tpu.memory_space<vmem_shared>> -> memref<10000x8xf32, #tpu.memory_space<vmem_shared>>
      tpu.wait_indirect_dma semaphore(%arg16 : memref<!tpu.dma_semaphore, #tpu.memory_space<semaphore_mem>>) src(%dma_wait3A_106 : memref<10000x8xf32, #tpu.memory_space<vmem_shared>>) dst(%arg12 : memref<128x8xf32, #tpu.memory_space<vmem>>)
      "tpu.region"() ({
        %run_scoped3A = tpu.sem_alloc : memref<!tpu.dma_semaphore, #tpu.memory_space<semaphore_mem>>
        %dma_start3A_114 = arith.constant 0 : i32
        %dma_start3A_115 = tpu.memref_slice %arg8[%add3A_100, %dma_start3A_114] : memref<80x128xi32, #tpu.memory_space<vmem>> -> memref<1x128xi32, #tpu.memory_space<vmem>>
        %dma_start3A_116 = tpu.memref_squeeze %dma_start3A_115 : memref<1x128xi32, #tpu.memory_space<vmem>> -> memref<128xi32, #tpu.memory_space<vmem>>
        %dma_start3A_117 = arith.constant 0 : i32
        %dma_start3A_118 = arith.constant 0 : i32
        %dma_start3A_119 = tpu.memref_slice %arg18[%dma_start3A_117, %dma_start3A_118] : memref<10112x8xf32, #tpu.memory_space<vmem_shared>> -> memref<10112x8xf32, #tpu.memory_space<vmem_shared>>
        tpu.enqueue_indirect_dma source(%arg12 : memref<128x8xf32, #tpu.memory_space<vmem>>) target(%dma_start3A_119 : memref<10112x8xf32, #tpu.memory_space<vmem_shared>>) offsets(%dma_start3A_116 : memref<128xi32, #tpu.memory_space<vmem>>) semaphore(%run_scoped3A : memref<!tpu.dma_semaphore, #tpu.memory_space<semaphore_mem>>) {add = true}
        %dma_wait3A_120 = arith.constant 0 : i32
        %dma_wait3A_121 = tpu.memref_slice %arg8[%add3A_100, %dma_wait3A_120] : memref<80x128xi32, #tpu.memory_space<vmem>> -> memref<1x128xi32, #tpu.memory_space<vmem>>
        %dma_wait3A_122 = tpu.memref_squeeze %dma_wait3A_121 : memref<1x128xi32, #tpu.memory_space<vmem>> -> memref<128xi32, #tpu.memory_space<vmem>>
        %dma_wait3A_123 = arith.constant 0 : i32
        %dma_wait3A_124 = arith.constant 0 : i32
        %dma_wait3A_125 = tpu.memref_slice %arg18[%dma_wait3A_123, %dma_wait3A_124] : memref<10112x8xf32, #tpu.memory_space<vmem_shared>> -> memref<10112x8xf32, #tpu.memory_space<vmem_shared>>
        tpu.wait_indirect_dma semaphore(%run_scoped3A : memref<!tpu.dma_semaphore, #tpu.memory_space<semaphore_mem>>) src(%arg12 : memref<128x8xf32, #tpu.memory_space<vmem>>) dst(%dma_wait3A_125 : memref<10112x8xf32, #tpu.memory_space<vmem_shared>>)
        tpu.yield
      }) : () -> ()
      %add3A_107 = arith.constant 4 : i32
      %add3A_108 = arith.addi %add3A_100, %add3A_107 : i32
      %lt3A_109 = arith.constant 80 : i32
      %lt3A_110 = arith.cmpi slt, %add3A_108, %lt3A_109 : i32
      %convert_element_type3A_111 = arith.extui %lt3A_110 : i1 to i32
      %cond3A_112 = arith.constant 0 : i32
      %cond3A_113 = arith.cmpi ne, %convert_element_type3A_111, %cond3A_112 : i32
      scf.if %cond3A_113 {
        %add3A_114 = arith.constant 4 : i32
        %add3A_115 = arith.addi %add3A_100, %add3A_114 : i32
        %dma_start3A_116 = arith.constant 0 : i32
        %dma_start3A_117 = tpu.memref_slice %arg7[%add3A_115, %dma_start3A_116] : memref<80x128xi32, #tpu.memory_space<vmem>> -> memref<1x128xi32, #tpu.memory_space<vmem>>
        %dma_start3A_118 = tpu.memref_squeeze %dma_start3A_117 : memref<1x128xi32, #tpu.memory_space<vmem>> -> memref<128xi32, #tpu.memory_space<vmem>>
        %dma_start3A_119 = arith.constant 0 : i32
        %dma_start3A_120 = arith.constant 0 : i32
        %dma_start3A_121 = tpu.memref_slice %arg19[%dma_start3A_119, %dma_start3A_120] : memref<10000x8xf32, #tpu.memory_space<vmem_shared>> -> memref<10000x8xf32, #tpu.memory_space<vmem_shared>>
        tpu.enqueue_indirect_dma source(%dma_start3A_121 : memref<10000x8xf32, #tpu.memory_space<vmem_shared>>) target(%arg12 : memref<128x8xf32, #tpu.memory_space<vmem>>) offsets(%dma_start3A_118 : memref<128xi32, #tpu.memory_space<vmem>>) semaphore(%arg16 : memref<!tpu.dma_semaphore, #tpu.memory_space<semaphore_mem>>)
      } else {
      }
    }
    %scan3A_40 = arith.constant 20 : i32
    %barrier3A_41 = arith.constant 0 : index
    tpu.barrier barrier_id(%barrier3A_41)
    %mul3A_42 = arith.constant 632 : i32
    %mul3A_43 = arith.muli %arg1, %mul3A_42 : i32
    "tpu.region"() ({
      %run_scoped3A = tpu.sem_alloc : memref<!tpu.dma_semaphore, #tpu.memory_space<semaphore_mem>>
      %dma_start3A_49 = arith.constant 0 : i32
      %dma_start3A_50 = tpu.memref_slice %arg18[%mul3A_43, %dma_start3A_49] : memref<10112x8xf32, #tpu.memory_space<vmem_shared>> -> memref<632x8xf32, #tpu.memory_space<vmem_shared>>
      %dma_start3A_51 = arith.constant 0 : i32
      %dma_start3A_52 = tpu.memref_slice %arg18[%mul3A_43, %dma_start3A_51] : memref<10112x8xf32, #tpu.memory_space<vmem_shared>> -> memref<632x8xf32, #tpu.memory_space<vmem_shared>>
      tpu.enqueue_dma source(%dma_start3A_52 : memref<632x8xf32, #tpu.memory_space<vmem_shared>>) target(%arg17 : memref<632x8xf32, #tpu.memory_space<vmem>>) target_semaphore(%run_scoped3A : memref<!tpu.dma_semaphore, #tpu.memory_space<semaphore_mem>>)
      %dma_wait3A = arith.constant 0 : i32
      %dma_wait3A_53 = tpu.memref_slice %arg18[%mul3A_43, %dma_wait3A] : memref<10112x8xf32, #tpu.memory_space<vmem_shared>> -> memref<632x8xf32, #tpu.memory_space<vmem_shared>>
      %dma_wait3A_54 = arith.constant 0 : i32
      %dma_wait3A_55 = tpu.memref_slice %arg18[%mul3A_43, %dma_wait3A_54] : memref<10112x8xf32, #tpu.memory_space<vmem_shared>> -> memref<632x8xf32, #tpu.memory_space<vmem_shared>>
      tpu.wait_dma2 semaphore(%run_scoped3A : memref<!tpu.dma_semaphore, #tpu.memory_space<semaphore_mem>>) src(%dma_wait3A_55 : memref<632x8xf32, #tpu.memory_space<vmem_shared>>) dst(%arg17 : memref<632x8xf32, #tpu.memory_space<vmem>>)
      tpu.yield
    }) : () -> ()
    %mul3A_44 = arith.constant 10112 : i32
    %mul3A_45 = arith.muli %arg0, %mul3A_44 : i32
    %mul3A_46 = arith.constant 632 : i32
    %mul3A_47 = arith.muli %arg1, %mul3A_46 : i32
    %add3A_48 = arith.addi %mul3A_45, %mul3A_47 : i32
    "tpu.region"() ({
      %run_scoped3A = tpu.sem_alloc : memref<!tpu.dma_semaphore, #tpu.memory_space<semaphore_mem>>
      %dma_start3A_49 = arith.constant 0 : i32
      %dma_start3A_50 = tpu.memref_slice %arg6[%add3A_48, %dma_start3A_49] : memref<20224x8xf32, #tpu.memory_space<hbm>> -> memref<632x8xf32, #tpu.memory_space<hbm>>
      %dma_start3A_51 = arith.constant 0 : i32
      %dma_start3A_52 = tpu.memref_slice %arg6[%add3A_48, %dma_start3A_51] : memref<20224x8xf32, #tpu.memory_space<hbm>> -> memref<632x8xf32, #tpu.memory_space<hbm>>
      tpu.enqueue_dma source(%arg17 : memref<632x8xf32, #tpu.memory_space<vmem>>) target(%dma_start3A_52 : memref<632x8xf32, #tpu.memory_space<hbm>>) target_semaphore(%run_scoped3A : memref<!tpu.dma_semaphore, #tpu.memory_space<semaphore_mem>>)
      %dma_wait3A = arith.constant 0 : i32
      %dma_wait3A_53 = tpu.memref_slice %arg6[%add3A_48, %dma_wait3A] : memref<20224x8xf32, #tpu.memory_space<hbm>> -> memref<632x8xf32, #tpu.memory_space<hbm>>
      %dma_wait3A_54 = arith.constant 0 : i32
      %dma_wait3A_55 = tpu.memref_slice %arg6[%add3A_48, %dma_wait3A_54] : memref<20224x8xf32, #tpu.memory_space<hbm>> -> memref<632x8xf32, #tpu.memory_space<hbm>>
      tpu.wait_dma2 semaphore(%run_scoped3A : memref<!tpu.dma_semaphore, #tpu.memory_space<semaphore_mem>>) src(%arg17 : memref<632x8xf32, #tpu.memory_space<vmem>>) dst(%dma_wait3A_55 : memref<632x8xf32, #tpu.memory_space<hbm>>)
      tpu.yield
    }) : () -> ()
    return
  }
}

#map = affine_map<(d0, d1) -> (0, 0, 0)>
#map1 = affine_map<(d0, d1) -> (0)>
module attributes {stable_mosaic.version = 14 : i64} {
  func.func @_sc_degree(%arg0: i32, %arg1: i32, %arg2: memref<32x80x128xi32, #tpu.memory_space<hbm>>, %arg3: memref<20224xf32, #tpu.memory_space<hbm>>, %arg4: memref<80x128xi32, #tpu.memory_space<vmem>>, %arg5: memref<128xf32, #tpu.memory_space<vmem>>, %arg6: memref<632xf32, #tpu.memory_space<vmem>>, %arg7: memref<10112xf32, #tpu.memory_space<vmem_shared>>) attributes {dimension_semantics = [#tpu.dimension_semantics<core_parallel>, #tpu.dimension_semantics<subcore_parallel>], iteration_bounds = array<i64: 2, 16>, scalar_prefetch = 0 : i64, scratch_operands = 4 : i64, tpu.core_type = #tpu.core_type<sc_vector_subcore>, window_params = [{transform_indices = #map}, {transform_indices = #map1}]} {
    %mul3A = arith.constant 16 : i32
    %mul3A_0 = arith.muli %arg0, %mul3A : i32
    %add3A = arith.addi %mul3A_0, %arg1 : i32
    "tpu.region"() ({
      %run_scoped3A = tpu.sem_alloc : memref<!tpu.dma_semaphore, #tpu.memory_space<semaphore_mem>>
      %dma_start3A = arith.constant 0 : i32
      %dma_start3A_74 = arith.constant 0 : i32
      %dma_start3A_75 = tpu.memref_slice %arg2[%add3A, %dma_start3A, %dma_start3A_74] : memref<32x80x128xi32, #tpu.memory_space<hbm>> -> memref<1x80x128xi32, #tpu.memory_space<hbm>>
      %dma_start3A_76 = tpu.memref_squeeze %dma_start3A_75 : memref<1x80x128xi32, #tpu.memory_space<hbm>> -> memref<80x128xi32, #tpu.memory_space<hbm>>
      %dma_start3A_77 = arith.constant 0 : i32
      %dma_start3A_78 = arith.constant 0 : i32
      %dma_start3A_79 = tpu.memref_slice %arg2[%add3A, %dma_start3A_77, %dma_start3A_78] : memref<32x80x128xi32, #tpu.memory_space<hbm>> -> memref<1x80x128xi32, #tpu.memory_space<hbm>>
      %dma_start3A_80 = tpu.memref_squeeze %dma_start3A_79 : memref<1x80x128xi32, #tpu.memory_space<hbm>> -> memref<80x128xi32, #tpu.memory_space<hbm>>
      tpu.enqueue_dma source(%dma_start3A_80 : memref<80x128xi32, #tpu.memory_space<hbm>>) target(%arg4 : memref<80x128xi32, #tpu.memory_space<vmem>>) target_semaphore(%run_scoped3A : memref<!tpu.dma_semaphore, #tpu.memory_space<semaphore_mem>>)
      %dma_wait3A = arith.constant 0 : i32
      %dma_wait3A_81 = arith.constant 0 : i32
      %dma_wait3A_82 = tpu.memref_slice %arg2[%add3A, %dma_wait3A, %dma_wait3A_81] : memref<32x80x128xi32, #tpu.memory_space<hbm>> -> memref<1x80x128xi32, #tpu.memory_space<hbm>>
      %dma_wait3A_83 = tpu.memref_squeeze %dma_wait3A_82 : memref<1x80x128xi32, #tpu.memory_space<hbm>> -> memref<80x128xi32, #tpu.memory_space<hbm>>
      %dma_wait3A_84 = arith.constant 0 : i32
      %dma_wait3A_85 = arith.constant 0 : i32
      %dma_wait3A_86 = tpu.memref_slice %arg2[%add3A, %dma_wait3A_84, %dma_wait3A_85] : memref<32x80x128xi32, #tpu.memory_space<hbm>> -> memref<1x80x128xi32, #tpu.memory_space<hbm>>
      %dma_wait3A_87 = tpu.memref_squeeze %dma_wait3A_86 : memref<1x80x128xi32, #tpu.memory_space<hbm>> -> memref<80x128xi32, #tpu.memory_space<hbm>>
      tpu.wait_dma2 semaphore(%run_scoped3A : memref<!tpu.dma_semaphore, #tpu.memory_space<semaphore_mem>>) src(%dma_wait3A_87 : memref<80x128xi32, #tpu.memory_space<hbm>>) dst(%arg4 : memref<80x128xi32, #tpu.memory_space<vmem>>)
      tpu.yield
    }) : () -> ()
    %broadcast_in_dim3A = arith.constant 1.000000e+00 : f32
    %broadcast_in_dim3A_1 = vector.broadcast %broadcast_in_dim3A : f32 to vector<16xf32>
    %swap3A = arith.constant 0 : index
    %swap3A_2 = tpu.vector_load %arg5[%swap3A] {strides = array<i32>} : memref<128xf32, #tpu.memory_space<vmem>>, vector<16xf32>,
    %swap3A_3 = vector.shape_cast %swap3A_2 : vector<16xf32> to vector<16xf32>
    %swap3A_4 = vector.shape_cast %broadcast_in_dim3A_1 : vector<16xf32> to vector<16xf32>
    tpu.vector_store %arg5[%swap3A], %swap3A_4 {strides = array<i32>} : memref<128xf32, #tpu.memory_space<vmem>>, vector<16xf32>,
    %broadcast_in_dim3A_5 = arith.constant 1.000000e+00 : f32
    %broadcast_in_dim3A_6 = vector.broadcast %broadcast_in_dim3A_5 : f32 to vector<16xf32>
    %swap3A_7 = arith.constant 16 : index
    %swap3A_8 = tpu.vector_load %arg5[%swap3A_7] {strides = array<i32>} : memref<128xf32, #tpu.memory_space<vmem>>, vector<16xf32>,
    %swap3A_9 = vector.shape_cast %swap3A_8 : vector<16xf32> to vector<16xf32>
    %swap3A_10 = vector.shape_cast %broadcast_in_dim3A_6 : vector<16xf32> to vector<16xf32>
    tpu.vector_store %arg5[%swap3A_7], %swap3A_10 {strides = array<i32>} : memref<128xf32, #tpu.memory_space<vmem>>, vector<16xf32>,
    %broadcast_in_dim3A_11 = arith.constant 1.000000e+00 : f32
    %broadcast_in_dim3A_12 = vector.broadcast %broadcast_in_dim3A_11 : f32 to vector<16xf32>
    %swap3A_13 = arith.constant 32 : index
    %swap3A_14 = tpu.vector_load %arg5[%swap3A_13] {strides = array<i32>} : memref<128xf32, #tpu.memory_space<vmem>>, vector<16xf32>,
    %swap3A_15 = vector.shape_cast %swap3A_14 : vector<16xf32> to vector<16xf32>
    %swap3A_16 = vector.shape_cast %broadcast_in_dim3A_12 : vector<16xf32> to vector<16xf32>
    tpu.vector_store %arg5[%swap3A_13], %swap3A_16 {strides = array<i32>} : memref<128xf32, #tpu.memory_space<vmem>>, vector<16xf32>,
    %broadcast_in_dim3A_17 = arith.constant 1.000000e+00 : f32
    %broadcast_in_dim3A_18 = vector.broadcast %broadcast_in_dim3A_17 : f32 to vector<16xf32>
    %swap3A_19 = arith.constant 48 : index
    %swap3A_20 = tpu.vector_load %arg5[%swap3A_19] {strides = array<i32>} : memref<128xf32, #tpu.memory_space<vmem>>, vector<16xf32>,
    %swap3A_21 = vector.shape_cast %swap3A_20 : vector<16xf32> to vector<16xf32>
    %swap3A_22 = vector.shape_cast %broadcast_in_dim3A_18 : vector<16xf32> to vector<16xf32>
    tpu.vector_store %arg5[%swap3A_19], %swap3A_22 {strides = array<i32>} : memref<128xf32, #tpu.memory_space<vmem>>, vector<16xf32>,
    %broadcast_in_dim3A_23 = arith.constant 1.000000e+00 : f32
    %broadcast_in_dim3A_24 = vector.broadcast %broadcast_in_dim3A_23 : f32 to vector<16xf32>
    %swap3A_25 = arith.constant 64 : index
    %swap3A_26 = tpu.vector_load %arg5[%swap3A_25] {strides = array<i32>} : memref<128xf32, #tpu.memory_space<vmem>>, vector<16xf32>,
    %swap3A_27 = vector.shape_cast %swap3A_26 : vector<16xf32> to vector<16xf32>
    %swap3A_28 = vector.shape_cast %broadcast_in_dim3A_24 : vector<16xf32> to vector<16xf32>
    tpu.vector_store %arg5[%swap3A_25], %swap3A_28 {strides = array<i32>} : memref<128xf32, #tpu.memory_space<vmem>>, vector<16xf32>,
    %broadcast_in_dim3A_29 = arith.constant 1.000000e+00 : f32
    %broadcast_in_dim3A_30 = vector.broadcast %broadcast_in_dim3A_29 : f32 to vector<16xf32>
    %swap3A_31 = arith.constant 80 : index
    %swap3A_32 = tpu.vector_load %arg5[%swap3A_31] {strides = array<i32>} : memref<128xf32, #tpu.memory_space<vmem>>, vector<16xf32>,
    %swap3A_33 = vector.shape_cast %swap3A_32 : vector<16xf32> to vector<16xf32>
    %swap3A_34 = vector.shape_cast %broadcast_in_dim3A_30 : vector<16xf32> to vector<16xf32>
    tpu.vector_store %arg5[%swap3A_31], %swap3A_34 {strides = array<i32>} : memref<128xf32, #tpu.memory_space<vmem>>, vector<16xf32>,
    %broadcast_in_dim3A_35 = arith.constant 1.000000e+00 : f32
    %broadcast_in_dim3A_36 = vector.broadcast %broadcast_in_dim3A_35 : f32 to vector<16xf32>
    %swap3A_37 = arith.constant 96 : index
    %swap3A_38 = tpu.vector_load %arg5[%swap3A_37] {strides = array<i32>} : memref<128xf32, #tpu.memory_space<vmem>>, vector<16xf32>,
    %swap3A_39 = vector.shape_cast %swap3A_38 : vector<16xf32> to vector<16xf32>
    %swap3A_40 = vector.shape_cast %broadcast_in_dim3A_36 : vector<16xf32> to vector<16xf32>
    tpu.vector_store %arg5[%swap3A_37], %swap3A_40 {strides = array<i32>} : memref<128xf32, #tpu.memory_space<vmem>>, vector<16xf32>,
    %broadcast_in_dim3A_41 = arith.constant 1.000000e+00 : f32
    %broadcast_in_dim3A_42 = vector.broadcast %broadcast_in_dim3A_41 : f32 to vector<16xf32>
    %swap3A_43 = arith.constant 112 : index
    %swap3A_44 = tpu.vector_load %arg5[%swap3A_43] {strides = array<i32>} : memref<128xf32, #tpu.memory_space<vmem>>, vector<16xf32>,
    %swap3A_45 = vector.shape_cast %swap3A_44 : vector<16xf32> to vector<16xf32>
    %swap3A_46 = vector.shape_cast %broadcast_in_dim3A_42 : vector<16xf32> to vector<16xf32>
    tpu.vector_store %arg5[%swap3A_43], %swap3A_46 {strides = array<i32>} : memref<128xf32, #tpu.memory_space<vmem>>, vector<16xf32>,
    %scan3A = arith.constant 0 : i32
    %scan3A_47 = arith.constant 0 : i32
    %scan3A_48 = arith.constant 39 : i32
    %scan3A_49 = arith.addi %scan3A_47, %scan3A_48 : i32
    %scan3A_50 = arith.constant 1 : i32
    scf.for %scan3A_74 = %scan3A_47 to %scan3A_49 step %scan3A_50  : i32 {
      %broadcast_in_dim3A_75 = arith.constant 0.000000e+00 : f32
      %broadcast_in_dim3A_76 = vector.broadcast %broadcast_in_dim3A_75 : f32 to vector<16xf32>
      %mul3A_77 = arith.constant 16 : i32
      %mul3A_78 = arith.muli %scan3A_74, %mul3A_77 : i32
      %swap3A_79 = arith.index_cast %mul3A_78 : i32 to index
      %swap3A_80 = tpu.vector_load %arg6[%swap3A_79] {strides = array<i32>} : memref<632xf32, #tpu.memory_space<vmem>>, vector<16xf32>,
      %swap3A_81 = vector.shape_cast %swap3A_80 : vector<16xf32> to vector<16xf32>
      %swap3A_82 = vector.shape_cast %broadcast_in_dim3A_76 : vector<16xf32> to vector<16xf32>
      tpu.vector_store %arg6[%swap3A_79], %swap3A_82 {strides = array<i32>} : memref<632xf32, #tpu.memory_space<vmem>>, vector<16xf32>,
    }
    %scan3A_51 = arith.constant 39 : i32
    %broadcast_in_dim3A_52 = arith.constant 0.000000e+00 : f32
    %broadcast_in_dim3A_53 = vector.broadcast %broadcast_in_dim3A_52 : f32 to vector<16xf32>
    %swap3A_54 = arith.constant 616 : index
    %swap3A_55 = tpu.vector_load %arg6[%swap3A_54] {strides = array<i32>} : memref<632xf32, #tpu.memory_space<vmem>>, vector<16xf32>,
    %swap3A_56 = vector.shape_cast %swap3A_55 : vector<16xf32> to vector<16xf32>
    %swap3A_57 = vector.shape_cast %broadcast_in_dim3A_53 : vector<16xf32> to vector<16xf32>
    tpu.vector_store %arg6[%swap3A_54], %swap3A_57 {strides = array<i32>} : memref<632xf32, #tpu.memory_space<vmem>>, vector<16xf32>,
    %mul3A_58 = arith.constant 632 : i32
    %mul3A_59 = arith.muli %arg1, %mul3A_58 : i32
    "tpu.region"() ({
      %run_scoped3A = tpu.sem_alloc : memref<!tpu.dma_semaphore, #tpu.memory_space<semaphore_mem>>
      %dma_start3A = tpu.memref_slice %arg7[%mul3A_59] : memref<10112xf32, #tpu.memory_space<vmem_shared>> -> memref<632xf32, #tpu.memory_space<vmem_shared>>
      %dma_start3A_74 = tpu.memref_slice %arg7[%mul3A_59] : memref<10112xf32, #tpu.memory_space<vmem_shared>> -> memref<632xf32, #tpu.memory_space<vmem_shared>>
      tpu.enqueue_dma source(%arg6 : memref<632xf32, #tpu.memory_space<vmem>>) target(%dma_start3A_74 : memref<632xf32, #tpu.memory_space<vmem_shared>>) target_semaphore(%run_scoped3A : memref<!tpu.dma_semaphore, #tpu.memory_space<semaphore_mem>>)
      %dma_wait3A = tpu.memref_slice %arg7[%mul3A_59] : memref<10112xf32, #tpu.memory_space<vmem_shared>> -> memref<632xf32, #tpu.memory_space<vmem_shared>>
      %dma_wait3A_75 = tpu.memref_slice %arg7[%mul3A_59] : memref<10112xf32, #tpu.memory_space<vmem_shared>> -> memref<632xf32, #tpu.memory_space<vmem_shared>>
      tpu.wait_dma2 semaphore(%run_scoped3A : memref<!tpu.dma_semaphore, #tpu.memory_space<semaphore_mem>>) src(%arg6 : memref<632xf32, #tpu.memory_space<vmem>>) dst(%dma_wait3A_75 : memref<632xf32, #tpu.memory_space<vmem_shared>>)
      tpu.yield
    }) : () -> ()
    %barrier3A = arith.constant 0 : index
    tpu.barrier barrier_id(%barrier3A)
    %scan3A_60 = arith.constant 0 : i32
    %scan3A_61 = arith.constant 0 : i32
    %scan3A_62 = arith.constant 80 : i32
    %scan3A_63 = arith.addi %scan3A_61, %scan3A_62 : i32
    %scan3A_64 = arith.constant 1 : i32
    scf.for %scan3A_74 = %scan3A_61 to %scan3A_63 step %scan3A_64  : i32 {
      "tpu.region"() ({
        %run_scoped3A = tpu.sem_alloc : memref<!tpu.dma_semaphore, #tpu.memory_space<semaphore_mem>>
        %dma_start3A = arith.constant 0 : i32
        %dma_start3A_75 = tpu.memref_slice %arg4[%scan3A_74, %dma_start3A] : memref<80x128xi32, #tpu.memory_space<vmem>> -> memref<1x128xi32, #tpu.memory_space<vmem>>
        %dma_start3A_76 = tpu.memref_squeeze %dma_start3A_75 : memref<1x128xi32, #tpu.memory_space<vmem>> -> memref<128xi32, #tpu.memory_space<vmem>>
        %dma_start3A_77 = arith.constant 0 : i32
        %dma_start3A_78 = tpu.memref_slice %arg7[%dma_start3A_77] : memref<10112xf32, #tpu.memory_space<vmem_shared>> -> memref<10112xf32, #tpu.memory_space<vmem_shared>>
        tpu.enqueue_indirect_dma source(%arg5 : memref<128xf32, #tpu.memory_space<vmem>>) target(%dma_start3A_78 : memref<10112xf32, #tpu.memory_space<vmem_shared>>) offsets(%dma_start3A_76 : memref<128xi32, #tpu.memory_space<vmem>>) semaphore(%run_scoped3A : memref<!tpu.dma_semaphore, #tpu.memory_space<semaphore_mem>>) {add = true}
        %dma_wait3A = arith.constant 0 : i32
        %dma_wait3A_79 = tpu.memref_slice %arg4[%scan3A_74, %dma_wait3A] : memref<80x128xi32, #tpu.memory_space<vmem>> -> memref<1x128xi32, #tpu.memory_space<vmem>>
        %dma_wait3A_80 = tpu.memref_squeeze %dma_wait3A_79 : memref<1x128xi32, #tpu.memory_space<vmem>> -> memref<128xi32, #tpu.memory_space<vmem>>
        %dma_wait3A_81 = arith.constant 0 : i32
        %dma_wait3A_82 = tpu.memref_slice %arg7[%dma_wait3A_81] : memref<10112xf32, #tpu.memory_space<vmem_shared>> -> memref<10112xf32, #tpu.memory_space<vmem_shared>>
        tpu.wait_indirect_dma semaphore(%run_scoped3A : memref<!tpu.dma_semaphore, #tpu.memory_space<semaphore_mem>>) src(%arg5 : memref<128xf32, #tpu.memory_space<vmem>>) dst(%dma_wait3A_82 : memref<10112xf32, #tpu.memory_space<vmem_shared>>)
        tpu.yield
      }) : () -> ()
    }
    %scan3A_65 = arith.constant 80 : i32
    %barrier3A_66 = arith.constant 0 : index
    tpu.barrier barrier_id(%barrier3A_66)
    %mul3A_67 = arith.constant 632 : i32
    %mul3A_68 = arith.muli %arg1, %mul3A_67 : i32
    "tpu.region"() ({
      %run_scoped3A = tpu.sem_alloc : memref<!tpu.dma_semaphore, #tpu.memory_space<semaphore_mem>>
      %dma_start3A = tpu.memref_slice %arg7[%mul3A_68] : memref<10112xf32, #tpu.memory_space<vmem_shared>> -> memref<632xf32, #tpu.memory_space<vmem_shared>>
      %dma_start3A_74 = tpu.memref_slice %arg7[%mul3A_68] : memref<10112xf32, #tpu.memory_space<vmem_shared>> -> memref<632xf32, #tpu.memory_space<vmem_shared>>
      tpu.enqueue_dma source(%dma_start3A_74 : memref<632xf32, #tpu.memory_space<vmem_shared>>) target(%arg6 : memref<632xf32, #tpu.memory_space<vmem>>) target_semaphore(%run_scoped3A : memref<!tpu.dma_semaphore, #tpu.memory_space<semaphore_mem>>)
      %dma_wait3A = tpu.memref_slice %arg7[%mul3A_68] : memref<10112xf32, #tpu.memory_space<vmem_shared>> -> memref<632xf32, #tpu.memory_space<vmem_shared>>
      %dma_wait3A_75 = tpu.memref_slice %arg7[%mul3A_68] : memref<10112xf32, #tpu.memory_space<vmem_shared>> -> memref<632xf32, #tpu.memory_space<vmem_shared>>
      tpu.wait_dma2 semaphore(%run_scoped3A : memref<!tpu.dma_semaphore, #tpu.memory_space<semaphore_mem>>) src(%dma_wait3A_75 : memref<632xf32, #tpu.memory_space<vmem_shared>>) dst(%arg6 : memref<632xf32, #tpu.memory_space<vmem>>)
      tpu.yield
    }) : () -> ()
    %mul3A_69 = arith.constant 10112 : i32
    %mul3A_70 = arith.muli %arg0, %mul3A_69 : i32
    %mul3A_71 = arith.constant 632 : i32
    %mul3A_72 = arith.muli %arg1, %mul3A_71 : i32
    %add3A_73 = arith.addi %mul3A_70, %mul3A_72 : i32
    "tpu.region"() ({
      %run_scoped3A = tpu.sem_alloc : memref<!tpu.dma_semaphore, #tpu.memory_space<semaphore_mem>>
      %dma_start3A = tpu.memref_slice %arg3[%add3A_73] : memref<20224xf32, #tpu.memory_space<hbm>> -> memref<632xf32, #tpu.memory_space<hbm>>
      %dma_start3A_74 = tpu.memref_slice %arg3[%add3A_73] : memref<20224xf32, #tpu.memory_space<hbm>> -> memref<632xf32, #tpu.memory_space<hbm>>
      tpu.enqueue_dma source(%arg6 : memref<632xf32, #tpu.memory_space<vmem>>) target(%dma_start3A_74 : memref<632xf32, #tpu.memory_space<hbm>>) target_semaphore(%run_scoped3A : memref<!tpu.dma_semaphore, #tpu.memory_space<semaphore_mem>>)
      %dma_wait3A = tpu.memref_slice %arg3[%add3A_73] : memref<20224xf32, #tpu.memory_space<hbm>> -> memref<632xf32, #tpu.memory_space<hbm>>
      %dma_wait3A_75 = tpu.memref_slice %arg3[%add3A_73] : memref<20224xf32, #tpu.memory_space<hbm>> -> memref<632xf32, #tpu.memory_space<hbm>>
      tpu.wait_dma2 semaphore(%run_scoped3A : memref<!tpu.dma_semaphore, #tpu.memory_space<semaphore_mem>>) src(%arg6 : memref<632xf32, #tpu.memory_space<vmem>>) dst(%dma_wait3A_75 : memref<632xf32, #tpu.memory_space<hbm>>)
      tpu.yield
    }) : () -> ()
    return
  }
}

#map = affine_map<(d0, d1) -> (0, 0)>
#map1 = affine_map<(d0, d1) -> (0, 0, 0)>
module attributes {stable_mosaic.version = 14 : i64} {
  func.func @_sc_agg(%arg0: i32, %arg1: i32, %arg2: memref<10000x40xf32, #tpu.memory_space<hbm>>, %arg3: memref<32x80x128xi32, #tpu.memory_space<hbm>>, %arg4: memref<32x80x128xi32, #tpu.memory_space<hbm>>, %arg5: memref<10112x40xf32, #tpu.memory_space<hbm>>, %arg6: memref<20224x40xf32, #tpu.memory_space<hbm>>, %arg7: memref<80x128xi32, #tpu.memory_space<vmem>>, %arg8: memref<80x128xi32, #tpu.memory_space<vmem>>, %arg9: memref<128x40xf32, #tpu.memory_space<vmem>>, %arg10: memref<128x40xf32, #tpu.memory_space<vmem>>, %arg11: memref<128x40xf32, #tpu.memory_space<vmem>>, %arg12: memref<128x40xf32, #tpu.memory_space<vmem>>, %arg13: memref<!tpu.dma_semaphore, #tpu.memory_space<semaphore_mem>>, %arg14: memref<!tpu.dma_semaphore, #tpu.memory_space<semaphore_mem>>, %arg15: memref<!tpu.dma_semaphore, #tpu.memory_space<semaphore_mem>>, %arg16: memref<!tpu.dma_semaphore, #tpu.memory_space<semaphore_mem>>, %arg17: memref<632x40xf32, #tpu.memory_space<vmem>>, %arg18: memref<10112x40xf32, #tpu.memory_space<vmem_shared>>, %arg19: memref<10000x40xf32, #tpu.memory_space<vmem_shared>>) attributes {dimension_semantics = [#tpu.dimension_semantics<core_parallel>, #tpu.dimension_semantics<subcore_parallel>], iteration_bounds = array<i64: 2, 16>, scalar_prefetch = 0 : i64, scratch_operands = 13 : i64, tpu.core_type = #tpu.core_type<sc_vector_subcore>, window_params = [{transform_indices = #map}, {transform_indices = #map1}, {transform_indices = #map1}, {transform_indices = #map}, {transform_indices = #map}]} {
    %mul3A = arith.constant 16 : i32
    %mul3A_0 = arith.muli %arg0, %mul3A : i32
    %add3A = arith.addi %mul3A_0, %arg1 : i32
    "tpu.region"() ({
      %run_scoped3A = tpu.sem_alloc : memref<!tpu.dma_semaphore, #tpu.memory_space<semaphore_mem>>
      %dma_start3A_49 = arith.constant 0 : i32
      %dma_start3A_50 = arith.constant 0 : i32
      %dma_start3A_51 = tpu.memref_slice %arg3[%add3A, %dma_start3A_49, %dma_start3A_50] : memref<32x80x128xi32, #tpu.memory_space<hbm>> -> memref<1x80x128xi32, #tpu.memory_space<hbm>>
      %dma_start3A_52 = tpu.memref_squeeze %dma_start3A_51 : memref<1x80x128xi32, #tpu.memory_space<hbm>> -> memref<80x128xi32, #tpu.memory_space<hbm>>
      %dma_start3A_53 = arith.constant 0 : i32
      %dma_start3A_54 = arith.constant 0 : i32
      %dma_start3A_55 = tpu.memref_slice %arg3[%add3A, %dma_start3A_53, %dma_start3A_54] : memref<32x80x128xi32, #tpu.memory_space<hbm>> -> memref<1x80x128xi32, #tpu.memory_space<hbm>>
      %dma_start3A_56 = tpu.memref_squeeze %dma_start3A_55 : memref<1x80x128xi32, #tpu.memory_space<hbm>> -> memref<80x128xi32, #tpu.memory_space<hbm>>
      tpu.enqueue_dma source(%dma_start3A_56 : memref<80x128xi32, #tpu.memory_space<hbm>>) target(%arg7 : memref<80x128xi32, #tpu.memory_space<vmem>>) target_semaphore(%run_scoped3A : memref<!tpu.dma_semaphore, #tpu.memory_space<semaphore_mem>>)
      %dma_wait3A = arith.constant 0 : i32
      %dma_wait3A_57 = arith.constant 0 : i32
      %dma_wait3A_58 = tpu.memref_slice %arg3[%add3A, %dma_wait3A, %dma_wait3A_57] : memref<32x80x128xi32, #tpu.memory_space<hbm>> -> memref<1x80x128xi32, #tpu.memory_space<hbm>>
      %dma_wait3A_59 = tpu.memref_squeeze %dma_wait3A_58 : memref<1x80x128xi32, #tpu.memory_space<hbm>> -> memref<80x128xi32, #tpu.memory_space<hbm>>
      %dma_wait3A_60 = arith.constant 0 : i32
      %dma_wait3A_61 = arith.constant 0 : i32
      %dma_wait3A_62 = tpu.memref_slice %arg3[%add3A, %dma_wait3A_60, %dma_wait3A_61] : memref<32x80x128xi32, #tpu.memory_space<hbm>> -> memref<1x80x128xi32, #tpu.memory_space<hbm>>
      %dma_wait3A_63 = tpu.memref_squeeze %dma_wait3A_62 : memref<1x80x128xi32, #tpu.memory_space<hbm>> -> memref<80x128xi32, #tpu.memory_space<hbm>>
      tpu.wait_dma2 semaphore(%run_scoped3A : memref<!tpu.dma_semaphore, #tpu.memory_space<semaphore_mem>>) src(%dma_wait3A_63 : memref<80x128xi32, #tpu.memory_space<hbm>>) dst(%arg7 : memref<80x128xi32, #tpu.memory_space<vmem>>)
      tpu.yield
    }) : () -> ()
    "tpu.region"() ({
      %run_scoped3A = tpu.sem_alloc : memref<!tpu.dma_semaphore, #tpu.memory_space<semaphore_mem>>
      %dma_start3A_49 = arith.constant 0 : i32
      %dma_start3A_50 = arith.constant 0 : i32
      %dma_start3A_51 = tpu.memref_slice %arg4[%add3A, %dma_start3A_49, %dma_start3A_50] : memref<32x80x128xi32, #tpu.memory_space<hbm>> -> memref<1x80x128xi32, #tpu.memory_space<hbm>>
      %dma_start3A_52 = tpu.memref_squeeze %dma_start3A_51 : memref<1x80x128xi32, #tpu.memory_space<hbm>> -> memref<80x128xi32, #tpu.memory_space<hbm>>
      %dma_start3A_53 = arith.constant 0 : i32
      %dma_start3A_54 = arith.constant 0 : i32
      %dma_start3A_55 = tpu.memref_slice %arg4[%add3A, %dma_start3A_53, %dma_start3A_54] : memref<32x80x128xi32, #tpu.memory_space<hbm>> -> memref<1x80x128xi32, #tpu.memory_space<hbm>>
      %dma_start3A_56 = tpu.memref_squeeze %dma_start3A_55 : memref<1x80x128xi32, #tpu.memory_space<hbm>> -> memref<80x128xi32, #tpu.memory_space<hbm>>
      tpu.enqueue_dma source(%dma_start3A_56 : memref<80x128xi32, #tpu.memory_space<hbm>>) target(%arg8 : memref<80x128xi32, #tpu.memory_space<vmem>>) target_semaphore(%run_scoped3A : memref<!tpu.dma_semaphore, #tpu.memory_space<semaphore_mem>>)
      %dma_wait3A = arith.constant 0 : i32
      %dma_wait3A_57 = arith.constant 0 : i32
      %dma_wait3A_58 = tpu.memref_slice %arg4[%add3A, %dma_wait3A, %dma_wait3A_57] : memref<32x80x128xi32, #tpu.memory_space<hbm>> -> memref<1x80x128xi32, #tpu.memory_space<hbm>>
      %dma_wait3A_59 = tpu.memref_squeeze %dma_wait3A_58 : memref<1x80x128xi32, #tpu.memory_space<hbm>> -> memref<80x128xi32, #tpu.memory_space<hbm>>
      %dma_wait3A_60 = arith.constant 0 : i32
      %dma_wait3A_61 = arith.constant 0 : i32
      %dma_wait3A_62 = tpu.memref_slice %arg4[%add3A, %dma_wait3A_60, %dma_wait3A_61] : memref<32x80x128xi32, #tpu.memory_space<hbm>> -> memref<1x80x128xi32, #tpu.memory_space<hbm>>
      %dma_wait3A_63 = tpu.memref_squeeze %dma_wait3A_62 : memref<1x80x128xi32, #tpu.memory_space<hbm>> -> memref<80x128xi32, #tpu.memory_space<hbm>>
      tpu.wait_dma2 semaphore(%run_scoped3A : memref<!tpu.dma_semaphore, #tpu.memory_space<semaphore_mem>>) src(%dma_wait3A_63 : memref<80x128xi32, #tpu.memory_space<hbm>>) dst(%arg8 : memref<80x128xi32, #tpu.memory_space<vmem>>)
      tpu.yield
    }) : () -> ()
    %mul3A_1 = arith.constant 625 : i32
    %mul3A_2 = arith.muli %arg1, %mul3A_1 : i32
    "tpu.region"() ({
      %run_scoped3A = tpu.sem_alloc : memref<!tpu.dma_semaphore, #tpu.memory_space<semaphore_mem>>
      %dma_start3A_49 = arith.constant 0 : i32
      %dma_start3A_50 = arith.constant 0 : i32
      %dma_start3A_51 = tpu.memref_slice %arg17[%dma_start3A_49, %dma_start3A_50] : memref<632x40xf32, #tpu.memory_space<vmem>> -> memref<625x40xf32, #tpu.memory_space<vmem>>
      %dma_start3A_52 = arith.constant 0 : i32
      %dma_start3A_53 = tpu.memref_slice %arg2[%mul3A_2, %dma_start3A_52] : memref<10000x40xf32, #tpu.memory_space<hbm>> -> memref<625x40xf32, #tpu.memory_space<hbm>>
      %dma_start3A_54 = arith.constant 0 : i32
      %dma_start3A_55 = arith.constant 0 : i32
      %dma_start3A_56 = tpu.memref_slice %arg17[%dma_start3A_54, %dma_start3A_55] : memref<632x40xf32, #tpu.memory_space<vmem>> -> memref<625x40xf32, #tpu.memory_space<vmem>>
      %dma_start3A_57 = arith.constant 0 : i32
      %dma_start3A_58 = tpu.memref_slice %arg2[%mul3A_2, %dma_start3A_57] : memref<10000x40xf32, #tpu.memory_space<hbm>> -> memref<625x40xf32, #tpu.memory_space<hbm>>
      tpu.enqueue_dma source(%dma_start3A_58 : memref<625x40xf32, #tpu.memory_space<hbm>>) target(%dma_start3A_56 : memref<625x40xf32, #tpu.memory_space<vmem>>) target_semaphore(%run_scoped3A : memref<!tpu.dma_semaphore, #tpu.memory_space<semaphore_mem>>)
      %dma_wait3A = arith.constant 0 : i32
      %dma_wait3A_59 = arith.constant 0 : i32
      %dma_wait3A_60 = tpu.memref_slice %arg17[%dma_wait3A, %dma_wait3A_59] : memref<632x40xf32, #tpu.memory_space<vmem>> -> memref<625x40xf32, #tpu.memory_space<vmem>>
      %dma_wait3A_61 = arith.constant 0 : i32
      %dma_wait3A_62 = tpu.memref_slice %arg2[%mul3A_2, %dma_wait3A_61] : memref<10000x40xf32, #tpu.memory_space<hbm>> -> memref<625x40xf32, #tpu.memory_space<hbm>>
      %dma_wait3A_63 = arith.constant 0 : i32
      %dma_wait3A_64 = arith.constant 0 : i32
      %dma_wait3A_65 = tpu.memref_slice %arg17[%dma_wait3A_63, %dma_wait3A_64] : memref<632x40xf32, #tpu.memory_space<vmem>> -> memref<625x40xf32, #tpu.memory_space<vmem>>
      %dma_wait3A_66 = arith.constant 0 : i32
      %dma_wait3A_67 = tpu.memref_slice %arg2[%mul3A_2, %dma_wait3A_66] : memref<10000x40xf32, #tpu.memory_space<hbm>> -> memref<625x40xf32, #tpu.memory_space<hbm>>
      tpu.wait_dma2 semaphore(%run_scoped3A : memref<!tpu.dma_semaphore, #tpu.memory_space<semaphore_mem>>) src(%dma_wait3A_67 : memref<625x40xf32, #tpu.memory_space<hbm>>) dst(%dma_wait3A_65 : memref<625x40xf32, #tpu.memory_space<vmem>>)
      tpu.yield
    }) : () -> ()
    %mul3A_3 = arith.constant 625 : i32
    %mul3A_4 = arith.muli %arg1, %mul3A_3 : i32
    "tpu.region"() ({
      %run_scoped3A = tpu.sem_alloc : memref<!tpu.dma_semaphore, #tpu.memory_space<semaphore_mem>>
      %dma_start3A_49 = arith.constant 0 : i32
      %dma_start3A_50 = arith.constant 0 : i32
      %dma_start3A_51 = tpu.memref_slice %arg17[%dma_start3A_49, %dma_start3A_50] : memref<632x40xf32, #tpu.memory_space<vmem>> -> memref<625x40xf32, #tpu.memory_space<vmem>>
      %dma_start3A_52 = arith.constant 0 : i32
      %dma_start3A_53 = tpu.memref_slice %arg19[%mul3A_4, %dma_start3A_52] : memref<10000x40xf32, #tpu.memory_space<vmem_shared>> -> memref<625x40xf32, #tpu.memory_space<vmem_shared>>
      %dma_start3A_54 = arith.constant 0 : i32
      %dma_start3A_55 = tpu.memref_slice %arg19[%mul3A_4, %dma_start3A_54] : memref<10000x40xf32, #tpu.memory_space<vmem_shared>> -> memref<625x40xf32, #tpu.memory_space<vmem_shared>>
      %dma_start3A_56 = arith.constant 0 : i32
      %dma_start3A_57 = arith.constant 0 : i32
      %dma_start3A_58 = tpu.memref_slice %arg17[%dma_start3A_56, %dma_start3A_57] : memref<632x40xf32, #tpu.memory_space<vmem>> -> memref<625x40xf32, #tpu.memory_space<vmem>>
      tpu.enqueue_dma source(%dma_start3A_58 : memref<625x40xf32, #tpu.memory_space<vmem>>) target(%dma_start3A_55 : memref<625x40xf32, #tpu.memory_space<vmem_shared>>) target_semaphore(%run_scoped3A : memref<!tpu.dma_semaphore, #tpu.memory_space<semaphore_mem>>)
      %dma_wait3A = arith.constant 0 : i32
      %dma_wait3A_59 = arith.constant 0 : i32
      %dma_wait3A_60 = tpu.memref_slice %arg17[%dma_wait3A, %dma_wait3A_59] : memref<632x40xf32, #tpu.memory_space<vmem>> -> memref<625x40xf32, #tpu.memory_space<vmem>>
      %dma_wait3A_61 = arith.constant 0 : i32
      %dma_wait3A_62 = tpu.memref_slice %arg19[%mul3A_4, %dma_wait3A_61] : memref<10000x40xf32, #tpu.memory_space<vmem_shared>> -> memref<625x40xf32, #tpu.memory_space<vmem_shared>>
      %dma_wait3A_63 = arith.constant 0 : i32
      %dma_wait3A_64 = tpu.memref_slice %arg19[%mul3A_4, %dma_wait3A_63] : memref<10000x40xf32, #tpu.memory_space<vmem_shared>> -> memref<625x40xf32, #tpu.memory_space<vmem_shared>>
      %dma_wait3A_65 = arith.constant 0 : i32
      %dma_wait3A_66 = arith.constant 0 : i32
      %dma_wait3A_67 = tpu.memref_slice %arg17[%dma_wait3A_65, %dma_wait3A_66] : memref<632x40xf32, #tpu.memory_space<vmem>> -> memref<625x40xf32, #tpu.memory_space<vmem>>
      tpu.wait_dma2 semaphore(%run_scoped3A : memref<!tpu.dma_semaphore, #tpu.memory_space<semaphore_mem>>) src(%dma_wait3A_67 : memref<625x40xf32, #tpu.memory_space<vmem>>) dst(%dma_wait3A_64 : memref<625x40xf32, #tpu.memory_space<vmem_shared>>)
      tpu.yield
    }) : () -> ()
    %mul3A_5 = arith.constant 632 : i32
    %mul3A_6 = arith.muli %arg1, %mul3A_5 : i32
    "tpu.region"() ({
      %run_scoped3A = tpu.sem_alloc : memref<!tpu.dma_semaphore, #tpu.memory_space<semaphore_mem>>
      %dma_start3A_49 = arith.constant 0 : i32
      %dma_start3A_50 = tpu.memref_slice %arg5[%mul3A_6, %dma_start3A_49] : memref<10112x40xf32, #tpu.memory_space<hbm>> -> memref<632x40xf32, #tpu.memory_space<hbm>>
      %dma_start3A_51 = arith.constant 0 : i32
      %dma_start3A_52 = tpu.memref_slice %arg5[%mul3A_6, %dma_start3A_51] : memref<10112x40xf32, #tpu.memory_space<hbm>> -> memref<632x40xf32, #tpu.memory_space<hbm>>
      tpu.enqueue_dma source(%dma_start3A_52 : memref<632x40xf32, #tpu.memory_space<hbm>>) target(%arg17 : memref<632x40xf32, #tpu.memory_space<vmem>>) target_semaphore(%run_scoped3A : memref<!tpu.dma_semaphore, #tpu.memory_space<semaphore_mem>>)
      %dma_wait3A = arith.constant 0 : i32
      %dma_wait3A_53 = tpu.memref_slice %arg5[%mul3A_6, %dma_wait3A] : memref<10112x40xf32, #tpu.memory_space<hbm>> -> memref<632x40xf32, #tpu.memory_space<hbm>>
      %dma_wait3A_54 = arith.constant 0 : i32
      %dma_wait3A_55 = tpu.memref_slice %arg5[%mul3A_6, %dma_wait3A_54] : memref<10112x40xf32, #tpu.memory_space<hbm>> -> memref<632x40xf32, #tpu.memory_space<hbm>>
      tpu.wait_dma2 semaphore(%run_scoped3A : memref<!tpu.dma_semaphore, #tpu.memory_space<semaphore_mem>>) src(%dma_wait3A_55 : memref<632x40xf32, #tpu.memory_space<hbm>>) dst(%arg17 : memref<632x40xf32, #tpu.memory_space<vmem>>)
      tpu.yield
    }) : () -> ()
    %mul3A_7 = arith.constant 632 : i32
    %mul3A_8 = arith.muli %arg1, %mul3A_7 : i32
    "tpu.region"() ({
      %run_scoped3A = tpu.sem_alloc : memref<!tpu.dma_semaphore, #tpu.memory_space<semaphore_mem>>
      %dma_start3A_49 = arith.constant 0 : i32
      %dma_start3A_50 = tpu.memref_slice %arg18[%mul3A_8, %dma_start3A_49] : memref<10112x40xf32, #tpu.memory_space<vmem_shared>> -> memref<632x40xf32, #tpu.memory_space<vmem_shared>>
      %dma_start3A_51 = arith.constant 0 : i32
      %dma_start3A_52 = tpu.memref_slice %arg18[%mul3A_8, %dma_start3A_51] : memref<10112x40xf32, #tpu.memory_space<vmem_shared>> -> memref<632x40xf32, #tpu.memory_space<vmem_shared>>
      tpu.enqueue_dma source(%arg17 : memref<632x40xf32, #tpu.memory_space<vmem>>) target(%dma_start3A_52 : memref<632x40xf32, #tpu.memory_space<vmem_shared>>) target_semaphore(%run_scoped3A : memref<!tpu.dma_semaphore, #tpu.memory_space<semaphore_mem>>)
      %dma_wait3A = arith.constant 0 : i32
      %dma_wait3A_53 = tpu.memref_slice %arg18[%mul3A_8, %dma_wait3A] : memref<10112x40xf32, #tpu.memory_space<vmem_shared>> -> memref<632x40xf32, #tpu.memory_space<vmem_shared>>
      %dma_wait3A_54 = arith.constant 0 : i32
      %dma_wait3A_55 = tpu.memref_slice %arg18[%mul3A_8, %dma_wait3A_54] : memref<10112x40xf32, #tpu.memory_space<vmem_shared>> -> memref<632x40xf32, #tpu.memory_space<vmem_shared>>
      tpu.wait_dma2 semaphore(%run_scoped3A : memref<!tpu.dma_semaphore, #tpu.memory_space<semaphore_mem>>) src(%arg17 : memref<632x40xf32, #tpu.memory_space<vmem>>) dst(%dma_wait3A_55 : memref<632x40xf32, #tpu.memory_space<vmem_shared>>)
      tpu.yield
    }) : () -> ()
    %barrier3A = arith.constant 0 : index
    tpu.barrier barrier_id(%barrier3A)
    %dma_start3A = arith.constant 0 : i32
    %dma_start3A_9 = arith.constant 0 : i32
    %dma_start3A_10 = tpu.memref_slice %arg7[%dma_start3A, %dma_start3A_9] : memref<80x128xi32, #tpu.memory_space<vmem>> -> memref<1x128xi32, #tpu.memory_space<vmem>>
    %dma_start3A_11 = tpu.memref_squeeze %dma_start3A_10 : memref<1x128xi32, #tpu.memory_space<vmem>> -> memref<128xi32, #tpu.memory_space<vmem>>
    %dma_start3A_12 = arith.constant 0 : i32
    %dma_start3A_13 = arith.constant 0 : i32
    %dma_start3A_14 = tpu.memref_slice %arg19[%dma_start3A_12, %dma_start3A_13] : memref<10000x40xf32, #tpu.memory_space<vmem_shared>> -> memref<10000x40xf32, #tpu.memory_space<vmem_shared>>
    tpu.enqueue_indirect_dma source(%dma_start3A_14 : memref<10000x40xf32, #tpu.memory_space<vmem_shared>>) target(%arg9 : memref<128x40xf32, #tpu.memory_space<vmem>>) offsets(%dma_start3A_11 : memref<128xi32, #tpu.memory_space<vmem>>) semaphore(%arg13 : memref<!tpu.dma_semaphore, #tpu.memory_space<semaphore_mem>>)
    %dma_start3A_15 = arith.constant 1 : i32
    %dma_start3A_16 = arith.constant 0 : i32
    %dma_start3A_17 = tpu.memref_slice %arg7[%dma_start3A_15, %dma_start3A_16] : memref<80x128xi32, #tpu.memory_space<vmem>> -> memref<1x128xi32, #tpu.memory_space<vmem>>
    %dma_start3A_18 = tpu.memref_squeeze %dma_start3A_17 : memref<1x128xi32, #tpu.memory_space<vmem>> -> memref<128xi32, #tpu.memory_space<vmem>>
    %dma_start3A_19 = arith.constant 0 : i32
    %dma_start3A_20 = arith.constant 0 : i32
    %dma_start3A_21 = tpu.memref_slice %arg19[%dma_start3A_19, %dma_start3A_20] : memref<10000x40xf32, #tpu.memory_space<vmem_shared>> -> memref<10000x40xf32, #tpu.memory_space<vmem_shared>>
    tpu.enqueue_indirect_dma source(%dma_start3A_21 : memref<10000x40xf32, #tpu.memory_space<vmem_shared>>) target(%arg10 : memref<128x40xf32, #tpu.memory_space<vmem>>) offsets(%dma_start3A_18 : memref<128xi32, #tpu.memory_space<vmem>>) semaphore(%arg14 : memref<!tpu.dma_semaphore, #tpu.memory_space<semaphore_mem>>)
    %dma_start3A_22 = arith.constant 2 : i32
    %dma_start3A_23 = arith.constant 0 : i32
    %dma_start3A_24 = tpu.memref_slice %arg7[%dma_start3A_22, %dma_start3A_23] : memref<80x128xi32, #tpu.memory_space<vmem>> -> memref<1x128xi32, #tpu.memory_space<vmem>>
    %dma_start3A_25 = tpu.memref_squeeze %dma_start3A_24 : memref<1x128xi32, #tpu.memory_space<vmem>> -> memref<128xi32, #tpu.memory_space<vmem>>
    %dma_start3A_26 = arith.constant 0 : i32
    %dma_start3A_27 = arith.constant 0 : i32
    %dma_start3A_28 = tpu.memref_slice %arg19[%dma_start3A_26, %dma_start3A_27] : memref<10000x40xf32, #tpu.memory_space<vmem_shared>> -> memref<10000x40xf32, #tpu.memory_space<vmem_shared>>
    tpu.enqueue_indirect_dma source(%dma_start3A_28 : memref<10000x40xf32, #tpu.memory_space<vmem_shared>>) target(%arg11 : memref<128x40xf32, #tpu.memory_space<vmem>>) offsets(%dma_start3A_25 : memref<128xi32, #tpu.memory_space<vmem>>) semaphore(%arg15 : memref<!tpu.dma_semaphore, #tpu.memory_space<semaphore_mem>>)
    %dma_start3A_29 = arith.constant 3 : i32
    %dma_start3A_30 = arith.constant 0 : i32
    %dma_start3A_31 = tpu.memref_slice %arg7[%dma_start3A_29, %dma_start3A_30] : memref<80x128xi32, #tpu.memory_space<vmem>> -> memref<1x128xi32, #tpu.memory_space<vmem>>
    %dma_start3A_32 = tpu.memref_squeeze %dma_start3A_31 : memref<1x128xi32, #tpu.memory_space<vmem>> -> memref<128xi32, #tpu.memory_space<vmem>>
    %dma_start3A_33 = arith.constant 0 : i32
    %dma_start3A_34 = arith.constant 0 : i32
    %dma_start3A_35 = tpu.memref_slice %arg19[%dma_start3A_33, %dma_start3A_34] : memref<10000x40xf32, #tpu.memory_space<vmem_shared>> -> memref<10000x40xf32, #tpu.memory_space<vmem_shared>>
    tpu.enqueue_indirect_dma source(%dma_start3A_35 : memref<10000x40xf32, #tpu.memory_space<vmem_shared>>) target(%arg12 : memref<128x40xf32, #tpu.memory_space<vmem>>) offsets(%dma_start3A_32 : memref<128xi32, #tpu.memory_space<vmem>>) semaphore(%arg16 : memref<!tpu.dma_semaphore, #tpu.memory_space<semaphore_mem>>)
    %scan3A = arith.constant 0 : i32
    %scan3A_36 = arith.constant 0 : i32
    %scan3A_37 = arith.constant 20 : i32
    %scan3A_38 = arith.addi %scan3A_36, %scan3A_37 : i32
    %scan3A_39 = arith.constant 1 : i32
    scf.for %scan3A_49 = %scan3A_36 to %scan3A_38 step %scan3A_39  : i32 {
      %mul3A_50 = arith.constant 4 : i32
      %mul3A_51 = arith.muli %scan3A_49, %mul3A_50 : i32
      %add3A_52 = arith.constant 0 : i32
      %add3A_53 = arith.addi %mul3A_51, %add3A_52 : i32
      %dma_wait3A = arith.constant 0 : i32
      %dma_wait3A_54 = tpu.memref_slice %arg7[%add3A_53, %dma_wait3A] : memref<80x128xi32, #tpu.memory_space<vmem>> -> memref<1x128xi32, #tpu.memory_space<vmem>>
      %dma_wait3A_55 = tpu.memref_squeeze %dma_wait3A_54 : memref<1x128xi32, #tpu.memory_space<vmem>> -> memref<128xi32, #tpu.memory_space<vmem>>
      %dma_wait3A_56 = arith.constant 0 : i32
      %dma_wait3A_57 = arith.constant 0 : i32
      %dma_wait3A_58 = tpu.memref_slice %arg19[%dma_wait3A_56, %dma_wait3A_57] : memref<10000x40xf32, #tpu.memory_space<vmem_shared>> -> memref<10000x40xf32, #tpu.memory_space<vmem_shared>>
      tpu.wait_indirect_dma semaphore(%arg13 : memref<!tpu.dma_semaphore, #tpu.memory_space<semaphore_mem>>) src(%dma_wait3A_58 : memref<10000x40xf32, #tpu.memory_space<vmem_shared>>) dst(%arg9 : memref<128x40xf32, #tpu.memory_space<vmem>>)
      "tpu.region"() ({
        %run_scoped3A = tpu.sem_alloc : memref<!tpu.dma_semaphore, #tpu.memory_space<semaphore_mem>>
        %dma_start3A_114 = arith.constant 0 : i32
        %dma_start3A_115 = tpu.memref_slice %arg8[%add3A_53, %dma_start3A_114] : memref<80x128xi32, #tpu.memory_space<vmem>> -> memref<1x128xi32, #tpu.memory_space<vmem>>
        %dma_start3A_116 = tpu.memref_squeeze %dma_start3A_115 : memref<1x128xi32, #tpu.memory_space<vmem>> -> memref<128xi32, #tpu.memory_space<vmem>>
        %dma_start3A_117 = arith.constant 0 : i32
        %dma_start3A_118 = arith.constant 0 : i32
        %dma_start3A_119 = tpu.memref_slice %arg18[%dma_start3A_117, %dma_start3A_118] : memref<10112x40xf32, #tpu.memory_space<vmem_shared>> -> memref<10112x40xf32, #tpu.memory_space<vmem_shared>>
        tpu.enqueue_indirect_dma source(%arg9 : memref<128x40xf32, #tpu.memory_space<vmem>>) target(%dma_start3A_119 : memref<10112x40xf32, #tpu.memory_space<vmem_shared>>) offsets(%dma_start3A_116 : memref<128xi32, #tpu.memory_space<vmem>>) semaphore(%run_scoped3A : memref<!tpu.dma_semaphore, #tpu.memory_space<semaphore_mem>>) {add = true}
        %dma_wait3A_120 = arith.constant 0 : i32
        %dma_wait3A_121 = tpu.memref_slice %arg8[%add3A_53, %dma_wait3A_120] : memref<80x128xi32, #tpu.memory_space<vmem>> -> memref<1x128xi32, #tpu.memory_space<vmem>>
        %dma_wait3A_122 = tpu.memref_squeeze %dma_wait3A_121 : memref<1x128xi32, #tpu.memory_space<vmem>> -> memref<128xi32, #tpu.memory_space<vmem>>
        %dma_wait3A_123 = arith.constant 0 : i32
        %dma_wait3A_124 = arith.constant 0 : i32
        %dma_wait3A_125 = tpu.memref_slice %arg18[%dma_wait3A_123, %dma_wait3A_124] : memref<10112x40xf32, #tpu.memory_space<vmem_shared>> -> memref<10112x40xf32, #tpu.memory_space<vmem_shared>>
        tpu.wait_indirect_dma semaphore(%run_scoped3A : memref<!tpu.dma_semaphore, #tpu.memory_space<semaphore_mem>>) src(%arg9 : memref<128x40xf32, #tpu.memory_space<vmem>>) dst(%dma_wait3A_125 : memref<10112x40xf32, #tpu.memory_space<vmem_shared>>)
        tpu.yield
      }) : () -> ()
      %add3A_59 = arith.constant 4 : i32
      %add3A_60 = arith.addi %add3A_53, %add3A_59 : i32
      %lt3A = arith.constant 80 : i32
      %lt3A_61 = arith.cmpi slt, %add3A_60, %lt3A : i32
      %convert_element_type3A = arith.extui %lt3A_61 : i1 to i32
      %cond3A = arith.constant 0 : i32
      %cond3A_62 = arith.cmpi ne, %convert_element_type3A, %cond3A : i32
      scf.if %cond3A_62 {
        %add3A_114 = arith.constant 4 : i32
        %add3A_115 = arith.addi %add3A_53, %add3A_114 : i32
        %dma_start3A_116 = arith.constant 0 : i32
        %dma_start3A_117 = tpu.memref_slice %arg7[%add3A_115, %dma_start3A_116] : memref<80x128xi32, #tpu.memory_space<vmem>> -> memref<1x128xi32, #tpu.memory_space<vmem>>
        %dma_start3A_118 = tpu.memref_squeeze %dma_start3A_117 : memref<1x128xi32, #tpu.memory_space<vmem>> -> memref<128xi32, #tpu.memory_space<vmem>>
        %dma_start3A_119 = arith.constant 0 : i32
        %dma_start3A_120 = arith.constant 0 : i32
        %dma_start3A_121 = tpu.memref_slice %arg19[%dma_start3A_119, %dma_start3A_120] : memref<10000x40xf32, #tpu.memory_space<vmem_shared>> -> memref<10000x40xf32, #tpu.memory_space<vmem_shared>>
        tpu.enqueue_indirect_dma source(%dma_start3A_121 : memref<10000x40xf32, #tpu.memory_space<vmem_shared>>) target(%arg9 : memref<128x40xf32, #tpu.memory_space<vmem>>) offsets(%dma_start3A_118 : memref<128xi32, #tpu.memory_space<vmem>>) semaphore(%arg13 : memref<!tpu.dma_semaphore, #tpu.memory_space<semaphore_mem>>)
      } else {
      }
      %mul3A_63 = arith.constant 4 : i32
      %mul3A_64 = arith.muli %scan3A_49, %mul3A_63 : i32
      %add3A_65 = arith.constant 1 : i32
      %add3A_66 = arith.addi %mul3A_64, %add3A_65 : i32
      %dma_wait3A_67 = arith.constant 0 : i32
      %dma_wait3A_68 = tpu.memref_slice %arg7[%add3A_66, %dma_wait3A_67] : memref<80x128xi32, #tpu.memory_space<vmem>> -> memref<1x128xi32, #tpu.memory_space<vmem>>
      %dma_wait3A_69 = tpu.memref_squeeze %dma_wait3A_68 : memref<1x128xi32, #tpu.memory_space<vmem>> -> memref<128xi32, #tpu.memory_space<vmem>>
      %dma_wait3A_70 = arith.constant 0 : i32
      %dma_wait3A_71 = arith.constant 0 : i32
      %dma_wait3A_72 = tpu.memref_slice %arg19[%dma_wait3A_70, %dma_wait3A_71] : memref<10000x40xf32, #tpu.memory_space<vmem_shared>> -> memref<10000x40xf32, #tpu.memory_space<vmem_shared>>
      tpu.wait_indirect_dma semaphore(%arg14 : memref<!tpu.dma_semaphore, #tpu.memory_space<semaphore_mem>>) src(%dma_wait3A_72 : memref<10000x40xf32, #tpu.memory_space<vmem_shared>>) dst(%arg10 : memref<128x40xf32, #tpu.memory_space<vmem>>)
      "tpu.region"() ({
        %run_scoped3A = tpu.sem_alloc : memref<!tpu.dma_semaphore, #tpu.memory_space<semaphore_mem>>
        %dma_start3A_114 = arith.constant 0 : i32
        %dma_start3A_115 = tpu.memref_slice %arg8[%add3A_66, %dma_start3A_114] : memref<80x128xi32, #tpu.memory_space<vmem>> -> memref<1x128xi32, #tpu.memory_space<vmem>>
        %dma_start3A_116 = tpu.memref_squeeze %dma_start3A_115 : memref<1x128xi32, #tpu.memory_space<vmem>> -> memref<128xi32, #tpu.memory_space<vmem>>
        %dma_start3A_117 = arith.constant 0 : i32
        %dma_start3A_118 = arith.constant 0 : i32
        %dma_start3A_119 = tpu.memref_slice %arg18[%dma_start3A_117, %dma_start3A_118] : memref<10112x40xf32, #tpu.memory_space<vmem_shared>> -> memref<10112x40xf32, #tpu.memory_space<vmem_shared>>
        tpu.enqueue_indirect_dma source(%arg10 : memref<128x40xf32, #tpu.memory_space<vmem>>) target(%dma_start3A_119 : memref<10112x40xf32, #tpu.memory_space<vmem_shared>>) offsets(%dma_start3A_116 : memref<128xi32, #tpu.memory_space<vmem>>) semaphore(%run_scoped3A : memref<!tpu.dma_semaphore, #tpu.memory_space<semaphore_mem>>) {add = true}
        %dma_wait3A_120 = arith.constant 0 : i32
        %dma_wait3A_121 = tpu.memref_slice %arg8[%add3A_66, %dma_wait3A_120] : memref<80x128xi32, #tpu.memory_space<vmem>> -> memref<1x128xi32, #tpu.memory_space<vmem>>
        %dma_wait3A_122 = tpu.memref_squeeze %dma_wait3A_121 : memref<1x128xi32, #tpu.memory_space<vmem>> -> memref<128xi32, #tpu.memory_space<vmem>>
        %dma_wait3A_123 = arith.constant 0 : i32
        %dma_wait3A_124 = arith.constant 0 : i32
        %dma_wait3A_125 = tpu.memref_slice %arg18[%dma_wait3A_123, %dma_wait3A_124] : memref<10112x40xf32, #tpu.memory_space<vmem_shared>> -> memref<10112x40xf32, #tpu.memory_space<vmem_shared>>
        tpu.wait_indirect_dma semaphore(%run_scoped3A : memref<!tpu.dma_semaphore, #tpu.memory_space<semaphore_mem>>) src(%arg10 : memref<128x40xf32, #tpu.memory_space<vmem>>) dst(%dma_wait3A_125 : memref<10112x40xf32, #tpu.memory_space<vmem_shared>>)
        tpu.yield
      }) : () -> ()
      %add3A_73 = arith.constant 4 : i32
      %add3A_74 = arith.addi %add3A_66, %add3A_73 : i32
      %lt3A_75 = arith.constant 80 : i32
      %lt3A_76 = arith.cmpi slt, %add3A_74, %lt3A_75 : i32
      %convert_element_type3A_77 = arith.extui %lt3A_76 : i1 to i32
      %cond3A_78 = arith.constant 0 : i32
      %cond3A_79 = arith.cmpi ne, %convert_element_type3A_77, %cond3A_78 : i32
      scf.if %cond3A_79 {
        %add3A_114 = arith.constant 4 : i32
        %add3A_115 = arith.addi %add3A_66, %add3A_114 : i32
        %dma_start3A_116 = arith.constant 0 : i32
        %dma_start3A_117 = tpu.memref_slice %arg7[%add3A_115, %dma_start3A_116] : memref<80x128xi32, #tpu.memory_space<vmem>> -> memref<1x128xi32, #tpu.memory_space<vmem>>
        %dma_start3A_118 = tpu.memref_squeeze %dma_start3A_117 : memref<1x128xi32, #tpu.memory_space<vmem>> -> memref<128xi32, #tpu.memory_space<vmem>>
        %dma_start3A_119 = arith.constant 0 : i32
        %dma_start3A_120 = arith.constant 0 : i32
        %dma_start3A_121 = tpu.memref_slice %arg19[%dma_start3A_119, %dma_start3A_120] : memref<10000x40xf32, #tpu.memory_space<vmem_shared>> -> memref<10000x40xf32, #tpu.memory_space<vmem_shared>>
        tpu.enqueue_indirect_dma source(%dma_start3A_121 : memref<10000x40xf32, #tpu.memory_space<vmem_shared>>) target(%arg10 : memref<128x40xf32, #tpu.memory_space<vmem>>) offsets(%dma_start3A_118 : memref<128xi32, #tpu.memory_space<vmem>>) semaphore(%arg14 : memref<!tpu.dma_semaphore, #tpu.memory_space<semaphore_mem>>)
      } else {
      }
      %mul3A_80 = arith.constant 4 : i32
      %mul3A_81 = arith.muli %scan3A_49, %mul3A_80 : i32
      %add3A_82 = arith.constant 2 : i32
      %add3A_83 = arith.addi %mul3A_81, %add3A_82 : i32
      %dma_wait3A_84 = arith.constant 0 : i32
      %dma_wait3A_85 = tpu.memref_slice %arg7[%add3A_83, %dma_wait3A_84] : memref<80x128xi32, #tpu.memory_space<vmem>> -> memref<1x128xi32, #tpu.memory_space<vmem>>
      %dma_wait3A_86 = tpu.memref_squeeze %dma_wait3A_85 : memref<1x128xi32, #tpu.memory_space<vmem>> -> memref<128xi32, #tpu.memory_space<vmem>>
      %dma_wait3A_87 = arith.constant 0 : i32
      %dma_wait3A_88 = arith.constant 0 : i32
      %dma_wait3A_89 = tpu.memref_slice %arg19[%dma_wait3A_87, %dma_wait3A_88] : memref<10000x40xf32, #tpu.memory_space<vmem_shared>> -> memref<10000x40xf32, #tpu.memory_space<vmem_shared>>
      tpu.wait_indirect_dma semaphore(%arg15 : memref<!tpu.dma_semaphore, #tpu.memory_space<semaphore_mem>>) src(%dma_wait3A_89 : memref<10000x40xf32, #tpu.memory_space<vmem_shared>>) dst(%arg11 : memref<128x40xf32, #tpu.memory_space<vmem>>)
      "tpu.region"() ({
        %run_scoped3A = tpu.sem_alloc : memref<!tpu.dma_semaphore, #tpu.memory_space<semaphore_mem>>
        %dma_start3A_114 = arith.constant 0 : i32
        %dma_start3A_115 = tpu.memref_slice %arg8[%add3A_83, %dma_start3A_114] : memref<80x128xi32, #tpu.memory_space<vmem>> -> memref<1x128xi32, #tpu.memory_space<vmem>>
        %dma_start3A_116 = tpu.memref_squeeze %dma_start3A_115 : memref<1x128xi32, #tpu.memory_space<vmem>> -> memref<128xi32, #tpu.memory_space<vmem>>
        %dma_start3A_117 = arith.constant 0 : i32
        %dma_start3A_118 = arith.constant 0 : i32
        %dma_start3A_119 = tpu.memref_slice %arg18[%dma_start3A_117, %dma_start3A_118] : memref<10112x40xf32, #tpu.memory_space<vmem_shared>> -> memref<10112x40xf32, #tpu.memory_space<vmem_shared>>
        tpu.enqueue_indirect_dma source(%arg11 : memref<128x40xf32, #tpu.memory_space<vmem>>) target(%dma_start3A_119 : memref<10112x40xf32, #tpu.memory_space<vmem_shared>>) offsets(%dma_start3A_116 : memref<128xi32, #tpu.memory_space<vmem>>) semaphore(%run_scoped3A : memref<!tpu.dma_semaphore, #tpu.memory_space<semaphore_mem>>) {add = true}
        %dma_wait3A_120 = arith.constant 0 : i32
        %dma_wait3A_121 = tpu.memref_slice %arg8[%add3A_83, %dma_wait3A_120] : memref<80x128xi32, #tpu.memory_space<vmem>> -> memref<1x128xi32, #tpu.memory_space<vmem>>
        %dma_wait3A_122 = tpu.memref_squeeze %dma_wait3A_121 : memref<1x128xi32, #tpu.memory_space<vmem>> -> memref<128xi32, #tpu.memory_space<vmem>>
        %dma_wait3A_123 = arith.constant 0 : i32
        %dma_wait3A_124 = arith.constant 0 : i32
        %dma_wait3A_125 = tpu.memref_slice %arg18[%dma_wait3A_123, %dma_wait3A_124] : memref<10112x40xf32, #tpu.memory_space<vmem_shared>> -> memref<10112x40xf32, #tpu.memory_space<vmem_shared>>
        tpu.wait_indirect_dma semaphore(%run_scoped3A : memref<!tpu.dma_semaphore, #tpu.memory_space<semaphore_mem>>) src(%arg11 : memref<128x40xf32, #tpu.memory_space<vmem>>) dst(%dma_wait3A_125 : memref<10112x40xf32, #tpu.memory_space<vmem_shared>>)
        tpu.yield
      }) : () -> ()
      %add3A_90 = arith.constant 4 : i32
      %add3A_91 = arith.addi %add3A_83, %add3A_90 : i32
      %lt3A_92 = arith.constant 80 : i32
      %lt3A_93 = arith.cmpi slt, %add3A_91, %lt3A_92 : i32
      %convert_element_type3A_94 = arith.extui %lt3A_93 : i1 to i32
      %cond3A_95 = arith.constant 0 : i32
      %cond3A_96 = arith.cmpi ne, %convert_element_type3A_94, %cond3A_95 : i32
      scf.if %cond3A_96 {
        %add3A_114 = arith.constant 4 : i32
        %add3A_115 = arith.addi %add3A_83, %add3A_114 : i32
        %dma_start3A_116 = arith.constant 0 : i32
        %dma_start3A_117 = tpu.memref_slice %arg7[%add3A_115, %dma_start3A_116] : memref<80x128xi32, #tpu.memory_space<vmem>> -> memref<1x128xi32, #tpu.memory_space<vmem>>
        %dma_start3A_118 = tpu.memref_squeeze %dma_start3A_117 : memref<1x128xi32, #tpu.memory_space<vmem>> -> memref<128xi32, #tpu.memory_space<vmem>>
        %dma_start3A_119 = arith.constant 0 : i32
        %dma_start3A_120 = arith.constant 0 : i32
        %dma_start3A_121 = tpu.memref_slice %arg19[%dma_start3A_119, %dma_start3A_120] : memref<10000x40xf32, #tpu.memory_space<vmem_shared>> -> memref<10000x40xf32, #tpu.memory_space<vmem_shared>>
        tpu.enqueue_indirect_dma source(%dma_start3A_121 : memref<10000x40xf32, #tpu.memory_space<vmem_shared>>) target(%arg11 : memref<128x40xf32, #tpu.memory_space<vmem>>) offsets(%dma_start3A_118 : memref<128xi32, #tpu.memory_space<vmem>>) semaphore(%arg15 : memref<!tpu.dma_semaphore, #tpu.memory_space<semaphore_mem>>)
      } else {
      }
      %mul3A_97 = arith.constant 4 : i32
      %mul3A_98 = arith.muli %scan3A_49, %mul3A_97 : i32
      %add3A_99 = arith.constant 3 : i32
      %add3A_100 = arith.addi %mul3A_98, %add3A_99 : i32
      %dma_wait3A_101 = arith.constant 0 : i32
      %dma_wait3A_102 = tpu.memref_slice %arg7[%add3A_100, %dma_wait3A_101] : memref<80x128xi32, #tpu.memory_space<vmem>> -> memref<1x128xi32, #tpu.memory_space<vmem>>
      %dma_wait3A_103 = tpu.memref_squeeze %dma_wait3A_102 : memref<1x128xi32, #tpu.memory_space<vmem>> -> memref<128xi32, #tpu.memory_space<vmem>>
      %dma_wait3A_104 = arith.constant 0 : i32
      %dma_wait3A_105 = arith.constant 0 : i32
      %dma_wait3A_106 = tpu.memref_slice %arg19[%dma_wait3A_104, %dma_wait3A_105] : memref<10000x40xf32, #tpu.memory_space<vmem_shared>> -> memref<10000x40xf32, #tpu.memory_space<vmem_shared>>
      tpu.wait_indirect_dma semaphore(%arg16 : memref<!tpu.dma_semaphore, #tpu.memory_space<semaphore_mem>>) src(%dma_wait3A_106 : memref<10000x40xf32, #tpu.memory_space<vmem_shared>>) dst(%arg12 : memref<128x40xf32, #tpu.memory_space<vmem>>)
      "tpu.region"() ({
        %run_scoped3A = tpu.sem_alloc : memref<!tpu.dma_semaphore, #tpu.memory_space<semaphore_mem>>
        %dma_start3A_114 = arith.constant 0 : i32
        %dma_start3A_115 = tpu.memref_slice %arg8[%add3A_100, %dma_start3A_114] : memref<80x128xi32, #tpu.memory_space<vmem>> -> memref<1x128xi32, #tpu.memory_space<vmem>>
        %dma_start3A_116 = tpu.memref_squeeze %dma_start3A_115 : memref<1x128xi32, #tpu.memory_space<vmem>> -> memref<128xi32, #tpu.memory_space<vmem>>
        %dma_start3A_117 = arith.constant 0 : i32
        %dma_start3A_118 = arith.constant 0 : i32
        %dma_start3A_119 = tpu.memref_slice %arg18[%dma_start3A_117, %dma_start3A_118] : memref<10112x40xf32, #tpu.memory_space<vmem_shared>> -> memref<10112x40xf32, #tpu.memory_space<vmem_shared>>
        tpu.enqueue_indirect_dma source(%arg12 : memref<128x40xf32, #tpu.memory_space<vmem>>) target(%dma_start3A_119 : memref<10112x40xf32, #tpu.memory_space<vmem_shared>>) offsets(%dma_start3A_116 : memref<128xi32, #tpu.memory_space<vmem>>) semaphore(%run_scoped3A : memref<!tpu.dma_semaphore, #tpu.memory_space<semaphore_mem>>) {add = true}
        %dma_wait3A_120 = arith.constant 0 : i32
        %dma_wait3A_121 = tpu.memref_slice %arg8[%add3A_100, %dma_wait3A_120] : memref<80x128xi32, #tpu.memory_space<vmem>> -> memref<1x128xi32, #tpu.memory_space<vmem>>
        %dma_wait3A_122 = tpu.memref_squeeze %dma_wait3A_121 : memref<1x128xi32, #tpu.memory_space<vmem>> -> memref<128xi32, #tpu.memory_space<vmem>>
        %dma_wait3A_123 = arith.constant 0 : i32
        %dma_wait3A_124 = arith.constant 0 : i32
        %dma_wait3A_125 = tpu.memref_slice %arg18[%dma_wait3A_123, %dma_wait3A_124] : memref<10112x40xf32, #tpu.memory_space<vmem_shared>> -> memref<10112x40xf32, #tpu.memory_space<vmem_shared>>
        tpu.wait_indirect_dma semaphore(%run_scoped3A : memref<!tpu.dma_semaphore, #tpu.memory_space<semaphore_mem>>) src(%arg12 : memref<128x40xf32, #tpu.memory_space<vmem>>) dst(%dma_wait3A_125 : memref<10112x40xf32, #tpu.memory_space<vmem_shared>>)
        tpu.yield
      }) : () -> ()
      %add3A_107 = arith.constant 4 : i32
      %add3A_108 = arith.addi %add3A_100, %add3A_107 : i32
      %lt3A_109 = arith.constant 80 : i32
      %lt3A_110 = arith.cmpi slt, %add3A_108, %lt3A_109 : i32
      %convert_element_type3A_111 = arith.extui %lt3A_110 : i1 to i32
      %cond3A_112 = arith.constant 0 : i32
      %cond3A_113 = arith.cmpi ne, %convert_element_type3A_111, %cond3A_112 : i32
      scf.if %cond3A_113 {
        %add3A_114 = arith.constant 4 : i32
        %add3A_115 = arith.addi %add3A_100, %add3A_114 : i32
        %dma_start3A_116 = arith.constant 0 : i32
        %dma_start3A_117 = tpu.memref_slice %arg7[%add3A_115, %dma_start3A_116] : memref<80x128xi32, #tpu.memory_space<vmem>> -> memref<1x128xi32, #tpu.memory_space<vmem>>
        %dma_start3A_118 = tpu.memref_squeeze %dma_start3A_117 : memref<1x128xi32, #tpu.memory_space<vmem>> -> memref<128xi32, #tpu.memory_space<vmem>>
        %dma_start3A_119 = arith.constant 0 : i32
        %dma_start3A_120 = arith.constant 0 : i32
        %dma_start3A_121 = tpu.memref_slice %arg19[%dma_start3A_119, %dma_start3A_120] : memref<10000x40xf32, #tpu.memory_space<vmem_shared>> -> memref<10000x40xf32, #tpu.memory_space<vmem_shared>>
        tpu.enqueue_indirect_dma source(%dma_start3A_121 : memref<10000x40xf32, #tpu.memory_space<vmem_shared>>) target(%arg12 : memref<128x40xf32, #tpu.memory_space<vmem>>) offsets(%dma_start3A_118 : memref<128xi32, #tpu.memory_space<vmem>>) semaphore(%arg16 : memref<!tpu.dma_semaphore, #tpu.memory_space<semaphore_mem>>)
      } else {
      }
    }
    %scan3A_40 = arith.constant 20 : i32
    %barrier3A_41 = arith.constant 0 : index
    tpu.barrier barrier_id(%barrier3A_41)
    %mul3A_42 = arith.constant 632 : i32
    %mul3A_43 = arith.muli %arg1, %mul3A_42 : i32
    "tpu.region"() ({
      %run_scoped3A = tpu.sem_alloc : memref<!tpu.dma_semaphore, #tpu.memory_space<semaphore_mem>>
      %dma_start3A_49 = arith.constant 0 : i32
      %dma_start3A_50 = tpu.memref_slice %arg18[%mul3A_43, %dma_start3A_49] : memref<10112x40xf32, #tpu.memory_space<vmem_shared>> -> memref<632x40xf32, #tpu.memory_space<vmem_shared>>
      %dma_start3A_51 = arith.constant 0 : i32
      %dma_start3A_52 = tpu.memref_slice %arg18[%mul3A_43, %dma_start3A_51] : memref<10112x40xf32, #tpu.memory_space<vmem_shared>> -> memref<632x40xf32, #tpu.memory_space<vmem_shared>>
      tpu.enqueue_dma source(%dma_start3A_52 : memref<632x40xf32, #tpu.memory_space<vmem_shared>>) target(%arg17 : memref<632x40xf32, #tpu.memory_space<vmem>>) target_semaphore(%run_scoped3A : memref<!tpu.dma_semaphore, #tpu.memory_space<semaphore_mem>>)
      %dma_wait3A = arith.constant 0 : i32
      %dma_wait3A_53 = tpu.memref_slice %arg18[%mul3A_43, %dma_wait3A] : memref<10112x40xf32, #tpu.memory_space<vmem_shared>> -> memref<632x40xf32, #tpu.memory_space<vmem_shared>>
      %dma_wait3A_54 = arith.constant 0 : i32
      %dma_wait3A_55 = tpu.memref_slice %arg18[%mul3A_43, %dma_wait3A_54] : memref<10112x40xf32, #tpu.memory_space<vmem_shared>> -> memref<632x40xf32, #tpu.memory_space<vmem_shared>>
      tpu.wait_dma2 semaphore(%run_scoped3A : memref<!tpu.dma_semaphore, #tpu.memory_space<semaphore_mem>>) src(%dma_wait3A_55 : memref<632x40xf32, #tpu.memory_space<vmem_shared>>) dst(%arg17 : memref<632x40xf32, #tpu.memory_space<vmem>>)
      tpu.yield
    }) : () -> ()
    %mul3A_44 = arith.constant 10112 : i32
    %mul3A_45 = arith.muli %arg0, %mul3A_44 : i32
    %mul3A_46 = arith.constant 632 : i32
    %mul3A_47 = arith.muli %arg1, %mul3A_46 : i32
    %add3A_48 = arith.addi %mul3A_45, %mul3A_47 : i32
    "tpu.region"() ({
      %run_scoped3A = tpu.sem_alloc : memref<!tpu.dma_semaphore, #tpu.memory_space<semaphore_mem>>
      %dma_start3A_49 = arith.constant 0 : i32
      %dma_start3A_50 = tpu.memref_slice %arg6[%add3A_48, %dma_start3A_49] : memref<20224x40xf32, #tpu.memory_space<hbm>> -> memref<632x40xf32, #tpu.memory_space<hbm>>
      %dma_start3A_51 = arith.constant 0 : i32
      %dma_start3A_52 = tpu.memref_slice %arg6[%add3A_48, %dma_start3A_51] : memref<20224x40xf32, #tpu.memory_space<hbm>> -> memref<632x40xf32, #tpu.memory_space<hbm>>
      tpu.enqueue_dma source(%arg17 : memref<632x40xf32, #tpu.memory_space<vmem>>) target(%dma_start3A_52 : memref<632x40xf32, #tpu.memory_space<hbm>>) target_semaphore(%run_scoped3A : memref<!tpu.dma_semaphore, #tpu.memory_space<semaphore_mem>>)
      %dma_wait3A = arith.constant 0 : i32
      %dma_wait3A_53 = tpu.memref_slice %arg6[%add3A_48, %dma_wait3A] : memref<20224x40xf32, #tpu.memory_space<hbm>> -> memref<632x40xf32, #tpu.memory_space<hbm>>
      %dma_wait3A_54 = arith.constant 0 : i32
      %dma_wait3A_55 = tpu.memref_slice %arg6[%add3A_48, %dma_wait3A_54] : memref<20224x40xf32, #tpu.memory_space<hbm>> -> memref<632x40xf32, #tpu.memory_space<hbm>>
      tpu.wait_dma2 semaphore(%run_scoped3A : memref<!tpu.dma_semaphore, #tpu.memory_space<semaphore_mem>>) src(%arg17 : memref<632x40xf32, #tpu.memory_space<vmem>>) dst(%dma_wait3A_55 : memref<632x40xf32, #tpu.memory_space<hbm>>)
      tpu.yield
    }) : () -> ()
    return
  }
}

module attributes {stable_mosaic.version = 14 : i64} {
  func.func @_tc0_body(%arg0: memref<10000x1xf32, #tpu.memory_space<vmem>>, %arg1: memref<10000x1xf32, #tpu.memory_space<vmem>>, %arg2: memref<10000x128xf32, #tpu.memory_space<vmem>>, %arg3: memref<128x8xf32, #tpu.memory_space<vmem>>, %arg4: memref<10000x1xf32, #tpu.memory_space<vmem>>, %arg5: memref<10000x8xf32, #tpu.memory_space<vmem>>) attributes {dimension_semantics = [], scalar_prefetch = 0 : i64, scratch_operands = 0 : i64, tpu.core_type = #tpu.core_type<tc>} {
    %get3A = arith.constant 0 : index
    %get3A_0 = arith.constant 0 : index
    %get3A_1 = vector.load %arg0[%get3A, %get3A_0] : memref<10000x1xf32, #tpu.memory_space<vmem>>, vector<10000x1xf32>
    %get3A_2 = arith.constant 0 : index
    %get3A_3 = arith.constant 0 : index
    %get3A_4 = vector.load %arg1[%get3A_2, %get3A_3] : memref<10000x1xf32, #tpu.memory_space<vmem>>, vector<10000x1xf32>
    %add3A = arith.addf %get3A_1, %get3A_4 : vector<10000x1xf32>
    %add3A_5 = arith.constant 1.000000e+00 : f32
    %add3A_6 = vector.broadcast %add3A_5 : f32 to vector<10000x1xf32>
    %add3A_7 = arith.addf %add3A, %add3A_6 : vector<10000x1xf32>
    %rsqrt3A = math.rsqrt %add3A_7 : vector<10000x1xf32>
    %swap3A = arith.constant 0 : index
    %swap3A_8 = arith.constant 0 : index
    %swap3A_9 = vector.load %arg4[%swap3A, %swap3A_8] : memref<10000x1xf32, #tpu.memory_space<vmem>>, vector<10000x1xf32>
    tpu.vector_store %arg4[%swap3A, %swap3A_8], %rsqrt3A {strides = array<i32>} : memref<10000x1xf32, #tpu.memory_space<vmem>>, vector<10000x1xf32>,
    %get3A_10 = arith.constant 0 : index
    %get3A_11 = arith.constant 0 : index
    %get3A_12 = vector.load %arg2[%get3A_10, %get3A_11] : memref<10000x128xf32, #tpu.memory_space<vmem>>, vector<10000x128xf32>
    %get3A_13 = arith.constant 0 : index
    %get3A_14 = arith.constant 0 : index
    %get3A_15 = vector.load %arg3[%get3A_13, %get3A_14] : memref<128x8xf32, #tpu.memory_space<vmem>>, vector<128x8xf32>
    %dot_general3A = arith.constant dense<0.000000e+00> : vector<10000x8xf32>
    %dot_general3A_16 = tpu.matmul %get3A_12, %get3A_15, %dot_general3A {dimension_numbers = #tpu.dot_dimension_numbers<[1], [0], [0], [1], [0, 0, 1, 1], [], []>, transpose_lhs_hint = false} : vector<10000x128xf32>, vector<128x8xf32>, vector<10000x8xf32> -> vector<10000x8xf32>
    %mul3A = vector.broadcast %rsqrt3A : vector<10000x1xf32> to vector<10000x8xf32>
    %mul3A_17 = arith.mulf %dot_general3A_16, %mul3A : vector<10000x8xf32>
    %swap3A_18 = arith.constant 0 : index
    %swap3A_19 = arith.constant 0 : index
    %swap3A_20 = vector.load %arg5[%swap3A_18, %swap3A_19] : memref<10000x8xf32, #tpu.memory_space<vmem>>, vector<10000x8xf32>
    tpu.vector_store %arg5[%swap3A_18, %swap3A_19], %mul3A_17 {strides = array<i32>} : memref<10000x8xf32, #tpu.memory_space<vmem>>, vector<10000x8xf32>,
    return
  }
}

module attributes {stable_mosaic.version = 14 : i64} {
  func.func @_tc_mid_body(%arg0: memref<10000x8xf32, #tpu.memory_space<vmem>>, %arg1: memref<10000x8xf32, #tpu.memory_space<vmem>>, %arg2: memref<10000x8xf32, #tpu.memory_space<vmem>>, %arg3: memref<10000x1xf32, #tpu.memory_space<vmem>>, %arg4: memref<1x8xf32, #tpu.memory_space<vmem>>, %arg5: memref<8x16xf32, #tpu.memory_space<vmem>>, %arg6: memref<10000x16xf32, #tpu.memory_space<vmem>>) attributes {dimension_semantics = [], scalar_prefetch = 0 : i64, scratch_operands = 0 : i64, tpu.core_type = #tpu.core_type<tc>} {
    %get3A = arith.constant 0 : index
    %get3A_0 = arith.constant 0 : index
    %get3A_1 = vector.load %arg3[%get3A, %get3A_0] : memref<10000x1xf32, #tpu.memory_space<vmem>>, vector<10000x1xf32>
    %get3A_2 = arith.constant 0 : index
    %get3A_3 = arith.constant 0 : index
    %get3A_4 = vector.load %arg0[%get3A_2, %get3A_3] : memref<10000x8xf32, #tpu.memory_space<vmem>>, vector<10000x8xf32>
    %get3A_5 = arith.constant 0 : index
    %get3A_6 = arith.constant 0 : index
    %get3A_7 = vector.load %arg1[%get3A_5, %get3A_6] : memref<10000x8xf32, #tpu.memory_space<vmem>>, vector<10000x8xf32>
    %add3A = arith.addf %get3A_4, %get3A_7 : vector<10000x8xf32>
    %get3A_8 = arith.constant 0 : index
    %get3A_9 = arith.constant 0 : index
    %get3A_10 = vector.load %arg2[%get3A_8, %get3A_9] : memref<10000x8xf32, #tpu.memory_space<vmem>>, vector<10000x8xf32>
    %add3A_11 = arith.addf %add3A, %get3A_10 : vector<10000x8xf32>
    %mul3A = vector.broadcast %get3A_1 : vector<10000x1xf32> to vector<10000x8xf32>
    %mul3A_12 = arith.mulf %mul3A, %add3A_11 : vector<10000x8xf32>
    %get3A_13 = arith.constant 0 : index
    %get3A_14 = arith.constant 0 : index
    %get3A_15 = vector.load %arg4[%get3A_13, %get3A_14] : memref<1x8xf32, #tpu.memory_space<vmem>>, vector<1x8xf32>
    %add3A_16 = vector.broadcast %get3A_15 : vector<1x8xf32> to vector<10000x8xf32>
    %add3A_17 = arith.addf %mul3A_12, %add3A_16 : vector<10000x8xf32>
    %max3A = arith.constant 0.000000e+00 : f32
    %max3A_18 = vector.broadcast %max3A : f32 to vector<10000x8xf32>
    %max3A_19 = arith.maximumf %add3A_17, %max3A_18 : vector<10000x8xf32>
    %get3A_20 = arith.constant 0 : index
    %get3A_21 = arith.constant 0 : index
    %get3A_22 = vector.load %arg5[%get3A_20, %get3A_21] : memref<8x16xf32, #tpu.memory_space<vmem>>, vector<8x16xf32>
    %dot_general3A = arith.constant dense<0.000000e+00> : vector<10000x16xf32>
    %dot_general3A_23 = tpu.matmul %max3A_19, %get3A_22, %dot_general3A {dimension_numbers = #tpu.dot_dimension_numbers<[1], [0], [0], [1], [0, 0, 1, 1], [], []>, transpose_lhs_hint = false} : vector<10000x8xf32>, vector<8x16xf32>, vector<10000x16xf32> -> vector<10000x16xf32>
    %get3A_24 = arith.constant 0 : index
    %get3A_25 = arith.constant 0 : index
    %get3A_26 = vector.load %arg3[%get3A_24, %get3A_25] : memref<10000x1xf32, #tpu.memory_space<vmem>>, vector<10000x1xf32>
    %mul3A_27 = vector.broadcast %get3A_26 : vector<10000x1xf32> to vector<10000x16xf32>
    %mul3A_28 = arith.mulf %dot_general3A_23, %mul3A_27 : vector<10000x16xf32>
    %swap3A = arith.constant 0 : index
    %swap3A_29 = arith.constant 0 : index
    %swap3A_30 = vector.load %arg6[%swap3A, %swap3A_29] : memref<10000x16xf32, #tpu.memory_space<vmem>>, vector<10000x16xf32>
    tpu.vector_store %arg6[%swap3A, %swap3A_29], %mul3A_28 {strides = array<i32>} : memref<10000x16xf32, #tpu.memory_space<vmem>>, vector<10000x16xf32>,
    return
  }
}

module attributes {stable_mosaic.version = 14 : i64} {
  func.func @_tc_mid_body(%arg0: memref<10000x16xf32, #tpu.memory_space<vmem>>, %arg1: memref<10000x16xf32, #tpu.memory_space<vmem>>, %arg2: memref<10000x16xf32, #tpu.memory_space<vmem>>, %arg3: memref<10000x1xf32, #tpu.memory_space<vmem>>, %arg4: memref<1x16xf32, #tpu.memory_space<vmem>>, %arg5: memref<16x8xf32, #tpu.memory_space<vmem>>, %arg6: memref<10000x8xf32, #tpu.memory_space<vmem>>) attributes {dimension_semantics = [], scalar_prefetch = 0 : i64, scratch_operands = 0 : i64, tpu.core_type = #tpu.core_type<tc>} {
    %get3A = arith.constant 0 : index
    %get3A_0 = arith.constant 0 : index
    %get3A_1 = vector.load %arg3[%get3A, %get3A_0] : memref<10000x1xf32, #tpu.memory_space<vmem>>, vector<10000x1xf32>
    %get3A_2 = arith.constant 0 : index
    %get3A_3 = arith.constant 0 : index
    %get3A_4 = vector.load %arg0[%get3A_2, %get3A_3] : memref<10000x16xf32, #tpu.memory_space<vmem>>, vector<10000x16xf32>
    %get3A_5 = arith.constant 0 : index
    %get3A_6 = arith.constant 0 : index
    %get3A_7 = vector.load %arg1[%get3A_5, %get3A_6] : memref<10000x16xf32, #tpu.memory_space<vmem>>, vector<10000x16xf32>
    %add3A = arith.addf %get3A_4, %get3A_7 : vector<10000x16xf32>
    %get3A_8 = arith.constant 0 : index
    %get3A_9 = arith.constant 0 : index
    %get3A_10 = vector.load %arg2[%get3A_8, %get3A_9] : memref<10000x16xf32, #tpu.memory_space<vmem>>, vector<10000x16xf32>
    %add3A_11 = arith.addf %add3A, %get3A_10 : vector<10000x16xf32>
    %mul3A = vector.broadcast %get3A_1 : vector<10000x1xf32> to vector<10000x16xf32>
    %mul3A_12 = arith.mulf %mul3A, %add3A_11 : vector<10000x16xf32>
    %get3A_13 = arith.constant 0 : index
    %get3A_14 = arith.constant 0 : index
    %get3A_15 = vector.load %arg4[%get3A_13, %get3A_14] : memref<1x16xf32, #tpu.memory_space<vmem>>, vector<1x16xf32>
    %add3A_16 = vector.broadcast %get3A_15 : vector<1x16xf32> to vector<10000x16xf32>
    %add3A_17 = arith.addf %mul3A_12, %add3A_16 : vector<10000x16xf32>
    %max3A = arith.constant 0.000000e+00 : f32
    %max3A_18 = vector.broadcast %max3A : f32 to vector<10000x16xf32>
    %max3A_19 = arith.maximumf %add3A_17, %max3A_18 : vector<10000x16xf32>
    %get3A_20 = arith.constant 0 : index
    %get3A_21 = arith.constant 0 : index
    %get3A_22 = vector.load %arg5[%get3A_20, %get3A_21] : memref<16x8xf32, #tpu.memory_space<vmem>>, vector<16x8xf32>
    %dot_general3A = arith.constant dense<0.000000e+00> : vector<10000x8xf32>
    %dot_general3A_23 = tpu.matmul %max3A_19, %get3A_22, %dot_general3A {dimension_numbers = #tpu.dot_dimension_numbers<[1], [0], [0], [1], [0, 0, 1, 1], [], []>, transpose_lhs_hint = false} : vector<10000x16xf32>, vector<16x8xf32>, vector<10000x8xf32> -> vector<10000x8xf32>
    %get3A_24 = arith.constant 0 : index
    %get3A_25 = arith.constant 0 : index
    %get3A_26 = vector.load %arg3[%get3A_24, %get3A_25] : memref<10000x1xf32, #tpu.memory_space<vmem>>, vector<10000x1xf32>
    %mul3A_27 = vector.broadcast %get3A_26 : vector<10000x1xf32> to vector<10000x8xf32>
    %mul3A_28 = arith.mulf %dot_general3A_23, %mul3A_27 : vector<10000x8xf32>
    %swap3A = arith.constant 0 : index
    %swap3A_29 = arith.constant 0 : index
    %swap3A_30 = vector.load %arg6[%swap3A, %swap3A_29] : memref<10000x8xf32, #tpu.memory_space<vmem>>, vector<10000x8xf32>
    tpu.vector_store %arg6[%swap3A, %swap3A_29], %mul3A_28 {strides = array<i32>} : memref<10000x8xf32, #tpu.memory_space<vmem>>, vector<10000x8xf32>,
    return
  }
}

module attributes {stable_mosaic.version = 14 : i64} {
  func.func @_tc_mid_body(%arg0: memref<10000x8xf32, #tpu.memory_space<vmem>>, %arg1: memref<10000x8xf32, #tpu.memory_space<vmem>>, %arg2: memref<10000x8xf32, #tpu.memory_space<vmem>>, %arg3: memref<10000x1xf32, #tpu.memory_space<vmem>>, %arg4: memref<1x8xf32, #tpu.memory_space<vmem>>, %arg5: memref<8x40xf32, #tpu.memory_space<vmem>>, %arg6: memref<10000x40xf32, #tpu.memory_space<vmem>>) attributes {dimension_semantics = [], scalar_prefetch = 0 : i64, scratch_operands = 0 : i64, tpu.core_type = #tpu.core_type<tc>} {
    %get3A = arith.constant 0 : index
    %get3A_0 = arith.constant 0 : index
    %get3A_1 = vector.load %arg3[%get3A, %get3A_0] : memref<10000x1xf32, #tpu.memory_space<vmem>>, vector<10000x1xf32>
    %get3A_2 = arith.constant 0 : index
    %get3A_3 = arith.constant 0 : index
    %get3A_4 = vector.load %arg0[%get3A_2, %get3A_3] : memref<10000x8xf32, #tpu.memory_space<vmem>>, vector<10000x8xf32>
    %get3A_5 = arith.constant 0 : index
    %get3A_6 = arith.constant 0 : index
    %get3A_7 = vector.load %arg1[%get3A_5, %get3A_6] : memref<10000x8xf32, #tpu.memory_space<vmem>>, vector<10000x8xf32>
    %add3A = arith.addf %get3A_4, %get3A_7 : vector<10000x8xf32>
    %get3A_8 = arith.constant 0 : index
    %get3A_9 = arith.constant 0 : index
    %get3A_10 = vector.load %arg2[%get3A_8, %get3A_9] : memref<10000x8xf32, #tpu.memory_space<vmem>>, vector<10000x8xf32>
    %add3A_11 = arith.addf %add3A, %get3A_10 : vector<10000x8xf32>
    %mul3A = vector.broadcast %get3A_1 : vector<10000x1xf32> to vector<10000x8xf32>
    %mul3A_12 = arith.mulf %mul3A, %add3A_11 : vector<10000x8xf32>
    %get3A_13 = arith.constant 0 : index
    %get3A_14 = arith.constant 0 : index
    %get3A_15 = vector.load %arg4[%get3A_13, %get3A_14] : memref<1x8xf32, #tpu.memory_space<vmem>>, vector<1x8xf32>
    %add3A_16 = vector.broadcast %get3A_15 : vector<1x8xf32> to vector<10000x8xf32>
    %add3A_17 = arith.addf %mul3A_12, %add3A_16 : vector<10000x8xf32>
    %max3A = arith.constant 0.000000e+00 : f32
    %max3A_18 = vector.broadcast %max3A : f32 to vector<10000x8xf32>
    %max3A_19 = arith.maximumf %add3A_17, %max3A_18 : vector<10000x8xf32>
    %get3A_20 = arith.constant 0 : index
    %get3A_21 = arith.constant 0 : index
    %get3A_22 = vector.load %arg5[%get3A_20, %get3A_21] : memref<8x40xf32, #tpu.memory_space<vmem>>, vector<8x40xf32>
    %dot_general3A = arith.constant dense<0.000000e+00> : vector<10000x40xf32>
    %dot_general3A_23 = tpu.matmul %max3A_19, %get3A_22, %dot_general3A {dimension_numbers = #tpu.dot_dimension_numbers<[1], [0], [0], [1], [0, 0, 1, 1], [], []>, transpose_lhs_hint = false} : vector<10000x8xf32>, vector<8x40xf32>, vector<10000x40xf32> -> vector<10000x40xf32>
    %get3A_24 = arith.constant 0 : index
    %get3A_25 = arith.constant 0 : index
    %get3A_26 = vector.load %arg3[%get3A_24, %get3A_25] : memref<10000x1xf32, #tpu.memory_space<vmem>>, vector<10000x1xf32>
    %mul3A_27 = vector.broadcast %get3A_26 : vector<10000x1xf32> to vector<10000x40xf32>
    %mul3A_28 = arith.mulf %dot_general3A_23, %mul3A_27 : vector<10000x40xf32>
    %swap3A = arith.constant 0 : index
    %swap3A_29 = arith.constant 0 : index
    %swap3A_30 = vector.load %arg6[%swap3A, %swap3A_29] : memref<10000x40xf32, #tpu.memory_space<vmem>>, vector<10000x40xf32>
    tpu.vector_store %arg6[%swap3A, %swap3A_29], %mul3A_28 {strides = array<i32>} : memref<10000x40xf32, #tpu.memory_space<vmem>>, vector<10000x40xf32>,
    return
  }
}

module attributes {stable_mosaic.version = 14 : i64} {
  func.func @_tc_final_body(%arg0: memref<10000x40xf32, #tpu.memory_space<vmem>>, %arg1: memref<10000x40xf32, #tpu.memory_space<vmem>>, %arg2: memref<10000x40xf32, #tpu.memory_space<vmem>>, %arg3: memref<10000x1xf32, #tpu.memory_space<vmem>>, %arg4: memref<1x40xf32, #tpu.memory_space<vmem>>, %arg5: memref<10000x40xf32, #tpu.memory_space<vmem>>) attributes {dimension_semantics = [], scalar_prefetch = 0 : i64, scratch_operands = 0 : i64, tpu.core_type = #tpu.core_type<tc>} {
    %get3A = arith.constant 0 : index
    %get3A_0 = arith.constant 0 : index
    %get3A_1 = vector.load %arg3[%get3A, %get3A_0] : memref<10000x1xf32, #tpu.memory_space<vmem>>, vector<10000x1xf32>
    %get3A_2 = arith.constant 0 : index
    %get3A_3 = arith.constant 0 : index
    %get3A_4 = vector.load %arg0[%get3A_2, %get3A_3] : memref<10000x40xf32, #tpu.memory_space<vmem>>, vector<10000x40xf32>
    %get3A_5 = arith.constant 0 : index
    %get3A_6 = arith.constant 0 : index
    %get3A_7 = vector.load %arg1[%get3A_5, %get3A_6] : memref<10000x40xf32, #tpu.memory_space<vmem>>, vector<10000x40xf32>
    %add3A = arith.addf %get3A_4, %get3A_7 : vector<10000x40xf32>
    %get3A_8 = arith.constant 0 : index
    %get3A_9 = arith.constant 0 : index
    %get3A_10 = vector.load %arg2[%get3A_8, %get3A_9] : memref<10000x40xf32, #tpu.memory_space<vmem>>, vector<10000x40xf32>
    %add3A_11 = arith.addf %add3A, %get3A_10 : vector<10000x40xf32>
    %mul3A = vector.broadcast %get3A_1 : vector<10000x1xf32> to vector<10000x40xf32>
    %mul3A_12 = arith.mulf %mul3A, %add3A_11 : vector<10000x40xf32>
    %get3A_13 = arith.constant 0 : index
    %get3A_14 = arith.constant 0 : index
    %get3A_15 = vector.load %arg4[%get3A_13, %get3A_14] : memref<1x40xf32, #tpu.memory_space<vmem>>, vector<1x40xf32>
    %add3A_16 = vector.broadcast %get3A_15 : vector<1x40xf32> to vector<10000x40xf32>
    %add3A_17 = arith.addf %mul3A_12, %add3A_16 : vector<10000x40xf32>
    %reduce_max3A = arith.constant dense<0xFF800000> : vector<10000xf32>
    %reduce_max3A_18 = vector.multi_reduction <maximumf>, %add3A_17, %reduce_max3A [1] : vector<10000x40xf32> to vector<10000xf32>
    %broadcast_in_dim3A = vector.shape_cast %reduce_max3A_18 : vector<10000xf32> to vector<10000x1xf32>
    %sub3A = vector.broadcast %broadcast_in_dim3A : vector<10000x1xf32> to vector<10000x40xf32>
    %sub3A_19 = arith.subf %add3A_17, %sub3A : vector<10000x40xf32>
    %exp3A = math.exp %sub3A_19 : vector<10000x40xf32>
    %sub3A_20 = vector.broadcast %broadcast_in_dim3A : vector<10000x1xf32> to vector<10000x40xf32>
    %sub3A_21 = arith.subf %add3A_17, %sub3A_20 : vector<10000x40xf32>
    %reduce_sum3A = arith.constant dense<0.000000e+00> : vector<10000xf32>
    %reduce_sum3A_22 = vector.multi_reduction <add>, %exp3A, %reduce_sum3A [1] : vector<10000x40xf32> to vector<10000xf32>
    %broadcast_in_dim3A_23 = vector.shape_cast %reduce_sum3A_22 : vector<10000xf32> to vector<10000x1xf32>
    %log3A = math.log %broadcast_in_dim3A_23 : vector<10000x1xf32>
    %sub3A_24 = vector.broadcast %log3A : vector<10000x1xf32> to vector<10000x40xf32>
    %sub3A_25 = arith.subf %sub3A_21, %sub3A_24 : vector<10000x40xf32>
    %swap3A = arith.constant 0 : index
    %swap3A_26 = arith.constant 0 : index
    %swap3A_27 = vector.load %arg5[%swap3A, %swap3A_26] : memref<10000x40xf32, #tpu.memory_space<vmem>>, vector<10000x40xf32>
    tpu.vector_store %arg5[%swap3A, %swap3A_26], %sub3A_25 {strides = array<i32>} : memref<10000x40xf32, #tpu.memory_space<vmem>>, vector<10000x40xf32>,
    return
  }
}

</mosaic_0001>

<sc_bundles>
// kernel: kernel.12.cloned.1.call-start
scs
__scs_entry_jumppad:
0x0: {  	(pc) =	sbr.rel $0x88, $3  }
0x1: {  	(tag) =	ssettag $0x0;
	lr =	simm.s32 $0x1  }
0x2: {  	[smem:$0x3F97] =	sst lr;
	_ =	strace $0xD0000000  }
0x3: {  	_ = 	snop  }
0x4: {  	_ = 	snop  }
0x5: {  	_ = 	snop  }
0x6: {  	_ = 	snop  }
0x7: {  	_ = 	snop  }
__scs_overlays_trampoline_lowered:
0x8: {  	[smem:$0x3FA6] =	sst s0  }
0x9: {  	[smem:$0x3FA7] =	sst s1  }
0xa: {  	[smem:$0x3FA8] =	sst s2  }
0xb: {  	[smem:$0x3FA9] =	sst s3  }
0xc: {  	[smem:$0x3FAA] =	sst s4  }
0xd: {  	[smem:$0x3FAB] =	sst s5  }
0xe: {  	[smem:$0x3FAC] =	sst s6  }
0xf: {  	[smem:$0x3FAD] =	sst s7  }
0x10: {  	[smem:$0x3FAE] =	sst s8  }
0x11: {  	[smem:$0x3FAF] =	sst s9;
	s0 =	simm.s32 @!p0 $0x0  }
0x12: {  	s1 =	sld [smem:$0x3F95];
	s0 =	simm.s32 @p0 $0x1  }
0x13: {  	[smem:$0x3FB0] =	sst s0;
	s0 =	simm.s32 @!p1 $0x0  }
0x14: {  	s2 =	sld [smem:$0x3F94];
	s0 =	simm.s32 @p1 $0x1  }
0x15: {  	[smem:$0x3FB1] =	sst s0;
	s0 =	simm.s32 @!p2 $0x0  }
0x16: {  	s3 =	sld [smem:$0x3FDB];
	s0 =	simm.s32 @p2 $0x1  }
0x17: {  	s4 =	simm.s32 $0x1BF5;
	[smem:$0x3FB3] =	sst s0  }
0x18: {  	s0 =	sld [smem:$0x3F96];
	_ =	swait.ge [sflag:s4], $0x0  }
0x19: {  	s7 =	sld [smem:$0x3F97]  }
0x1a: {  	s8 =	sadd.s32 $0xFFFFE003, lr  }
0x1b: {  	s9 =	sadd.s32 $0xFFFFFEF7, lr;
	s5 =	simm.s32 $0xFFFFFFFF;
	p2 =	slt.u32 s8, $0xFFFFF086  }
0x1c: {  	p1 =	slt.u32 s9, $0xF7A;
	s5 =	simm.s32 @!p2 $0x0  }
0x1d: {  	s5 =	simm.s32 @p1 $0x1;
	p0 =	seq.s32 s7, s2  }
0x1e: {  	s7 =	smul.u32 @!p0 $0xF7A, s2;
	p2 =	seq.s32 @!p0 s5, $0x0  }
0x1f: {  	s9 =	smul.u32 $0xF7A, s1;
	s8 =	simm.s32 @!p0 $0x1BF5;
	p2 =	por !p2, p0  }
0x20: {  	[sflag:s8] =	ssyncset.s32 @!p0 $0xFFFFF086;
	s6 =	sadd.s32 @!p0 s3, s7;
	s7 =	simm.s32 @!p0 $0x108  }
0x21: {  	s3 =	sadd.s32 s3, s9;
	s6 =	sadd.s32 @!p0 $0x88, s6;
	s7 =	simm.s32 @p2 $0x1082  }
0x22: {  	[simem:s7], [sflag:s8] =	dma.local @!p0 [hbm:s6], $0xF7A  }
0x23: {  	s9 =	sor.u32 $0xD0000000, s2;
	s6 =	simm.s32 $0x108;
	_ =	swait.ge @!p0 [sflag:s8], $0x0  }
0x24: {  	s3 =	sadd.s32 $0x88, s3;
	s6 =	simm.s32 @!p1 $0x1082;
	[sflag:s4] =	ssyncset.s32 $0xFFFFF086  }
0x25: {  	[simem:s6], [sflag:s4] =	dma.local [hbm:s3], $0xF7A  }
0x26: {  	[smem:$0x3F97] =	sst s1;
	(tag) =	ssettag s2;
	_ =	strace s9  }
0x27: {  	s1 =	sld [smem:$0x3FA7]  }
0x28: {  	s2 =	sld [smem:$0x3FA8]  }
0x29: {  	s4 =	sld [smem:$0x3FAA]  }
0x2a: {  	p0 =	seq.s32 s5, $0x0;
	s5 =	sld [smem:$0x3FAB]  }
0x2b: {  	s6 =	sld [smem:$0x3FAC]  }
0x2c: {  	s7 =	sld [smem:$0x3FAD]  }
0x2d: {  	s3 =	simm.s32 $0x108;
	s8 =	sld [smem:$0x3FAE]  }
0x2e: {  	s3 =	simm.s32 @!p0 $0x1082;
	s9 =	sld [smem:$0x3FAF]  }
0x2f: {  	lr =	sadd.s32 s0, s3;
	s0 =	sld [smem:$0x3FA6]  }
0x30: {  	s3 =	sld [smem:$0x3FA9]  }
0x31: {  	[smem:$0x3FB2] =	sst s10  }
0x32: {  	s10 =	sld [smem:$0x3FB0];
	_ =	sdelay $0x3  }
0x33: {  	p0 =	seq.s32 s10, $0x1;
	s10 =	sld [smem:$0x3FB2];
	_ =	sdelay $0x3  }
0x34: {  	[smem:$0x3FB2] =	sst s10  }
0x35: {  	s10 =	sld [smem:$0x3FB1];
	_ =	sdelay $0x3  }
0x36: {  	p1 =	seq.s32 s10, $0x1;
	s10 =	sld [smem:$0x3FB2];
	_ =	sdelay $0x3  }
0x37: {  	[smem:$0x3FB2] =	sst s10  }
0x38: {  	s10 =	sld [smem:$0x3FB3]  }
0x39: {  	_ = 	snop;
	(pc) =	sbr.ind lr, $3  }
0x3a: {  	_ = 	snop  }
0x3b: {  	_ = 	snop  }
0x3c: {  	p2 =	seq.s32 s10, $0x1;
	s10 =	sld [smem:$0x3FB2]  }
0x3d: {  	_ =	shalt  }
0x3e: {  	_ =	shalt  }
0x3f: {  	_ =	shalt  }
0x40: {  	_ =	shalt  }
0x41: {  	_ =	shalt  }
0x42: {  	_ =	shalt  }
0x43: {  	_ =	shalt  }
0x44: {  	_ =	shalt  }
0x45: {  	_ =	shalt  }
0x46: {  	_ =	shalt  }
0x47: {  	_ =	shalt  }
0x48: {  	_ =	shalt  }
0x49: {  	_ =	shalt  }
0x4a: {  	_ =	shalt  }
0x4b: {  	_ =	shalt  }
0x4c: {  	_ =	shalt  }
0x4d: {  	_ =	shalt  }
0x4e: {  	_ =	shalt  }
0x4f: {  	_ =	shalt  }
0x50: {  	_ =	shalt  }
0x51: {  	_ =	shalt  }
0x52: {  	_ =	shalt  }
0x53: {  	_ =	shalt  }
0x54: {  	_ =	shalt  }
0x55: {  	_ =	shalt  }
0x56: {  	_ =	shalt  }
0x57: {  	_ =	shalt  }
0x58: {  	_ =	shalt  }
0x59: {  	_ =	shalt  }
0x5a: {  	_ =	shalt  }
0x5b: {  	_ =	shalt  }
0x5c: {  	_ =	shalt  }
0x5d: {  	_ =	shalt  }
0x5e: {  	_ =	shalt  }
0x5f: {  	_ =	shalt  }
0x60: {  	_ =	shalt  }
0x61: {  	_ =	shalt  }
0x62: {  	_ =	shalt  }
0x63: {  	_ =	shalt  }
0x64: {  	_ =	shalt  }
0x65: {  	_ =	shalt  }
0x66: {  	_ =	shalt  }
0x67: {  	_ =	shalt  }
0x68: {  	_ =	shalt  }
0x69: {  	_ =	shalt  }
0x6a: {  	_ =	shalt  }
0x6b: {  	_ =	shalt  }
0x6c: {  	_ =	shalt  }
0x6d: {  	_ =	shalt  }
0x6e: {  	_ =	shalt  }
0x6f: {  	_ =	shalt  }
0x70: {  	_ =	shalt  }
0x71: {  	_ =	shalt  }
0x72: {  	_ =	shalt  }
0x73: {  	_ =	shalt  }
0x74: {  	_ =	shalt  }
0x75: {  	_ =	shalt  }
0x76: {  	_ =	shalt  }
0x77: {  	_ =	shalt  }
0x78: {  	_ =	shalt  }
0x79: {  	_ =	shalt  }
0x7a: {  	_ =	shalt  }
0x7b: {  	_ =	shalt  }
0x7c: {  	_ =	shalt  }
0x7d: {  	_ =	shalt  }
0x7e: {  	_ =	shalt  }
0x7f: {  	_ =	shalt  }
0x80: {  	_ =	shalt  }
0x81: {  	_ =	shalt  }
0x82: {  	_ =	shalt  }
0x83: {  	_ =	shalt  }
0x84: {  	_ =	shalt  }
0x85: {  	_ =	shalt  }
0x86: {  	_ =	shalt  }
0x87: {  	_ =	shalt  }
.Lfunc_end0:
.L_simem_size_0:
called_computation_lowered:
.L_overlay_start_0:
0x88: {  	s2 =	sld [smem:$0x3FD9]  }
0x89: {  	s3 =	sld [smem:$0x3FFE];
	_ =	sdelay $0x1  }
0x8a: {  	s1 =	srdreg.scid  }
0x8b: {  	s0 =	sand.u32 $0x1, s1  }
0x8c: {  	s17 =	sshll.u32 s0, $0xA;
	s2 =	sadd.s32 s3, s2  }
0x8d: {  	s2 =	sadd.s32 s2, s17  }
0x8e: {  	[smem:$0x3FBE] =	sst s2  }
0x8f: {  	_ = 	snop  }
0x90: {  	s2 =	sld [smem:$0x3FD0];
	(tm) =	ssettm $0x1  }
0x91: {  	s18 =	sld [smem:$0x3FFB];
	_ =	sdelay $0x3  }
0x92: {  	_ =	strace s18  }
0x93: {  	s3 =	sld [smem:$0x3FFC];
	_ =	sdelay $0x3  }
0x94: {  	_ =	strace s3  }
0x95: {  	s3 =	sld [smem:$0x3FFD];
	_ =	sdelay $0x3  }
0x96: {  	_ =	strace s3  }
0x97: {  	_ =	strace $0x8FFFFFFF  }
0x98: {  	s19 =	sld [smem:$0x3FDB];
	_ =	sdelay $0x1  }
0x99: {  	s4 =	simm.s32 $_scs_section_size  }
0x9a: {  	s5 =	simm.s32 $_size__tile_overlayer_lowered;
	s6 =	simm.s32 $_tile_overlayer_lowered  }
0x9b: {  	s22 =	simm.s32 $0x1BFF;
	s21 =	sshll.u32 s6, $0x1;
	s3 =	sadd.s32 s4, s19  }
0x9c: {  	s7 =	simm.s32 $0x0;
	s20 =	sshll.u32 s5, $0x1;
	s5 =	sadd.s32 s21, s3  }
0x9d: {  	[timem:s7], [sflag:s22] =	dma.local [hbm:s5], s20  }
0x9e: {  	_ =	swait.ge [sflag:s22], s20  }
0x9f: {  	s4 =	ssub.s32 $0x0, s20;
	[sflag:s22] =	ssyncset.done $0x0  }
0xa0: {  	[sflag:s22] =	ssyncadd.s32 s4;
	_ =	sdelay $0x1  }
0xa1: {  	s23 =	simm.s32 $0x1B8B  }
0xa2: {  	_ =	swait.ge [sflag:s23], $0x1  }
0xa3: {  	[sflag:s23] =	ssyncset.done $0x0  }
0xa4: {  	s25 =	simm.s32 $0x1B8E;
	s24 =	sld [smem:$0x3FFE];
	[sflag:s23] =	ssyncadd.s32 $0xFFFFFFFF  }
0xa5: {  	s26 =	simm.s32 $execute0_lowered;
	[smem:$0x3FD2] =	sst s25  }
0xa6: {  	s5 =	sshll.u32 s26, $0x1;
	_ =	strace $0x80000046;
	[dreg:$0x1] =	wrdreg $0xFFFFFFFF  }
0xa7: {  	s28 =	simm.s32 $_size_execute0_lowered;
	s3 =	sadd.s32 s3, s5;
	[dreg:$0x0] =	wrdreg $0x0  }
0xa8: {  	s5 =	sshll.u32 s28, $0x1;
	[dreg:$0x2] =	wrdreg s3  }
0xa9: {  	[dreg:$0x3] =	wrdreg s5  }
0xaa: {  	[dreg:$0x4] =	wrdreg $0xC0  }
0xab: {  	_ =	task [dreg:s7], $0x5FFFF  }
0xac: {  	[dreg:$0x1] =	wrdreg $0xFFFFFFFF  }
0xad: {  	[dreg:$0x0] =	wrdreg $0x60  }
0xae: {  	[dreg:$0x2] =	wrdreg s24  }
0xaf: {  	[dreg:$0x3] =	wrdreg s2  }
0xb0: {  	[dreg:$0x4] =	wrdreg $0x2AF80  }
0xb1: {  	[dreg:$0x5] =	wrdreg $0x9  }
0xb2: {  	_ =	task.clear_ibuf [dreg:s7], $0x6FFFF;
	_ =	strace $0x90000046  }
0xb3: {  	s29 =	simm.s32 $0x9;
	_ =	strace $0x80000048  }
0xb4: {  	_ =	swait.ge [sflag:s29], $0x1  }
0xb5: {  	[sflag:s29] =	ssyncadd.s32 $0xFFFFFFFF  }
0xb6: {  	_ =	strace $0x90000048  }
0xb7: {  	_ =	sfence  }
0xb8: {  	s30 =	sld [smem:$0x0];
	_ =	sdelay $0x2  }
0xb9: {  	s31 =	sshll.u32 s1, $0xD;
	s1 =	sshrl.u32 s1, $0x2  }
0xba: {  	s3 =	sand.u32 $0x4000, s31;
	s1 =	sadd.s32 s1, s30  }
0xbb: {  	s0 =	sor.u32 s3, s0;
	s1 =	sshll.u32 s1, $0x11  }
0xbc: {  	s0 =	sor.u32 s1, s0  }
0xbd: {  	s0 =	sadd.s32 $0x8F2B, s0  }
0xbe: {  	[sflag:s0] =	ssyncadd.remote.s32 $0x1  }
0xbf: {  	_ =	sfence.sel $0xFFFF  }
0xc0: {  	[dreg:$0x0] =	wrdreg $0xFFFFFFFF;
	(pc) =	sbr.abs _section_cstart, $3  }
0xc1: {  	[dreg:$0x1] =	wrdreg $0xFFFFFFFF  }
0xc2: {  	_ =	task.clear_ibuf [dreg:s7], $0x2FFFF;
	_ =	strace $0x9FFFFFFF  }
0xc3: {  	(tm) =	ssettm $0x7FFFFFFF  }
tec
execute0_lowered:
.L_overlay_start_1:
0x0: {  	(tag) =	ssettag $0x1  }
0x1: {  	s4 =	rddreg [dreg:$0x0]  }
0x2: {  	s6 =	rddreg [dreg:$0x1];
	s0 =	srdreg.scid  }
0x3: {  	s2 =	rddreg [dreg:$0x2];
	s1 =	stileid.u32;
	s3 =	simm.s32 $0x0  }
0x4: {  	s11 =	simm.s32 $0x2800;
	s5 =	sand.u32 $0x1, s0;
	s0 =	rddreg [dreg:$0x3]  }
0x5: {  	s12 =	simm.s32 $0x0;
	s8 =	smul.u32 $0x278, s1;
	[smem:$0x7FF] =	sst s3  }
0x6: {  	s7 =	sshll.u32 s5, $0x4;
	s9 =	smul.u32 $0x2780, s5;
	s5 =	ssub.s32 $0x2, s5  }
0x7: {  	_ =	strace $0x80000047;
	s7 =	sor.u32 s1, s7;
	s10 =	sshrl.u32 s5, $0x1  }
0x8: {  	s7 =	smul.u32 $0x500, s7;
	s9 =	sadd.s32 s8, s9;
	s31 =	ssub.s32 s5, s10  }
0x9: {  	s5 =	sadd.s32 s8, s2;
	s8 =	simm.s32 $0x1;
	s9 =	sshrl.u32 s9, $0x3  }
0xa: {  	s10 =	simm.s32 $0x80;
	s4 =	sadd.s32 s7, s4;
	s6 =	sadd.s32 s6, s9  }
0xb: {  	v0 =	vimm.f32 $1.000000000e+00;
	v1 =	vimm.f32 $0.0e+00;
	s7 =	smax.u32 s31, $0x1;
	s9 =	simm.s32 $0x2880;
	s4 =	sadd.s32 $0x2A00, s4  }
.LBB2_1:
0xc: {  	[tilespmem:s3], [sflag:$0x1] =	stream.linear.gather [hbm4b:s4+s3], $0x2800, $0x38;
	[tilespmem:$0x2D70] =	vst v63  }
0xd: {  	_ =	swait.ge [sflag:s8], $0x2800  }
0xe: {  	[sflag:s8] =	ssyncset.done $0x0  }
0xf: {  	[sflag:s8] =	ssyncadd.s32 $0xFFFFD800  }
0x10: {  	[tilespmem:$0x2800] =	vst v0  }
0x11: {  	[tilespmem:$0x2810] =	vst v0  }
0x12: {  	[tilespmem:$0x2820] =	vst v0  }
0x13: {  	[tilespmem:$0x2830] =	vst v0  }
0x14: {  	[tilespmem:$0x2840] =	vst v0  }
0x15: {  	[tilespmem:$0x2850] =	vst v0  }
0x16: {  	[tilespmem:$0x2860] =	vst v0  }
0x17: {  	[tilespmem:$0x2870] =	vst v0  }
0x18: {  	[tilespmem:$0x2880] =	vst v1  }
0x19: {  	[tilespmem:$0x2890] =	vst v1  }
0x1a: {  	[tilespmem:$0x28A0] =	vst v1  }
0x1b: {  	[tilespmem:$0x28B0] =	vst v1  }
0x1c: {  	[tilespmem:$0x28C0] =	vst v1  }
0x1d: {  	[tilespmem:$0x28D0] =	vst v1  }
0x1e: {  	[tilespmem:$0x28E0] =	vst v1  }
0x1f: {  	[tilespmem:$0x28F0] =	vst v1  }
0x20: {  	[tilespmem:$0x2900] =	vst v1  }
0x21: {  	[tilespmem:$0x2910] =	vst v1  }
0x22: {  	[tilespmem:$0x2920] =	vst v1  }
0x23: {  	[tilespmem:$0x2930] =	vst v1  }
0x24: {  	[tilespmem:$0x2940] =	vst v1  }
0x25: {  	[tilespmem:$0x2950] =	vst v1  }
0x26: {  	[tilespmem:$0x2960] =	vst v1  }
0x27: {  	[tilespmem:$0x2970] =	vst v1  }
0x28: {  	[tilespmem:$0x2980] =	vst v1  }
0x29: {  	[tilespmem:$0x2990] =	vst v1  }
0x2a: {  	[tilespmem:$0x29A0] =	vst v1  }
0x2b: {  	[tilespmem:$0x29B0] =	vst v1  }
0x2c: {  	[tilespmem:$0x29C0] =	vst v1  }
0x2d: {  	[tilespmem:$0x29D0] =	vst v1  }
0x2e: {  	[tilespmem:$0x29E0] =	vst v1  }
0x2f: {  	[tilespmem:$0x29F0] =	vst v1  }
0x30: {  	[tilespmem:$0x2A00] =	vst v1  }
0x31: {  	[tilespmem:$0x2A10] =	vst v1  }
0x32: {  	[tilespmem:$0x2A20] =	vst v1  }
0x33: {  	[tilespmem:$0x2A30] =	vst v1  }
0x34: {  	[tilespmem:$0x2A40] =	vst v1  }
0x35: {  	[tilespmem:$0x2A50] =	vst v1  }
0x36: {  	[tilespmem:$0x2A60] =	vst v1  }
0x37: {  	[tilespmem:$0x2A70] =	vst v1  }
0x38: {  	[tilespmem:$0x2A80] =	vst v1  }
0x39: {  	[tilespmem:$0x2A90] =	vst v1  }
0x3a: {  	[tilespmem:$0x2AA0] =	vst v1  }
0x3b: {  	[tilespmem:$0x2AB0] =	vst v1  }
0x3c: {  	[tilespmem:$0x2AC0] =	vst v1  }
0x3d: {  	[tilespmem:$0x2AD0] =	vst v1  }
0x3e: {  	[tilespmem:$0x2AE0] =	vst v1  }
0x3f: {  	[tilespmem:$0x2AE8] =	vst v1  }
0x40: {  	[spmem:s5] =	stream.linear.scatter [tilespmem:s9], [sflag:$0x1], $0x278, $0x38;
	[tilespmem:$0x2D70] =	vst v63  }
0x41: {  	_ =	swait.ge [sflag:s8], $0x278  }
0x42: {  	[sflag:s8] =	ssyncset.done $0x0  }
0x43: {  	[sflag:s8] =	ssyncadd.s32 $0xFFFFFD88  }
0x44: {  	s13 =	simm.s32 $0x0;
	[bflag:$0x0] =	sbarrier.arrive $0xFFFF  }
0x45: {  	[spmem:s2] =	stream.indirect.scatter.add.f32 [tilespmem:s11], [sflag:$0x1], $0x1, s13, s10, $0xb8;
	[tilespmem:$0x2D70] =	vst v63  }
0x46: {  	_ =	swait.ge [sflag:s8], $0x80  }
0x47: {  	s13 =	simm.s32 $0x200;
	[sflag:s8] =	ssyncset.done $0x0  }
.LBB2_2:
0x48: {  	s14 =	sshra.s32 s13, $0x2;
	[sflag:s8] =	ssyncadd.s32 $0xFFFFFF80;
	p0 =	sne.s32 s13, $0x9E00  }
0x49: {  	[spmem:s2] =	stream.indirect.scatter.add.f32 [tilespmem:s11], [sflag:$0x1], $0x1, s14, s10, $0xb8;
	[tilespmem:$0x2D70] =	vst v63  }
.Ltmp0:
0x4a: {  	_ = 	snop;
	(pc) =	sbr.rel @p0 .LBB2_2-.Ltmp0, $4  }
0x4b: {  	_ = 	snop  }
0x4c: {  	s13 =	sadd.s32 $0x200, s13  }
0x4d: {  	_ =	swait.ge [sflag:s8], $0x80  }
0x4e: {  	[sflag:s8] =	ssyncset.done $0x0  }
0x4f: {  	[sflag:s8] =	ssyncadd.s32 $0xFFFFFF80  }
0x50: {  	[bflag:$0x0] =	sbarrier.arrive $0xFFFF  }
0x51: {  	[tilespmem:s9], [sflag:$0x1] =	stream.linear.gather [spmem:s5], $0x278, $0x38;
	[tilespmem:$0x2D70] =	vst v63  }
0x52: {  	s12 =	sadd.s32 $0x1, s12;
	_ =	swait.ge [sflag:s8], $0x278  }
0x53: {  	p0 =	sne.s32 s12, s7;
	[sflag:s8] =	ssyncset.done $0x0  }
.Ltmp1:
0x54: {  	[sflag:s8] =	ssyncadd.s32 $0xFFFFFD88;
	(pc) =	sbr.rel @p0 .LBB2_1-.Ltmp1, $4  }
0x55: {  	[hbm4b:s6+s3] =	stream.linear.scatter [tilespmem:s9], [sflag:$0x1], $0x278, $0x38;
	[tilespmem:$0x2D70] =	vst v63  }
0x56: {  	_ =	swait.ge [sflag:s8], $0x278  }
0x57: {  	[sflag:s8] =	ssyncset.done $0x0  }
0x58: {  	[sflag:s8] =	ssyncadd.s32 $0xFFFFFD88  }
0x59: {  	_ =	sfence.sel $0x180000  }
0x5a: {  	[bflag:$0x0] =	sbarrier.arrive $0xFFFF  }
0x5b: {  	p0 =	sne.s32 s1, $0x0;
	_ =	strace $0x90000047  }
0x5c: {  	s0 =	sadd.s32 @!p0 $0x100000, s0;
	[bflag:$0x2] =	sbarrier.arrive $0xFFFF  }
0x5d: {  	[sflag:s0] =	ssyncadd.tile.s32 @!p0 $0x1;
	_ =	shalt  }
.Lfunc_end2:
_tile_overlayer_lowered:
.L_overlay_start_2:
0x5e: {  	(tag) =	ssettag $0x2  }
0x5f: {  	s0 =	rddreg [dreg:$0x0];
	s2 =	stileid.u32  }
0x60: {  	s1 =	rddreg [dreg:$0x1];
	p0 =	sne.s32 s2, $0x0  }
0x61: {  	s3 =	rddreg [dreg:$0x2];
	[bflag:$0x3] =	sbarrier.arrive $0xFFFF;
	s2 =	simm.s32 @!p0 $0x1C01  }
0x62: {  	[timem:s3], [sflag:s2] =	dma.local @!p0 [hbm:s0], s1  }
0x63: {  	s0 =	simm.s32 @!p0 $0x1  }
0x64: {  	_ =	swait.ge @!p0 [sflag:s0], s1  }
0x65: {  	s1 =	ssub.s32 @!p0 $0x0, s1;
	[sflag:s0] =	ssyncset.done @!p0 $0x0  }
0x66: {  	[sflag:s0] =	ssyncadd.s32 @!p0 s1  }
0x67: {  	[bflag:$0x3] =	sbarrier.arrive $0xFFFF  }
0x68: {  	_ =	shalt  }

// kernel: kernel.15.cloned.1.call-start
scs
__scs_entry_jumppad:
0x0: {  	(pc) =	sbr.rel $0x88, $3  }
0x1: {  	(tag) =	ssettag $0x0;
	lr =	simm.s32 $0x1  }
0x2: {  	[smem:$0x3F97] =	sst lr;
	_ =	strace $0xD0000000  }
0x3: {  	_ = 	snop  }
0x4: {  	_ = 	snop  }
0x5: {  	_ = 	snop  }
0x6: {  	_ = 	snop  }
0x7: {  	_ = 	snop  }
__scs_overlays_trampoline_lowered:
0x8: {  	[smem:$0x3FA6] =	sst s0  }
0x9: {  	[smem:$0x3FA7] =	sst s1  }
0xa: {  	[smem:$0x3FA8] =	sst s2  }
0xb: {  	[smem:$0x3FA9] =	sst s3  }
0xc: {  	[smem:$0x3FAA] =	sst s4  }
0xd: {  	[smem:$0x3FAB] =	sst s5  }
0xe: {  	[smem:$0x3FAC] =	sst s6  }
0xf: {  	[smem:$0x3FAD] =	sst s7  }
0x10: {  	[smem:$0x3FAE] =	sst s8  }
0x11: {  	[smem:$0x3FAF] =	sst s9;
	s0 =	simm.s32 @!p0 $0x0  }
0x12: {  	s1 =	sld [smem:$0x3F95];
	s0 =	simm.s32 @p0 $0x1  }
0x13: {  	[smem:$0x3FB0] =	sst s0;
	s0 =	simm.s32 @!p1 $0x0  }
0x14: {  	s2 =	sld [smem:$0x3F94];
	s0 =	simm.s32 @p1 $0x1  }
0x15: {  	[smem:$0x3FB1] =	sst s0;
	s0 =	simm.s32 @!p2 $0x0  }
0x16: {  	s3 =	sld [smem:$0x3FDB];
	s0 =	simm.s32 @p2 $0x1  }
0x17: {  	s4 =	simm.s32 $0x1BF5;
	[smem:$0x3FB3] =	sst s0  }
0x18: {  	s0 =	sld [smem:$0x3F96];
	_ =	swait.ge [sflag:s4], $0x0  }
0x19: {  	s7 =	sld [smem:$0x3F97]  }
0x1a: {  	s8 =	sadd.s32 $0xFFFFE003, lr  }
0x1b: {  	s9 =	sadd.s32 $0xFFFFFEF7, lr;
	s5 =	simm.s32 $0xFFFFFFFF;
	p2 =	slt.u32 s8, $0xFFFFF086  }
0x1c: {  	p1 =	slt.u32 s9, $0xF7A;
	s5 =	simm.s32 @!p2 $0x0  }
0x1d: {  	s5 =	simm.s32 @p1 $0x1;
	p0 =	seq.s32 s7, s2  }
0x1e: {  	s7 =	smul.u32 @!p0 $0xF7A, s2;
	p2 =	seq.s32 @!p0 s5, $0x0  }
0x1f: {  	s9 =	smul.u32 $0xF7A, s1;
	s8 =	simm.s32 @!p0 $0x1BF5;
	p2 =	por !p2, p0  }
0x20: {  	[sflag:s8] =	ssyncset.s32 @!p0 $0xFFFFF086;
	s6 =	sadd.s32 @!p0 s3, s7;
	s7 =	simm.s32 @!p0 $0x108  }
0x21: {  	s3 =	sadd.s32 s3, s9;
	s6 =	sadd.s32 @!p0 $0x88, s6;
	s7 =	simm.s32 @p2 $0x1082  }
0x22: {  	[simem:s7], [sflag:s8] =	dma.local @!p0 [hbm:s6], $0xF7A  }
0x23: {  	s9 =	sor.u32 $0xD0000000, s2;
	s6 =	simm.s32 $0x108;
	_ =	swait.ge @!p0 [sflag:s8], $0x0  }
0x24: {  	s3 =	sadd.s32 $0x88, s3;
	s6 =	simm.s32 @!p1 $0x1082;
	[sflag:s4] =	ssyncset.s32 $0xFFFFF086  }
0x25: {  	[simem:s6], [sflag:s4] =	dma.local [hbm:s3], $0xF7A  }
0x26: {  	[smem:$0x3F97] =	sst s1;
	(tag) =	ssettag s2;
	_ =	strace s9  }
0x27: {  	s1 =	sld [smem:$0x3FA7]  }
0x28: {  	s2 =	sld [smem:$0x3FA8]  }
0x29: {  	s4 =	sld [smem:$0x3FAA]  }
0x2a: {  	p0 =	seq.s32 s5, $0x0;
	s5 =	sld [smem:$0x3FAB]  }
0x2b: {  	s6 =	sld [smem:$0x3FAC]  }
0x2c: {  	s7 =	sld [smem:$0x3FAD]  }
0x2d: {  	s3 =	simm.s32 $0x108;
	s8 =	sld [smem:$0x3FAE]  }
0x2e: {  	s3 =	simm.s32 @!p0 $0x1082;
	s9 =	sld [smem:$0x3FAF]  }
0x2f: {  	lr =	sadd.s32 s0, s3;
	s0 =	sld [smem:$0x3FA6]  }
0x30: {  	s3 =	sld [smem:$0x3FA9]  }
0x31: {  	[smem:$0x3FB2] =	sst s10  }
0x32: {  	s10 =	sld [smem:$0x3FB0];
	_ =	sdelay $0x3  }
0x33: {  	p0 =	seq.s32 s10, $0x1;
	s10 =	sld [smem:$0x3FB2];
	_ =	sdelay $0x3  }
0x34: {  	[smem:$0x3FB2] =	sst s10  }
0x35: {  	s10 =	sld [smem:$0x3FB1];
	_ =	sdelay $0x3  }
0x36: {  	p1 =	seq.s32 s10, $0x1;
	s10 =	sld [smem:$0x3FB2];
	_ =	sdelay $0x3  }
0x37: {  	[smem:$0x3FB2] =	sst s10  }
0x38: {  	s10 =	sld [smem:$0x3FB3]  }
0x39: {  	_ = 	snop;
	(pc) =	sbr.ind lr, $3  }
0x3a: {  	_ = 	snop  }
0x3b: {  	_ = 	snop  }
0x3c: {  	p2 =	seq.s32 s10, $0x1;
	s10 =	sld [smem:$0x3FB2]  }
0x3d: {  	_ =	shalt  }
0x3e: {  	_ =	shalt  }
0x3f: {  	_ =	shalt  }
0x40: {  	_ =	shalt  }
0x41: {  	_ =	shalt  }
0x42: {  	_ =	shalt  }
0x43: {  	_ =	shalt  }
0x44: {  	_ =	shalt  }
0x45: {  	_ =	shalt  }
0x46: {  	_ =	shalt  }
0x47: {  	_ =	shalt  }
0x48: {  	_ =	shalt  }
0x49: {  	_ =	shalt  }
0x4a: {  	_ =	shalt  }
0x4b: {  	_ =	shalt  }
0x4c: {  	_ =	shalt  }
0x4d: {  	_ =	shalt  }
0x4e: {  	_ =	shalt  }
0x4f: {  	_ =	shalt  }
0x50: {  	_ =	shalt  }
0x51: {  	_ =	shalt  }
0x52: {  	_ =	shalt  }
0x53: {  	_ =	shalt  }
0x54: {  	_ =	shalt  }
0x55: {  	_ =	shalt  }
0x56: {  	_ =	shalt  }
0x57: {  	_ =	shalt  }
0x58: {  	_ =	shalt  }
0x59: {  	_ =	shalt  }
0x5a: {  	_ =	shalt  }
0x5b: {  	_ =	shalt  }
0x5c: {  	_ =	shalt  }
0x5d: {  	_ =	shalt  }
0x5e: {  	_ =	shalt  }
0x5f: {  	_ =	shalt  }
0x60: {  	_ =	shalt  }
0x61: {  	_ =	shalt  }
0x62: {  	_ =	shalt  }
0x63: {  	_ =	shalt  }
0x64: {  	_ =	shalt  }
0x65: {  	_ =	shalt  }
0x66: {  	_ =	shalt  }
0x67: {  	_ =	shalt  }
0x68: {  	_ =	shalt  }
0x69: {  	_ =	shalt  }
0x6a: {  	_ =	shalt  }
0x6b: {  	_ =	shalt  }
0x6c: {  	_ =	shalt  }
0x6d: {  	_ =	shalt  }
0x6e: {  	_ =	shalt  }
0x6f: {  	_ =	shalt  }
0x70: {  	_ =	shalt  }
0x71: {  	_ =	shalt  }
0x72: {  	_ =	shalt  }
0x73: {  	_ =	shalt  }
0x74: {  	_ =	shalt  }
0x75: {  	_ =	shalt  }
0x76: {  	_ =	shalt  }
0x77: {  	_ =	shalt  }
0x78: {  	_ =	shalt  }
0x79: {  	_ =	shalt  }
0x7a: {  	_ =	shalt  }
0x7b: {  	_ =	shalt  }
0x7c: {  	_ =	shalt  }
0x7d: {  	_ =	shalt  }
0x7e: {  	_ =	shalt  }
0x7f: {  	_ =	shalt  }
0x80: {  	_ =	shalt  }
0x81: {  	_ =	shalt  }
0x82: {  	_ =	shalt  }
0x83: {  	_ =	shalt  }
0x84: {  	_ =	shalt  }
0x85: {  	_ =	shalt  }
0x86: {  	_ =	shalt  }
0x87: {  	_ =	shalt  }
.Lfunc_end0:
.L_simem_size_0:
called_computation.1_lowered:
.L_overlay_start_0:
0x88: {  	s2 =	sld [smem:$0x3FD9]  }
0x89: {  	s3 =	sld [smem:$0x3FFE];
	_ =	sdelay $0x1  }
0x8a: {  	s1 =	srdreg.scid  }
0x8b: {  	s0 =	sand.u32 $0x1, s1  }
0x8c: {  	s17 =	sshll.u32 s0, $0xA;
	s2 =	sadd.s32 s3, s2  }
0x8d: {  	s2 =	sadd.s32 s2, s17  }
0x8e: {  	[smem:$0x3FBE] =	sst s2  }
0x8f: {  	_ = 	snop  }
0x90: {  	s2 =	sld [smem:$0x3FD0];
	(tm) =	ssettm $0x1  }
0x91: {  	s18 =	sld [smem:$0x3FFB];
	_ =	sdelay $0x3  }
0x92: {  	_ =	strace s18  }
0x93: {  	s3 =	sld [smem:$0x3FFC];
	_ =	sdelay $0x3  }
0x94: {  	_ =	strace s3  }
0x95: {  	s3 =	sld [smem:$0x3FFD];
	_ =	sdelay $0x3  }
0x96: {  	_ =	strace s3  }
0x97: {  	_ =	strace $0x8FFFFFFF  }
0x98: {  	s19 =	sld [smem:$0x3FDB];
	_ =	sdelay $0x1  }
0x99: {  	s4 =	simm.s32 $_scs_section_size  }
0x9a: {  	s5 =	simm.s32 $_size__tile_overlayer_lowered;
	s6 =	simm.s32 $_tile_overlayer_lowered  }
0x9b: {  	s22 =	simm.s32 $0x1BFF;
	s21 =	sshll.u32 s6, $0x1;
	s3 =	sadd.s32 s4, s19  }
0x9c: {  	s7 =	simm.s32 $0x0;
	s20 =	sshll.u32 s5, $0x1;
	s5 =	sadd.s32 s21, s3  }
0x9d: {  	[timem:s7], [sflag:s22] =	dma.local [hbm:s5], s20  }
0x9e: {  	_ =	swait.ge [sflag:s22], s20  }
0x9f: {  	s4 =	ssub.s32 $0x0, s20;
	[sflag:s22] =	ssyncset.done $0x0  }
0xa0: {  	[sflag:s22] =	ssyncadd.s32 s4;
	_ =	sdelay $0x1  }
0xa1: {  	s23 =	simm.s32 $0x1B8B  }
0xa2: {  	_ =	swait.ge [sflag:s23], $0x1  }
0xa3: {  	[sflag:s23] =	ssyncset.done $0x0  }
0xa4: {  	s25 =	simm.s32 $0x1B8E;
	s24 =	sld [smem:$0x3FFE];
	[sflag:s23] =	ssyncadd.s32 $0xFFFFFFFF  }
0xa5: {  	s26 =	simm.s32 $execute0_lowered;
	[smem:$0x3FD2] =	sst s25  }
0xa6: {  	s5 =	sshll.u32 s26, $0x1;
	_ =	strace $0x80000049;
	[dreg:$0x1] =	wrdreg $0xFFFFFFFF  }
0xa7: {  	s28 =	simm.s32 $_size_execute0_lowered;
	s3 =	sadd.s32 s3, s5;
	[dreg:$0x0] =	wrdreg $0x0  }
0xa8: {  	s5 =	sshll.u32 s28, $0x1;
	[dreg:$0x2] =	wrdreg s3  }
0xa9: {  	[dreg:$0x3] =	wrdreg s5  }
0xaa: {  	[dreg:$0x4] =	wrdreg $0xC0  }
0xab: {  	_ =	task [dreg:s7], $0x5FFFF  }
0xac: {  	[dreg:$0x1] =	wrdreg $0xFFFFFFFF  }
0xad: {  	[dreg:$0x0] =	wrdreg $0x60  }
0xae: {  	[dreg:$0x2] =	wrdreg s24  }
0xaf: {  	[dreg:$0x3] =	wrdreg s2  }
0xb0: {  	[dreg:$0x4] =	wrdreg $0x87800  }
0xb1: {  	[dreg:$0x5] =	wrdreg $0x73C00  }
0xb2: {  	[dreg:$0x6] =	wrdreg $0x9  }
0xb3: {  	_ =	task.clear_ibuf [dreg:s7], $0x7FFFF;
	_ =	strace $0x90000049  }
0xb4: {  	s29 =	simm.s32 $0x9;
	_ =	strace $0x8000004B  }
0xb5: {  	_ =	swait.ge [sflag:s29], $0x1  }
0xb6: {  	[sflag:s29] =	ssyncadd.s32 $0xFFFFFFFF  }
0xb7: {  	_ =	strace $0x9000004B  }
0xb8: {  	_ =	sfence  }
0xb9: {  	s30 =	sld [smem:$0x0];
	_ =	sdelay $0x2  }
0xba: {  	s31 =	sshll.u32 s1, $0xD;
	s1 =	sshrl.u32 s1, $0x2  }
0xbb: {  	s3 =	sand.u32 $0x4000, s31;
	s1 =	sadd.s32 s1, s30  }
0xbc: {  	s0 =	sor.u32 s3, s0;
	s1 =	sshll.u32 s1, $0x11  }
0xbd: {  	s0 =	sor.u32 s1, s0  }
0xbe: {  	s0 =	sadd.s32 $0x8F2B, s0  }
0xbf: {  	[sflag:s0] =	ssyncadd.remote.s32 $0x1  }
0xc0: {  	_ =	sfence.sel $0xFFFF  }
0xc1: {  	[dreg:$0x0] =	wrdreg $0xFFFFFFFF;
	(pc) =	sbr.abs _section_cstart, $3  }
0xc2: {  	[dreg:$0x1] =	wrdreg $0xFFFFFFFF  }
0xc3: {  	_ =	task.clear_ibuf [dreg:s7], $0x2FFFF;
	_ =	strace $0x9FFFFFFF  }
0xc4: {  	(tm) =	ssettm $0x7FFFFFFF  }
0xc5: {  	_ =	shalt  }
tec
execute0_lowered:
.L_overlay_start_1:
0x0: {  	(tag) =	ssettag $0x1  }
0x1: {  	s0 =	rddreg [dreg:$0x0]  }
0x2: {  	s2 =	rddreg [dreg:$0x1]  }
0x3: {  	s1 =	rddreg [dreg:$0x2]  }
0x4: {  	s3 =	rddreg [dreg:$0x3];
	s5 =	srdreg.scid;
	s4 =	simm.s32 $0x0  }
0x5: {  	s14 =	stileid.u32;
	s15 =	simm.s32 $0x6000;
	s16 =	simm.s32 $0x80  }
0x6: {  	s17 =	simm.s32 $0x5000;
	s18 =	simm.s32 $0x5400;
	s20 =	simm.s32 $0x5800  }
0x7: {  	s21 =	simm.s32 $0x180;
	s22 =	simm.s32 $0x5C00;
	s28 =	simm.s32 $0x4E00  }
0x8: {  	s29 =	simm.s32 $0x4E80;
	s30 =	simm.s32 $0x4F00;
	s8 =	smul.u32 $0x1388, s14  }
0x9: {  	s31 =	simm.s32 $0x4F80;
	s9 =	sand.u32 $0x1, s5;
	s10 =	smul.u32 $0x13C0, s14  }
0xa: {  	[smem:$0x7FF] =	sst s4;
	s24 =	smul.u32 $0x278, s14;
	s5 =	sshll.u32 s9, $0x4  }
0xb: {  	_ =	strace $0x8000004A;
	s7 =	ssub.s32 $0x2, s9;
	s25 =	smul.u32 $0x2780, s9  }
0xc: {  	s5 =	sor.u32 s14, s5;
	s6 =	sshrl.u32 s8, $0x3;
	s23 =	sshrl.u32 s10, $0x3  }
0xd: {  	s12 =	sshrl.u32 s7, $0x1;
	s8 =	sadd.s32 s8, s1;
	s10 =	sadd.s32 s10, s3  }
0xe: {  	s26 =	sadd.s32 s2, s24;
	s24 =	simm.s32 $0x2;
	s11 =	sadd.s32 s6, s0  }
0xf: {  	s5 =	smul.u32 $0x500, s5;
	s12 =	ssub.s32 s7, s12;
	s7 =	sadd.s32 $0x3DC00, s11  }
0x10: {  	s11 =	sadd.s32 s25, s26;
	s12 =	smax.u32 s12, $0x1;
	s25 =	simm.s32 $0x3  }
0x11: {  	s26 =	simm.s32 $0x4;
	s13 =	sadd.s32 s5, s0;
	s0 =	sadd.s32 s23, s0  }
0x12: {  	s23 =	simm.s32 $0x1;
	s5 =	sadd.s32 $0xCA00, s13;
	s6 =	sadd.s32 $0x2A00, s13  }
0x13: {  	s9 =	sadd.s32 $0x40400, s0;
	s13 =	simm.s32 $0x5;
	s0 =	simm.s32 $0x0  }
.LBB2_1:
0x14: {  	[tilespmem:s4], [sflag:$0x5] =	stream.linear.gather [hbm4b:s5+s4], $0x2800, $0x38;
	[tilespmem:$0x9B08] =	vst v63  }
0x15: {  	_ =	swait.ge [sflag:s13], $0x2800  }
0x16: {  	[sflag:s13] =	ssyncset.done $0x0  }
0x17: {  	s2 =	simm.s32 $0x2800;
	[sflag:s13] =	ssyncadd.s32 $0xFFFFD800  }
0x18: {  	[tilespmem:s2], [sflag:$0x5] =	stream.linear.gather [hbm4b:s6+s4], $0x2800, $0x38;
	[tilespmem:$0x9B08] =	vst v63  }
0x19: {  	_ =	swait.ge [sflag:s13], $0x2800  }
0x1a: {  	[sflag:s13] =	ssyncset.done $0x0  }
0x1b: {  	[sflag:s13] =	ssyncadd.s32 $0xFFFFD800  }
0x1c: {  	[tilespmem:s15], [sflag:$0x5] =	stream.linear.gather [hbm4b:s7+s4], $0x1388, $0x38;
	[tilespmem:$0x9B08] =	vst v63  }
0x1d: {  	_ =	swait.ge [sflag:s13], $0x1388  }
0x1e: {  	[sflag:s13] =	ssyncset.done $0x0  }
0x1f: {  	[sflag:s13] =	ssyncadd.s32 $0xFFFFEC78  }
0x20: {  	[spmem:s8] =	stream.linear.scatter [tilespmem:s15], [sflag:$0x5], $0x1388, $0x38;
	[tilespmem:$0x9B08] =	vst v63  }
0x21: {  	_ =	swait.ge [sflag:s13], $0x1388  }
0x22: {  	[sflag:s13] =	ssyncset.done $0x0  }
0x23: {  	[sflag:s13] =	ssyncadd.s32 $0xFFFFEC78  }
0x24: {  	[tilespmem:s15], [sflag:$0x5] =	stream.linear.gather [hbm4b:s9+s4], $0x13C0, $0x38;
	[tilespmem:$0x9B08] =	vst v63  }
0x25: {  	_ =	swait.ge [sflag:s13], $0x13C0  }
0x26: {  	[sflag:s13] =	ssyncset.done $0x0  }
0x27: {  	[sflag:s13] =	ssyncadd.s32 $0xFFFFEC40  }
0x28: {  	[spmem:s10] =	stream.linear.scatter [tilespmem:s15], [sflag:$0x5], $0x13C0, $0x38;
	[tilespmem:$0x9B08] =	vst v63  }
0x29: {  	_ =	swait.ge [sflag:s13], $0x13C0  }
0x2a: {  	[sflag:s13] =	ssyncset.done $0x0  }
0x2b: {  	[sflag:s13] =	ssyncadd.s32 $0xFFFFEC40  }
0x2c: {  	[bflag:$0x0] =	sbarrier.arrive $0xFFFF  }
0x2d: {  	[tilespmem:s17], [sflag:$0x1] =	stream.indirect.gather [spmem:s1], $0x8, s4, s16, $0xb8;
	[tilespmem:$0x9B08] =	vst v63  }
0x2e: {  	_ = 	snop  }
0x2f: {  	[tilespmem:s18], [sflag:$0x2] =	stream.indirect.gather [spmem:s1], $0x8, s16, s16, $0xb8;
	[tilespmem:$0x9B08] =	vst v63  }
0x30: {  	s14 =	simm.s32 $0x100  }
0x31: {  	[tilespmem:s20], [sflag:$0x3] =	stream.indirect.gather [spmem:s1], $0x8, s14, s16, $0xb8;
	[tilespmem:$0x9B08] =	vst v63  }
0x32: {  	_ = 	snop  }
0x33: {  	[tilespmem:s22], [sflag:$0x4] =	stream.indirect.gather [spmem:s1], $0x8, s21, s16, $0xb8;
	[tilespmem:$0x9B08] =	vst v63  }
0x34: {  	_ =	swait.ge [sflag:s23], $0x400  }
0x35: {  	[sflag:s23] =	ssyncset.done $0x0  }
0x36: {  	s19 =	simm.s32 $0x2800;
	[sflag:s23] =	ssyncadd.s32 $0xFFFFFC00  }
0x37: {  	[spmem:s3] =	stream.indirect.scatter.add.f32 [tilespmem:s17], [sflag:$0x5], $0x8, s19, s16, $0xb8;
	[tilespmem:$0x9B08] =	vst v63  }
0x38: {  	_ =	swait.ge [sflag:s13], $0x400  }
0x39: {  	[sflag:s13] =	ssyncset.done $0x0  }
0x3a: {  	s14 =	simm.s32 $0x200;
	[sflag:s13] =	ssyncadd.s32 $0xFFFFFC00  }
0x3b: {  	[tilespmem:s17], [sflag:$0x1] =	stream.indirect.gather [spmem:s1], $0x8, s14, s16, $0xb8;
	[tilespmem:$0x9B08] =	vst v63  }
0x3c: {  	_ =	swait.ge [sflag:s24], $0x400  }
0x3d: {  	[sflag:s24] =	ssyncset.done $0x0  }
0x3e: {  	s19 =	simm.s32 $0x2880;
	[sflag:s24] =	ssyncadd.s32 $0xFFFFFC00  }
0x3f: {  	[spmem:s3] =	stream.indirect.scatter.add.f32 [tilespmem:s18], [sflag:$0x5], $0x8, s19, s16, $0xb8;
	[tilespmem:$0x9B08] =	vst v63  }
0x40: {  	_ =	swait.ge [sflag:s13], $0x400  }
0x41: {  	[sflag:s13] =	ssyncset.done $0x0  }
0x42: {  	s14 =	simm.s32 $0x280;
	[sflag:s13] =	ssyncadd.s32 $0xFFFFFC00  }
0x43: {  	[tilespmem:s18], [sflag:$0x2] =	stream.indirect.gather [spmem:s1], $0x8, s14, s16, $0xb8;
	[tilespmem:$0x9B08] =	vst v63  }
0x44: {  	_ =	swait.ge [sflag:s25], $0x400  }
0x45: {  	[sflag:s25] =	ssyncset.done $0x0  }
0x46: {  	s19 =	simm.s32 $0x2900;
	[sflag:s25] =	ssyncadd.s32 $0xFFFFFC00  }
0x47: {  	[spmem:s3] =	stream.indirect.scatter.add.f32 [tilespmem:s20], [sflag:$0x5], $0x8, s19, s16, $0xb8;
	[tilespmem:$0x9B08] =	vst v63  }
0x48: {  	_ =	swait.ge [sflag:s13], $0x400  }
0x49: {  	[sflag:s13] =	ssyncset.done $0x0  }
0x4a: {  	s14 =	simm.s32 $0x300;
	[sflag:s13] =	ssyncadd.s32 $0xFFFFFC00  }
0x4b: {  	[tilespmem:s20], [sflag:$0x3] =	stream.indirect.gather [spmem:s1], $0x8, s14, s16, $0xb8;
	[tilespmem:$0x9B08] =	vst v63  }
0x4c: {  	_ =	swait.ge [sflag:s26], $0x400  }
0x4d: {  	[sflag:s26] =	ssyncset.done $0x0  }
0x4e: {  	s19 =	simm.s32 $0x2980;
	[sflag:s26] =	ssyncadd.s32 $0xFFFFFC00  }
0x4f: {  	[spmem:s3] =	stream.indirect.scatter.add.f32 [tilespmem:s22], [sflag:$0x5], $0x8, s19, s16, $0xb8;
	[tilespmem:$0x9B08] =	vst v63  }
0x50: {  	_ =	swait.ge [sflag:s13], $0x400  }
0x51: {  	[sflag:s13] =	ssyncset.done $0x0  }
0x52: {  	s2 =	simm.s32 $0x800;
	s14 =	simm.s32 $0x380;
	[sflag:s13] =	ssyncadd.s32 $0xFFFFFC00  }
.LBB2_2:
0x53: {  	[tilespmem:s22], [sflag:$0x4] =	stream.indirect.gather [spmem:s1], $0x8, s14, s16, $0xb8;
	[tilespmem:$0x9B08] =	vst v63  }
0x54: {  	s14 =	smov.u32 s2  }
0x55: {  	p0 =	sne.s32 s2, $0x9000;
	s2 =	sadd.s32 $0x800, s2;
	_ =	swait.ge [sflag:s23], $0x400  }
0x56: {  	s14 =	sshra.s32 s14, $0x2;
	[sflag:s23] =	ssyncset.done $0x0  }
0x57: {  	s19 =	sadd.s32 $0x2800, s14;
	[sflag:s23] =	ssyncadd.s32 $0xFFFFFC00  }
0x58: {  	[spmem:s3] =	stream.indirect.scatter.add.f32 [tilespmem:s17], [sflag:$0x5], $0x8, s19, s16, $0xb8;
	[tilespmem:$0x9B08] =	vst v63  }
0x59: {  	_ =	swait.ge [sflag:s13], $0x400  }
0x5a: {  	[sflag:s13] =	ssyncset.done $0x0  }
0x5b: {  	s19 =	sadd.s32 $0x200, s14;
	[sflag:s13] =	ssyncadd.s32 $0xFFFFFC00  }
0x5c: {  	[tilespmem:s17], [sflag:$0x1] =	stream.indirect.gather [spmem:s1], $0x8, s19, s16, $0xb8;
	[tilespmem:$0x9B08] =	vst v63  }
0x5d: {  	_ =	swait.ge [sflag:s24], $0x400  }
0x5e: {  	[sflag:s24] =	ssyncset.done $0x0  }
0x5f: {  	s19 =	sadd.s32 $0x2880, s14;
	[sflag:s24] =	ssyncadd.s32 $0xFFFFFC00  }
0x60: {  	[spmem:s3] =	stream.indirect.scatter.add.f32 [tilespmem:s18], [sflag:$0x5], $0x8, s19, s16, $0xb8;
	[tilespmem:$0x9B08] =	vst v63  }
0x61: {  	_ =	swait.ge [sflag:s13], $0x400  }
0x62: {  	[sflag:s13] =	ssyncset.done $0x0  }
0x63: {  	s19 =	sadd.s32 $0x280, s14;
	[sflag:s13] =	ssyncadd.s32 $0xFFFFFC00  }
0x64: {  	[tilespmem:s18], [sflag:$0x2] =	stream.indirect.gather [spmem:s1], $0x8, s19, s16, $0xb8;
	[tilespmem:$0x9B08] =	vst v63  }
0x65: {  	_ =	swait.ge [sflag:s25], $0x400  }
0x66: {  	[sflag:s25] =	ssyncset.done $0x0  }
0x67: {  	s19 =	sadd.s32 $0x2900, s14;
	[sflag:s25] =	ssyncadd.s32 $0xFFFFFC00  }
0x68: {  	[spmem:s3] =	stream.indirect.scatter.add.f32 [tilespmem:s20], [sflag:$0x5], $0x8, s19, s16, $0xb8;
	[tilespmem:$0x9B08] =	vst v63  }
0x69: {  	_ =	swait.ge [sflag:s13], $0x400  }
0x6a: {  	[sflag:s13] =	ssyncset.done $0x0  }
0x6b: {  	s19 =	sadd.s32 $0x300, s14;
	[sflag:s13] =	ssyncadd.s32 $0xFFFFFC00  }
0x6c: {  	[tilespmem:s20], [sflag:$0x3] =	stream.indirect.gather [spmem:s1], $0x8, s19, s16, $0xb8;
	[tilespmem:$0x9B08] =	vst v63  }
0x6d: {  	_ =	swait.ge [sflag:s26], $0x400  }
0x6e: {  	[sflag:s26] =	ssyncset.done $0x0  }
.Ltmp0:
0x6f: {  	s19 =	sadd.s32 $0x2980, s14;
	[sflag:s26] =	ssyncadd.s32 $0xFFFFFC00;
	(pc) =	sbr.rel @p0 .LBB2_2-.Ltmp0, $4  }
0x70: {  	[spmem:s3] =	stream.indirect.scatter.add.f32 [tilespmem:s22], [sflag:$0x5], $0x8, s19, s16, $0xb8;
	[tilespmem:$0x9B08] =	vst v63  }
0x71: {  	_ =	swait.ge [sflag:s13], $0x400  }
0x72: {  	[sflag:s13] =	ssyncset.done $0x0  }
0x73: {  	s14 =	sadd.s32 $0x380, s14;
	[sflag:s13] =	ssyncadd.s32 $0xFFFFFC00  }
0x74: {  	[tilespmem:s22], [sflag:$0x4] =	stream.indirect.gather [spmem:s1], $0x8, s14, s16, $0xb8;
	[tilespmem:$0x9B08] =	vst v63  }
0x75: {  	_ =	swait.ge [sflag:s23], $0x400  }
0x76: {  	[sflag:s23] =	ssyncset.done $0x0  }
0x77: {  	[sflag:s23] =	ssyncadd.s32 $0xFFFFFC00  }
0x78: {  	[spmem:s3] =	stream.indirect.scatter.add.f32 [tilespmem:s17], [sflag:$0x5], $0x8, s28, s16, $0xb8;
	[tilespmem:$0x9B08] =	vst v63  }
0x79: {  	_ =	swait.ge [sflag:s13], $0x400  }
0x7a: {  	[sflag:s13] =	ssyncset.done $0x0  }
0x7b: {  	[sflag:s13] =	ssyncadd.s32 $0xFFFFFC00  }
0x7c: {  	_ =	swait.ge [sflag:s24], $0x400  }
0x7d: {  	[sflag:s24] =	ssyncset.done $0x0  }
0x7e: {  	[sflag:s24] =	ssyncadd.s32 $0xFFFFFC00  }
0x7f: {  	[spmem:s3] =	stream.indirect.scatter.add.f32 [tilespmem:s18], [sflag:$0x5], $0x8, s29, s16, $0xb8;
	[tilespmem:$0x9B08] =	vst v63  }
0x80: {  	_ =	swait.ge [sflag:s13], $0x400  }
0x81: {  	[sflag:s13] =	ssyncset.done $0x0  }
0x82: {  	[sflag:s13] =	ssyncadd.s32 $0xFFFFFC00  }
0x83: {  	_ =	swait.ge [sflag:s25], $0x400  }
0x84: {  	[sflag:s25] =	ssyncset.done $0x0  }
0x85: {  	[sflag:s25] =	ssyncadd.s32 $0xFFFFFC00  }
0x86: {  	[spmem:s3] =	stream.indirect.scatter.add.f32 [tilespmem:s20], [sflag:$0x5], $0x8, s30, s16, $0xb8;
	[tilespmem:$0x9B08] =	vst v63  }
0x87: {  	_ =	swait.ge [sflag:s13], $0x400  }
0x88: {  	[sflag:s13] =	ssyncset.done $0x0  }
0x89: {  	[sflag:s13] =	ssyncadd.s32 $0xFFFFFC00  }
0x8a: {  	_ =	swait.ge [sflag:s26], $0x400  }
0x8b: {  	[sflag:s26] =	ssyncset.done $0x0  }
0x8c: {  	[sflag:s26] =	ssyncadd.s32 $0xFFFFFC00  }
0x8d: {  	[spmem:s3] =	stream.indirect.scatter.add.f32 [tilespmem:s22], [sflag:$0x5], $0x8, s31, s16, $0xb8;
	[tilespmem:$0x9B08] =	vst v63  }
0x8e: {  	_ =	swait.ge [sflag:s13], $0x400  }
0x8f: {  	[sflag:s13] =	ssyncset.done $0x0  }
0x90: {  	[sflag:s13] =	ssyncadd.s32 $0xFFFFFC00  }
0x91: {  	[bflag:$0x0] =	sbarrier.arrive $0xFFFF  }
0x92: {  	[tilespmem:s15], [sflag:$0x5] =	stream.linear.gather [spmem:s10], $0x13C0, $0x38;
	[tilespmem:$0x9B08] =	vst v63  }
0x93: {  	s0 =	sadd.s32 $0x1, s0;
	_ =	swait.ge [sflag:s13], $0x13C0  }
0x94: {  	p0 =	sne.s32 s0, s12;
	[sflag:s13] =	ssyncset.done $0x0  }
.Ltmp1:
0x95: {  	[sflag:s13] =	ssyncadd.s32 $0xFFFFEC40;
	(pc) =	sbr.rel @p0 .LBB2_1-.Ltmp1, $4  }
0x96: {  	[hbm4b:s11+s4] =	stream.linear.scatter [tilespmem:s15], [sflag:$0x5], $0x13C0, $0x38;
	[tilespmem:$0x9B08] =	vst v63  }
0x97: {  	_ =	swait.ge [sflag:s13], $0x13C0  }
0x98: {  	[sflag:s13] =	ssyncset.done $0x0  }
0x99: {  	[sflag:s13] =	ssyncadd.s32 $0xFFFFEC40  }
0x9a: {  	_ =	sfence.sel $0x180000  }
0x9b: {  	[bflag:$0x0] =	sbarrier.arrive $0xFFFF  }
0x9c: {  	_ =	strace $0x9000004A  }
0x9d: {  	s0 =	stileid.u32;
	[bflag:$0x2] =	sbarrier.arrive $0xFFFF  }
0x9e: {  	p0 =	sne.s32 s0, $0x0;
	s0 =	rddreg [dreg:$0x4]  }
0x9f: {  	s0 =	sadd.s32 @!p0 $0x100000, s0  }
0xa0: {  	[sflag:s0] =	ssyncadd.tile.s32 @!p0 $0x1;
	_ =	shalt  }
.Lfunc_end2:
_tile_overlayer_lowered:
.L_overlay_start_2:
0xa1: {  	(tag) =	ssettag $0x2  }
0xa2: {  	s0 =	rddreg [dreg:$0x0];
	s2 =	stileid.u32  }
0xa3: {  	s1 =	rddreg [dreg:$0x1];
	p0 =	sne.s32 s2, $0x0  }
0xa4: {  	s3 =	rddreg [dreg:$0x2];
	[bflag:$0x3] =	sbarrier.arrive $0xFFFF;
	s2 =	simm.s32 @!p0 $0x1C05  }
0xa5: {  	[timem:s3], [sflag:s2] =	dma.local @!p0 [hbm:s0], s1  }
0xa6: {  	s0 =	simm.s32 @!p0 $0x5  }
0xa7: {  	_ =	swait.ge @!p0 [sflag:s0], s1  }
0xa8: {  	s1 =	ssub.s32 @!p0 $0x0, s1;
	[sflag:s0] =	ssyncset.done @!p0 $0x0  }
0xa9: {  	[sflag:s0] =	ssyncadd.s32 @!p0 s1  }
0xaa: {  	[bflag:$0x3] =	sbarrier.arrive $0xFFFF  }
0xab: {  	_ =	shalt  }

// kernel: kernel.18.cloned.1.call-start
scs
__scs_entry_jumppad:
0x0: {  	(pc) =	sbr.rel $0x88, $3  }
0x1: {  	(tag) =	ssettag $0x0;
	lr =	simm.s32 $0x1  }
0x2: {  	[smem:$0x3F97] =	sst lr;
	_ =	strace $0xD0000000  }
0x3: {  	_ = 	snop  }
0x4: {  	_ = 	snop  }
0x5: {  	_ = 	snop  }
0x6: {  	_ = 	snop  }
0x7: {  	_ = 	snop  }
__scs_overlays_trampoline_lowered:
0x8: {  	[smem:$0x3FA6] =	sst s0  }
0x9: {  	[smem:$0x3FA7] =	sst s1  }
0xa: {  	[smem:$0x3FA8] =	sst s2  }
0xb: {  	[smem:$0x3FA9] =	sst s3  }
0xc: {  	[smem:$0x3FAA] =	sst s4  }
0xd: {  	[smem:$0x3FAB] =	sst s5  }
0xe: {  	[smem:$0x3FAC] =	sst s6  }
0xf: {  	[smem:$0x3FAD] =	sst s7  }
0x10: {  	[smem:$0x3FAE] =	sst s8  }
0x11: {  	[smem:$0x3FAF] =	sst s9;
	s0 =	simm.s32 @!p0 $0x0  }
0x12: {  	s1 =	sld [smem:$0x3F95];
	s0 =	simm.s32 @p0 $0x1  }
0x13: {  	[smem:$0x3FB0] =	sst s0;
	s0 =	simm.s32 @!p1 $0x0  }
0x14: {  	s2 =	sld [smem:$0x3F94];
	s0 =	simm.s32 @p1 $0x1  }
0x15: {  	[smem:$0x3FB1] =	sst s0;
	s0 =	simm.s32 @!p2 $0x0  }
0x16: {  	s3 =	sld [smem:$0x3FDB];
	s0 =	simm.s32 @p2 $0x1  }
0x17: {  	s4 =	simm.s32 $0x1BF5;
	[smem:$0x3FB3] =	sst s0  }
0x18: {  	s0 =	sld [smem:$0x3F96];
	_ =	swait.ge [sflag:s4], $0x0  }
0x19: {  	s7 =	sld [smem:$0x3F97]  }
0x1a: {  	s8 =	sadd.s32 $0xFFFFE003, lr  }
0x1b: {  	s9 =	sadd.s32 $0xFFFFFEF7, lr;
	s5 =	simm.s32 $0xFFFFFFFF;
	p2 =	slt.u32 s8, $0xFFFFF086  }
0x1c: {  	p1 =	slt.u32 s9, $0xF7A;
	s5 =	simm.s32 @!p2 $0x0  }
0x1d: {  	s5 =	simm.s32 @p1 $0x1;
	p0 =	seq.s32 s7, s2  }
0x1e: {  	s7 =	smul.u32 @!p0 $0xF7A, s2;
	p2 =	seq.s32 @!p0 s5, $0x0  }
0x1f: {  	s9 =	smul.u32 $0xF7A, s1;
	s8 =	simm.s32 @!p0 $0x1BF5;
	p2 =	por !p2, p0  }
0x20: {  	[sflag:s8] =	ssyncset.s32 @!p0 $0xFFFFF086;
	s6 =	sadd.s32 @!p0 s3, s7;
	s7 =	simm.s32 @!p0 $0x108  }
0x21: {  	s3 =	sadd.s32 s3, s9;
	s6 =	sadd.s32 @!p0 $0x88, s6;
	s7 =	simm.s32 @p2 $0x1082  }
0x22: {  	[simem:s7], [sflag:s8] =	dma.local @!p0 [hbm:s6], $0xF7A  }
0x23: {  	s9 =	sor.u32 $0xD0000000, s2;
	s6 =	simm.s32 $0x108;
	_ =	swait.ge @!p0 [sflag:s8], $0x0  }
0x24: {  	s3 =	sadd.s32 $0x88, s3;
	s6 =	simm.s32 @!p1 $0x1082;
	[sflag:s4] =	ssyncset.s32 $0xFFFFF086  }
0x25: {  	[simem:s6], [sflag:s4] =	dma.local [hbm:s3], $0xF7A  }
0x26: {  	[smem:$0x3F97] =	sst s1;
	(tag) =	ssettag s2;
	_ =	strace s9  }
0x27: {  	s1 =	sld [smem:$0x3FA7]  }
0x28: {  	s2 =	sld [smem:$0x3FA8]  }
0x29: {  	s4 =	sld [smem:$0x3FAA]  }
0x2a: {  	p0 =	seq.s32 s5, $0x0;
	s5 =	sld [smem:$0x3FAB]  }
0x2b: {  	s6 =	sld [smem:$0x3FAC]  }
0x2c: {  	s7 =	sld [smem:$0x3FAD]  }
0x2d: {  	s3 =	simm.s32 $0x108;
	s8 =	sld [smem:$0x3FAE]  }
0x2e: {  	s3 =	simm.s32 @!p0 $0x1082;
	s9 =	sld [smem:$0x3FAF]  }
0x2f: {  	lr =	sadd.s32 s0, s3;
	s0 =	sld [smem:$0x3FA6]  }
0x30: {  	s3 =	sld [smem:$0x3FA9]  }
0x31: {  	[smem:$0x3FB2] =	sst s10  }
0x32: {  	s10 =	sld [smem:$0x3FB0];
	_ =	sdelay $0x3  }
0x33: {  	p0 =	seq.s32 s10, $0x1;
	s10 =	sld [smem:$0x3FB2];
	_ =	sdelay $0x3  }
0x34: {  	[smem:$0x3FB2] =	sst s10  }
0x35: {  	s10 =	sld [smem:$0x3FB1];
	_ =	sdelay $0x3  }
0x36: {  	p1 =	seq.s32 s10, $0x1;
	s10 =	sld [smem:$0x3FB2];
	_ =	sdelay $0x3  }
0x37: {  	[smem:$0x3FB2] =	sst s10  }
0x38: {  	s10 =	sld [smem:$0x3FB3]  }
0x39: {  	_ = 	snop;
	(pc) =	sbr.ind lr, $3  }
0x3a: {  	_ = 	snop  }
0x3b: {  	_ = 	snop  }
0x3c: {  	p2 =	seq.s32 s10, $0x1;
	s10 =	sld [smem:$0x3FB2]  }
0x3d: {  	_ =	shalt  }
0x3e: {  	_ =	shalt  }
0x3f: {  	_ =	shalt  }
0x40: {  	_ =	shalt  }
0x41: {  	_ =	shalt  }
0x42: {  	_ =	shalt  }
0x43: {  	_ =	shalt  }
0x44: {  	_ =	shalt  }
0x45: {  	_ =	shalt  }
0x46: {  	_ =	shalt  }
0x47: {  	_ =	shalt  }
0x48: {  	_ =	shalt  }
0x49: {  	_ =	shalt  }
0x4a: {  	_ =	shalt  }
0x4b: {  	_ =	shalt  }
0x4c: {  	_ =	shalt  }
0x4d: {  	_ =	shalt  }
0x4e: {  	_ =	shalt  }
0x4f: {  	_ =	shalt  }
0x50: {  	_ =	shalt  }
0x51: {  	_ =	shalt  }
0x52: {  	_ =	shalt  }
0x53: {  	_ =	shalt  }
0x54: {  	_ =	shalt  }
0x55: {  	_ =	shalt  }
0x56: {  	_ =	shalt  }
0x57: {  	_ =	shalt  }
0x58: {  	_ =	shalt  }
0x59: {  	_ =	shalt  }
0x5a: {  	_ =	shalt  }
0x5b: {  	_ =	shalt  }
0x5c: {  	_ =	shalt  }
0x5d: {  	_ =	shalt  }
0x5e: {  	_ =	shalt  }
0x5f: {  	_ =	shalt  }
0x60: {  	_ =	shalt  }
0x61: {  	_ =	shalt  }
0x62: {  	_ =	shalt  }
0x63: {  	_ =	shalt  }
0x64: {  	_ =	shalt  }
0x65: {  	_ =	shalt  }
0x66: {  	_ =	shalt  }
0x67: {  	_ =	shalt  }
0x68: {  	_ =	shalt  }
0x69: {  	_ =	shalt  }
0x6a: {  	_ =	shalt  }
0x6b: {  	_ =	shalt  }
0x6c: {  	_ =	shalt  }
0x6d: {  	_ =	shalt  }
0x6e: {  	_ =	shalt  }
0x6f: {  	_ =	shalt  }
0x70: {  	_ =	shalt  }
0x71: {  	_ =	shalt  }
0x72: {  	_ =	shalt  }
0x73: {  	_ =	shalt  }
0x74: {  	_ =	shalt  }
0x75: {  	_ =	shalt  }
0x76: {  	_ =	shalt  }
0x77: {  	_ =	shalt  }
0x78: {  	_ =	shalt  }
0x79: {  	_ =	shalt  }
0x7a: {  	_ =	shalt  }
0x7b: {  	_ =	shalt  }
0x7c: {  	_ =	shalt  }
0x7d: {  	_ =	shalt  }
0x7e: {  	_ =	shalt  }
0x7f: {  	_ =	shalt  }
0x80: {  	_ =	shalt  }
0x81: {  	_ =	shalt  }
0x82: {  	_ =	shalt  }
0x83: {  	_ =	shalt  }
0x84: {  	_ =	shalt  }
0x85: {  	_ =	shalt  }
0x86: {  	_ =	shalt  }
0x87: {  	_ =	shalt  }
.Lfunc_end0:
.L_simem_size_0:
called_computation.2_lowered:
.L_overlay_start_0:
0x88: {  	s2 =	sld [smem:$0x3FD9]  }
0x89: {  	s3 =	sld [smem:$0x3FFE];
	_ =	sdelay $0x1  }
0x8a: {  	s1 =	srdreg.scid  }
0x8b: {  	s0 =	sand.u32 $0x1, s1  }
0x8c: {  	s17 =	sshll.u32 s0, $0xA;
	s2 =	sadd.s32 s3, s2  }
0x8d: {  	s2 =	sadd.s32 s2, s17  }
0x8e: {  	[smem:$0x3FBE] =	sst s2  }
0x8f: {  	_ = 	snop  }
0x90: {  	s2 =	sld [smem:$0x3FD0];
	(tm) =	ssettm $0x1  }
0x91: {  	s18 =	sld [smem:$0x3FFB];
	_ =	sdelay $0x3  }
0x92: {  	_ =	strace s18  }
0x93: {  	s3 =	sld [smem:$0x3FFC];
	_ =	sdelay $0x3  }
0x94: {  	_ =	strace s3  }
0x95: {  	s3 =	sld [smem:$0x3FFD];
	_ =	sdelay $0x3  }
0x96: {  	_ =	strace s3  }
0x97: {  	_ =	strace $0x8FFFFFFF  }
0x98: {  	s19 =	sld [smem:$0x3FDB];
	_ =	sdelay $0x1  }
0x99: {  	s4 =	simm.s32 $_scs_section_size  }
0x9a: {  	s5 =	simm.s32 $_size__tile_overlayer_lowered;
	s6 =	simm.s32 $_tile_overlayer_lowered  }
0x9b: {  	s22 =	simm.s32 $0x1BFF;
	s21 =	sshll.u32 s6, $0x1;
	s3 =	sadd.s32 s4, s19  }
0x9c: {  	s7 =	simm.s32 $0x0;
	s20 =	sshll.u32 s5, $0x1;
	s5 =	sadd.s32 s21, s3  }
0x9d: {  	[timem:s7], [sflag:s22] =	dma.local [hbm:s5], s20  }
0x9e: {  	_ =	swait.ge [sflag:s22], s20  }
0x9f: {  	s4 =	ssub.s32 $0x0, s20;
	[sflag:s22] =	ssyncset.done $0x0  }
0xa0: {  	[sflag:s22] =	ssyncadd.s32 s4;
	_ =	sdelay $0x1  }
0xa1: {  	s23 =	simm.s32 $0x1B8B  }
0xa2: {  	_ =	swait.ge [sflag:s23], $0x1  }
0xa3: {  	[sflag:s23] =	ssyncset.done $0x0  }
0xa4: {  	s25 =	simm.s32 $0x1B8E;
	s24 =	sld [smem:$0x3FFE];
	[sflag:s23] =	ssyncadd.s32 $0xFFFFFFFF  }
0xa5: {  	s26 =	simm.s32 $execute0_lowered;
	[smem:$0x3FD2] =	sst s25  }
0xa6: {  	s5 =	sshll.u32 s26, $0x1;
	_ =	strace $0x8000004C;
	[dreg:$0x1] =	wrdreg $0xFFFFFFFF  }
0xa7: {  	s28 =	simm.s32 $_size_execute0_lowered;
	s3 =	sadd.s32 s3, s5;
	[dreg:$0x0] =	wrdreg $0x0  }
0xa8: {  	s5 =	sshll.u32 s28, $0x1;
	[dreg:$0x2] =	wrdreg s3  }
0xa9: {  	[dreg:$0x3] =	wrdreg s5  }
0xaa: {  	[dreg:$0x4] =	wrdreg $0xC0  }
0xab: {  	_ =	task [dreg:s7], $0x5FFFF  }
0xac: {  	[dreg:$0x1] =	wrdreg $0xFFFFFFFF  }
0xad: {  	[dreg:$0x0] =	wrdreg $0x60  }
0xae: {  	[dreg:$0x2] =	wrdreg s24  }
0xaf: {  	[dreg:$0x3] =	wrdreg s2  }
0xb0: {  	[dreg:$0x4] =	wrdreg $0xBF000  }
0xb1: {  	[dreg:$0x5] =	wrdreg $0x97800  }
0xb2: {  	[dreg:$0x6] =	wrdreg $0x9  }
0xb3: {  	_ =	task.clear_ibuf [dreg:s7], $0x7FFFF;
	_ =	strace $0x9000004C  }
0xb4: {  	s29 =	simm.s32 $0x9;
	_ =	strace $0x8000004E  }
0xb5: {  	_ =	swait.ge [sflag:s29], $0x1  }
0xb6: {  	[sflag:s29] =	ssyncadd.s32 $0xFFFFFFFF  }
0xb7: {  	_ =	strace $0x9000004E  }
0xb8: {  	_ =	sfence  }
0xb9: {  	s30 =	sld [smem:$0x0];
	_ =	sdelay $0x2  }
0xba: {  	s31 =	sshll.u32 s1, $0xD;
	s1 =	sshrl.u32 s1, $0x2  }
0xbb: {  	s3 =	sand.u32 $0x4000, s31;
	s1 =	sadd.s32 s1, s30  }
0xbc: {  	s0 =	sor.u32 s3, s0;
	s1 =	sshll.u32 s1, $0x11  }
0xbd: {  	s0 =	sor.u32 s1, s0  }
0xbe: {  	s0 =	sadd.s32 $0x8F2B, s0  }
0xbf: {  	[sflag:s0] =	ssyncadd.remote.s32 $0x1  }
0xc0: {  	_ =	sfence.sel $0xFFFF  }
0xc1: {  	[dreg:$0x0] =	wrdreg $0xFFFFFFFF;
	(pc) =	sbr.abs _section_cstart, $3  }
0xc2: {  	[dreg:$0x1] =	wrdreg $0xFFFFFFFF  }
0xc3: {  	_ =	task.clear_ibuf [dreg:s7], $0x2FFFF;
	_ =	strace $0x9FFFFFFF  }
0xc4: {  	(tm) =	ssettm $0x7FFFFFFF  }
0xc5: {  	_ =	shalt  }
tec
execute0_lowered:
.L_overlay_start_1:
0x0: {  	(tag) =	ssettag $0x1  }
0x1: {  	s0 =	rddreg [dreg:$0x0]  }
0x2: {  	s11 =	rddreg [dreg:$0x1]  }
0x3: {  	s1 =	srdreg.scid;
	s2 =	rddreg [dreg:$0x2]  }
0x4: {  	s12 =	stileid.u32;
	s3 =	rddreg [dreg:$0x3]  }
0x5: {  	s15 =	simm.s32 $0x7000;
	s16 =	simm.s32 $0x80;
	s17 =	simm.s32 $0x5000  }
0x6: {  	s18 =	simm.s32 $0x5800;
	s20 =	simm.s32 $0x6000;
	s21 =	simm.s32 $0x180  }
0x7: {  	s22 =	simm.s32 $0x6800;
	s28 =	simm.s32 $0x4E00;
	s29 =	simm.s32 $0x4E80  }
0x8: {  	s30 =	simm.s32 $0x4F00;
	s1 =	sand.u32 $0x1, s1;
	s8 =	smul.u32 $0x2710, s12  }
0x9: {  	s31 =	simm.s32 $0x4F80;
	s10 =	smul.u32 $0x2780, s12;
	s4 =	sshll.u32 s1, $0x4  }
0xa: {  	s9 =	ssub.s32 $0x2, s1;
	s1 =	smul.u32 $0x4F00, s1;
	s5 =	sor.u32 s12, s4  }
0xb: {  	s4 =	simm.s32 $0x0;
	s6 =	sshrl.u32 s8, $0x3;
	s24 =	sshrl.u32 s10, $0x3  }
0xc: {  	s25 =	sshrl.u32 s9, $0x1;
	s12 =	smul.u32 $0x4F0, s12;
	s8 =	sadd.s32 s8, s2  }
0xd: {  	s10 =	sadd.s32 s10, s3;
	s5 =	smul.u32 $0x500, s5;
	[smem:$0x7FF] =	sst s4  }
0xe: {  	s7 =	sadd.s32 s6, s0;
	s13 =	ssub.s32 s9, s25;
	s25 =	simm.s32 $0x3  }
0xf: {  	_ =	strace $0x8000004D;
	s7 =	sadd.s32 $0x42C00, s7;
	s26 =	sadd.s32 s12, s1  }
0x10: {  	s12 =	smax.u32 s13, $0x1;
	s13 =	simm.s32 $0x5;
	s1 =	simm.s32 $0x0  }
0x11: {  	s23 =	sadd.s32 s5, s0;
	s0 =	sadd.s32 s24, s0;
	s11 =	sadd.s32 s11, s26  }
0x12: {  	s24 =	simm.s32 $0x2;
	s26 =	simm.s32 $0x4;
	s5 =	sadd.s32 $0xCA00, s23  }
0x13: {  	s6 =	sadd.s32 $0x2A00, s23;
	s9 =	sadd.s32 $0x47C00, s0;
	s23 =	simm.s32 $0x1  }
.LBB2_1:
0x14: {  	[tilespmem:s4], [sflag:$0x5] =	stream.linear.gather [hbm4b:s5+s4], $0x2800, $0x38;
	[tilespmem:$0xE610] =	vst v63  }
0x15: {  	_ =	swait.ge [sflag:s13], $0x2800  }
0x16: {  	[sflag:s13] =	ssyncset.done $0x0  }
0x17: {  	s0 =	simm.s32 $0x2800;
	[sflag:s13] =	ssyncadd.s32 $0xFFFFD800  }
0x18: {  	[tilespmem:s0], [sflag:$0x5] =	stream.linear.gather [hbm4b:s6+s4], $0x2800, $0x38;
	[tilespmem:$0xE610] =	vst v63  }
0x19: {  	_ =	swait.ge [sflag:s13], $0x2800  }
0x1a: {  	[sflag:s13] =	ssyncset.done $0x0  }
0x1b: {  	[sflag:s13] =	ssyncadd.s32 $0xFFFFD800  }
0x1c: {  	[tilespmem:s15], [sflag:$0x5] =	stream.linear.gather [hbm4b:s7+s4], $0x2710, $0x38;
	[tilespmem:$0xE610] =	vst v63  }
0x1d: {  	_ =	swait.ge [sflag:s13], $0x2710  }
0x1e: {  	[sflag:s13] =	ssyncset.done $0x0  }
0x1f: {  	[sflag:s13] =	ssyncadd.s32 $0xFFFFD8F0  }
0x20: {  	[spmem:s8] =	stream.linear.scatter [tilespmem:s15], [sflag:$0x5], $0x2710, $0x38;
	[tilespmem:$0xE610] =	vst v63  }
0x21: {  	_ =	swait.ge [sflag:s13], $0x2710  }
0x22: {  	[sflag:s13] =	ssyncset.done $0x0  }
0x23: {  	[sflag:s13] =	ssyncadd.s32 $0xFFFFD8F0  }
0x24: {  	[tilespmem:s15], [sflag:$0x5] =	stream.linear.gather [hbm4b:s9+s4], $0x2780, $0x38;
	[tilespmem:$0xE610] =	vst v63  }
0x25: {  	_ =	swait.ge [sflag:s13], $0x2780  }
0x26: {  	[sflag:s13] =	ssyncset.done $0x0  }
0x27: {  	[sflag:s13] =	ssyncadd.s32 $0xFFFFD880  }
0x28: {  	[spmem:s10] =	stream.linear.scatter [tilespmem:s15], [sflag:$0x5], $0x2780, $0x38;
	[tilespmem:$0xE610] =	vst v63  }
0x29: {  	_ =	swait.ge [sflag:s13], $0x2780  }
0x2a: {  	[sflag:s13] =	ssyncset.done $0x0  }
0x2b: {  	[sflag:s13] =	ssyncadd.s32 $0xFFFFD880  }
0x2c: {  	[bflag:$0x0] =	sbarrier.arrive $0xFFFF  }
0x2d: {  	[tilespmem:s17], [sflag:$0x1] =	stream.indirect.gather [spmem:s2], $0x10, s4, s16, $0xb8;
	[tilespmem:$0xE610] =	vst v63  }
0x2e: {  	_ = 	snop  }
0x2f: {  	[tilespmem:s18], [sflag:$0x2] =	stream.indirect.gather [spmem:s2], $0x10, s16, s16, $0xb8;
	[tilespmem:$0xE610] =	vst v63  }
0x30: {  	s14 =	simm.s32 $0x100  }
0x31: {  	[tilespmem:s20], [sflag:$0x3] =	stream.indirect.gather [spmem:s2], $0x10, s14, s16, $0xb8;
	[tilespmem:$0xE610] =	vst v63  }
0x32: {  	_ = 	snop  }
0x33: {  	[tilespmem:s22], [sflag:$0x4] =	stream.indirect.gather [spmem:s2], $0x10, s21, s16, $0xb8;
	[tilespmem:$0xE610] =	vst v63  }
0x34: {  	_ =	swait.ge [sflag:s23], $0x800  }
0x35: {  	[sflag:s23] =	ssyncset.done $0x0  }
0x36: {  	s19 =	simm.s32 $0x2800;
	[sflag:s23] =	ssyncadd.s32 $0xFFFFF800  }
0x37: {  	[spmem:s3] =	stream.indirect.scatter.add.f32 [tilespmem:s17], [sflag:$0x5], $0x10, s19, s16, $0xb8;
	[tilespmem:$0xE610] =	vst v63  }
0x38: {  	_ =	swait.ge [sflag:s13], $0x800  }
0x39: {  	[sflag:s13] =	ssyncset.done $0x0  }
0x3a: {  	s14 =	simm.s32 $0x200;
	[sflag:s13] =	ssyncadd.s32 $0xFFFFF800  }
0x3b: {  	[tilespmem:s17], [sflag:$0x1] =	stream.indirect.gather [spmem:s2], $0x10, s14, s16, $0xb8;
	[tilespmem:$0xE610] =	vst v63  }
0x3c: {  	_ =	swait.ge [sflag:s24], $0x800  }
0x3d: {  	[sflag:s24] =	ssyncset.done $0x0  }
0x3e: {  	s19 =	simm.s32 $0x2880;
	[sflag:s24] =	ssyncadd.s32 $0xFFFFF800  }
0x3f: {  	[spmem:s3] =	stream.indirect.scatter.add.f32 [tilespmem:s18], [sflag:$0x5], $0x10, s19, s16, $0xb8;
	[tilespmem:$0xE610] =	vst v63  }
0x40: {  	_ =	swait.ge [sflag:s13], $0x800  }
0x41: {  	[sflag:s13] =	ssyncset.done $0x0  }
0x42: {  	s14 =	simm.s32 $0x280;
	[sflag:s13] =	ssyncadd.s32 $0xFFFFF800  }
0x43: {  	[tilespmem:s18], [sflag:$0x2] =	stream.indirect.gather [spmem:s2], $0x10, s14, s16, $0xb8;
	[tilespmem:$0xE610] =	vst v63  }
0x44: {  	_ =	swait.ge [sflag:s25], $0x800  }
0x45: {  	[sflag:s25] =	ssyncset.done $0x0  }
0x46: {  	s19 =	simm.s32 $0x2900;
	[sflag:s25] =	ssyncadd.s32 $0xFFFFF800  }
0x47: {  	[spmem:s3] =	stream.indirect.scatter.add.f32 [tilespmem:s20], [sflag:$0x5], $0x10, s19, s16, $0xb8;
	[tilespmem:$0xE610] =	vst v63  }
0x48: {  	_ =	swait.ge [sflag:s13], $0x800  }
0x49: {  	[sflag:s13] =	ssyncset.done $0x0  }
0x4a: {  	s14 =	simm.s32 $0x300;
	[sflag:s13] =	ssyncadd.s32 $0xFFFFF800  }
0x4b: {  	[tilespmem:s20], [sflag:$0x3] =	stream.indirect.gather [spmem:s2], $0x10, s14, s16, $0xb8;
	[tilespmem:$0xE610] =	vst v63  }
0x4c: {  	_ =	swait.ge [sflag:s26], $0x800  }
0x4d: {  	[sflag:s26] =	ssyncset.done $0x0  }
0x4e: {  	s19 =	simm.s32 $0x2980;
	[sflag:s26] =	ssyncadd.s32 $0xFFFFF800  }
0x4f: {  	[spmem:s3] =	stream.indirect.scatter.add.f32 [tilespmem:s22], [sflag:$0x5], $0x10, s19, s16, $0xb8;
	[tilespmem:$0xE610] =	vst v63  }
0x50: {  	_ =	swait.ge [sflag:s13], $0x800  }
0x51: {  	[sflag:s13] =	ssyncset.done $0x0  }
0x52: {  	s0 =	simm.s32 $0x800;
	s14 =	simm.s32 $0x380;
	[sflag:s13] =	ssyncadd.s32 $0xFFFFF800  }
.LBB2_2:
0x53: {  	[tilespmem:s22], [sflag:$0x4] =	stream.indirect.gather [spmem:s2], $0x10, s14, s16, $0xb8;
	[tilespmem:$0xE610] =	vst v63  }
0x54: {  	s14 =	smov.u32 s0  }
0x55: {  	p0 =	sne.s32 s0, $0x9000;
	s0 =	sadd.s32 $0x800, s0;
	_ =	swait.ge [sflag:s23], $0x800  }
0x56: {  	s14 =	sshra.s32 s14, $0x2;
	[sflag:s23] =	ssyncset.done $0x0  }
0x57: {  	s19 =	sadd.s32 $0x2800, s14;
	[sflag:s23] =	ssyncadd.s32 $0xFFFFF800  }
0x58: {  	[spmem:s3] =	stream.indirect.scatter.add.f32 [tilespmem:s17], [sflag:$0x5], $0x10, s19, s16, $0xb8;
	[tilespmem:$0xE610] =	vst v63  }
0x59: {  	_ =	swait.ge [sflag:s13], $0x800  }
0x5a: {  	[sflag:s13] =	ssyncset.done $0x0  }
0x5b: {  	s19 =	sadd.s32 $0x200, s14;
	[sflag:s13] =	ssyncadd.s32 $0xFFFFF800  }
0x5c: {  	[tilespmem:s17], [sflag:$0x1] =	stream.indirect.gather [spmem:s2], $0x10, s19, s16, $0xb8;
	[tilespmem:$0xE610] =	vst v63  }
0x5d: {  	_ =	swait.ge [sflag:s24], $0x800  }
0x5e: {  	[sflag:s24] =	ssyncset.done $0x0  }
0x5f: {  	s19 =	sadd.s32 $0x2880, s14;
	[sflag:s24] =	ssyncadd.s32 $0xFFFFF800  }
0x60: {  	[spmem:s3] =	stream.indirect.scatter.add.f32 [tilespmem:s18], [sflag:$0x5], $0x10, s19, s16, $0xb8;
	[tilespmem:$0xE610] =	vst v63  }
0x61: {  	_ =	swait.ge [sflag:s13], $0x800  }
0x62: {  	[sflag:s13] =	ssyncset.done $0x0  }
0x63: {  	s19 =	sadd.s32 $0x280, s14;
	[sflag:s13] =	ssyncadd.s32 $0xFFFFF800  }
0x64: {  	[tilespmem:s18], [sflag:$0x2] =	stream.indirect.gather [spmem:s2], $0x10, s19, s16, $0xb8;
	[tilespmem:$0xE610] =	vst v63  }
0x65: {  	_ =	swait.ge [sflag:s25], $0x800  }
0x66: {  	[sflag:s25] =	ssyncset.done $0x0  }
0x67: {  	s19 =	sadd.s32 $0x2900, s14;
	[sflag:s25] =	ssyncadd.s32 $0xFFFFF800  }
0x68: {  	[spmem:s3] =	stream.indirect.scatter.add.f32 [tilespmem:s20], [sflag:$0x5], $0x10, s19, s16, $0xb8;
	[tilespmem:$0xE610] =	vst v63  }
0x69: {  	_ =	swait.ge [sflag:s13], $0x800  }
0x6a: {  	[sflag:s13] =	ssyncset.done $0x0  }
0x6b: {  	s19 =	sadd.s32 $0x300, s14;
	[sflag:s13] =	ssyncadd.s32 $0xFFFFF800  }
0x6c: {  	[tilespmem:s20], [sflag:$0x3] =	stream.indirect.gather [spmem:s2], $0x10, s19, s16, $0xb8;
	[tilespmem:$0xE610] =	vst v63  }
0x6d: {  	_ =	swait.ge [sflag:s26], $0x800  }
0x6e: {  	[sflag:s26] =	ssyncset.done $0x0  }
.Ltmp0:
0x6f: {  	s19 =	sadd.s32 $0x2980, s14;
	[sflag:s26] =	ssyncadd.s32 $0xFFFFF800;
	(pc) =	sbr.rel @p0 .LBB2_2-.Ltmp0, $4  }
0x70: {  	[spmem:s3] =	stream.indirect.scatter.add.f32 [tilespmem:s22], [sflag:$0x5], $0x10, s19, s16, $0xb8;
	[tilespmem:$0xE610] =	vst v63  }
0x71: {  	_ =	swait.ge [sflag:s13], $0x800  }
0x72: {  	[sflag:s13] =	ssyncset.done $0x0  }
0x73: {  	s14 =	sadd.s32 $0x380, s14;
	[sflag:s13] =	ssyncadd.s32 $0xFFFFF800  }
0x74: {  	[tilespmem:s22], [sflag:$0x4] =	stream.indirect.gather [spmem:s2], $0x10, s14, s16, $0xb8;
	[tilespmem:$0xE610] =	vst v63  }
0x75: {  	_ =	swait.ge [sflag:s23], $0x800  }
0x76: {  	[sflag:s23] =	ssyncset.done $0x0  }
0x77: {  	[sflag:s23] =	ssyncadd.s32 $0xFFFFF800  }
0x78: {  	[spmem:s3] =	stream.indirect.scatter.add.f32 [tilespmem:s17], [sflag:$0x5], $0x10, s28, s16, $0xb8;
	[tilespmem:$0xE610] =	vst v63  }
0x79: {  	_ =	swait.ge [sflag:s13], $0x800  }
0x7a: {  	[sflag:s13] =	ssyncset.done $0x0  }
0x7b: {  	[sflag:s13] =	ssyncadd.s32 $0xFFFFF800  }
0x7c: {  	_ =	swait.ge [sflag:s24], $0x800  }
0x7d: {  	[sflag:s24] =	ssyncset.done $0x0  }
0x7e: {  	[sflag:s24] =	ssyncadd.s32 $0xFFFFF800  }
0x7f: {  	[spmem:s3] =	stream.indirect.scatter.add.f32 [tilespmem:s18], [sflag:$0x5], $0x10, s29, s16, $0xb8;
	[tilespmem:$0xE610] =	vst v63  }
0x80: {  	_ =	swait.ge [sflag:s13], $0x800  }
0x81: {  	[sflag:s13] =	ssyncset.done $0x0  }
0x82: {  	[sflag:s13] =	ssyncadd.s32 $0xFFFFF800  }
0x83: {  	_ =	swait.ge [sflag:s25], $0x800  }
0x84: {  	[sflag:s25] =	ssyncset.done $0x0  }
0x85: {  	[sflag:s25] =	ssyncadd.s32 $0xFFFFF800  }
0x86: {  	[spmem:s3] =	stream.indirect.scatter.add.f32 [tilespmem:s20], [sflag:$0x5], $0x10, s30, s16, $0xb8;
	[tilespmem:$0xE610] =	vst v63  }
0x87: {  	_ =	swait.ge [sflag:s13], $0x800  }
0x88: {  	[sflag:s13] =	ssyncset.done $0x0  }
0x89: {  	[sflag:s13] =	ssyncadd.s32 $0xFFFFF800  }
0x8a: {  	_ =	swait.ge [sflag:s26], $0x800  }
0x8b: {  	[sflag:s26] =	ssyncset.done $0x0  }
0x8c: {  	[sflag:s26] =	ssyncadd.s32 $0xFFFFF800  }
0x8d: {  	[spmem:s3] =	stream.indirect.scatter.add.f32 [tilespmem:s22], [sflag:$0x5], $0x10, s31, s16, $0xb8;
	[tilespmem:$0xE610] =	vst v63  }
0x8e: {  	_ =	swait.ge [sflag:s13], $0x800  }
0x8f: {  	[sflag:s13] =	ssyncset.done $0x0  }
0x90: {  	[sflag:s13] =	ssyncadd.s32 $0xFFFFF800  }
0x91: {  	[bflag:$0x0] =	sbarrier.arrive $0xFFFF  }
0x92: {  	[tilespmem:s15], [sflag:$0x5] =	stream.linear.gather [spmem:s10], $0x2780, $0x38;
	[tilespmem:$0xE610] =	vst v63  }
0x93: {  	s1 =	sadd.s32 $0x1, s1;
	_ =	swait.ge [sflag:s13], $0x2780  }
0x94: {  	p0 =	sne.s32 s1, s12;
	[sflag:s13] =	ssyncset.done $0x0  }
.Ltmp1:
0x95: {  	[sflag:s13] =	ssyncadd.s32 $0xFFFFD880;
	(pc) =	sbr.rel @p0 .LBB2_1-.Ltmp1, $4  }
0x96: {  	[hbm4b:s11+s4] =	stream.linear.scatter [tilespmem:s15], [sflag:$0x5], $0x2780, $0x38;
	[tilespmem:$0xE610] =	vst v63  }
0x97: {  	_ =	swait.ge [sflag:s13], $0x2780  }
0x98: {  	[sflag:s13] =	ssyncset.done $0x0  }
0x99: {  	[sflag:s13] =	ssyncadd.s32 $0xFFFFD880  }
0x9a: {  	_ =	sfence.sel $0x180000  }
0x9b: {  	[bflag:$0x0] =	sbarrier.arrive $0xFFFF  }
0x9c: {  	_ =	strace $0x9000004D  }
0x9d: {  	s0 =	stileid.u32;
	[bflag:$0x2] =	sbarrier.arrive $0xFFFF  }
0x9e: {  	p0 =	sne.s32 s0, $0x0;
	s0 =	rddreg [dreg:$0x4]  }
0x9f: {  	s0 =	sadd.s32 @!p0 $0x100000, s0  }
0xa0: {  	[sflag:s0] =	ssyncadd.tile.s32 @!p0 $0x1;
	_ =	shalt  }
.Lfunc_end2:
_tile_overlayer_lowered:
.L_overlay_start_2:
0xa1: {  	(tag) =	ssettag $0x2  }
0xa2: {  	s0 =	rddreg [dreg:$0x0];
	s2 =	stileid.u32  }
0xa3: {  	s1 =	rddreg [dreg:$0x1];
	p0 =	sne.s32 s2, $0x0  }
0xa4: {  	s3 =	rddreg [dreg:$0x2];
	[bflag:$0x3] =	sbarrier.arrive $0xFFFF;
	s2 =	simm.s32 @!p0 $0x1C05  }
0xa5: {  	[timem:s3], [sflag:s2] =	dma.local @!p0 [hbm:s0], s1  }
0xa6: {  	s0 =	simm.s32 @!p0 $0x5  }
0xa7: {  	_ =	swait.ge @!p0 [sflag:s0], s1  }
0xa8: {  	s1 =	ssub.s32 @!p0 $0x0, s1;
	[sflag:s0] =	ssyncset.done @!p0 $0x0  }
0xa9: {  	[sflag:s0] =	ssyncadd.s32 @!p0 s1  }
0xaa: {  	[bflag:$0x3] =	sbarrier.arrive $0xFFFF  }
0xab: {  	_ =	shalt  }

// kernel: kernel.21.cloned.1.call-start
scs
__scs_entry_jumppad:
0x0: {  	(pc) =	sbr.rel $0x88, $3  }
0x1: {  	(tag) =	ssettag $0x0;
	lr =	simm.s32 $0x1  }
0x2: {  	[smem:$0x3F97] =	sst lr;
	_ =	strace $0xD0000000  }
0x3: {  	_ = 	snop  }
0x4: {  	_ = 	snop  }
0x5: {  	_ = 	snop  }
0x6: {  	_ = 	snop  }
0x7: {  	_ = 	snop  }
__scs_overlays_trampoline_lowered:
0x8: {  	[smem:$0x3FA6] =	sst s0  }
0x9: {  	[smem:$0x3FA7] =	sst s1  }
0xa: {  	[smem:$0x3FA8] =	sst s2  }
0xb: {  	[smem:$0x3FA9] =	sst s3  }
0xc: {  	[smem:$0x3FAA] =	sst s4  }
0xd: {  	[smem:$0x3FAB] =	sst s5  }
0xe: {  	[smem:$0x3FAC] =	sst s6  }
0xf: {  	[smem:$0x3FAD] =	sst s7  }
0x10: {  	[smem:$0x3FAE] =	sst s8  }
0x11: {  	[smem:$0x3FAF] =	sst s9;
	s0 =	simm.s32 @!p0 $0x0  }
0x12: {  	s1 =	sld [smem:$0x3F95];
	s0 =	simm.s32 @p0 $0x1  }
0x13: {  	[smem:$0x3FB0] =	sst s0;
	s0 =	simm.s32 @!p1 $0x0  }
0x14: {  	s2 =	sld [smem:$0x3F94];
	s0 =	simm.s32 @p1 $0x1  }
0x15: {  	[smem:$0x3FB1] =	sst s0;
	s0 =	simm.s32 @!p2 $0x0  }
0x16: {  	s3 =	sld [smem:$0x3FDB];
	s0 =	simm.s32 @p2 $0x1  }
0x17: {  	s4 =	simm.s32 $0x1BF5;
	[smem:$0x3FB3] =	sst s0  }
0x18: {  	s0 =	sld [smem:$0x3F96];
	_ =	swait.ge [sflag:s4], $0x0  }
0x19: {  	s7 =	sld [smem:$0x3F97]  }
0x1a: {  	s8 =	sadd.s32 $0xFFFFE003, lr  }
0x1b: {  	s9 =	sadd.s32 $0xFFFFFEF7, lr;
	s5 =	simm.s32 $0xFFFFFFFF;
	p2 =	slt.u32 s8, $0xFFFFF086  }
0x1c: {  	p1 =	slt.u32 s9, $0xF7A;
	s5 =	simm.s32 @!p2 $0x0  }
0x1d: {  	s5 =	simm.s32 @p1 $0x1;
	p0 =	seq.s32 s7, s2  }
0x1e: {  	s7 =	smul.u32 @!p0 $0xF7A, s2;
	p2 =	seq.s32 @!p0 s5, $0x0  }
0x1f: {  	s9 =	smul.u32 $0xF7A, s1;
	s8 =	simm.s32 @!p0 $0x1BF5;
	p2 =	por !p2, p0  }
0x20: {  	[sflag:s8] =	ssyncset.s32 @!p0 $0xFFFFF086;
	s6 =	sadd.s32 @!p0 s3, s7;
	s7 =	simm.s32 @!p0 $0x108  }
0x21: {  	s3 =	sadd.s32 s3, s9;
	s6 =	sadd.s32 @!p0 $0x88, s6;
	s7 =	simm.s32 @p2 $0x1082  }
0x22: {  	[simem:s7], [sflag:s8] =	dma.local @!p0 [hbm:s6], $0xF7A  }
0x23: {  	s9 =	sor.u32 $0xD0000000, s2;
	s6 =	simm.s32 $0x108;
	_ =	swait.ge @!p0 [sflag:s8], $0x0  }
0x24: {  	s3 =	sadd.s32 $0x88, s3;
	s6 =	simm.s32 @!p1 $0x1082;
	[sflag:s4] =	ssyncset.s32 $0xFFFFF086  }
0x25: {  	[simem:s6], [sflag:s4] =	dma.local [hbm:s3], $0xF7A  }
0x26: {  	[smem:$0x3F97] =	sst s1;
	(tag) =	ssettag s2;
	_ =	strace s9  }
0x27: {  	s1 =	sld [smem:$0x3FA7]  }
0x28: {  	s2 =	sld [smem:$0x3FA8]  }
0x29: {  	s4 =	sld [smem:$0x3FAA]  }
0x2a: {  	p0 =	seq.s32 s5, $0x0;
	s5 =	sld [smem:$0x3FAB]  }
0x2b: {  	s6 =	sld [smem:$0x3FAC]  }
0x2c: {  	s7 =	sld [smem:$0x3FAD]  }
0x2d: {  	s3 =	simm.s32 $0x108;
	s8 =	sld [smem:$0x3FAE]  }
0x2e: {  	s3 =	simm.s32 @!p0 $0x1082;
	s9 =	sld [smem:$0x3FAF]  }
0x2f: {  	lr =	sadd.s32 s0, s3;
	s0 =	sld [smem:$0x3FA6]  }
0x30: {  	s3 =	sld [smem:$0x3FA9]  }
0x31: {  	[smem:$0x3FB2] =	sst s10  }
0x32: {  	s10 =	sld [smem:$0x3FB0];
	_ =	sdelay $0x3  }
0x33: {  	p0 =	seq.s32 s10, $0x1;
	s10 =	sld [smem:$0x3FB2];
	_ =	sdelay $0x3  }
0x34: {  	[smem:$0x3FB2] =	sst s10  }
0x35: {  	s10 =	sld [smem:$0x3FB1];
	_ =	sdelay $0x3  }
0x36: {  	p1 =	seq.s32 s10, $0x1;
	s10 =	sld [smem:$0x3FB2];
	_ =	sdelay $0x3  }
0x37: {  	[smem:$0x3FB2] =	sst s10  }
0x38: {  	s10 =	sld [smem:$0x3FB3]  }
0x39: {  	_ = 	snop;
	(pc) =	sbr.ind lr, $3  }
0x3a: {  	_ = 	snop  }
0x3b: {  	_ = 	snop  }
0x3c: {  	p2 =	seq.s32 s10, $0x1;
	s10 =	sld [smem:$0x3FB2]  }
0x3d: {  	_ =	shalt  }
0x3e: {  	_ =	shalt  }
0x3f: {  	_ =	shalt  }
0x40: {  	_ =	shalt  }
0x41: {  	_ =	shalt  }
0x42: {  	_ =	shalt  }
0x43: {  	_ =	shalt  }
0x44: {  	_ =	shalt  }
0x45: {  	_ =	shalt  }
0x46: {  	_ =	shalt  }
0x47: {  	_ =	shalt  }
0x48: {  	_ =	shalt  }
0x49: {  	_ =	shalt  }
0x4a: {  	_ =	shalt  }
0x4b: {  	_ =	shalt  }
0x4c: {  	_ =	shalt  }
0x4d: {  	_ =	shalt  }
0x4e: {  	_ =	shalt  }
0x4f: {  	_ =	shalt  }
0x50: {  	_ =	shalt  }
0x51: {  	_ =	shalt  }
0x52: {  	_ =	shalt  }
0x53: {  	_ =	shalt  }
0x54: {  	_ =	shalt  }
0x55: {  	_ =	shalt  }
0x56: {  	_ =	shalt  }
0x57: {  	_ =	shalt  }
0x58: {  	_ =	shalt  }
0x59: {  	_ =	shalt  }
0x5a: {  	_ =	shalt  }
0x5b: {  	_ =	shalt  }
0x5c: {  	_ =	shalt  }
0x5d: {  	_ =	shalt  }
0x5e: {  	_ =	shalt  }
0x5f: {  	_ =	shalt  }
0x60: {  	_ =	shalt  }
0x61: {  	_ =	shalt  }
0x62: {  	_ =	shalt  }
0x63: {  	_ =	shalt  }
0x64: {  	_ =	shalt  }
0x65: {  	_ =	shalt  }
0x66: {  	_ =	shalt  }
0x67: {  	_ =	shalt  }
0x68: {  	_ =	shalt  }
0x69: {  	_ =	shalt  }
0x6a: {  	_ =	shalt  }
0x6b: {  	_ =	shalt  }
0x6c: {  	_ =	shalt  }
0x6d: {  	_ =	shalt  }
0x6e: {  	_ =	shalt  }
0x6f: {  	_ =	shalt  }
0x70: {  	_ =	shalt  }
0x71: {  	_ =	shalt  }
0x72: {  	_ =	shalt  }
0x73: {  	_ =	shalt  }
0x74: {  	_ =	shalt  }
0x75: {  	_ =	shalt  }
0x76: {  	_ =	shalt  }
0x77: {  	_ =	shalt  }
0x78: {  	_ =	shalt  }
0x79: {  	_ =	shalt  }
0x7a: {  	_ =	shalt  }
0x7b: {  	_ =	shalt  }
0x7c: {  	_ =	shalt  }
0x7d: {  	_ =	shalt  }
0x7e: {  	_ =	shalt  }
0x7f: {  	_ =	shalt  }
0x80: {  	_ =	shalt  }
0x81: {  	_ =	shalt  }
0x82: {  	_ =	shalt  }
0x83: {  	_ =	shalt  }
0x84: {  	_ =	shalt  }
0x85: {  	_ =	shalt  }
0x86: {  	_ =	shalt  }
0x87: {  	_ =	shalt  }
.Lfunc_end0:
.L_simem_size_0:
called_computation.3_lowered:
.L_overlay_start_0:
0x88: {  	s2 =	sld [smem:$0x3FD9]  }
0x89: {  	s3 =	sld [smem:$0x3FFE];
	_ =	sdelay $0x1  }
0x8a: {  	s1 =	srdreg.scid  }
0x8b: {  	s0 =	sand.u32 $0x1, s1  }
0x8c: {  	s17 =	sshll.u32 s0, $0xA;
	s2 =	sadd.s32 s3, s2  }
0x8d: {  	s2 =	sadd.s32 s2, s17  }
0x8e: {  	[smem:$0x3FBE] =	sst s2  }
0x8f: {  	_ = 	snop  }
0x90: {  	s2 =	sld [smem:$0x3FD0];
	(tm) =	ssettm $0x1  }
0x91: {  	s18 =	sld [smem:$0x3FFB];
	_ =	sdelay $0x3  }
0x92: {  	_ =	strace s18  }
0x93: {  	s3 =	sld [smem:$0x3FFC];
	_ =	sdelay $0x3  }
0x94: {  	_ =	strace s3  }
0x95: {  	s3 =	sld [smem:$0x3FFD];
	_ =	sdelay $0x3  }
0x96: {  	_ =	strace s3  }
0x97: {  	_ =	strace $0x8FFFFFFF  }
0x98: {  	s19 =	sld [smem:$0x3FDB];
	_ =	sdelay $0x1  }
0x99: {  	s4 =	simm.s32 $_scs_section_size  }
0x9a: {  	s5 =	simm.s32 $_size__tile_overlayer_lowered;
	s6 =	simm.s32 $_tile_overlayer_lowered  }
0x9b: {  	s22 =	simm.s32 $0x1BFF;
	s21 =	sshll.u32 s6, $0x1;
	s3 =	sadd.s32 s4, s19  }
0x9c: {  	s7 =	simm.s32 $0x0;
	s20 =	sshll.u32 s5, $0x1;
	s5 =	sadd.s32 s21, s3  }
0x9d: {  	[timem:s7], [sflag:s22] =	dma.local [hbm:s5], s20  }
0x9e: {  	_ =	swait.ge [sflag:s22], s20  }
0x9f: {  	s4 =	ssub.s32 $0x0, s20;
	[sflag:s22] =	ssyncset.done $0x0  }
0xa0: {  	[sflag:s22] =	ssyncadd.s32 s4;
	_ =	sdelay $0x1  }
0xa1: {  	s23 =	simm.s32 $0x1B8B  }
0xa2: {  	_ =	swait.ge [sflag:s23], $0x1  }
0xa3: {  	[sflag:s23] =	ssyncset.done $0x0  }
0xa4: {  	s25 =	simm.s32 $0x1B8E;
	s24 =	sld [smem:$0x3FFE];
	[sflag:s23] =	ssyncadd.s32 $0xFFFFFFFF  }
0xa5: {  	s26 =	simm.s32 $execute0_lowered;
	[smem:$0x3FD2] =	sst s25  }
0xa6: {  	s5 =	sshll.u32 s26, $0x1;
	_ =	strace $0x8000004F;
	[dreg:$0x1] =	wrdreg $0xFFFFFFFF  }
0xa7: {  	s28 =	simm.s32 $_size_execute0_lowered;
	s3 =	sadd.s32 s3, s5;
	[dreg:$0x0] =	wrdreg $0x0  }
0xa8: {  	s5 =	sshll.u32 s28, $0x1;
	[dreg:$0x2] =	wrdreg s3  }
0xa9: {  	[dreg:$0x3] =	wrdreg s5  }
0xaa: {  	[dreg:$0x4] =	wrdreg $0xC0  }
0xab: {  	_ =	task [dreg:s7], $0x5FFFF  }
0xac: {  	[dreg:$0x1] =	wrdreg $0xFFFFFFFF  }
0xad: {  	[dreg:$0x0] =	wrdreg $0x60  }
0xae: {  	[dreg:$0x2] =	wrdreg s24  }
0xaf: {  	[dreg:$0x3] =	wrdreg s2  }
0xb0: {  	[dreg:$0x4] =	wrdreg $0x87800  }
0xb1: {  	[dreg:$0x5] =	wrdreg $0x73C00  }
0xb2: {  	[dreg:$0x6] =	wrdreg $0x9  }
0xb3: {  	_ =	task.clear_ibuf [dreg:s7], $0x7FFFF;
	_ =	strace $0x9000004F  }
0xb4: {  	s29 =	simm.s32 $0x9;
	_ =	strace $0x80000051  }
0xb5: {  	_ =	swait.ge [sflag:s29], $0x1  }
0xb6: {  	[sflag:s29] =	ssyncadd.s32 $0xFFFFFFFF  }
0xb7: {  	_ =	strace $0x90000051  }
0xb8: {  	_ =	sfence  }
0xb9: {  	s30 =	sld [smem:$0x0];
	_ =	sdelay $0x2  }
0xba: {  	s31 =	sshll.u32 s1, $0xD;
	s1 =	sshrl.u32 s1, $0x2  }
0xbb: {  	s3 =	sand.u32 $0x4000, s31;
	s1 =	sadd.s32 s1, s30  }
0xbc: {  	s0 =	sor.u32 s3, s0;
	s1 =	sshll.u32 s1, $0x11  }
0xbd: {  	s0 =	sor.u32 s1, s0  }
0xbe: {  	s0 =	sadd.s32 $0x8F2B, s0  }
0xbf: {  	[sflag:s0] =	ssyncadd.remote.s32 $0x1  }
0xc0: {  	_ =	sfence.sel $0xFFFF  }
0xc1: {  	[dreg:$0x0] =	wrdreg $0xFFFFFFFF;
	(pc) =	sbr.abs _section_cstart, $3  }
0xc2: {  	[dreg:$0x1] =	wrdreg $0xFFFFFFFF  }
0xc3: {  	_ =	task.clear_ibuf [dreg:s7], $0x2FFFF;
	_ =	strace $0x9FFFFFFF  }
0xc4: {  	(tm) =	ssettm $0x7FFFFFFF  }
0xc5: {  	_ =	shalt  }
tec
execute0_lowered:
.L_overlay_start_1:
0x0: {  	(tag) =	ssettag $0x1  }
0x1: {  	s0 =	rddreg [dreg:$0x0]  }
0x2: {  	s2 =	rddreg [dreg:$0x1]  }
0x3: {  	s1 =	rddreg [dreg:$0x2]  }
0x4: {  	s3 =	rddreg [dreg:$0x3];
	s5 =	srdreg.scid;
	s4 =	simm.s32 $0x0  }
0x5: {  	s14 =	stileid.u32;
	s15 =	simm.s32 $0x6000;
	s16 =	simm.s32 $0x80  }
0x6: {  	s17 =	simm.s32 $0x5000;
	s18 =	simm.s32 $0x5400;
	s20 =	simm.s32 $0x5800  }
0x7: {  	s21 =	simm.s32 $0x180;
	s22 =	simm.s32 $0x5C00;
	s28 =	simm.s32 $0x4E00  }
0x8: {  	s29 =	simm.s32 $0x4E80;
	s30 =	simm.s32 $0x4F00;
	s8 =	smul.u32 $0x1388, s14  }
0x9: {  	s31 =	simm.s32 $0x4F80;
	s9 =	sand.u32 $0x1, s5;
	s10 =	smul.u32 $0x13C0, s14  }
0xa: {  	[smem:$0x7FF] =	sst s4;
	s24 =	smul.u32 $0x278, s14;
	s5 =	sshll.u32 s9, $0x4  }
0xb: {  	_ =	strace $0x80000050;
	s7 =	ssub.s32 $0x2, s9;
	s25 =	smul.u32 $0x2780, s9  }
0xc: {  	s5 =	sor.u32 s14, s5;
	s6 =	sshrl.u32 s8, $0x3;
	s23 =	sshrl.u32 s10, $0x3  }
0xd: {  	s12 =	sshrl.u32 s7, $0x1;
	s8 =	sadd.s32 s8, s1;
	s10 =	sadd.s32 s10, s3  }
0xe: {  	s26 =	sadd.s32 s2, s24;
	s24 =	simm.s32 $0x2;
	s11 =	sadd.s32 s6, s0  }
0xf: {  	s5 =	smul.u32 $0x500, s5;
	s12 =	ssub.s32 s7, s12;
	s7 =	sadd.s32 $0x3DC00, s11  }
0x10: {  	s11 =	sadd.s32 s25, s26;
	s12 =	smax.u32 s12, $0x1;
	s25 =	simm.s32 $0x3  }
0x11: {  	s26 =	simm.s32 $0x4;
	s13 =	sadd.s32 s5, s0;
	s0 =	sadd.s32 s23, s0  }
0x12: {  	s23 =	simm.s32 $0x1;
	s5 =	sadd.s32 $0xCA00, s13;
	s6 =	sadd.s32 $0x2A00, s13  }
0x13: {  	s9 =	sadd.s32 $0x40400, s0;
	s13 =	simm.s32 $0x5;
	s0 =	simm.s32 $0x0  }
.LBB2_1:
0x14: {  	[tilespmem:s4], [sflag:$0x5] =	stream.linear.gather [hbm4b:s5+s4], $0x2800, $0x38;
	[tilespmem:$0x9B08] =	vst v63  }
0x15: {  	_ =	swait.ge [sflag:s13], $0x2800  }
0x16: {  	[sflag:s13] =	ssyncset.done $0x0  }
0x17: {  	s2 =	simm.s32 $0x2800;
	[sflag:s13] =	ssyncadd.s32 $0xFFFFD800  }
0x18: {  	[tilespmem:s2], [sflag:$0x5] =	stream.linear.gather [hbm4b:s6+s4], $0x2800, $0x38;
	[tilespmem:$0x9B08] =	vst v63  }
0x19: {  	_ =	swait.ge [sflag:s13], $0x2800  }
0x1a: {  	[sflag:s13] =	ssyncset.done $0x0  }
0x1b: {  	[sflag:s13] =	ssyncadd.s32 $0xFFFFD800  }
0x1c: {  	[tilespmem:s15], [sflag:$0x5] =	stream.linear.gather [hbm4b:s7+s4], $0x1388, $0x38;
	[tilespmem:$0x9B08] =	vst v63  }
0x1d: {  	_ =	swait.ge [sflag:s13], $0x1388  }
0x1e: {  	[sflag:s13] =	ssyncset.done $0x0  }
0x1f: {  	[sflag:s13] =	ssyncadd.s32 $0xFFFFEC78  }
0x20: {  	[spmem:s8] =	stream.linear.scatter [tilespmem:s15], [sflag:$0x5], $0x1388, $0x38;
	[tilespmem:$0x9B08] =	vst v63  }
0x21: {  	_ =	swait.ge [sflag:s13], $0x1388  }
0x22: {  	[sflag:s13] =	ssyncset.done $0x0  }
0x23: {  	[sflag:s13] =	ssyncadd.s32 $0xFFFFEC78  }
0x24: {  	[tilespmem:s15], [sflag:$0x5] =	stream.linear.gather [hbm4b:s9+s4], $0x13C0, $0x38;
	[tilespmem:$0x9B08] =	vst v63  }
0x25: {  	_ =	swait.ge [sflag:s13], $0x13C0  }
0x26: {  	[sflag:s13] =	ssyncset.done $0x0  }
0x27: {  	[sflag:s13] =	ssyncadd.s32 $0xFFFFEC40  }
0x28: {  	[spmem:s10] =	stream.linear.scatter [tilespmem:s15], [sflag:$0x5], $0x13C0, $0x38;
	[tilespmem:$0x9B08] =	vst v63  }
0x29: {  	_ =	swait.ge [sflag:s13], $0x13C0  }
0x2a: {  	[sflag:s13] =	ssyncset.done $0x0  }
0x2b: {  	[sflag:s13] =	ssyncadd.s32 $0xFFFFEC40  }
0x2c: {  	[bflag:$0x0] =	sbarrier.arrive $0xFFFF  }
0x2d: {  	[tilespmem:s17], [sflag:$0x1] =	stream.indirect.gather [spmem:s1], $0x8, s4, s16, $0xb8;
	[tilespmem:$0x9B08] =	vst v63  }
0x2e: {  	_ = 	snop  }
0x2f: {  	[tilespmem:s18], [sflag:$0x2] =	stream.indirect.gather [spmem:s1], $0x8, s16, s16, $0xb8;
	[tilespmem:$0x9B08] =	vst v63  }
0x30: {  	s14 =	simm.s32 $0x100  }
0x31: {  	[tilespmem:s20], [sflag:$0x3] =	stream.indirect.gather [spmem:s1], $0x8, s14, s16, $0xb8;
	[tilespmem:$0x9B08] =	vst v63  }
0x32: {  	_ = 	snop  }
0x33: {  	[tilespmem:s22], [sflag:$0x4] =	stream.indirect.gather [spmem:s1], $0x8, s21, s16, $0xb8;
	[tilespmem:$0x9B08] =	vst v63  }
0x34: {  	_ =	swait.ge [sflag:s23], $0x400  }
0x35: {  	[sflag:s23] =	ssyncset.done $0x0  }
0x36: {  	s19 =	simm.s32 $0x2800;
	[sflag:s23] =	ssyncadd.s32 $0xFFFFFC00  }
0x37: {  	[spmem:s3] =	stream.indirect.scatter.add.f32 [tilespmem:s17], [sflag:$0x5], $0x8, s19, s16, $0xb8;
	[tilespmem:$0x9B08] =	vst v63  }
0x38: {  	_ =	swait.ge [sflag:s13], $0x400  }
0x39: {  	[sflag:s13] =	ssyncset.done $0x0  }
0x3a: {  	s14 =	simm.s32 $0x200;
	[sflag:s13] =	ssyncadd.s32 $0xFFFFFC00  }
0x3b: {  	[tilespmem:s17], [sflag:$0x1] =	stream.indirect.gather [spmem:s1], $0x8, s14, s16, $0xb8;
	[tilespmem:$0x9B08] =	vst v63  }
0x3c: {  	_ =	swait.ge [sflag:s24], $0x400  }
0x3d: {  	[sflag:s24] =	ssyncset.done $0x0  }
0x3e: {  	s19 =	simm.s32 $0x2880;
	[sflag:s24] =	ssyncadd.s32 $0xFFFFFC00  }
0x3f: {  	[spmem:s3] =	stream.indirect.scatter.add.f32 [tilespmem:s18], [sflag:$0x5], $0x8, s19, s16, $0xb8;
	[tilespmem:$0x9B08] =	vst v63  }
0x40: {  	_ =	swait.ge [sflag:s13], $0x400  }
0x41: {  	[sflag:s13] =	ssyncset.done $0x0  }
0x42: {  	s14 =	simm.s32 $0x280;
	[sflag:s13] =	ssyncadd.s32 $0xFFFFFC00  }
0x43: {  	[tilespmem:s18], [sflag:$0x2] =	stream.indirect.gather [spmem:s1], $0x8, s14, s16, $0xb8;
	[tilespmem:$0x9B08] =	vst v63  }
0x44: {  	_ =	swait.ge [sflag:s25], $0x400  }
0x45: {  	[sflag:s25] =	ssyncset.done $0x0  }
0x46: {  	s19 =	simm.s32 $0x2900;
	[sflag:s25] =	ssyncadd.s32 $0xFFFFFC00  }
0x47: {  	[spmem:s3] =	stream.indirect.scatter.add.f32 [tilespmem:s20], [sflag:$0x5], $0x8, s19, s16, $0xb8;
	[tilespmem:$0x9B08] =	vst v63  }
0x48: {  	_ =	swait.ge [sflag:s13], $0x400  }
0x49: {  	[sflag:s13] =	ssyncset.done $0x0  }
0x4a: {  	s14 =	simm.s32 $0x300;
	[sflag:s13] =	ssyncadd.s32 $0xFFFFFC00  }
0x4b: {  	[tilespmem:s20], [sflag:$0x3] =	stream.indirect.gather [spmem:s1], $0x8, s14, s16, $0xb8;
	[tilespmem:$0x9B08] =	vst v63  }
0x4c: {  	_ =	swait.ge [sflag:s26], $0x400  }
0x4d: {  	[sflag:s26] =	ssyncset.done $0x0  }
0x4e: {  	s19 =	simm.s32 $0x2980;
	[sflag:s26] =	ssyncadd.s32 $0xFFFFFC00  }
0x4f: {  	[spmem:s3] =	stream.indirect.scatter.add.f32 [tilespmem:s22], [sflag:$0x5], $0x8, s19, s16, $0xb8;
	[tilespmem:$0x9B08] =	vst v63  }
0x50: {  	_ =	swait.ge [sflag:s13], $0x400  }
0x51: {  	[sflag:s13] =	ssyncset.done $0x0  }
0x52: {  	s2 =	simm.s32 $0x800;
	s14 =	simm.s32 $0x380;
	[sflag:s13] =	ssyncadd.s32 $0xFFFFFC00  }
.LBB2_2:
0x53: {  	[tilespmem:s22], [sflag:$0x4] =	stream.indirect.gather [spmem:s1], $0x8, s14, s16, $0xb8;
	[tilespmem:$0x9B08] =	vst v63  }
0x54: {  	s14 =	smov.u32 s2  }
0x55: {  	p0 =	sne.s32 s2, $0x9000;
	s2 =	sadd.s32 $0x800, s2;
	_ =	swait.ge [sflag:s23], $0x400  }
0x56: {  	s14 =	sshra.s32 s14, $0x2;
	[sflag:s23] =	ssyncset.done $0x0  }
0x57: {  	s19 =	sadd.s32 $0x2800, s14;
	[sflag:s23] =	ssyncadd.s32 $0xFFFFFC00  }
0x58: {  	[spmem:s3] =	stream.indirect.scatter.add.f32 [tilespmem:s17], [sflag:$0x5], $0x8, s19, s16, $0xb8;
	[tilespmem:$0x9B08] =	vst v63  }
0x59: {  	_ =	swait.ge [sflag:s13], $0x400  }
0x5a: {  	[sflag:s13] =	ssyncset.done $0x0  }
0x5b: {  	s19 =	sadd.s32 $0x200, s14;
	[sflag:s13] =	ssyncadd.s32 $0xFFFFFC00  }
0x5c: {  	[tilespmem:s17], [sflag:$0x1] =	stream.indirect.gather [spmem:s1], $0x8, s19, s16, $0xb8;
	[tilespmem:$0x9B08] =	vst v63  }
0x5d: {  	_ =	swait.ge [sflag:s24], $0x400  }
0x5e: {  	[sflag:s24] =	ssyncset.done $0x0  }
0x5f: {  	s19 =	sadd.s32 $0x2880, s14;
	[sflag:s24] =	ssyncadd.s32 $0xFFFFFC00  }
0x60: {  	[spmem:s3] =	stream.indirect.scatter.add.f32 [tilespmem:s18], [sflag:$0x5], $0x8, s19, s16, $0xb8;
	[tilespmem:$0x9B08] =	vst v63  }
0x61: {  	_ =	swait.ge [sflag:s13], $0x400  }
0x62: {  	[sflag:s13] =	ssyncset.done $0x0  }
0x63: {  	s19 =	sadd.s32 $0x280, s14;
	[sflag:s13] =	ssyncadd.s32 $0xFFFFFC00  }
0x64: {  	[tilespmem:s18], [sflag:$0x2] =	stream.indirect.gather [spmem:s1], $0x8, s19, s16, $0xb8;
	[tilespmem:$0x9B08] =	vst v63  }
0x65: {  	_ =	swait.ge [sflag:s25], $0x400  }
0x66: {  	[sflag:s25] =	ssyncset.done $0x0  }
0x67: {  	s19 =	sadd.s32 $0x2900, s14;
	[sflag:s25] =	ssyncadd.s32 $0xFFFFFC00  }
0x68: {  	[spmem:s3] =	stream.indirect.scatter.add.f32 [tilespmem:s20], [sflag:$0x5], $0x8, s19, s16, $0xb8;
	[tilespmem:$0x9B08] =	vst v63  }
0x69: {  	_ =	swait.ge [sflag:s13], $0x400  }
0x6a: {  	[sflag:s13] =	ssyncset.done $0x0  }
0x6b: {  	s19 =	sadd.s32 $0x300, s14;
	[sflag:s13] =	ssyncadd.s32 $0xFFFFFC00  }
0x6c: {  	[tilespmem:s20], [sflag:$0x3] =	stream.indirect.gather [spmem:s1], $0x8, s19, s16, $0xb8;
	[tilespmem:$0x9B08] =	vst v63  }
0x6d: {  	_ =	swait.ge [sflag:s26], $0x400  }
0x6e: {  	[sflag:s26] =	ssyncset.done $0x0  }
.Ltmp0:
0x6f: {  	s19 =	sadd.s32 $0x2980, s14;
	[sflag:s26] =	ssyncadd.s32 $0xFFFFFC00;
	(pc) =	sbr.rel @p0 .LBB2_2-.Ltmp0, $4  }
0x70: {  	[spmem:s3] =	stream.indirect.scatter.add.f32 [tilespmem:s22], [sflag:$0x5], $0x8, s19, s16, $0xb8;
	[tilespmem:$0x9B08] =	vst v63  }
0x71: {  	_ =	swait.ge [sflag:s13], $0x400  }
0x72: {  	[sflag:s13] =	ssyncset.done $0x0  }
0x73: {  	s14 =	sadd.s32 $0x380, s14;
	[sflag:s13] =	ssyncadd.s32 $0xFFFFFC00  }
0x74: {  	[tilespmem:s22], [sflag:$0x4] =	stream.indirect.gather [spmem:s1], $0x8, s14, s16, $0xb8;
	[tilespmem:$0x9B08] =	vst v63  }
0x75: {  	_ =	swait.ge [sflag:s23], $0x400  }
0x76: {  	[sflag:s23] =	ssyncset.done $0x0  }
0x77: {  	[sflag:s23] =	ssyncadd.s32 $0xFFFFFC00  }
0x78: {  	[spmem:s3] =	stream.indirect.scatter.add.f32 [tilespmem:s17], [sflag:$0x5], $0x8, s28, s16, $0xb8;
	[tilespmem:$0x9B08] =	vst v63  }
0x79: {  	_ =	swait.ge [sflag:s13], $0x400  }
0x7a: {  	[sflag:s13] =	ssyncset.done $0x0  }
0x7b: {  	[sflag:s13] =	ssyncadd.s32 $0xFFFFFC00  }
0x7c: {  	_ =	swait.ge [sflag:s24], $0x400  }
0x7d: {  	[sflag:s24] =	ssyncset.done $0x0  }
0x7e: {  	[sflag:s24] =	ssyncadd.s32 $0xFFFFFC00  }
0x7f: {  	[spmem:s3] =	stream.indirect.scatter.add.f32 [tilespmem:s18], [sflag:$0x5], $0x8, s29, s16, $0xb8;
	[tilespmem:$0x9B08] =	vst v63  }
0x80: {  	_ =	swait.ge [sflag:s13], $0x400  }
0x81: {  	[sflag:s13] =	ssyncset.done $0x0  }
0x82: {  	[sflag:s13] =	ssyncadd.s32 $0xFFFFFC00  }
0x83: {  	_ =	swait.ge [sflag:s25], $0x400  }
0x84: {  	[sflag:s25] =	ssyncset.done $0x0  }
0x85: {  	[sflag:s25] =	ssyncadd.s32 $0xFFFFFC00  }
0x86: {  	[spmem:s3] =	stream.indirect.scatter.add.f32 [tilespmem:s20], [sflag:$0x5], $0x8, s30, s16, $0xb8;
	[tilespmem:$0x9B08] =	vst v63  }
0x87: {  	_ =	swait.ge [sflag:s13], $0x400  }
0x88: {  	[sflag:s13] =	ssyncset.done $0x0  }
0x89: {  	[sflag:s13] =	ssyncadd.s32 $0xFFFFFC00  }
0x8a: {  	_ =	swait.ge [sflag:s26], $0x400  }
0x8b: {  	[sflag:s26] =	ssyncset.done $0x0  }
0x8c: {  	[sflag:s26] =	ssyncadd.s32 $0xFFFFFC00  }
0x8d: {  	[spmem:s3] =	stream.indirect.scatter.add.f32 [tilespmem:s22], [sflag:$0x5], $0x8, s31, s16, $0xb8;
	[tilespmem:$0x9B08] =	vst v63  }
0x8e: {  	_ =	swait.ge [sflag:s13], $0x400  }
0x8f: {  	[sflag:s13] =	ssyncset.done $0x0  }
0x90: {  	[sflag:s13] =	ssyncadd.s32 $0xFFFFFC00  }
0x91: {  	[bflag:$0x0] =	sbarrier.arrive $0xFFFF  }
0x92: {  	[tilespmem:s15], [sflag:$0x5] =	stream.linear.gather [spmem:s10], $0x13C0, $0x38;
	[tilespmem:$0x9B08] =	vst v63  }
0x93: {  	s0 =	sadd.s32 $0x1, s0;
	_ =	swait.ge [sflag:s13], $0x13C0  }
0x94: {  	p0 =	sne.s32 s0, s12;
	[sflag:s13] =	ssyncset.done $0x0  }
.Ltmp1:
0x95: {  	[sflag:s13] =	ssyncadd.s32 $0xFFFFEC40;
	(pc) =	sbr.rel @p0 .LBB2_1-.Ltmp1, $4  }
0x96: {  	[hbm4b:s11+s4] =	stream.linear.scatter [tilespmem:s15], [sflag:$0x5], $0x13C0, $0x38;
	[tilespmem:$0x9B08] =	vst v63  }
0x97: {  	_ =	swait.ge [sflag:s13], $0x13C0  }
0x98: {  	[sflag:s13] =	ssyncset.done $0x0  }
0x99: {  	[sflag:s13] =	ssyncadd.s32 $0xFFFFEC40  }
0x9a: {  	_ =	sfence.sel $0x180000  }
0x9b: {  	[bflag:$0x0] =	sbarrier.arrive $0xFFFF  }
0x9c: {  	_ =	strace $0x90000050  }
0x9d: {  	s0 =	stileid.u32;
	[bflag:$0x2] =	sbarrier.arrive $0xFFFF  }
0x9e: {  	p0 =	sne.s32 s0, $0x0;
	s0 =	rddreg [dreg:$0x4]  }
0x9f: {  	s0 =	sadd.s32 @!p0 $0x100000, s0  }
0xa0: {  	[sflag:s0] =	ssyncadd.tile.s32 @!p0 $0x1;
	_ =	shalt  }
.Lfunc_end2:
_tile_overlayer_lowered:
.L_overlay_start_2:
0xa1: {  	(tag) =	ssettag $0x2  }
0xa2: {  	s0 =	rddreg [dreg:$0x0];
	s2 =	stileid.u32  }
0xa3: {  	s1 =	rddreg [dreg:$0x1];
	p0 =	sne.s32 s2, $0x0  }
0xa4: {  	s3 =	rddreg [dreg:$0x2];
	[bflag:$0x3] =	sbarrier.arrive $0xFFFF;
	s2 =	simm.s32 @!p0 $0x1C05  }
0xa5: {  	[timem:s3], [sflag:s2] =	dma.local @!p0 [hbm:s0], s1  }
0xa6: {  	s0 =	simm.s32 @!p0 $0x5  }
0xa7: {  	_ =	swait.ge @!p0 [sflag:s0], s1  }
0xa8: {  	s1 =	ssub.s32 @!p0 $0x0, s1;
	[sflag:s0] =	ssyncset.done @!p0 $0x0  }
0xa9: {  	[sflag:s0] =	ssyncadd.s32 @!p0 s1  }
0xaa: {  	[bflag:$0x3] =	sbarrier.arrive $0xFFFF  }
0xab: {  	_ =	shalt  }

// kernel: kernel.24.cloned.1.call-start
scs
__scs_entry_jumppad:
0x0: {  	(pc) =	sbr.rel $0x88, $3  }
0x1: {  	(tag) =	ssettag $0x0;
	lr =	simm.s32 $0x1  }
0x2: {  	[smem:$0x3F97] =	sst lr;
	_ =	strace $0xD0000000  }
0x3: {  	_ = 	snop  }
0x4: {  	_ = 	snop  }
0x5: {  	_ = 	snop  }
0x6: {  	_ = 	snop  }
0x7: {  	_ = 	snop  }
__scs_overlays_trampoline_lowered:
0x8: {  	[smem:$0x3FA6] =	sst s0  }
0x9: {  	[smem:$0x3FA7] =	sst s1  }
0xa: {  	[smem:$0x3FA8] =	sst s2  }
0xb: {  	[smem:$0x3FA9] =	sst s3  }
0xc: {  	[smem:$0x3FAA] =	sst s4  }
0xd: {  	[smem:$0x3FAB] =	sst s5  }
0xe: {  	[smem:$0x3FAC] =	sst s6  }
0xf: {  	[smem:$0x3FAD] =	sst s7  }
0x10: {  	[smem:$0x3FAE] =	sst s8  }
0x11: {  	[smem:$0x3FAF] =	sst s9;
	s0 =	simm.s32 @!p0 $0x0  }
0x12: {  	s1 =	sld [smem:$0x3F95];
	s0 =	simm.s32 @p0 $0x1  }
0x13: {  	[smem:$0x3FB0] =	sst s0;
	s0 =	simm.s32 @!p1 $0x0  }
0x14: {  	s2 =	sld [smem:$0x3F94];
	s0 =	simm.s32 @p1 $0x1  }
0x15: {  	[smem:$0x3FB1] =	sst s0;
	s0 =	simm.s32 @!p2 $0x0  }
0x16: {  	s3 =	sld [smem:$0x3FDB];
	s0 =	simm.s32 @p2 $0x1  }
0x17: {  	s4 =	simm.s32 $0x1BF5;
	[smem:$0x3FB3] =	sst s0  }
0x18: {  	s0 =	sld [smem:$0x3F96];
	_ =	swait.ge [sflag:s4], $0x0  }
0x19: {  	s7 =	sld [smem:$0x3F97]  }
0x1a: {  	s8 =	sadd.s32 $0xFFFFE003, lr  }
0x1b: {  	s9 =	sadd.s32 $0xFFFFFEF7, lr;
	s5 =	simm.s32 $0xFFFFFFFF;
	p2 =	slt.u32 s8, $0xFFFFF086  }
0x1c: {  	p1 =	slt.u32 s9, $0xF7A;
	s5 =	simm.s32 @!p2 $0x0  }
0x1d: {  	s5 =	simm.s32 @p1 $0x1;
	p0 =	seq.s32 s7, s2  }
0x1e: {  	s7 =	smul.u32 @!p0 $0xF7A, s2;
	p2 =	seq.s32 @!p0 s5, $0x0  }
0x1f: {  	s9 =	smul.u32 $0xF7A, s1;
	s8 =	simm.s32 @!p0 $0x1BF5;
	p2 =	por !p2, p0  }
0x20: {  	[sflag:s8] =	ssyncset.s32 @!p0 $0xFFFFF086;
	s6 =	sadd.s32 @!p0 s3, s7;
	s7 =	simm.s32 @!p0 $0x108  }
0x21: {  	s3 =	sadd.s32 s3, s9;
	s6 =	sadd.s32 @!p0 $0x88, s6;
	s7 =	simm.s32 @p2 $0x1082  }
0x22: {  	[simem:s7], [sflag:s8] =	dma.local @!p0 [hbm:s6], $0xF7A  }
0x23: {  	s9 =	sor.u32 $0xD0000000, s2;
	s6 =	simm.s32 $0x108;
	_ =	swait.ge @!p0 [sflag:s8], $0x0  }
0x24: {  	s3 =	sadd.s32 $0x88, s3;
	s6 =	simm.s32 @!p1 $0x1082;
	[sflag:s4] =	ssyncset.s32 $0xFFFFF086  }
0x25: {  	[simem:s6], [sflag:s4] =	dma.local [hbm:s3], $0xF7A  }
0x26: {  	[smem:$0x3F97] =	sst s1;
	(tag) =	ssettag s2;
	_ =	strace s9  }
0x27: {  	s1 =	sld [smem:$0x3FA7]  }
0x28: {  	s2 =	sld [smem:$0x3FA8]  }
0x29: {  	s4 =	sld [smem:$0x3FAA]  }
0x2a: {  	p0 =	seq.s32 s5, $0x0;
	s5 =	sld [smem:$0x3FAB]  }
0x2b: {  	s6 =	sld [smem:$0x3FAC]  }
0x2c: {  	s7 =	sld [smem:$0x3FAD]  }
0x2d: {  	s3 =	simm.s32 $0x108;
	s8 =	sld [smem:$0x3FAE]  }
0x2e: {  	s3 =	simm.s32 @!p0 $0x1082;
	s9 =	sld [smem:$0x3FAF]  }
0x2f: {  	lr =	sadd.s32 s0, s3;
	s0 =	sld [smem:$0x3FA6]  }
0x30: {  	s3 =	sld [smem:$0x3FA9]  }
0x31: {  	[smem:$0x3FB2] =	sst s10  }
0x32: {  	s10 =	sld [smem:$0x3FB0];
	_ =	sdelay $0x3  }
0x33: {  	p0 =	seq.s32 s10, $0x1;
	s10 =	sld [smem:$0x3FB2];
	_ =	sdelay $0x3  }
0x34: {  	[smem:$0x3FB2] =	sst s10  }
0x35: {  	s10 =	sld [smem:$0x3FB1];
	_ =	sdelay $0x3  }
0x36: {  	p1 =	seq.s32 s10, $0x1;
	s10 =	sld [smem:$0x3FB2];
	_ =	sdelay $0x3  }
0x37: {  	[smem:$0x3FB2] =	sst s10  }
0x38: {  	s10 =	sld [smem:$0x3FB3]  }
0x39: {  	_ = 	snop;
	(pc) =	sbr.ind lr, $3  }
0x3a: {  	_ = 	snop  }
0x3b: {  	_ = 	snop  }
0x3c: {  	p2 =	seq.s32 s10, $0x1;
	s10 =	sld [smem:$0x3FB2]  }
0x3d: {  	_ =	shalt  }
0x3e: {  	_ =	shalt  }
0x3f: {  	_ =	shalt  }
0x40: {  	_ =	shalt  }
0x41: {  	_ =	shalt  }
0x42: {  	_ =	shalt  }
0x43: {  	_ =	shalt  }
0x44: {  	_ =	shalt  }
0x45: {  	_ =	shalt  }
0x46: {  	_ =	shalt  }
0x47: {  	_ =	shalt  }
0x48: {  	_ =	shalt  }
0x49: {  	_ =	shalt  }
0x4a: {  	_ =	shalt  }
0x4b: {  	_ =	shalt  }
0x4c: {  	_ =	shalt  }
0x4d: {  	_ =	shalt  }
0x4e: {  	_ =	shalt  }
0x4f: {  	_ =	shalt  }
0x50: {  	_ =	shalt  }
0x51: {  	_ =	shalt  }
0x52: {  	_ =	shalt  }
0x53: {  	_ =	shalt  }
0x54: {  	_ =	shalt  }
0x55: {  	_ =	shalt  }
0x56: {  	_ =	shalt  }
0x57: {  	_ =	shalt  }
0x58: {  	_ =	shalt  }
0x59: {  	_ =	shalt  }
0x5a: {  	_ =	shalt  }
0x5b: {  	_ =	shalt  }
0x5c: {  	_ =	shalt  }
0x5d: {  	_ =	shalt  }
0x5e: {  	_ =	shalt  }
0x5f: {  	_ =	shalt  }
0x60: {  	_ =	shalt  }
0x61: {  	_ =	shalt  }
0x62: {  	_ =	shalt  }
0x63: {  	_ =	shalt  }
0x64: {  	_ =	shalt  }
0x65: {  	_ =	shalt  }
0x66: {  	_ =	shalt  }
0x67: {  	_ =	shalt  }
0x68: {  	_ =	shalt  }
0x69: {  	_ =	shalt  }
0x6a: {  	_ =	shalt  }
0x6b: {  	_ =	shalt  }
0x6c: {  	_ =	shalt  }
0x6d: {  	_ =	shalt  }
0x6e: {  	_ =	shalt  }
0x6f: {  	_ =	shalt  }
0x70: {  	_ =	shalt  }
0x71: {  	_ =	shalt  }
0x72: {  	_ =	shalt  }
0x73: {  	_ =	shalt  }
0x74: {  	_ =	shalt  }
0x75: {  	_ =	shalt  }
0x76: {  	_ =	shalt  }
0x77: {  	_ =	shalt  }
0x78: {  	_ =	shalt  }
0x79: {  	_ =	shalt  }
0x7a: {  	_ =	shalt  }
0x7b: {  	_ =	shalt  }
0x7c: {  	_ =	shalt  }
0x7d: {  	_ =	shalt  }
0x7e: {  	_ =	shalt  }
0x7f: {  	_ =	shalt  }
0x80: {  	_ =	shalt  }
0x81: {  	_ =	shalt  }
0x82: {  	_ =	shalt  }
0x83: {  	_ =	shalt  }
0x84: {  	_ =	shalt  }
0x85: {  	_ =	shalt  }
0x86: {  	_ =	shalt  }
0x87: {  	_ =	shalt  }
.Lfunc_end0:
.L_simem_size_0:
called_computation.4_lowered:
.L_overlay_start_0:
0x88: {  	s2 =	sld [smem:$0x3FD9]  }
0x89: {  	s3 =	sld [smem:$0x3FFE];
	_ =	sdelay $0x1  }
0x8a: {  	s1 =	srdreg.scid  }
0x8b: {  	s0 =	sand.u32 $0x1, s1  }
0x8c: {  	s17 =	sshll.u32 s0, $0xA;
	s2 =	sadd.s32 s3, s2  }
0x8d: {  	s2 =	sadd.s32 s2, s17  }
0x8e: {  	[smem:$0x3FBE] =	sst s2  }
0x8f: {  	_ = 	snop  }
0x90: {  	s2 =	sld [smem:$0x3FD0];
	(tm) =	ssettm $0x1  }
0x91: {  	s18 =	sld [smem:$0x3FFB];
	_ =	sdelay $0x3  }
0x92: {  	_ =	strace s18  }
0x93: {  	s3 =	sld [smem:$0x3FFC];
	_ =	sdelay $0x3  }
0x94: {  	_ =	strace s3  }
0x95: {  	s3 =	sld [smem:$0x3FFD];
	_ =	sdelay $0x3  }
0x96: {  	_ =	strace s3  }
0x97: {  	_ =	strace $0x8FFFFFFF  }
0x98: {  	s19 =	sld [smem:$0x3FDB];
	_ =	sdelay $0x1  }
0x99: {  	s4 =	simm.s32 $_scs_section_size  }
0x9a: {  	s5 =	simm.s32 $_size__tile_overlayer_lowered;
	s6 =	simm.s32 $_tile_overlayer_lowered  }
0x9b: {  	s22 =	simm.s32 $0x1BFF;
	s21 =	sshll.u32 s6, $0x1;
	s3 =	sadd.s32 s4, s19  }
0x9c: {  	s7 =	simm.s32 $0x0;
	s20 =	sshll.u32 s5, $0x1;
	s5 =	sadd.s32 s21, s3  }
0x9d: {  	[timem:s7], [sflag:s22] =	dma.local [hbm:s5], s20  }
0x9e: {  	_ =	swait.ge [sflag:s22], s20  }
0x9f: {  	s4 =	ssub.s32 $0x0, s20;
	[sflag:s22] =	ssyncset.done $0x0  }
0xa0: {  	[sflag:s22] =	ssyncadd.s32 s4;
	_ =	sdelay $0x1  }
0xa1: {  	s23 =	simm.s32 $0x1B8B  }
0xa2: {  	_ =	swait.ge [sflag:s23], $0x1  }
0xa3: {  	[sflag:s23] =	ssyncset.done $0x0  }
0xa4: {  	s25 =	simm.s32 $0x1B8E;
	s24 =	sld [smem:$0x3FFE];
	[sflag:s23] =	ssyncadd.s32 $0xFFFFFFFF  }
0xa5: {  	s26 =	simm.s32 $execute0_lowered;
	[smem:$0x3FD2] =	sst s25  }
0xa6: {  	s5 =	sshll.u32 s26, $0x1;
	_ =	strace $0x80000052;
	[dreg:$0x1] =	wrdreg $0xFFFFFFFF  }
0xa7: {  	s28 =	simm.s32 $_size_execute0_lowered;
	s3 =	sadd.s32 s3, s5;
	[dreg:$0x0] =	wrdreg $0x0  }
0xa8: {  	s5 =	sshll.u32 s28, $0x1;
	[dreg:$0x2] =	wrdreg s3  }
0xa9: {  	[dreg:$0x3] =	wrdreg s5  }
0xaa: {  	[dreg:$0x4] =	wrdreg $0xC0  }
0xab: {  	_ =	task [dreg:s7], $0x5FFFF  }
0xac: {  	[dreg:$0x1] =	wrdreg $0xFFFFFFFF  }
0xad: {  	[dreg:$0x0] =	wrdreg $0x60  }
0xae: {  	[dreg:$0x2] =	wrdreg s24  }
0xaf: {  	[dreg:$0x3] =	wrdreg s2  }
0xb0: {  	[dreg:$0x4] =	wrdreg $0x165800  }
0xb1: {  	[dreg:$0x5] =	wrdreg $0x102C00  }
0xb2: {  	[dreg:$0x6] =	wrdreg $0x9  }
0xb3: {  	_ =	task.clear_ibuf [dreg:s7], $0x7FFFF;
	_ =	strace $0x90000052  }
0xb4: {  	s29 =	simm.s32 $0x9;
	_ =	strace $0x80000054  }
0xb5: {  	_ =	swait.ge [sflag:s29], $0x1  }
0xb6: {  	[sflag:s29] =	ssyncadd.s32 $0xFFFFFFFF  }
0xb7: {  	_ =	strace $0x90000054  }
0xb8: {  	_ =	sfence  }
0xb9: {  	s30 =	sld [smem:$0x0];
	_ =	sdelay $0x2  }
0xba: {  	s31 =	sshll.u32 s1, $0xD;
	s1 =	sshrl.u32 s1, $0x2  }
0xbb: {  	s3 =	sand.u32 $0x4000, s31;
	s1 =	sadd.s32 s1, s30  }
0xbc: {  	s0 =	sor.u32 s3, s0;
	s1 =	sshll.u32 s1, $0x11  }
0xbd: {  	s0 =	sor.u32 s1, s0  }
0xbe: {  	s0 =	sadd.s32 $0x8F2B, s0  }
0xbf: {  	[sflag:s0] =	ssyncadd.remote.s32 $0x1  }
0xc0: {  	_ =	sfence.sel $0xFFFF  }
0xc1: {  	[dreg:$0x0] =	wrdreg $0xFFFFFFFF;
	(pc) =	sbr.abs _section_cstart, $3  }
0xc2: {  	[dreg:$0x1] =	wrdreg $0xFFFFFFFF  }
0xc3: {  	_ =	task.clear_ibuf [dreg:s7], $0x2FFFF;
	_ =	strace $0x9FFFFFFF  }
0xc4: {  	(tm) =	ssettm $0x7FFFFFFF  }
0xc5: {  	_ =	shalt  }
tec
execute0_lowered:
.L_overlay_start_1:
0x0: {  	(tag) =	ssettag $0x1  }
0x1: {  	s0 =	rddreg [dreg:$0x0]  }
0x2: {  	s9 =	rddreg [dreg:$0x1]  }
0x3: {  	s1 =	srdreg.scid;
	s2 =	rddreg [dreg:$0x2]  }
0x4: {  	s12 =	stileid.u32;
	s3 =	rddreg [dreg:$0x3]  }
0x5: {  	s13 =	simm.s32 $0x5;
	s15 =	simm.s32 $0xA000;
	s16 =	simm.s32 $0x80  }
0x6: {  	s17 =	simm.s32 $0x5000;
	s18 =	simm.s32 $0x6400;
	s20 =	simm.s32 $0x7800  }
0x7: {  	s21 =	simm.s32 $0x180;
	s22 =	simm.s32 $0x8C00;
	s8 =	smul.u32 $0x61A8, s12  }
0x8: {  	s28 =	simm.s32 $0x4E00;
	s29 =	simm.s32 $0x4E80;
	s6 =	smul.u32 $0xC58, s12  }
0x9: {  	s30 =	simm.s32 $0x4F00;
	s1 =	sand.u32 $0x1, s1;
	s25 =	smul.u32 $0x62C0, s12  }
0xa: {  	s31 =	simm.s32 $0x4F80;
	s4 =	sshll.u32 s1, $0x4;
	s10 =	smul.u32 $0xC580, s1  }
0xb: {  	s1 =	ssub.s32 $0x2, s1;
	s5 =	sor.u32 s12, s4;
	s4 =	simm.s32 $0x0  }
0xc: {  	s7 =	sshrl.u32 s8, $0x3;
	s24 =	sshrl.u32 s1, $0x1;
	s26 =	sshrl.u32 s25, $0x3  }
0xd: {  	s8 =	sadd.s32 s8, s2;
	s5 =	smul.u32 $0x500, s5;
	[smem:$0x7FF] =	sst s4  }
0xe: {  	s7 =	sadd.s32 s7, s0;
	s23 =	sadd.s32 s6, s10;
	s1 =	ssub.s32 s1, s24  }
0xf: {  	s9 =	sadd.s32 s9, s26;
	s10 =	sadd.s32 s25, s3;
	s24 =	simm.s32 $0x2  }
0x10: {  	s25 =	simm.s32 $0x3;
	s26 =	simm.s32 $0x4;
	_ =	strace $0x80000053  }
0x11: {  	s7 =	sadd.s32 $0x3DC00, s7;
	s12 =	smax.u32 s1, $0x1;
	s1 =	simm.s32 $0x0  }
0x12: {  	s11 =	sadd.s32 s5, s0;
	s0 =	sadd.s32 s23, s0;
	s23 =	simm.s32 $0x1  }
0x13: {  	s5 =	sadd.s32 $0xCA00, s11;
	s6 =	sadd.s32 $0x2A00, s11;
	s11 =	sadd.s32 $0x4A000, s0  }
.LBB2_1:
0x14: {  	[tilespmem:s4], [sflag:$0x5] =	stream.linear.gather [hbm4b:s5+s4], $0x2800, $0x38;
	[tilespmem:$0x1C728] =	vst v63  }
0x15: {  	_ =	swait.ge [sflag:s13], $0x2800  }
0x16: {  	[sflag:s13] =	ssyncset.done $0x0  }
0x17: {  	s0 =	simm.s32 $0x2800;
	[sflag:s13] =	ssyncadd.s32 $0xFFFFD800  }
0x18: {  	[tilespmem:s0], [sflag:$0x5] =	stream.linear.gather [hbm4b:s6+s4], $0x2800, $0x38;
	[tilespmem:$0x1C728] =	vst v63  }
0x19: {  	_ =	swait.ge [sflag:s13], $0x2800  }
0x1a: {  	[sflag:s13] =	ssyncset.done $0x0  }
0x1b: {  	[sflag:s13] =	ssyncadd.s32 $0xFFFFD800  }
0x1c: {  	[tilespmem:s15], [sflag:$0x5] =	stream.linear.gather [hbm4b:s7+s4], $0x61A8, $0x38;
	[tilespmem:$0x1C728] =	vst v63  }
0x1d: {  	_ =	swait.ge [sflag:s13], $0x61A8  }
0x1e: {  	[sflag:s13] =	ssyncset.done $0x0  }
0x1f: {  	[sflag:s13] =	ssyncadd.s32 $0xFFFF9E58  }
0x20: {  	[spmem:s8] =	stream.linear.scatter [tilespmem:s15], [sflag:$0x5], $0x61A8, $0x38;
	[tilespmem:$0x1C728] =	vst v63  }
0x21: {  	_ =	swait.ge [sflag:s13], $0x61A8  }
0x22: {  	[sflag:s13] =	ssyncset.done $0x0  }
0x23: {  	[sflag:s13] =	ssyncadd.s32 $0xFFFF9E58  }
0x24: {  	[tilespmem:s15], [sflag:$0x5] =	stream.linear.gather [hbm4b:s9+s4], $0x62C0, $0x38;
	[tilespmem:$0x1C728] =	vst v63  }
0x25: {  	_ =	swait.ge [sflag:s13], $0x62C0  }
0x26: {  	[sflag:s13] =	ssyncset.done $0x0  }
0x27: {  	[sflag:s13] =	ssyncadd.s32 $0xFFFF9D40  }
0x28: {  	[spmem:s10] =	stream.linear.scatter [tilespmem:s15], [sflag:$0x5], $0x62C0, $0x38;
	[tilespmem:$0x1C728] =	vst v63  }
0x29: {  	_ =	swait.ge [sflag:s13], $0x62C0  }
0x2a: {  	[sflag:s13] =	ssyncset.done $0x0  }
0x2b: {  	[sflag:s13] =	ssyncadd.s32 $0xFFFF9D40  }
0x2c: {  	[bflag:$0x0] =	sbarrier.arrive $0xFFFF  }
0x2d: {  	[tilespmem:s17], [sflag:$0x1] =	stream.indirect.gather [spmem:s2], $0x28, s4, s16, $0xb8;
	[tilespmem:$0x1C728] =	vst v63  }
0x2e: {  	_ = 	snop  }
0x2f: {  	[tilespmem:s18], [sflag:$0x2] =	stream.indirect.gather [spmem:s2], $0x28, s16, s16, $0xb8;
	[tilespmem:$0x1C728] =	vst v63  }
0x30: {  	s14 =	simm.s32 $0x100  }
0x31: {  	[tilespmem:s20], [sflag:$0x3] =	stream.indirect.gather [spmem:s2], $0x28, s14, s16, $0xb8;
	[tilespmem:$0x1C728] =	vst v63  }
0x32: {  	_ = 	snop  }
0x33: {  	[tilespmem:s22], [sflag:$0x4] =	stream.indirect.gather [spmem:s2], $0x28, s21, s16, $0xb8;
	[tilespmem:$0x1C728] =	vst v63  }
0x34: {  	_ =	swait.ge [sflag:s23], $0x1400  }
0x35: {  	[sflag:s23] =	ssyncset.done $0x0  }
0x36: {  	s19 =	simm.s32 $0x2800;
	[sflag:s23] =	ssyncadd.s32 $0xFFFFEC00  }
0x37: {  	[spmem:s3] =	stream.indirect.scatter.add.f32 [tilespmem:s17], [sflag:$0x5], $0x28, s19, s16, $0xb8;
	[tilespmem:$0x1C728] =	vst v63  }
0x38: {  	_ =	swait.ge [sflag:s13], $0x1400  }
0x39: {  	[sflag:s13] =	ssyncset.done $0x0  }
0x3a: {  	s14 =	simm.s32 $0x200;
	[sflag:s13] =	ssyncadd.s32 $0xFFFFEC00  }
0x3b: {  	[tilespmem:s17], [sflag:$0x1] =	stream.indirect.gather [spmem:s2], $0x28, s14, s16, $0xb8;
	[tilespmem:$0x1C728] =	vst v63  }
0x3c: {  	_ =	swait.ge [sflag:s24], $0x1400  }
0x3d: {  	[sflag:s24] =	ssyncset.done $0x0  }
0x3e: {  	s19 =	simm.s32 $0x2880;
	[sflag:s24] =	ssyncadd.s32 $0xFFFFEC00  }
0x3f: {  	[spmem:s3] =	stream.indirect.scatter.add.f32 [tilespmem:s18], [sflag:$0x5], $0x28, s19, s16, $0xb8;
	[tilespmem:$0x1C728] =	vst v63  }
0x40: {  	_ =	swait.ge [sflag:s13], $0x1400  }
0x41: {  	[sflag:s13] =	ssyncset.done $0x0  }
0x42: {  	s14 =	simm.s32 $0x280;
	[sflag:s13] =	ssyncadd.s32 $0xFFFFEC00  }
0x43: {  	[tilespmem:s18], [sflag:$0x2] =	stream.indirect.gather [spmem:s2], $0x28, s14, s16, $0xb8;
	[tilespmem:$0x1C728] =	vst v63  }
0x44: {  	_ =	swait.ge [sflag:s25], $0x1400  }
0x45: {  	[sflag:s25] =	ssyncset.done $0x0  }
0x46: {  	s19 =	simm.s32 $0x2900;
	[sflag:s25] =	ssyncadd.s32 $0xFFFFEC00  }
0x47: {  	[spmem:s3] =	stream.indirect.scatter.add.f32 [tilespmem:s20], [sflag:$0x5], $0x28, s19, s16, $0xb8;
	[tilespmem:$0x1C728] =	vst v63  }
0x48: {  	_ =	swait.ge [sflag:s13], $0x1400  }
0x49: {  	[sflag:s13] =	ssyncset.done $0x0  }
0x4a: {  	s14 =	simm.s32 $0x300;
	[sflag:s13] =	ssyncadd.s32 $0xFFFFEC00  }
0x4b: {  	[tilespmem:s20], [sflag:$0x3] =	stream.indirect.gather [spmem:s2], $0x28, s14, s16, $0xb8;
	[tilespmem:$0x1C728] =	vst v63  }
0x4c: {  	_ =	swait.ge [sflag:s26], $0x1400  }
0x4d: {  	[sflag:s26] =	ssyncset.done $0x0  }
0x4e: {  	s19 =	simm.s32 $0x2980;
	[sflag:s26] =	ssyncadd.s32 $0xFFFFEC00  }
0x4f: {  	[spmem:s3] =	stream.indirect.scatter.add.f32 [tilespmem:s22], [sflag:$0x5], $0x28, s19, s16, $0xb8;
	[tilespmem:$0x1C728] =	vst v63  }
0x50: {  	_ =	swait.ge [sflag:s13], $0x1400  }
0x51: {  	[sflag:s13] =	ssyncset.done $0x0  }
0x52: {  	s0 =	simm.s32 $0x800;
	s14 =	simm.s32 $0x380;
	[sflag:s13] =	ssyncadd.s32 $0xFFFFEC00  }
.LBB2_2:
0x53: {  	[tilespmem:s22], [sflag:$0x4] =	stream.indirect.gather [spmem:s2], $0x28, s14, s16, $0xb8;
	[tilespmem:$0x1C728] =	vst v63  }
0x54: {  	s14 =	smov.u32 s0  }
0x55: {  	p0 =	sne.s32 s0, $0x9000;
	s0 =	sadd.s32 $0x800, s0;
	_ =	swait.ge [sflag:s23], $0x1400  }
0x56: {  	s14 =	sshra.s32 s14, $0x2;
	[sflag:s23] =	ssyncset.done $0x0  }
0x57: {  	s19 =	sadd.s32 $0x2800, s14;
	[sflag:s23] =	ssyncadd.s32 $0xFFFFEC00  }
0x58: {  	[spmem:s3] =	stream.indirect.scatter.add.f32 [tilespmem:s17], [sflag:$0x5], $0x28, s19, s16, $0xb8;
	[tilespmem:$0x1C728] =	vst v63  }
0x59: {  	_ =	swait.ge [sflag:s13], $0x1400  }
0x5a: {  	[sflag:s13] =	ssyncset.done $0x0  }
0x5b: {  	s19 =	sadd.s32 $0x200, s14;
	[sflag:s13] =	ssyncadd.s32 $0xFFFFEC00  }
0x5c: {  	[tilespmem:s17], [sflag:$0x1] =	stream.indirect.gather [spmem:s2], $0x28, s19, s16, $0xb8;
	[tilespmem:$0x1C728] =	vst v63  }
0x5d: {  	_ =	swait.ge [sflag:s24], $0x1400  }
0x5e: {  	[sflag:s24] =	ssyncset.done $0x0  }
0x5f: {  	s19 =	sadd.s32 $0x2880, s14;
	[sflag:s24] =	ssyncadd.s32 $0xFFFFEC00  }
0x60: {  	[spmem:s3] =	stream.indirect.scatter.add.f32 [tilespmem:s18], [sflag:$0x5], $0x28, s19, s16, $0xb8;
	[tilespmem:$0x1C728] =	vst v63  }
0x61: {  	_ =	swait.ge [sflag:s13], $0x1400  }
0x62: {  	[sflag:s13] =	ssyncset.done $0x0  }
0x63: {  	s19 =	sadd.s32 $0x280, s14;
	[sflag:s13] =	ssyncadd.s32 $0xFFFFEC00  }
0x64: {  	[tilespmem:s18], [sflag:$0x2] =	stream.indirect.gather [spmem:s2], $0x28, s19, s16, $0xb8;
	[tilespmem:$0x1C728] =	vst v63  }
0x65: {  	_ =	swait.ge [sflag:s25], $0x1400  }
0x66: {  	[sflag:s25] =	ssyncset.done $0x0  }
0x67: {  	s19 =	sadd.s32 $0x2900, s14;
	[sflag:s25] =	ssyncadd.s32 $0xFFFFEC00  }
0x68: {  	[spmem:s3] =	stream.indirect.scatter.add.f32 [tilespmem:s20], [sflag:$0x5], $0x28, s19, s16, $0xb8;
	[tilespmem:$0x1C728] =	vst v63  }
0x69: {  	_ =	swait.ge [sflag:s13], $0x1400  }
0x6a: {  	[sflag:s13] =	ssyncset.done $0x0  }
0x6b: {  	s19 =	sadd.s32 $0x300, s14;
	[sflag:s13] =	ssyncadd.s32 $0xFFFFEC00  }
0x6c: {  	[tilespmem:s20], [sflag:$0x3] =	stream.indirect.gather [spmem:s2], $0x28, s19, s16, $0xb8;
	[tilespmem:$0x1C728] =	vst v63  }
0x6d: {  	_ =	swait.ge [sflag:s26], $0x1400  }
0x6e: {  	[sflag:s26] =	ssyncset.done $0x0  }
.Ltmp0:
0x6f: {  	s19 =	sadd.s32 $0x2980, s14;
	[sflag:s26] =	ssyncadd.s32 $0xFFFFEC00;
	(pc) =	sbr.rel @p0 .LBB2_2-.Ltmp0, $4  }
0x70: {  	[spmem:s3] =	stream.indirect.scatter.add.f32 [tilespmem:s22], [sflag:$0x5], $0x28, s19, s16, $0xb8;
	[tilespmem:$0x1C728] =	vst v63  }
0x71: {  	_ =	swait.ge [sflag:s13], $0x1400  }
0x72: {  	[sflag:s13] =	ssyncset.done $0x0  }
0x73: {  	s14 =	sadd.s32 $0x380, s14;
	[sflag:s13] =	ssyncadd.s32 $0xFFFFEC00  }
0x74: {  	[tilespmem:s22], [sflag:$0x4] =	stream.indirect.gather [spmem:s2], $0x28, s14, s16, $0xb8;
	[tilespmem:$0x1C728] =	vst v63  }
0x75: {  	_ =	swait.ge [sflag:s23], $0x1400  }
0x76: {  	[sflag:s23] =	ssyncset.done $0x0  }
0x77: {  	[sflag:s23] =	ssyncadd.s32 $0xFFFFEC00  }
0x78: {  	[spmem:s3] =	stream.indirect.scatter.add.f32 [tilespmem:s17], [sflag:$0x5], $0x28, s28, s16, $0xb8;
	[tilespmem:$0x1C728] =	vst v63  }
0x79: {  	_ =	swait.ge [sflag:s13], $0x1400  }
0x7a: {  	[sflag:s13] =	ssyncset.done $0x0  }
0x7b: {  	[sflag:s13] =	ssyncadd.s32 $0xFFFFEC00  }
0x7c: {  	_ =	swait.ge [sflag:s24], $0x1400  }
0x7d: {  	[sflag:s24] =	ssyncset.done $0x0  }
0x7e: {  	[sflag:s24] =	ssyncadd.s32 $0xFFFFEC00  }
0x7f: {  	[spmem:s3] =	stream.indirect.scatter.add.f32 [tilespmem:s18], [sflag:$0x5], $0x28, s29, s16, $0xb8;
	[tilespmem:$0x1C728] =	vst v63  }
0x80: {  	_ =	swait.ge [sflag:s13], $0x1400  }
0x81: {  	[sflag:s13] =	ssyncset.done $0x0  }
0x82: {  	[sflag:s13] =	ssyncadd.s32 $0xFFFFEC00  }
0x83: {  	_ =	swait.ge [sflag:s25], $0x1400  }
0x84: {  	[sflag:s25] =	ssyncset.done $0x0  }
0x85: {  	[sflag:s25] =	ssyncadd.s32 $0xFFFFEC00  }
0x86: {  	[spmem:s3] =	stream.indirect.scatter.add.f32 [tilespmem:s20], [sflag:$0x5], $0x28, s30, s16, $0xb8;
	[tilespmem:$0x1C728] =	vst v63  }
0x87: {  	_ =	swait.ge [sflag:s13], $0x1400  }
0x88: {  	[sflag:s13] =	ssyncset.done $0x0  }
0x89: {  	[sflag:s13] =	ssyncadd.s32 $0xFFFFEC00  }
0x8a: {  	_ =	swait.ge [sflag:s26], $0x1400  }
0x8b: {  	[sflag:s26] =	ssyncset.done $0x0  }
0x8c: {  	[sflag:s26] =	ssyncadd.s32 $0xFFFFEC00  }
0x8d: {  	[spmem:s3] =	stream.indirect.scatter.add.f32 [tilespmem:s22], [sflag:$0x5], $0x28, s31, s16, $0xb8;
	[tilespmem:$0x1C728] =	vst v63  }
0x8e: {  	_ =	swait.ge [sflag:s13], $0x1400  }
0x8f: {  	[sflag:s13] =	ssyncset.done $0x0  }
0x90: {  	[sflag:s13] =	ssyncadd.s32 $0xFFFFEC00  }
0x91: {  	[bflag:$0x0] =	sbarrier.arrive $0xFFFF  }
0x92: {  	[tilespmem:s15], [sflag:$0x5] =	stream.linear.gather [spmem:s10], $0x62C0, $0x38;
	[tilespmem:$0x1C728] =	vst v63  }
0x93: {  	s1 =	sadd.s32 $0x1, s1;
	_ =	swait.ge [sflag:s13], $0x62C0  }
0x94: {  	p0 =	sne.s32 s1, s12;
	[sflag:s13] =	ssyncset.done $0x0  }
.Ltmp1:
0x95: {  	[sflag:s13] =	ssyncadd.s32 $0xFFFF9D40;
	(pc) =	sbr.rel @p0 .LBB2_1-.Ltmp1, $4  }
0x96: {  	[hbm4b:s11+s4] =	stream.linear.scatter [tilespmem:s15], [sflag:$0x5], $0x62C0, $0x38;
	[tilespmem:$0x1C728] =	vst v63  }
0x97: {  	_ =	swait.ge [sflag:s13], $0x62C0  }
0x98: {  	[sflag:s13] =	ssyncset.done $0x0  }
0x99: {  	[sflag:s13] =	ssyncadd.s32 $0xFFFF9D40  }
0x9a: {  	_ =	sfence.sel $0x180000  }
0x9b: {  	[bflag:$0x0] =	sbarrier.arrive $0xFFFF  }
0x9c: {  	_ =	strace $0x90000053  }
0x9d: {  	s0 =	stileid.u32;
	[bflag:$0x2] =	sbarrier.arrive $0xFFFF  }
0x9e: {  	p0 =	sne.s32 s0, $0x0;
	s0 =	rddreg [dreg:$0x4]  }
0x9f: {  	s0 =	sadd.s32 @!p0 $0x100000, s0  }
0xa0: {  	[sflag:s0] =	ssyncadd.tile.s32 @!p0 $0x1;
	_ =	shalt  }
.Lfunc_end2:
_tile_overlayer_lowered:
.L_overlay_start_2:
0xa1: {  	(tag) =	ssettag $0x2  }
0xa2: {  	s0 =	rddreg [dreg:$0x0];
	s2 =	stileid.u32  }
0xa3: {  	s1 =	rddreg [dreg:$0x1];
	p0 =	sne.s32 s2, $0x0  }
0xa4: {  	s3 =	rddreg [dreg:$0x2];
	[bflag:$0x3] =	sbarrier.arrive $0xFFFF;
	s2 =	simm.s32 @!p0 $0x1C05  }
0xa5: {  	[timem:s3], [sflag:s2] =	dma.local @!p0 [hbm:s0], s1  }
0xa6: {  	s0 =	simm.s32 @!p0 $0x5  }
0xa7: {  	_ =	swait.ge @!p0 [sflag:s0], s1  }
0xa8: {  	s1 =	ssub.s32 @!p0 $0x0, s1;
	[sflag:s0] =	ssyncset.done @!p0 $0x0  }
0xa9: {  	[sflag:s0] =	ssyncadd.s32 @!p0 s1  }
0xaa: {  	[bflag:$0x3] =	sbarrier.arrive $0xFFFF  }
0xab: {  	_ =	shalt  }

</sc_bundles>
